<compile_context>
chip_gen: v7x
topology: tpu7x:2x2x1
jax: 0.10.2.dev20260603
libtpu: 0.0.44.dev20260713+nightly
codegen_flags: <defaults>
</compile_context>

<pallas_src>
import functools

import jax
import jax.numpy as jnp
from jax import lax
from jax.experimental import pallas as pl
from jax.experimental.pallas import tpu as pltpu
from jax.experimental.pallas import tpu_sc as plsc

BATCH = 4096
DIM = 64
NUM_CORES = 2
NUM_SUBCORES = 16
NUM_WORKERS = NUM_CORES * NUM_SUBCORES
ROWS_PER_WORKER = BATCH // NUM_WORKERS
GROUPS = ROWS_PER_WORKER // 16
E_SPLIT = 500000

_mesh = plsc.VectorSubcoreMesh(core_axis_name="c", subcore_axis_name="s")


@functools.partial(
    pl.kernel,
    out_type=jax.ShapeDtypeStruct((BATCH,), jnp.float32),
    mesh=_mesh,
    scratch_types=[
        pltpu.VMEM((ROWS_PER_WORKER,), jnp.int32),
        pltpu.VMEM((ROWS_PER_WORKER,), jnp.int32),
        pltpu.VMEM((ROWS_PER_WORKER,), jnp.int32),
        pltpu.VMEM((ROWS_PER_WORKER, DIM), jnp.float32),
        pltpu.VMEM((ROWS_PER_WORKER, DIM), jnp.float32),
        pltpu.VMEM((ROWS_PER_WORKER, DIM), jnp.float32),
        pltpu.VMEM((ROWS_PER_WORKER,), jnp.float32),
        pltpu.SemaphoreType.DMA,
    ],
)
def _distmult_sc(s_hbm, r_hbm, o_hbm, e_hbm, rel_hbm, out_hbm,
                 si, ri, oi, se, re, oe, ov, sem):
    wid = lax.axis_index("s") * NUM_CORES + lax.axis_index("c")
    base = wid * ROWS_PER_WORKER

    pltpu.sync_copy(s_hbm.at[pl.ds(base, ROWS_PER_WORKER)], si)
    pltpu.sync_copy(r_hbm.at[pl.ds(base, ROWS_PER_WORKER)], ri)
    pltpu.sync_copy(o_hbm.at[pl.ds(base, ROWS_PER_WORKER)], oi)

    half = jnp.int32(E_SPLIT)

    def fire(g, carry):
        sv = si[pl.ds(g * 16, 16)]
        rv = ri[pl.ds(g * 16, 16)]
        owv = oi[pl.ds(g * 16, 16)]
        for l in range(16):
            row = g * 16 + l
            sa = (sv[l] >= half).astype(jnp.int32)
            oa = (owv[l] >= half).astype(jnp.int32)
            pltpu.async_copy(e_hbm.at[sa, sv[l] - sa * half],
                             se.at[row], sem)
            pltpu.async_copy(rel_hbm.at[rv[l]], re.at[row], sem)
            pltpu.async_copy(e_hbm.at[oa, owv[l] - oa * half],
                             oe.at[row], sem)
        return carry

    lax.fori_loop(0, GROUPS, fire, 0)

    lanes = lax.iota(jnp.int32, 16)
    dnums = lax.GatherDimensionNumbers(
        offset_dims=(), collapsed_slice_dims=(0,), start_index_map=(0,))

    def lane_perm(x, idx):
        return lax.gather(x, idx[:, None], dnums, slice_sizes=(1,),
                          mode=lax.GatherScatterMode.PROMISE_IN_BOUNDS)

    def group_body(g, carry):
        res = jnp.zeros((16,), jnp.float32)
        for l in range(16):
            row = g * 16 + l
            acc = (se[row, pl.ds(0, 16)]
                   * re[row, pl.ds(0, 16)]
                   * oe[row, pl.ds(0, 16)])
            for c in range(1, DIM // 16):
                acc = acc + (se[row, pl.ds(c * 16, 16)]
                             * re[row, pl.ds(c * 16, 16)]
                             * oe[row, pl.ds(c * 16, 16)])
            for step in (1, 2, 4, 8):
                acc = acc + lane_perm(acc, lanes ^ step)
            res = jnp.where(lanes == l, acc, res)
        ov[pl.ds(g * 16, 16)] = res
        return carry

    pltpu.make_async_copy(e_hbm.at[0].at[pl.ds(0, ROWS_PER_WORKER)],
                          se, sem).wait()
    pltpu.make_async_copy(rel_hbm.at[pl.ds(0, ROWS_PER_WORKER)],
                          re, sem).wait()
    pltpu.make_async_copy(e_hbm.at[0].at[pl.ds(0, ROWS_PER_WORKER)],
                          oe, sem).wait()
    lax.fori_loop(0, GROUPS, group_body, 0)

    pltpu.sync_copy(ov, out_hbm.at[pl.ds(base, ROWS_PER_WORKER)])


def kernel(s, r, o, E, R):
    s1 = s.reshape(-1).astype(jnp.int32)
    r1 = r.reshape(-1).astype(jnp.int32)
    o1 = o.reshape(-1).astype(jnp.int32)
    E3 = E.reshape(2, E_SPLIT, DIM)
    out = _distmult_sc(s1, r1, o1, E3, R)
    return out.reshape(BATCH, 1)

# --- scband reference (transcript-rebuilt; emitter-appended) ---
"""Pipeline reference for scband-distmult-1288490189388 (READ-ONLY COPY).

The authoritative reference and input builder live on the scoring server;
editing this copy changes nothing except your own understanding.
"""

import jax, jax.numpy as jnp
import numpy as np

ENTITY_COUNT = 1000000
RELATION_COUNT = 1000
EMBEDDING_DIM = 64
BATCH = 4096

def setup_inputs(seed: int = 0) -> dict:
    key = jax.random.key(seed)
    k1, k2, k3, k4, k5 = jax.random.split(key, 5)
    s = jax.random.randint(k1, (BATCH, 1), 0, ENTITY_COUNT, dtype=jnp.int64) if jax.config.jax_enable_x64 else jax.random.randint(k1, (BATCH, 1), 0, ENTITY_COUNT).astype(jnp.int32)
    r = jax.random.randint(k2, (BATCH, 1), 0, RELATION_COUNT).astype(s.dtype)
    o = jax.random.randint(k3, (BATCH, 1), 0, ENTITY_COUNT).astype(s.dtype)
    E = jax.random.normal(k4, (ENTITY_COUNT, EMBEDDING_DIM), dtype=jnp.float32) * 0.05
    R = jax.random.normal(k5, (RELATION_COUNT, EMBEDDING_DIM), dtype=jnp.float32) * 0.05
    return {"s": s, "r": r, "o": o, "E": E, "R": R}

def reference(s, r, o, E, R):
    # DistMult scoring: <e_s, w_r, e_o> summed over embedding dim
    se = jnp.take(E, s, axis=0)  # [B, 1, D]
    re = jnp.take(R, r, axis=0)  # [B, 1, D]
    oe = jnp.take(E, o, axis=0)  # [B, 1, D]
    return (se * re * oe).sum(axis=-1)  # [B, 1]

if __name__ == "__main__":
    import jax
    _d = setup_inputs()
    print(jax.jit(kernel)(*tuple(_d.values())))

</pallas_src>

<mosaic_0001>
#map = affine_map<(d0, d1) -> (0)>
#map1 = affine_map<(d0, d1) -> (0, 0, 0)>
#map2 = affine_map<(d0, d1) -> (0, 0)>
module attributes {stable_mosaic.version = 14 : i64} {
  func.func @_distmult_sc(%arg0: i32, %arg1: i32, %arg2: memref<4096xi32, #tpu.memory_space<hbm>>, %arg3: memref<4096xi32, #tpu.memory_space<hbm>>, %arg4: memref<4096xi32, #tpu.memory_space<hbm>>, %arg5: memref<2x500000x64xf32, #tpu.memory_space<hbm>>, %arg6: memref<1000x64xf32, #tpu.memory_space<hbm>>, %arg7: memref<4096xf32, #tpu.memory_space<hbm>>, %arg8: memref<128xi32, #tpu.memory_space<vmem>>, %arg9: memref<128xi32, #tpu.memory_space<vmem>>, %arg10: memref<128xi32, #tpu.memory_space<vmem>>, %arg11: memref<128x64xf32, #tpu.memory_space<vmem>>, %arg12: memref<128x64xf32, #tpu.memory_space<vmem>>, %arg13: memref<128x64xf32, #tpu.memory_space<vmem>>, %arg14: memref<128xf32, #tpu.memory_space<vmem>>, %arg15: memref<!tpu.dma_semaphore, #tpu.memory_space<semaphore_mem>>) attributes {dimension_semantics = [#tpu.dimension_semantics<core_parallel>, #tpu.dimension_semantics<subcore_parallel>], iteration_bounds = array<i64: 2, 16>, scalar_prefetch = 0 : i64, scratch_operands = 8 : i64, tpu.core_type = #tpu.core_type<sc_vector_subcore>, window_params = [{transform_indices = #map}, {transform_indices = #map}, {transform_indices = #map}, {transform_indices = #map1}, {transform_indices = #map2}, {transform_indices = #map}]} {
    %mul3A = arith.constant 2 : i32
    %mul3A_0 = arith.muli %arg1, %mul3A : i32
    %add3A = arith.addi %mul3A_0, %arg0 : i32
    %mul3A_1 = arith.constant 128 : i32
    %mul3A_2 = arith.muli %add3A, %mul3A_1 : i32
    "tpu.region"() ({
      %run_scoped3A = tpu.sem_alloc : memref<!tpu.dma_semaphore, #tpu.memory_space<semaphore_mem>>
      %dma_start3A = tpu.memref_slice %arg2[%mul3A_2] : memref<4096xi32, #tpu.memory_space<hbm>> -> memref<128xi32, #tpu.memory_space<hbm>>
      %dma_start3A_50 = tpu.memref_slice %arg2[%mul3A_2] : memref<4096xi32, #tpu.memory_space<hbm>> -> memref<128xi32, #tpu.memory_space<hbm>>
      tpu.enqueue_dma source(%dma_start3A_50 : memref<128xi32, #tpu.memory_space<hbm>>) target(%arg8 : memref<128xi32, #tpu.memory_space<vmem>>) target_semaphore(%run_scoped3A : memref<!tpu.dma_semaphore, #tpu.memory_space<semaphore_mem>>)
      %dma_wait3A_51 = tpu.memref_slice %arg2[%mul3A_2] : memref<4096xi32, #tpu.memory_space<hbm>> -> memref<128xi32, #tpu.memory_space<hbm>>
      %dma_wait3A_52 = tpu.memref_slice %arg2[%mul3A_2] : memref<4096xi32, #tpu.memory_space<hbm>> -> memref<128xi32, #tpu.memory_space<hbm>>
      tpu.wait_dma2 semaphore(%run_scoped3A : memref<!tpu.dma_semaphore, #tpu.memory_space<semaphore_mem>>) src(%dma_wait3A_52 : memref<128xi32, #tpu.memory_space<hbm>>) dst(%arg8 : memref<128xi32, #tpu.memory_space<vmem>>)
      tpu.yield
    }) : () -> ()
    "tpu.region"() ({
      %run_scoped3A = tpu.sem_alloc : memref<!tpu.dma_semaphore, #tpu.memory_space<semaphore_mem>>
      %dma_start3A = tpu.memref_slice %arg3[%mul3A_2] : memref<4096xi32, #tpu.memory_space<hbm>> -> memref<128xi32, #tpu.memory_space<hbm>>
      %dma_start3A_50 = tpu.memref_slice %arg3[%mul3A_2] : memref<4096xi32, #tpu.memory_space<hbm>> -> memref<128xi32, #tpu.memory_space<hbm>>
      tpu.enqueue_dma source(%dma_start3A_50 : memref<128xi32, #tpu.memory_space<hbm>>) target(%arg9 : memref<128xi32, #tpu.memory_space<vmem>>) target_semaphore(%run_scoped3A : memref<!tpu.dma_semaphore, #tpu.memory_space<semaphore_mem>>)
      %dma_wait3A_51 = tpu.memref_slice %arg3[%mul3A_2] : memref<4096xi32, #tpu.memory_space<hbm>> -> memref<128xi32, #tpu.memory_space<hbm>>
      %dma_wait3A_52 = tpu.memref_slice %arg3[%mul3A_2] : memref<4096xi32, #tpu.memory_space<hbm>> -> memref<128xi32, #tpu.memory_space<hbm>>
      tpu.wait_dma2 semaphore(%run_scoped3A : memref<!tpu.dma_semaphore, #tpu.memory_space<semaphore_mem>>) src(%dma_wait3A_52 : memref<128xi32, #tpu.memory_space<hbm>>) dst(%arg9 : memref<128xi32, #tpu.memory_space<vmem>>)
      tpu.yield
    }) : () -> ()
    "tpu.region"() ({
      %run_scoped3A = tpu.sem_alloc : memref<!tpu.dma_semaphore, #tpu.memory_space<semaphore_mem>>
      %dma_start3A = tpu.memref_slice %arg4[%mul3A_2] : memref<4096xi32, #tpu.memory_space<hbm>> -> memref<128xi32, #tpu.memory_space<hbm>>
      %dma_start3A_50 = tpu.memref_slice %arg4[%mul3A_2] : memref<4096xi32, #tpu.memory_space<hbm>> -> memref<128xi32, #tpu.memory_space<hbm>>
      tpu.enqueue_dma source(%dma_start3A_50 : memref<128xi32, #tpu.memory_space<hbm>>) target(%arg10 : memref<128xi32, #tpu.memory_space<vmem>>) target_semaphore(%run_scoped3A : memref<!tpu.dma_semaphore, #tpu.memory_space<semaphore_mem>>)
      %dma_wait3A_51 = tpu.memref_slice %arg4[%mul3A_2] : memref<4096xi32, #tpu.memory_space<hbm>> -> memref<128xi32, #tpu.memory_space<hbm>>
      %dma_wait3A_52 = tpu.memref_slice %arg4[%mul3A_2] : memref<4096xi32, #tpu.memory_space<hbm>> -> memref<128xi32, #tpu.memory_space<hbm>>
      tpu.wait_dma2 semaphore(%run_scoped3A : memref<!tpu.dma_semaphore, #tpu.memory_space<semaphore_mem>>) src(%dma_wait3A_52 : memref<128xi32, #tpu.memory_space<hbm>>) dst(%arg10 : memref<128xi32, #tpu.memory_space<vmem>>)
      tpu.yield
    }) : () -> ()
    %scan3A = arith.constant 0 : i32
    %scan3A_3 = arith.constant 500000 : i32
    %scan3A_4 = arith.constant 0 : i32
    %scan3A_5 = arith.constant 8 : i32
    %scan3A_6 = arith.addi %scan3A_4, %scan3A_5 : i32
    %scan3A_7 = arith.constant 1 : i32
    scf.for %scan3A_50 = %scan3A_4 to %scan3A_6 step %scan3A_7  : i32 {
      %mul3A_51 = arith.constant 16 : i32
      %mul3A_52 = arith.muli %scan3A_50, %mul3A_51 : i32
      %get3A = arith.index_cast %mul3A_52 : i32 to index
      %get3A_53 = tpu.vector_load %arg8[%get3A] {strides = array<i32>} : memref<128xi32, #tpu.memory_space<vmem>>, vector<16xi32>,
      %get3A_54 = vector.shape_cast %get3A_53 : vector<16xi32> to vector<16xi32>
      %mul3A_55 = arith.constant 16 : i32
      %mul3A_56 = arith.muli %scan3A_50, %mul3A_55 : i32
      %get3A_57 = arith.index_cast %mul3A_56 : i32 to index
      %get3A_58 = tpu.vector_load %arg9[%get3A_57] {strides = array<i32>} : memref<128xi32, #tpu.memory_space<vmem>>, vector<16xi32>,
      %get3A_59 = vector.shape_cast %get3A_58 : vector<16xi32> to vector<16xi32>
      %mul3A_60 = arith.constant 16 : i32
      %mul3A_61 = arith.muli %scan3A_50, %mul3A_60 : i32
      %get3A_62 = arith.index_cast %mul3A_61 : i32 to index
      %get3A_63 = tpu.vector_load %arg10[%get3A_62] {strides = array<i32>} : memref<128xi32, #tpu.memory_space<vmem>>, vector<16xi32>,
      %get3A_64 = vector.shape_cast %get3A_63 : vector<16xi32> to vector<16xi32>
      %mul3A_65 = arith.constant 16 : i32
      %mul3A_66 = arith.muli %scan3A_50, %mul3A_65 : i32
      %add3A_67 = arith.constant 0 : i32
      %add3A_68 = arith.addi %mul3A_66, %add3A_67 : i32
      %slice3A = vector.extract_strided_slice %get3A_54 {offsets = [0], sizes = [1], strides = [1]} : vector<16xi32> to vector<1xi32>
      %squeeze3A = vector.extract %slice3A[0] : i32 from vector<1xi32>
      %ge3A = arith.cmpi sge, %squeeze3A, %scan3A_3 : i32
      %convert_element_type3A = arith.extui %ge3A : i1 to i32
      %slice3A_69 = vector.extract_strided_slice %get3A_64 {offsets = [0], sizes = [1], strides = [1]} : vector<16xi32> to vector<1xi32>
      %squeeze3A_70 = vector.extract %slice3A_69[0] : i32 from vector<1xi32>
      %ge3A_71 = arith.cmpi sge, %squeeze3A_70, %scan3A_3 : i32
      %convert_element_type3A_72 = arith.extui %ge3A_71 : i1 to i32
      %slice3A_73 = vector.extract_strided_slice %get3A_54 {offsets = [0], sizes = [1], strides = [1]} : vector<16xi32> to vector<1xi32>
      %squeeze3A_74 = vector.extract %slice3A_73[0] : i32 from vector<1xi32>
      %mul3A_75 = arith.muli %convert_element_type3A, %scan3A_3 : i32
      %sub3A = arith.subi %squeeze3A_74, %mul3A_75 : i32
      %dma_start3A = arith.constant 0 : i32
      %dma_start3A_76 = tpu.memref_slice %arg11[%add3A_68, %dma_start3A] : memref<128x64xf32, #tpu.memory_space<vmem>> -> memref<1x64xf32, #tpu.memory_space<vmem>>
      %dma_start3A_77 = tpu.memref_squeeze %dma_start3A_76 : memref<1x64xf32, #tpu.memory_space<vmem>> -> memref<64xf32, #tpu.memory_space<vmem>>
      %dma_start3A_78 = arith.constant 0 : i32
      %dma_start3A_79 = tpu.memref_slice %arg5[%convert_element_type3A, %sub3A, %dma_start3A_78] : memref<2x500000x64xf32, #tpu.memory_space<hbm>> -> memref<1x1x64xf32, #tpu.memory_space<hbm>>
      %dma_start3A_80 = tpu.memref_squeeze %dma_start3A_79 : memref<1x1x64xf32, #tpu.memory_space<hbm>> -> memref<64xf32, #tpu.memory_space<hbm>>
      %dma_start3A_81 = arith.constant 0 : i32
      %dma_start3A_82 = tpu.memref_slice %arg11[%add3A_68, %dma_start3A_81] : memref<128x64xf32, #tpu.memory_space<vmem>> -> memref<1x64xf32, #tpu.memory_space<vmem>>
      %dma_start3A_83 = tpu.memref_squeeze %dma_start3A_82 : memref<1x64xf32, #tpu.memory_space<vmem>> -> memref<64xf32, #tpu.memory_space<vmem>>
      %dma_start3A_84 = arith.constant 0 : i32
      %dma_start3A_85 = tpu.memref_slice %arg5[%convert_element_type3A, %sub3A, %dma_start3A_84] : memref<2x500000x64xf32, #tpu.memory_space<hbm>> -> memref<1x1x64xf32, #tpu.memory_space<hbm>>
      %dma_start3A_86 = tpu.memref_squeeze %dma_start3A_85 : memref<1x1x64xf32, #tpu.memory_space<hbm>> -> memref<64xf32, #tpu.memory_space<hbm>>
      tpu.enqueue_dma source(%dma_start3A_86 : memref<64xf32, #tpu.memory_space<hbm>>) target(%dma_start3A_83 : memref<64xf32, #tpu.memory_space<vmem>>) target_semaphore(%arg15 : memref<!tpu.dma_semaphore, #tpu.memory_space<semaphore_mem>>)
      %slice3A_87 = vector.extract_strided_slice %get3A_59 {offsets = [0], sizes = [1], strides = [1]} : vector<16xi32> to vector<1xi32>
      %squeeze3A_88 = vector.extract %slice3A_87[0] : i32 from vector<1xi32>
      %dma_start3A_89 = arith.constant 0 : i32
      %dma_start3A_90 = tpu.memref_slice %arg12[%add3A_68, %dma_start3A_89] : memref<128x64xf32, #tpu.memory_space<vmem>> -> memref<1x64xf32, #tpu.memory_space<vmem>>
      %dma_start3A_91 = tpu.memref_squeeze %dma_start3A_90 : memref<1x64xf32, #tpu.memory_space<vmem>> -> memref<64xf32, #tpu.memory_space<vmem>>
      %dma_start3A_92 = arith.constant 0 : i32
      %dma_start3A_93 = tpu.memref_slice %arg6[%squeeze3A_88, %dma_start3A_92] : memref<1000x64xf32, #tpu.memory_space<hbm>> -> memref<1x64xf32, #tpu.memory_space<hbm>>
      %dma_start3A_94 = tpu.memref_squeeze %dma_start3A_93 : memref<1x64xf32, #tpu.memory_space<hbm>> -> memref<64xf32, #tpu.memory_space<hbm>>
      %dma_start3A_95 = arith.constant 0 : i32
      %dma_start3A_96 = tpu.memref_slice %arg12[%add3A_68, %dma_start3A_95] : memref<128x64xf32, #tpu.memory_space<vmem>> -> memref<1x64xf32, #tpu.memory_space<vmem>>
      %dma_start3A_97 = tpu.memref_squeeze %dma_start3A_96 : memref<1x64xf32, #tpu.memory_space<vmem>> -> memref<64xf32, #tpu.memory_space<vmem>>
      %dma_start3A_98 = arith.constant 0 : i32
      %dma_start3A_99 = tpu.memref_slice %arg6[%squeeze3A_88, %dma_start3A_98] : memref<1000x64xf32, #tpu.memory_space<hbm>> -> memref<1x64xf32, #tpu.memory_space<hbm>>
      %dma_start3A_100 = tpu.memref_squeeze %dma_start3A_99 : memref<1x64xf32, #tpu.memory_space<hbm>> -> memref<64xf32, #tpu.memory_space<hbm>>
      tpu.enqueue_dma source(%dma_start3A_100 : memref<64xf32, #tpu.memory_space<hbm>>) target(%dma_start3A_97 : memref<64xf32, #tpu.memory_space<vmem>>) target_semaphore(%arg15 : memref<!tpu.dma_semaphore, #tpu.memory_space<semaphore_mem>>)
      %slice3A_101 = vector.extract_strided_slice %get3A_64 {offsets = [0], sizes = [1], strides = [1]} : vector<16xi32> to vector<1xi32>
      %squeeze3A_102 = vector.extract %slice3A_101[0] : i32 from vector<1xi32>
      %mul3A_103 = arith.muli %convert_element_type3A_72, %scan3A_3 : i32
      %sub3A_104 = arith.subi %squeeze3A_102, %mul3A_103 : i32
      %dma_start3A_105 = arith.constant 0 : i32
      %dma_start3A_106 = tpu.memref_slice %arg13[%add3A_68, %dma_start3A_105] : memref<128x64xf32, #tpu.memory_space<vmem>> -> memref<1x64xf32, #tpu.memory_space<vmem>>
      %dma_start3A_107 = tpu.memref_squeeze %dma_start3A_106 : memref<1x64xf32, #tpu.memory_space<vmem>> -> memref<64xf32, #tpu.memory_space<vmem>>
      %dma_start3A_108 = arith.constant 0 : i32
      %dma_start3A_109 = tpu.memref_slice %arg5[%convert_element_type3A_72, %sub3A_104, %dma_start3A_108] : memref<2x500000x64xf32, #tpu.memory_space<hbm>> -> memref<1x1x64xf32, #tpu.memory_space<hbm>>
      %dma_start3A_110 = tpu.memref_squeeze %dma_start3A_109 : memref<1x1x64xf32, #tpu.memory_space<hbm>> -> memref<64xf32, #tpu.memory_space<hbm>>
      %dma_start3A_111 = arith.constant 0 : i32
      %dma_start3A_112 = tpu.memref_slice %arg13[%add3A_68, %dma_start3A_111] : memref<128x64xf32, #tpu.memory_space<vmem>> -> memref<1x64xf32, #tpu.memory_space<vmem>>
      %dma_start3A_113 = tpu.memref_squeeze %dma_start3A_112 : memref<1x64xf32, #tpu.memory_space<vmem>> -> memref<64xf32, #tpu.memory_space<vmem>>
      %dma_start3A_114 = arith.constant 0 : i32
      %dma_start3A_115 = tpu.memref_slice %arg5[%convert_element_type3A_72, %sub3A_104, %dma_start3A_114] : memref<2x500000x64xf32, #tpu.memory_space<hbm>> -> memref<1x1x64xf32, #tpu.memory_space<hbm>>
      %dma_start3A_116 = tpu.memref_squeeze %dma_start3A_115 : memref<1x1x64xf32, #tpu.memory_space<hbm>> -> memref<64xf32, #tpu.memory_space<hbm>>
      tpu.enqueue_dma source(%dma_start3A_116 : memref<64xf32, #tpu.memory_space<hbm>>) target(%dma_start3A_113 : memref<64xf32, #tpu.memory_space<vmem>>) target_semaphore(%arg15 : memref<!tpu.dma_semaphore, #tpu.memory_space<semaphore_mem>>)
      %mul3A_117 = arith.constant 16 : i32
      %mul3A_118 = arith.muli %scan3A_50, %mul3A_117 : i32
      %add3A_119 = arith.constant 1 : i32
      %add3A_120 = arith.addi %mul3A_118, %add3A_119 : i32
      %slice3A_121 = vector.extract_strided_slice %get3A_54 {offsets = [1], sizes = [1], strides = [1]} : vector<16xi32> to vector<1xi32>
      %squeeze3A_122 = vector.extract %slice3A_121[0] : i32 from vector<1xi32>
      %ge3A_123 = arith.cmpi sge, %squeeze3A_122, %scan3A_3 : i32
      %convert_element_type3A_124 = arith.extui %ge3A_123 : i1 to i32
      %slice3A_125 = vector.extract_strided_slice %get3A_64 {offsets = [1], sizes = [1], strides = [1]} : vector<16xi32> to vector<1xi32>
      %squeeze3A_126 = vector.extract %slice3A_125[0] : i32 from vector<1xi32>
      %ge3A_127 = arith.cmpi sge, %squeeze3A_126, %scan3A_3 : i32
      %convert_element_type3A_128 = arith.extui %ge3A_127 : i1 to i32
      %slice3A_129 = vector.extract_strided_slice %get3A_54 {offsets = [1], sizes = [1], strides = [1]} : vector<16xi32> to vector<1xi32>
      %squeeze3A_130 = vector.extract %slice3A_129[0] : i32 from vector<1xi32>
      %mul3A_131 = arith.muli %convert_element_type3A_124, %scan3A_3 : i32
      %sub3A_132 = arith.subi %squeeze3A_130, %mul3A_131 : i32
      %dma_start3A_133 = arith.constant 0 : i32
      %dma_start3A_134 = tpu.memref_slice %arg11[%add3A_120, %dma_start3A_133] : memref<128x64xf32, #tpu.memory_space<vmem>> -> memref<1x64xf32, #tpu.memory_space<vmem>>
      %dma_start3A_135 = tpu.memref_squeeze %dma_start3A_134 : memref<1x64xf32, #tpu.memory_space<vmem>> -> memref<64xf32, #tpu.memory_space<vmem>>
      %dma_start3A_136 = arith.constant 0 : i32
      %dma_start3A_137 = tpu.memref_slice %arg5[%convert_element_type3A_124, %sub3A_132, %dma_start3A_136] : memref<2x500000x64xf32, #tpu.memory_space<hbm>> -> memref<1x1x64xf32, #tpu.memory_space<hbm>>
      %dma_start3A_138 = tpu.memref_squeeze %dma_start3A_137 : memref<1x1x64xf32, #tpu.memory_space<hbm>> -> memref<64xf32, #tpu.memory_space<hbm>>
      %dma_start3A_139 = arith.constant 0 : i32
      %dma_start3A_140 = tpu.memref_slice %arg11[%add3A_120, %dma_start3A_139] : memref<128x64xf32, #tpu.memory_space<vmem>> -> memref<1x64xf32, #tpu.memory_space<vmem>>
      %dma_start3A_141 = tpu.memref_squeeze %dma_start3A_140 : memref<1x64xf32, #tpu.memory_space<vmem>> -> memref<64xf32, #tpu.memory_space<vmem>>
      %dma_start3A_142 = arith.constant 0 : i32
      %dma_start3A_143 = tpu.memref_slice %arg5[%convert_element_type3A_124, %sub3A_132, %dma_start3A_142] : memref<2x500000x64xf32, #tpu.memory_space<hbm>> -> memref<1x1x64xf32, #tpu.memory_space<hbm>>
      %dma_start3A_144 = tpu.memref_squeeze %dma_start3A_143 : memref<1x1x64xf32, #tpu.memory_space<hbm>> -> memref<64xf32, #tpu.memory_space<hbm>>
      tpu.enqueue_dma source(%dma_start3A_144 : memref<64xf32, #tpu.memory_space<hbm>>) target(%dma_start3A_141 : memref<64xf32, #tpu.memory_space<vmem>>) target_semaphore(%arg15 : memref<!tpu.dma_semaphore, #tpu.memory_space<semaphore_mem>>)
      %slice3A_145 = vector.extract_strided_slice %get3A_59 {offsets = [1], sizes = [1], strides = [1]} : vector<16xi32> to vector<1xi32>
      %squeeze3A_146 = vector.extract %slice3A_145[0] : i32 from vector<1xi32>
      %dma_start3A_147 = arith.constant 0 : i32
      %dma_start3A_148 = tpu.memref_slice %arg12[%add3A_120, %dma_start3A_147] : memref<128x64xf32, #tpu.memory_space<vmem>> -> memref<1x64xf32, #tpu.memory_space<vmem>>
      %dma_start3A_149 = tpu.memref_squeeze %dma_start3A_148 : memref<1x64xf32, #tpu.memory_space<vmem>> -> memref<64xf32, #tpu.memory_space<vmem>>
      %dma_start3A_150 = arith.constant 0 : i32
      %dma_start3A_151 = tpu.memref_slice %arg6[%squeeze3A_146, %dma_start3A_150] : memref<1000x64xf32, #tpu.memory_space<hbm>> -> memref<1x64xf32, #tpu.memory_space<hbm>>
      %dma_start3A_152 = tpu.memref_squeeze %dma_start3A_151 : memref<1x64xf32, #tpu.memory_space<hbm>> -> memref<64xf32, #tpu.memory_space<hbm>>
      %dma_start3A_153 = arith.constant 0 : i32
      %dma_start3A_154 = tpu.memref_slice %arg12[%add3A_120, %dma_start3A_153] : memref<128x64xf32, #tpu.memory_space<vmem>> -> memref<1x64xf32, #tpu.memory_space<vmem>>
      %dma_start3A_155 = tpu.memref_squeeze %dma_start3A_154 : memref<1x64xf32, #tpu.memory_space<vmem>> -> memref<64xf32, #tpu.memory_space<vmem>>
      %dma_start3A_156 = arith.constant 0 : i32
      %dma_start3A_157 = tpu.memref_slice %arg6[%squeeze3A_146, %dma_start3A_156] : memref<1000x64xf32, #tpu.memory_space<hbm>> -> memref<1x64xf32, #tpu.memory_space<hbm>>
      %dma_start3A_158 = tpu.memref_squeeze %dma_start3A_157 : memref<1x64xf32, #tpu.memory_space<hbm>> -> memref<64xf32, #tpu.memory_space<hbm>>
      tpu.enqueue_dma source(%dma_start3A_158 : memref<64xf32, #tpu.memory_space<hbm>>) target(%dma_start3A_155 : memref<64xf32, #tpu.memory_space<vmem>>) target_semaphore(%arg15 : memref<!tpu.dma_semaphore, #tpu.memory_space<semaphore_mem>>)
      %slice3A_159 = vector.extract_strided_slice %get3A_64 {offsets = [1], sizes = [1], strides = [1]} : vector<16xi32> to vector<1xi32>
      %squeeze3A_160 = vector.extract %slice3A_159[0] : i32 from vector<1xi32>
      %mul3A_161 = arith.muli %convert_element_type3A_128, %scan3A_3 : i32
      %sub3A_162 = arith.subi %squeeze3A_160, %mul3A_161 : i32
      %dma_start3A_163 = arith.constant 0 : i32
      %dma_start3A_164 = tpu.memref_slice %arg13[%add3A_120, %dma_start3A_163] : memref<128x64xf32, #tpu.memory_space<vmem>> -> memref<1x64xf32, #tpu.memory_space<vmem>>
      %dma_start3A_165 = tpu.memref_squeeze %dma_start3A_164 : memref<1x64xf32, #tpu.memory_space<vmem>> -> memref<64xf32, #tpu.memory_space<vmem>>
      %dma_start3A_166 = arith.constant 0 : i32
      %dma_start3A_167 = tpu.memref_slice %arg5[%convert_element_type3A_128, %sub3A_162, %dma_start3A_166] : memref<2x500000x64xf32, #tpu.memory_space<hbm>> -> memref<1x1x64xf32, #tpu.memory_space<hbm>>
      %dma_start3A_168 = tpu.memref_squeeze %dma_start3A_167 : memref<1x1x64xf32, #tpu.memory_space<hbm>> -> memref<64xf32, #tpu.memory_space<hbm>>
      %dma_start3A_169 = arith.constant 0 : i32
      %dma_start3A_170 = tpu.memref_slice %arg13[%add3A_120, %dma_start3A_169] : memref<128x64xf32, #tpu.memory_space<vmem>> -> memref<1x64xf32, #tpu.memory_space<vmem>>
      %dma_start3A_171 = tpu.memref_squeeze %dma_start3A_170 : memref<1x64xf32, #tpu.memory_space<vmem>> -> memref<64xf32, #tpu.memory_space<vmem>>
      %dma_start3A_172 = arith.constant 0 : i32
      %dma_start3A_173 = tpu.memref_slice %arg5[%convert_element_type3A_128, %sub3A_162, %dma_start3A_172] : memref<2x500000x64xf32, #tpu.memory_space<hbm>> -> memref<1x1x64xf32, #tpu.memory_space<hbm>>
      %dma_start3A_174 = tpu.memref_squeeze %dma_start3A_173 : memref<1x1x64xf32, #tpu.memory_space<hbm>> -> memref<64xf32, #tpu.memory_space<hbm>>
      tpu.enqueue_dma source(%dma_start3A_174 : memref<64xf32, #tpu.memory_space<hbm>>) target(%dma_start3A_171 : memref<64xf32, #tpu.memory_space<vmem>>) target_semaphore(%arg15 : memref<!tpu.dma_semaphore, #tpu.memory_space<semaphore_mem>>)
      %mul3A_175 = arith.constant 16 : i32
      %mul3A_176 = arith.muli %scan3A_50, %mul3A_175 : i32
      %add3A_177 = arith.constant 2 : i32
      %add3A_178 = arith.addi %mul3A_176, %add3A_177 : i32
      %slice3A_179 = vector.extract_strided_slice %get3A_54 {offsets = [2], sizes = [1], strides = [1]} : vector<16xi32> to vector<1xi32>
      %squeeze3A_180 = vector.extract %slice3A_179[0] : i32 from vector<1xi32>
      %ge3A_181 = arith.cmpi sge, %squeeze3A_180, %scan3A_3 : i32
      %convert_element_type3A_182 = arith.extui %ge3A_181 : i1 to i32
      %slice3A_183 = vector.extract_strided_slice %get3A_64 {offsets = [2], sizes = [1], strides = [1]} : vector<16xi32> to vector<1xi32>
      %squeeze3A_184 = vector.extract %slice3A_183[0] : i32 from vector<1xi32>
      %ge3A_185 = arith.cmpi sge, %squeeze3A_184, %scan3A_3 : i32
      %convert_element_type3A_186 = arith.extui %ge3A_185 : i1 to i32
      %slice3A_187 = vector.extract_strided_slice %get3A_54 {offsets = [2], sizes = [1], strides = [1]} : vector<16xi32> to vector<1xi32>
      %squeeze3A_188 = vector.extract %slice3A_187[0] : i32 from vector<1xi32>
      %mul3A_189 = arith.muli %convert_element_type3A_182, %scan3A_3 : i32
      %sub3A_190 = arith.subi %squeeze3A_188, %mul3A_189 : i32
      %dma_start3A_191 = arith.constant 0 : i32
      %dma_start3A_192 = tpu.memref_slice %arg11[%add3A_178, %dma_start3A_191] : memref<128x64xf32, #tpu.memory_space<vmem>> -> memref<1x64xf32, #tpu.memory_space<vmem>>
      %dma_start3A_193 = tpu.memref_squeeze %dma_start3A_192 : memref<1x64xf32, #tpu.memory_space<vmem>> -> memref<64xf32, #tpu.memory_space<vmem>>
      %dma_start3A_194 = arith.constant 0 : i32
      %dma_start3A_195 = tpu.memref_slice %arg5[%convert_element_type3A_182, %sub3A_190, %dma_start3A_194] : memref<2x500000x64xf32, #tpu.memory_space<hbm>> -> memref<1x1x64xf32, #tpu.memory_space<hbm>>
      %dma_start3A_196 = tpu.memref_squeeze %dma_start3A_195 : memref<1x1x64xf32, #tpu.memory_space<hbm>> -> memref<64xf32, #tpu.memory_space<hbm>>
      %dma_start3A_197 = arith.constant 0 : i32
      %dma_start3A_198 = tpu.memref_slice %arg11[%add3A_178, %dma_start3A_197] : memref<128x64xf32, #tpu.memory_space<vmem>> -> memref<1x64xf32, #tpu.memory_space<vmem>>
      %dma_start3A_199 = tpu.memref_squeeze %dma_start3A_198 : memref<1x64xf32, #tpu.memory_space<vmem>> -> memref<64xf32, #tpu.memory_space<vmem>>
      %dma_start3A_200 = arith.constant 0 : i32
      %dma_start3A_201 = tpu.memref_slice %arg5[%convert_element_type3A_182, %sub3A_190, %dma_start3A_200] : memref<2x500000x64xf32, #tpu.memory_space<hbm>> -> memref<1x1x64xf32, #tpu.memory_space<hbm>>
      %dma_start3A_202 = tpu.memref_squeeze %dma_start3A_201 : memref<1x1x64xf32, #tpu.memory_space<hbm>> -> memref<64xf32, #tpu.memory_space<hbm>>
      tpu.enqueue_dma source(%dma_start3A_202 : memref<64xf32, #tpu.memory_space<hbm>>) target(%dma_start3A_199 : memref<64xf32, #tpu.memory_space<vmem>>) target_semaphore(%arg15 : memref<!tpu.dma_semaphore, #tpu.memory_space<semaphore_mem>>)
      %slice3A_203 = vector.extract_strided_slice %get3A_59 {offsets = [2], sizes = [1], strides = [1]} : vector<16xi32> to vector<1xi32>
      %squeeze3A_204 = vector.extract %slice3A_203[0] : i32 from vector<1xi32>
      %dma_start3A_205 = arith.constant 0 : i32
      %dma_start3A_206 = tpu.memref_slice %arg12[%add3A_178, %dma_start3A_205] : memref<128x64xf32, #tpu.memory_space<vmem>> -> memref<1x64xf32, #tpu.memory_space<vmem>>
      %dma_start3A_207 = tpu.memref_squeeze %dma_start3A_206 : memref<1x64xf32, #tpu.memory_space<vmem>> -> memref<64xf32, #tpu.memory_space<vmem>>
      %dma_start3A_208 = arith.constant 0 : i32
      %dma_start3A_209 = tpu.memref_slice %arg6[%squeeze3A_204, %dma_start3A_208] : memref<1000x64xf32, #tpu.memory_space<hbm>> -> memref<1x64xf32, #tpu.memory_space<hbm>>
      %dma_start3A_210 = tpu.memref_squeeze %dma_start3A_209 : memref<1x64xf32, #tpu.memory_space<hbm>> -> memref<64xf32, #tpu.memory_space<hbm>>
      %dma_start3A_211 = arith.constant 0 : i32
      %dma_start3A_212 = tpu.memref_slice %arg12[%add3A_178, %dma_start3A_211] : memref<128x64xf32, #tpu.memory_space<vmem>> -> memref<1x64xf32, #tpu.memory_space<vmem>>
      %dma_start3A_213 = tpu.memref_squeeze %dma_start3A_212 : memref<1x64xf32, #tpu.memory_space<vmem>> -> memref<64xf32, #tpu.memory_space<vmem>>
      %dma_start3A_214 = arith.constant 0 : i32
      %dma_start3A_215 = tpu.memref_slice %arg6[%squeeze3A_204, %dma_start3A_214] : memref<1000x64xf32, #tpu.memory_space<hbm>> -> memref<1x64xf32, #tpu.memory_space<hbm>>
      %dma_start3A_216 = tpu.memref_squeeze %dma_start3A_215 : memref<1x64xf32, #tpu.memory_space<hbm>> -> memref<64xf32, #tpu.memory_space<hbm>>
      tpu.enqueue_dma source(%dma_start3A_216 : memref<64xf32, #tpu.memory_space<hbm>>) target(%dma_start3A_213 : memref<64xf32, #tpu.memory_space<vmem>>) target_semaphore(%arg15 : memref<!tpu.dma_semaphore, #tpu.memory_space<semaphore_mem>>)
      %slice3A_217 = vector.extract_strided_slice %get3A_64 {offsets = [2], sizes = [1], strides = [1]} : vector<16xi32> to vector<1xi32>
      %squeeze3A_218 = vector.extract %slice3A_217[0] : i32 from vector<1xi32>
      %mul3A_219 = arith.muli %convert_element_type3A_186, %scan3A_3 : i32
      %sub3A_220 = arith.subi %squeeze3A_218, %mul3A_219 : i32
      %dma_start3A_221 = arith.constant 0 : i32
      %dma_start3A_222 = tpu.memref_slice %arg13[%add3A_178, %dma_start3A_221] : memref<128x64xf32, #tpu.memory_space<vmem>> -> memref<1x64xf32, #tpu.memory_space<vmem>>
      %dma_start3A_223 = tpu.memref_squeeze %dma_start3A_222 : memref<1x64xf32, #tpu.memory_space<vmem>> -> memref<64xf32, #tpu.memory_space<vmem>>
      %dma_start3A_224 = arith.constant 0 : i32
      %dma_start3A_225 = tpu.memref_slice %arg5[%convert_element_type3A_186, %sub3A_220, %dma_start3A_224] : memref<2x500000x64xf32, #tpu.memory_space<hbm>> -> memref<1x1x64xf32, #tpu.memory_space<hbm>>
      %dma_start3A_226 = tpu.memref_squeeze %dma_start3A_225 : memref<1x1x64xf32, #tpu.memory_space<hbm>> -> memref<64xf32, #tpu.memory_space<hbm>>
      %dma_start3A_227 = arith.constant 0 : i32
      %dma_start3A_228 = tpu.memref_slice %arg13[%add3A_178, %dma_start3A_227] : memref<128x64xf32, #tpu.memory_space<vmem>> -> memref<1x64xf32, #tpu.memory_space<vmem>>
      %dma_start3A_229 = tpu.memref_squeeze %dma_start3A_228 : memref<1x64xf32, #tpu.memory_space<vmem>> -> memref<64xf32, #tpu.memory_space<vmem>>
      %dma_start3A_230 = arith.constant 0 : i32
      %dma_start3A_231 = tpu.memref_slice %arg5[%convert_element_type3A_186, %sub3A_220, %dma_start3A_230] : memref<2x500000x64xf32, #tpu.memory_space<hbm>> -> memref<1x1x64xf32, #tpu.memory_space<hbm>>
      %dma_start3A_232 = tpu.memref_squeeze %dma_start3A_231 : memref<1x1x64xf32, #tpu.memory_space<hbm>> -> memref<64xf32, #tpu.memory_space<hbm>>
      tpu.enqueue_dma source(%dma_start3A_232 : memref<64xf32, #tpu.memory_space<hbm>>) target(%dma_start3A_229 : memref<64xf32, #tpu.memory_space<vmem>>) target_semaphore(%arg15 : memref<!tpu.dma_semaphore, #tpu.memory_space<semaphore_mem>>)
      %mul3A_233 = arith.constant 16 : i32
      %mul3A_234 = arith.muli %scan3A_50, %mul3A_233 : i32
      %add3A_235 = arith.constant 3 : i32
      %add3A_236 = arith.addi %mul3A_234, %add3A_235 : i32
      %slice3A_237 = vector.extract_strided_slice %get3A_54 {offsets = [3], sizes = [1], strides = [1]} : vector<16xi32> to vector<1xi32>
      %squeeze3A_238 = vector.extract %slice3A_237[0] : i32 from vector<1xi32>
      %ge3A_239 = arith.cmpi sge, %squeeze3A_238, %scan3A_3 : i32
      %convert_element_type3A_240 = arith.extui %ge3A_239 : i1 to i32
      %slice3A_241 = vector.extract_strided_slice %get3A_64 {offsets = [3], sizes = [1], strides = [1]} : vector<16xi32> to vector<1xi32>
      %squeeze3A_242 = vector.extract %slice3A_241[0] : i32 from vector<1xi32>
      %ge3A_243 = arith.cmpi sge, %squeeze3A_242, %scan3A_3 : i32
      %convert_element_type3A_244 = arith.extui %ge3A_243 : i1 to i32
      %slice3A_245 = vector.extract_strided_slice %get3A_54 {offsets = [3], sizes = [1], strides = [1]} : vector<16xi32> to vector<1xi32>
      %squeeze3A_246 = vector.extract %slice3A_245[0] : i32 from vector<1xi32>
      %mul3A_247 = arith.muli %convert_element_type3A_240, %scan3A_3 : i32
      %sub3A_248 = arith.subi %squeeze3A_246, %mul3A_247 : i32
      %dma_start3A_249 = arith.constant 0 : i32
      %dma_start3A_250 = tpu.memref_slice %arg11[%add3A_236, %dma_start3A_249] : memref<128x64xf32, #tpu.memory_space<vmem>> -> memref<1x64xf32, #tpu.memory_space<vmem>>
      %dma_start3A_251 = tpu.memref_squeeze %dma_start3A_250 : memref<1x64xf32, #tpu.memory_space<vmem>> -> memref<64xf32, #tpu.memory_space<vmem>>
      %dma_start3A_252 = arith.constant 0 : i32
      %dma_start3A_253 = tpu.memref_slice %arg5[%convert_element_type3A_240, %sub3A_248, %dma_start3A_252] : memref<2x500000x64xf32, #tpu.memory_space<hbm>> -> memref<1x1x64xf32, #tpu.memory_space<hbm>>
      %dma_start3A_254 = tpu.memref_squeeze %dma_start3A_253 : memref<1x1x64xf32, #tpu.memory_space<hbm>> -> memref<64xf32, #tpu.memory_space<hbm>>
      %dma_start3A_255 = arith.constant 0 : i32
      %dma_start3A_256 = tpu.memref_slice %arg11[%add3A_236, %dma_start3A_255] : memref<128x64xf32, #tpu.memory_space<vmem>> -> memref<1x64xf32, #tpu.memory_space<vmem>>
      %dma_start3A_257 = tpu.memref_squeeze %dma_start3A_256 : memref<1x64xf32, #tpu.memory_space<vmem>> -> memref<64xf32, #tpu.memory_space<vmem>>
      %dma_start3A_258 = arith.constant 0 : i32
      %dma_start3A_259 = tpu.memref_slice %arg5[%convert_element_type3A_240, %sub3A_248, %dma_start3A_258] : memref<2x500000x64xf32, #tpu.memory_space<hbm>> -> memref<1x1x64xf32, #tpu.memory_space<hbm>>
      %dma_start3A_260 = tpu.memref_squeeze %dma_start3A_259 : memref<1x1x64xf32, #tpu.memory_space<hbm>> -> memref<64xf32, #tpu.memory_space<hbm>>
      tpu.enqueue_dma source(%dma_start3A_260 : memref<64xf32, #tpu.memory_space<hbm>>) target(%dma_start3A_257 : memref<64xf32, #tpu.memory_space<vmem>>) target_semaphore(%arg15 : memref<!tpu.dma_semaphore, #tpu.memory_space<semaphore_mem>>)
      %slice3A_261 = vector.extract_strided_slice %get3A_59 {offsets = [3], sizes = [1], strides = [1]} : vector<16xi32> to vector<1xi32>
      %squeeze3A_262 = vector.extract %slice3A_261[0] : i32 from vector<1xi32>
      %dma_start3A_263 = arith.constant 0 : i32
      %dma_start3A_264 = tpu.memref_slice %arg12[%add3A_236, %dma_start3A_263] : memref<128x64xf32, #tpu.memory_space<vmem>> -> memref<1x64xf32, #tpu.memory_space<vmem>>
      %dma_start3A_265 = tpu.memref_squeeze %dma_start3A_264 : memref<1x64xf32, #tpu.memory_space<vmem>> -> memref<64xf32, #tpu.memory_space<vmem>>
      %dma_start3A_266 = arith.constant 0 : i32
      %dma_start3A_267 = tpu.memref_slice %arg6[%squeeze3A_262, %dma_start3A_266] : memref<1000x64xf32, #tpu.memory_space<hbm>> -> memref<1x64xf32, #tpu.memory_space<hbm>>
      %dma_start3A_268 = tpu.memref_squeeze %dma_start3A_267 : memref<1x64xf32, #tpu.memory_space<hbm>> -> memref<64xf32, #tpu.memory_space<hbm>>
      %dma_start3A_269 = arith.constant 0 : i32
      %dma_start3A_270 = tpu.memref_slice %arg12[%add3A_236, %dma_start3A_269] : memref<128x64xf32, #tpu.memory_space<vmem>> -> memref<1x64xf32, #tpu.memory_space<vmem>>
      %dma_start3A_271 = tpu.memref_squeeze %dma_start3A_270 : memref<1x64xf32, #tpu.memory_space<vmem>> -> memref<64xf32, #tpu.memory_space<vmem>>
      %dma_start3A_272 = arith.constant 0 : i32
      %dma_start3A_273 = tpu.memref_slice %arg6[%squeeze3A_262, %dma_start3A_272] : memref<1000x64xf32, #tpu.memory_space<hbm>> -> memref<1x64xf32, #tpu.memory_space<hbm>>
      %dma_start3A_274 = tpu.memref_squeeze %dma_start3A_273 : memref<1x64xf32, #tpu.memory_space<hbm>> -> memref<64xf32, #tpu.memory_space<hbm>>
      tpu.enqueue_dma source(%dma_start3A_274 : memref<64xf32, #tpu.memory_space<hbm>>) target(%dma_start3A_271 : memref<64xf32, #tpu.memory_space<vmem>>) target_semaphore(%arg15 : memref<!tpu.dma_semaphore, #tpu.memory_space<semaphore_mem>>)
      %slice3A_275 = vector.extract_strided_slice %get3A_64 {offsets = [3], sizes = [1], strides = [1]} : vector<16xi32> to vector<1xi32>
      %squeeze3A_276 = vector.extract %slice3A_275[0] : i32 from vector<1xi32>
      %mul3A_277 = arith.muli %convert_element_type3A_244, %scan3A_3 : i32
      %sub3A_278 = arith.subi %squeeze3A_276, %mul3A_277 : i32
      %dma_start3A_279 = arith.constant 0 : i32
      %dma_start3A_280 = tpu.memref_slice %arg13[%add3A_236, %dma_start3A_279] : memref<128x64xf32, #tpu.memory_space<vmem>> -> memref<1x64xf32, #tpu.memory_space<vmem>>
      %dma_start3A_281 = tpu.memref_squeeze %dma_start3A_280 : memref<1x64xf32, #tpu.memory_space<vmem>> -> memref<64xf32, #tpu.memory_space<vmem>>
      %dma_start3A_282 = arith.constant 0 : i32
      %dma_start3A_283 = tpu.memref_slice %arg5[%convert_element_type3A_244, %sub3A_278, %dma_start3A_282] : memref<2x500000x64xf32, #tpu.memory_space<hbm>> -> memref<1x1x64xf32, #tpu.memory_space<hbm>>
      %dma_start3A_284 = tpu.memref_squeeze %dma_start3A_283 : memref<1x1x64xf32, #tpu.memory_space<hbm>> -> memref<64xf32, #tpu.memory_space<hbm>>
      %dma_start3A_285 = arith.constant 0 : i32
      %dma_start3A_286 = tpu.memref_slice %arg13[%add3A_236, %dma_start3A_285] : memref<128x64xf32, #tpu.memory_space<vmem>> -> memref<1x64xf32, #tpu.memory_space<vmem>>
      %dma_start3A_287 = tpu.memref_squeeze %dma_start3A_286 : memref<1x64xf32, #tpu.memory_space<vmem>> -> memref<64xf32, #tpu.memory_space<vmem>>
      %dma_start3A_288 = arith.constant 0 : i32
      %dma_start3A_289 = tpu.memref_slice %arg5[%convert_element_type3A_244, %sub3A_278, %dma_start3A_288] : memref<2x500000x64xf32, #tpu.memory_space<hbm>> -> memref<1x1x64xf32, #tpu.memory_space<hbm>>
      %dma_start3A_290 = tpu.memref_squeeze %dma_start3A_289 : memref<1x1x64xf32, #tpu.memory_space<hbm>> -> memref<64xf32, #tpu.memory_space<hbm>>
      tpu.enqueue_dma source(%dma_start3A_290 : memref<64xf32, #tpu.memory_space<hbm>>) target(%dma_start3A_287 : memref<64xf32, #tpu.memory_space<vmem>>) target_semaphore(%arg15 : memref<!tpu.dma_semaphore, #tpu.memory_space<semaphore_mem>>)
      %mul3A_291 = arith.constant 16 : i32
      %mul3A_292 = arith.muli %scan3A_50, %mul3A_291 : i32
      %add3A_293 = arith.constant 4 : i32
      %add3A_294 = arith.addi %mul3A_292, %add3A_293 : i32
      %slice3A_295 = vector.extract_strided_slice %get3A_54 {offsets = [4], sizes = [1], strides = [1]} : vector<16xi32> to vector<1xi32>
      %squeeze3A_296 = vector.extract %slice3A_295[0] : i32 from vector<1xi32>
      %ge3A_297 = arith.cmpi sge, %squeeze3A_296, %scan3A_3 : i32
      %convert_element_type3A_298 = arith.extui %ge3A_297 : i1 to i32
      %slice3A_299 = vector.extract_strided_slice %get3A_64 {offsets = [4], sizes = [1], strides = [1]} : vector<16xi32> to vector<1xi32>
      %squeeze3A_300 = vector.extract %slice3A_299[0] : i32 from vector<1xi32>
      %ge3A_301 = arith.cmpi sge, %squeeze3A_300, %scan3A_3 : i32
      %convert_element_type3A_302 = arith.extui %ge3A_301 : i1 to i32
      %slice3A_303 = vector.extract_strided_slice %get3A_54 {offsets = [4], sizes = [1], strides = [1]} : vector<16xi32> to vector<1xi32>
      %squeeze3A_304 = vector.extract %slice3A_303[0] : i32 from vector<1xi32>
      %mul3A_305 = arith.muli %convert_element_type3A_298, %scan3A_3 : i32
      %sub3A_306 = arith.subi %squeeze3A_304, %mul3A_305 : i32
      %dma_start3A_307 = arith.constant 0 : i32
      %dma_start3A_308 = tpu.memref_slice %arg11[%add3A_294, %dma_start3A_307] : memref<128x64xf32, #tpu.memory_space<vmem>> -> memref<1x64xf32, #tpu.memory_space<vmem>>
      %dma_start3A_309 = tpu.memref_squeeze %dma_start3A_308 : memref<1x64xf32, #tpu.memory_space<vmem>> -> memref<64xf32, #tpu.memory_space<vmem>>
      %dma_start3A_310 = arith.constant 0 : i32
      %dma_start3A_311 = tpu.memref_slice %arg5[%convert_element_type3A_298, %sub3A_306, %dma_start3A_310] : memref<2x500000x64xf32, #tpu.memory_space<hbm>> -> memref<1x1x64xf32, #tpu.memory_space<hbm>>
      %dma_start3A_312 = tpu.memref_squeeze %dma_start3A_311 : memref<1x1x64xf32, #tpu.memory_space<hbm>> -> memref<64xf32, #tpu.memory_space<hbm>>
      %dma_start3A_313 = arith.constant 0 : i32
      %dma_start3A_314 = tpu.memref_slice %arg11[%add3A_294, %dma_start3A_313] : memref<128x64xf32, #tpu.memory_space<vmem>> -> memref<1x64xf32, #tpu.memory_space<vmem>>
      %dma_start3A_315 = tpu.memref_squeeze %dma_start3A_314 : memref<1x64xf32, #tpu.memory_space<vmem>> -> memref<64xf32, #tpu.memory_space<vmem>>
      %dma_start3A_316 = arith.constant 0 : i32
      %dma_start3A_317 = tpu.memref_slice %arg5[%convert_element_type3A_298, %sub3A_306, %dma_start3A_316] : memref<2x500000x64xf32, #tpu.memory_space<hbm>> -> memref<1x1x64xf32, #tpu.memory_space<hbm>>
      %dma_start3A_318 = tpu.memref_squeeze %dma_start3A_317 : memref<1x1x64xf32, #tpu.memory_space<hbm>> -> memref<64xf32, #tpu.memory_space<hbm>>
      tpu.enqueue_dma source(%dma_start3A_318 : memref<64xf32, #tpu.memory_space<hbm>>) target(%dma_start3A_315 : memref<64xf32, #tpu.memory_space<vmem>>) target_semaphore(%arg15 : memref<!tpu.dma_semaphore, #tpu.memory_space<semaphore_mem>>)
      %slice3A_319 = vector.extract_strided_slice %get3A_59 {offsets = [4], sizes = [1], strides = [1]} : vector<16xi32> to vector<1xi32>
      %squeeze3A_320 = vector.extract %slice3A_319[0] : i32 from vector<1xi32>
      %dma_start3A_321 = arith.constant 0 : i32
      %dma_start3A_322 = tpu.memref_slice %arg12[%add3A_294, %dma_start3A_321] : memref<128x64xf32, #tpu.memory_space<vmem>> -> memref<1x64xf32, #tpu.memory_space<vmem>>
      %dma_start3A_323 = tpu.memref_squeeze %dma_start3A_322 : memref<1x64xf32, #tpu.memory_space<vmem>> -> memref<64xf32, #tpu.memory_space<vmem>>
      %dma_start3A_324 = arith.constant 0 : i32
      %dma_start3A_325 = tpu.memref_slice %arg6[%squeeze3A_320, %dma_start3A_324] : memref<1000x64xf32, #tpu.memory_space<hbm>> -> memref<1x64xf32, #tpu.memory_space<hbm>>
      %dma_start3A_326 = tpu.memref_squeeze %dma_start3A_325 : memref<1x64xf32, #tpu.memory_space<hbm>> -> memref<64xf32, #tpu.memory_space<hbm>>
      %dma_start3A_327 = arith.constant 0 : i32
      %dma_start3A_328 = tpu.memref_slice %arg12[%add3A_294, %dma_start3A_327] : memref<128x64xf32, #tpu.memory_space<vmem>> -> memref<1x64xf32, #tpu.memory_space<vmem>>
      %dma_start3A_329 = tpu.memref_squeeze %dma_start3A_328 : memref<1x64xf32, #tpu.memory_space<vmem>> -> memref<64xf32, #tpu.memory_space<vmem>>
      %dma_start3A_330 = arith.constant 0 : i32
      %dma_start3A_331 = tpu.memref_slice %arg6[%squeeze3A_320, %dma_start3A_330] : memref<1000x64xf32, #tpu.memory_space<hbm>> -> memref<1x64xf32, #tpu.memory_space<hbm>>
      %dma_start3A_332 = tpu.memref_squeeze %dma_start3A_331 : memref<1x64xf32, #tpu.memory_space<hbm>> -> memref<64xf32, #tpu.memory_space<hbm>>
      tpu.enqueue_dma source(%dma_start3A_332 : memref<64xf32, #tpu.memory_space<hbm>>) target(%dma_start3A_329 : memref<64xf32, #tpu.memory_space<vmem>>) target_semaphore(%arg15 : memref<!tpu.dma_semaphore, #tpu.memory_space<semaphore_mem>>)
      %slice3A_333 = vector.extract_strided_slice %get3A_64 {offsets = [4], sizes = [1], strides = [1]} : vector<16xi32> to vector<1xi32>
      %squeeze3A_334 = vector.extract %slice3A_333[0] : i32 from vector<1xi32>
      %mul3A_335 = arith.muli %convert_element_type3A_302, %scan3A_3 : i32
      %sub3A_336 = arith.subi %squeeze3A_334, %mul3A_335 : i32
      %dma_start3A_337 = arith.constant 0 : i32
      %dma_start3A_338 = tpu.memref_slice %arg13[%add3A_294, %dma_start3A_337] : memref<128x64xf32, #tpu.memory_space<vmem>> -> memref<1x64xf32, #tpu.memory_space<vmem>>
      %dma_start3A_339 = tpu.memref_squeeze %dma_start3A_338 : memref<1x64xf32, #tpu.memory_space<vmem>> -> memref<64xf32, #tpu.memory_space<vmem>>
      %dma_start3A_340 = arith.constant 0 : i32
      %dma_start3A_341 = tpu.memref_slice %arg5[%convert_element_type3A_302, %sub3A_336, %dma_start3A_340] : memref<2x500000x64xf32, #tpu.memory_space<hbm>> -> memref<1x1x64xf32, #tpu.memory_space<hbm>>
      %dma_start3A_342 = tpu.memref_squeeze %dma_start3A_341 : memref<1x1x64xf32, #tpu.memory_space<hbm>> -> memref<64xf32, #tpu.memory_space<hbm>>
      %dma_start3A_343 = arith.constant 0 : i32
      %dma_start3A_344 = tpu.memref_slice %arg13[%add3A_294, %dma_start3A_343] : memref<128x64xf32, #tpu.memory_space<vmem>> -> memref<1x64xf32, #tpu.memory_space<vmem>>
      %dma_start3A_345 = tpu.memref_squeeze %dma_start3A_344 : memref<1x64xf32, #tpu.memory_space<vmem>> -> memref<64xf32, #tpu.memory_space<vmem>>
      %dma_start3A_346 = arith.constant 0 : i32
      %dma_start3A_347 = tpu.memref_slice %arg5[%convert_element_type3A_302, %sub3A_336, %dma_start3A_346] : memref<2x500000x64xf32, #tpu.memory_space<hbm>> -> memref<1x1x64xf32, #tpu.memory_space<hbm>>
      %dma_start3A_348 = tpu.memref_squeeze %dma_start3A_347 : memref<1x1x64xf32, #tpu.memory_space<hbm>> -> memref<64xf32, #tpu.memory_space<hbm>>
      tpu.enqueue_dma source(%dma_start3A_348 : memref<64xf32, #tpu.memory_space<hbm>>) target(%dma_start3A_345 : memref<64xf32, #tpu.memory_space<vmem>>) target_semaphore(%arg15 : memref<!tpu.dma_semaphore, #tpu.memory_space<semaphore_mem>>)
      %mul3A_349 = arith.constant 16 : i32
      %mul3A_350 = arith.muli %scan3A_50, %mul3A_349 : i32
      %add3A_351 = arith.constant 5 : i32
      %add3A_352 = arith.addi %mul3A_350, %add3A_351 : i32
      %slice3A_353 = vector.extract_strided_slice %get3A_54 {offsets = [5], sizes = [1], strides = [1]} : vector<16xi32> to vector<1xi32>
      %squeeze3A_354 = vector.extract %slice3A_353[0] : i32 from vector<1xi32>
      %ge3A_355 = arith.cmpi sge, %squeeze3A_354, %scan3A_3 : i32
      %convert_element_type3A_356 = arith.extui %ge3A_355 : i1 to i32
      %slice3A_357 = vector.extract_strided_slice %get3A_64 {offsets = [5], sizes = [1], strides = [1]} : vector<16xi32> to vector<1xi32>
      %squeeze3A_358 = vector.extract %slice3A_357[0] : i32 from vector<1xi32>
      %ge3A_359 = arith.cmpi sge, %squeeze3A_358, %scan3A_3 : i32
      %convert_element_type3A_360 = arith.extui %ge3A_359 : i1 to i32
      %slice3A_361 = vector.extract_strided_slice %get3A_54 {offsets = [5], sizes = [1], strides = [1]} : vector<16xi32> to vector<1xi32>
      %squeeze3A_362 = vector.extract %slice3A_361[0] : i32 from vector<1xi32>
      %mul3A_363 = arith.muli %convert_element_type3A_356, %scan3A_3 : i32
      %sub3A_364 = arith.subi %squeeze3A_362, %mul3A_363 : i32
      %dma_start3A_365 = arith.constant 0 : i32
      %dma_start3A_366 = tpu.memref_slice %arg11[%add3A_352, %dma_start3A_365] : memref<128x64xf32, #tpu.memory_space<vmem>> -> memref<1x64xf32, #tpu.memory_space<vmem>>
      %dma_start3A_367 = tpu.memref_squeeze %dma_start3A_366 : memref<1x64xf32, #tpu.memory_space<vmem>> -> memref<64xf32, #tpu.memory_space<vmem>>
      %dma_start3A_368 = arith.constant 0 : i32
      %dma_start3A_369 = tpu.memref_slice %arg5[%convert_element_type3A_356, %sub3A_364, %dma_start3A_368] : memref<2x500000x64xf32, #tpu.memory_space<hbm>> -> memref<1x1x64xf32, #tpu.memory_space<hbm>>
      %dma_start3A_370 = tpu.memref_squeeze %dma_start3A_369 : memref<1x1x64xf32, #tpu.memory_space<hbm>> -> memref<64xf32, #tpu.memory_space<hbm>>
      %dma_start3A_371 = arith.constant 0 : i32
      %dma_start3A_372 = tpu.memref_slice %arg11[%add3A_352, %dma_start3A_371] : memref<128x64xf32, #tpu.memory_space<vmem>> -> memref<1x64xf32, #tpu.memory_space<vmem>>
      %dma_start3A_373 = tpu.memref_squeeze %dma_start3A_372 : memref<1x64xf32, #tpu.memory_space<vmem>> -> memref<64xf32, #tpu.memory_space<vmem>>
      %dma_start3A_374 = arith.constant 0 : i32
      %dma_start3A_375 = tpu.memref_slice %arg5[%convert_element_type3A_356, %sub3A_364, %dma_start3A_374] : memref<2x500000x64xf32, #tpu.memory_space<hbm>> -> memref<1x1x64xf32, #tpu.memory_space<hbm>>
      %dma_start3A_376 = tpu.memref_squeeze %dma_start3A_375 : memref<1x1x64xf32, #tpu.memory_space<hbm>> -> memref<64xf32, #tpu.memory_space<hbm>>
      tpu.enqueue_dma source(%dma_start3A_376 : memref<64xf32, #tpu.memory_space<hbm>>) target(%dma_start3A_373 : memref<64xf32, #tpu.memory_space<vmem>>) target_semaphore(%arg15 : memref<!tpu.dma_semaphore, #tpu.memory_space<semaphore_mem>>)
      %slice3A_377 = vector.extract_strided_slice %get3A_59 {offsets = [5], sizes = [1], strides = [1]} : vector<16xi32> to vector<1xi32>
      %squeeze3A_378 = vector.extract %slice3A_377[0] : i32 from vector<1xi32>
      %dma_start3A_379 = arith.constant 0 : i32
      %dma_start3A_380 = tpu.memref_slice %arg12[%add3A_352, %dma_start3A_379] : memref<128x64xf32, #tpu.memory_space<vmem>> -> memref<1x64xf32, #tpu.memory_space<vmem>>
      %dma_start3A_381 = tpu.memref_squeeze %dma_start3A_380 : memref<1x64xf32, #tpu.memory_space<vmem>> -> memref<64xf32, #tpu.memory_space<vmem>>
      %dma_start3A_382 = arith.constant 0 : i32
      %dma_start3A_383 = tpu.memref_slice %arg6[%squeeze3A_378, %dma_start3A_382] : memref<1000x64xf32, #tpu.memory_space<hbm>> -> memref<1x64xf32, #tpu.memory_space<hbm>>
      %dma_start3A_384 = tpu.memref_squeeze %dma_start3A_383 : memref<1x64xf32, #tpu.memory_space<hbm>> -> memref<64xf32, #tpu.memory_space<hbm>>
      %dma_start3A_385 = arith.constant 0 : i32
      %dma_start3A_386 = tpu.memref_slice %arg12[%add3A_352, %dma_start3A_385] : memref<128x64xf32, #tpu.memory_space<vmem>> -> memref<1x64xf32, #tpu.memory_space<vmem>>
      %dma_start3A_387 = tpu.memref_squeeze %dma_start3A_386 : memref<1x64xf32, #tpu.memory_space<vmem>> -> memref<64xf32, #tpu.memory_space<vmem>>
      %dma_start3A_388 = arith.constant 0 : i32
      %dma_start3A_389 = tpu.memref_slice %arg6[%squeeze3A_378, %dma_start3A_388] : memref<1000x64xf32, #tpu.memory_space<hbm>> -> memref<1x64xf32, #tpu.memory_space<hbm>>
      %dma_start3A_390 = tpu.memref_squeeze %dma_start3A_389 : memref<1x64xf32, #tpu.memory_space<hbm>> -> memref<64xf32, #tpu.memory_space<hbm>>
      tpu.enqueue_dma source(%dma_start3A_390 : memref<64xf32, #tpu.memory_space<hbm>>) target(%dma_start3A_387 : memref<64xf32, #tpu.memory_space<vmem>>) target_semaphore(%arg15 : memref<!tpu.dma_semaphore, #tpu.memory_space<semaphore_mem>>)
      %slice3A_391 = vector.extract_strided_slice %get3A_64 {offsets = [5], sizes = [1], strides = [1]} : vector<16xi32> to vector<1xi32>
      %squeeze3A_392 = vector.extract %slice3A_391[0] : i32 from vector<1xi32>
      %mul3A_393 = arith.muli %convert_element_type3A_360, %scan3A_3 : i32
      %sub3A_394 = arith.subi %squeeze3A_392, %mul3A_393 : i32
      %dma_start3A_395 = arith.constant 0 : i32
      %dma_start3A_396 = tpu.memref_slice %arg13[%add3A_352, %dma_start3A_395] : memref<128x64xf32, #tpu.memory_space<vmem>> -> memref<1x64xf32, #tpu.memory_space<vmem>>
      %dma_start3A_397 = tpu.memref_squeeze %dma_start3A_396 : memref<1x64xf32, #tpu.memory_space<vmem>> -> memref<64xf32, #tpu.memory_space<vmem>>
      %dma_start3A_398 = arith.constant 0 : i32
      %dma_start3A_399 = tpu.memref_slice %arg5[%convert_element_type3A_360, %sub3A_394, %dma_start3A_398] : memref<2x500000x64xf32, #tpu.memory_space<hbm>> -> memref<1x1x64xf32, #tpu.memory_space<hbm>>
      %dma_start3A_400 = tpu.memref_squeeze %dma_start3A_399 : memref<1x1x64xf32, #tpu.memory_space<hbm>> -> memref<64xf32, #tpu.memory_space<hbm>>
      %dma_start3A_401 = arith.constant 0 : i32
      %dma_start3A_402 = tpu.memref_slice %arg13[%add3A_352, %dma_start3A_401] : memref<128x64xf32, #tpu.memory_space<vmem>> -> memref<1x64xf32, #tpu.memory_space<vmem>>
      %dma_start3A_403 = tpu.memref_squeeze %dma_start3A_402 : memref<1x64xf32, #tpu.memory_space<vmem>> -> memref<64xf32, #tpu.memory_space<vmem>>
      %dma_start3A_404 = arith.constant 0 : i32
      %dma_start3A_405 = tpu.memref_slice %arg5[%convert_element_type3A_360, %sub3A_394, %dma_start3A_404] : memref<2x500000x64xf32, #tpu.memory_space<hbm>> -> memref<1x1x64xf32, #tpu.memory_space<hbm>>
      %dma_start3A_406 = tpu.memref_squeeze %dma_start3A_405 : memref<1x1x64xf32, #tpu.memory_space<hbm>> -> memref<64xf32, #tpu.memory_space<hbm>>
      tpu.enqueue_dma source(%dma_start3A_406 : memref<64xf32, #tpu.memory_space<hbm>>) target(%dma_start3A_403 : memref<64xf32, #tpu.memory_space<vmem>>) target_semaphore(%arg15 : memref<!tpu.dma_semaphore, #tpu.memory_space<semaphore_mem>>)
      %mul3A_407 = arith.constant 16 : i32
      %mul3A_408 = arith.muli %scan3A_50, %mul3A_407 : i32
      %add3A_409 = arith.constant 6 : i32
      %add3A_410 = arith.addi %mul3A_408, %add3A_409 : i32
      %slice3A_411 = vector.extract_strided_slice %get3A_54 {offsets = [6], sizes = [1], strides = [1]} : vector<16xi32> to vector<1xi32>
      %squeeze3A_412 = vector.extract %slice3A_411[0] : i32 from vector<1xi32>
      %ge3A_413 = arith.cmpi sge, %squeeze3A_412, %scan3A_3 : i32
      %convert_element_type3A_414 = arith.extui %ge3A_413 : i1 to i32
      %slice3A_415 = vector.extract_strided_slice %get3A_64 {offsets = [6], sizes = [1], strides = [1]} : vector<16xi32> to vector<1xi32>
      %squeeze3A_416 = vector.extract %slice3A_415[0] : i32 from vector<1xi32>
      %ge3A_417 = arith.cmpi sge, %squeeze3A_416, %scan3A_3 : i32
      %convert_element_type3A_418 = arith.extui %ge3A_417 : i1 to i32
      %slice3A_419 = vector.extract_strided_slice %get3A_54 {offsets = [6], sizes = [1], strides = [1]} : vector<16xi32> to vector<1xi32>
      %squeeze3A_420 = vector.extract %slice3A_419[0] : i32 from vector<1xi32>
      %mul3A_421 = arith.muli %convert_element_type3A_414, %scan3A_3 : i32
      %sub3A_422 = arith.subi %squeeze3A_420, %mul3A_421 : i32
      %dma_start3A_423 = arith.constant 0 : i32
      %dma_start3A_424 = tpu.memref_slice %arg11[%add3A_410, %dma_start3A_423] : memref<128x64xf32, #tpu.memory_space<vmem>> -> memref<1x64xf32, #tpu.memory_space<vmem>>
      %dma_start3A_425 = tpu.memref_squeeze %dma_start3A_424 : memref<1x64xf32, #tpu.memory_space<vmem>> -> memref<64xf32, #tpu.memory_space<vmem>>
      %dma_start3A_426 = arith.constant 0 : i32
      %dma_start3A_427 = tpu.memref_slice %arg5[%convert_element_type3A_414, %sub3A_422, %dma_start3A_426] : memref<2x500000x64xf32, #tpu.memory_space<hbm>> -> memref<1x1x64xf32, #tpu.memory_space<hbm>>
      %dma_start3A_428 = tpu.memref_squeeze %dma_start3A_427 : memref<1x1x64xf32, #tpu.memory_space<hbm>> -> memref<64xf32, #tpu.memory_space<hbm>>
      %dma_start3A_429 = arith.constant 0 : i32
      %dma_start3A_430 = tpu.memref_slice %arg11[%add3A_410, %dma_start3A_429] : memref<128x64xf32, #tpu.memory_space<vmem>> -> memref<1x64xf32, #tpu.memory_space<vmem>>
      %dma_start3A_431 = tpu.memref_squeeze %dma_start3A_430 : memref<1x64xf32, #tpu.memory_space<vmem>> -> memref<64xf32, #tpu.memory_space<vmem>>
      %dma_start3A_432 = arith.constant 0 : i32
      %dma_start3A_433 = tpu.memref_slice %arg5[%convert_element_type3A_414, %sub3A_422, %dma_start3A_432] : memref<2x500000x64xf32, #tpu.memory_space<hbm>> -> memref<1x1x64xf32, #tpu.memory_space<hbm>>
      %dma_start3A_434 = tpu.memref_squeeze %dma_start3A_433 : memref<1x1x64xf32, #tpu.memory_space<hbm>> -> memref<64xf32, #tpu.memory_space<hbm>>
      tpu.enqueue_dma source(%dma_start3A_434 : memref<64xf32, #tpu.memory_space<hbm>>) target(%dma_start3A_431 : memref<64xf32, #tpu.memory_space<vmem>>) target_semaphore(%arg15 : memref<!tpu.dma_semaphore, #tpu.memory_space<semaphore_mem>>)
      %slice3A_435 = vector.extract_strided_slice %get3A_59 {offsets = [6], sizes = [1], strides = [1]} : vector<16xi32> to vector<1xi32>
      %squeeze3A_436 = vector.extract %slice3A_435[0] : i32 from vector<1xi32>
      %dma_start3A_437 = arith.constant 0 : i32
      %dma_start3A_438 = tpu.memref_slice %arg12[%add3A_410, %dma_start3A_437] : memref<128x64xf32, #tpu.memory_space<vmem>> -> memref<1x64xf32, #tpu.memory_space<vmem>>
      %dma_start3A_439 = tpu.memref_squeeze %dma_start3A_438 : memref<1x64xf32, #tpu.memory_space<vmem>> -> memref<64xf32, #tpu.memory_space<vmem>>
      %dma_start3A_440 = arith.constant 0 : i32
      %dma_start3A_441 = tpu.memref_slice %arg6[%squeeze3A_436, %dma_start3A_440] : memref<1000x64xf32, #tpu.memory_space<hbm>> -> memref<1x64xf32, #tpu.memory_space<hbm>>
      %dma_start3A_442 = tpu.memref_squeeze %dma_start3A_441 : memref<1x64xf32, #tpu.memory_space<hbm>> -> memref<64xf32, #tpu.memory_space<hbm>>
      %dma_start3A_443 = arith.constant 0 : i32
      %dma_start3A_444 = tpu.memref_slice %arg12[%add3A_410, %dma_start3A_443] : memref<128x64xf32, #tpu.memory_space<vmem>> -> memref<1x64xf32, #tpu.memory_space<vmem>>
      %dma_start3A_445 = tpu.memref_squeeze %dma_start3A_444 : memref<1x64xf32, #tpu.memory_space<vmem>> -> memref<64xf32, #tpu.memory_space<vmem>>
      %dma_start3A_446 = arith.constant 0 : i32
      %dma_start3A_447 = tpu.memref_slice %arg6[%squeeze3A_436, %dma_start3A_446] : memref<1000x64xf32, #tpu.memory_space<hbm>> -> memref<1x64xf32, #tpu.memory_space<hbm>>
      %dma_start3A_448 = tpu.memref_squeeze %dma_start3A_447 : memref<1x64xf32, #tpu.memory_space<hbm>> -> memref<64xf32, #tpu.memory_space<hbm>>
      tpu.enqueue_dma source(%dma_start3A_448 : memref<64xf32, #tpu.memory_space<hbm>>) target(%dma_start3A_445 : memref<64xf32, #tpu.memory_space<vmem>>) target_semaphore(%arg15 : memref<!tpu.dma_semaphore, #tpu.memory_space<semaphore_mem>>)
      %slice3A_449 = vector.extract_strided_slice %get3A_64 {offsets = [6], sizes = [1], strides = [1]} : vector<16xi32> to vector<1xi32>
      %squeeze3A_450 = vector.extract %slice3A_449[0] : i32 from vector<1xi32>
      %mul3A_451 = arith.muli %convert_element_type3A_418, %scan3A_3 : i32
      %sub3A_452 = arith.subi %squeeze3A_450, %mul3A_451 : i32
      %dma_start3A_453 = arith.constant 0 : i32
      %dma_start3A_454 = tpu.memref_slice %arg13[%add3A_410, %dma_start3A_453] : memref<128x64xf32, #tpu.memory_space<vmem>> -> memref<1x64xf32, #tpu.memory_space<vmem>>
      %dma_start3A_455 = tpu.memref_squeeze %dma_start3A_454 : memref<1x64xf32, #tpu.memory_space<vmem>> -> memref<64xf32, #tpu.memory_space<vmem>>
      %dma_start3A_456 = arith.constant 0 : i32
      %dma_start3A_457 = tpu.memref_slice %arg5[%convert_element_type3A_418, %sub3A_452, %dma_start3A_456] : memref<2x500000x64xf32, #tpu.memory_space<hbm>> -> memref<1x1x64xf32, #tpu.memory_space<hbm>>
      %dma_start3A_458 = tpu.memref_squeeze %dma_start3A_457 : memref<1x1x64xf32, #tpu.memory_space<hbm>> -> memref<64xf32, #tpu.memory_space<hbm>>
      %dma_start3A_459 = arith.constant 0 : i32
      %dma_start3A_460 = tpu.memref_slice %arg13[%add3A_410, %dma_start3A_459] : memref<128x64xf32, #tpu.memory_space<vmem>> -> memref<1x64xf32, #tpu.memory_space<vmem>>
      %dma_start3A_461 = tpu.memref_squeeze %dma_start3A_460 : memref<1x64xf32, #tpu.memory_space<vmem>> -> memref<64xf32, #tpu.memory_space<vmem>>
      %dma_start3A_462 = arith.constant 0 : i32
      %dma_start3A_463 = tpu.memref_slice %arg5[%convert_element_type3A_418, %sub3A_452, %dma_start3A_462] : memref<2x500000x64xf32, #tpu.memory_space<hbm>> -> memref<1x1x64xf32, #tpu.memory_space<hbm>>
      %dma_start3A_464 = tpu.memref_squeeze %dma_start3A_463 : memref<1x1x64xf32, #tpu.memory_space<hbm>> -> memref<64xf32, #tpu.memory_space<hbm>>
      tpu.enqueue_dma source(%dma_start3A_464 : memref<64xf32, #tpu.memory_space<hbm>>) target(%dma_start3A_461 : memref<64xf32, #tpu.memory_space<vmem>>) target_semaphore(%arg15 : memref<!tpu.dma_semaphore, #tpu.memory_space<semaphore_mem>>)
      %mul3A_465 = arith.constant 16 : i32
      %mul3A_466 = arith.muli %scan3A_50, %mul3A_465 : i32
      %add3A_467 = arith.constant 7 : i32
      %add3A_468 = arith.addi %mul3A_466, %add3A_467 : i32
      %slice3A_469 = vector.extract_strided_slice %get3A_54 {offsets = [7], sizes = [1], strides = [1]} : vector<16xi32> to vector<1xi32>
      %squeeze3A_470 = vector.extract %slice3A_469[0] : i32 from vector<1xi32>
      %ge3A_471 = arith.cmpi sge, %squeeze3A_470, %scan3A_3 : i32
      %convert_element_type3A_472 = arith.extui %ge3A_471 : i1 to i32
      %slice3A_473 = vector.extract_strided_slice %get3A_64 {offsets = [7], sizes = [1], strides = [1]} : vector<16xi32> to vector<1xi32>
      %squeeze3A_474 = vector.extract %slice3A_473[0] : i32 from vector<1xi32>
      %ge3A_475 = arith.cmpi sge, %squeeze3A_474, %scan3A_3 : i32
      %convert_element_type3A_476 = arith.extui %ge3A_475 : i1 to i32
      %slice3A_477 = vector.extract_strided_slice %get3A_54 {offsets = [7], sizes = [1], strides = [1]} : vector<16xi32> to vector<1xi32>
      %squeeze3A_478 = vector.extract %slice3A_477[0] : i32 from vector<1xi32>
      %mul3A_479 = arith.muli %convert_element_type3A_472, %scan3A_3 : i32
      %sub3A_480 = arith.subi %squeeze3A_478, %mul3A_479 : i32
      %dma_start3A_481 = arith.constant 0 : i32
      %dma_start3A_482 = tpu.memref_slice %arg11[%add3A_468, %dma_start3A_481] : memref<128x64xf32, #tpu.memory_space<vmem>> -> memref<1x64xf32, #tpu.memory_space<vmem>>
      %dma_start3A_483 = tpu.memref_squeeze %dma_start3A_482 : memref<1x64xf32, #tpu.memory_space<vmem>> -> memref<64xf32, #tpu.memory_space<vmem>>
      %dma_start3A_484 = arith.constant 0 : i32
      %dma_start3A_485 = tpu.memref_slice %arg5[%convert_element_type3A_472, %sub3A_480, %dma_start3A_484] : memref<2x500000x64xf32, #tpu.memory_space<hbm>> -> memref<1x1x64xf32, #tpu.memory_space<hbm>>
      %dma_start3A_486 = tpu.memref_squeeze %dma_start3A_485 : memref<1x1x64xf32, #tpu.memory_space<hbm>> -> memref<64xf32, #tpu.memory_space<hbm>>
      %dma_start3A_487 = arith.constant 0 : i32
      %dma_start3A_488 = tpu.memref_slice %arg11[%add3A_468, %dma_start3A_487] : memref<128x64xf32, #tpu.memory_space<vmem>> -> memref<1x64xf32, #tpu.memory_space<vmem>>
      %dma_start3A_489 = tpu.memref_squeeze %dma_start3A_488 : memref<1x64xf32, #tpu.memory_space<vmem>> -> memref<64xf32, #tpu.memory_space<vmem>>
      %dma_start3A_490 = arith.constant 0 : i32
      %dma_start3A_491 = tpu.memref_slice %arg5[%convert_element_type3A_472, %sub3A_480, %dma_start3A_490] : memref<2x500000x64xf32, #tpu.memory_space<hbm>> -> memref<1x1x64xf32, #tpu.memory_space<hbm>>
      %dma_start3A_492 = tpu.memref_squeeze %dma_start3A_491 : memref<1x1x64xf32, #tpu.memory_space<hbm>> -> memref<64xf32, #tpu.memory_space<hbm>>
      tpu.enqueue_dma source(%dma_start3A_492 : memref<64xf32, #tpu.memory_space<hbm>>) target(%dma_start3A_489 : memref<64xf32, #tpu.memory_space<vmem>>) target_semaphore(%arg15 : memref<!tpu.dma_semaphore, #tpu.memory_space<semaphore_mem>>)
      %slice3A_493 = vector.extract_strided_slice %get3A_59 {offsets = [7], sizes = [1], strides = [1]} : vector<16xi32> to vector<1xi32>
      %squeeze3A_494 = vector.extract %slice3A_493[0] : i32 from vector<1xi32>
      %dma_start3A_495 = arith.constant 0 : i32
      %dma_start3A_496 = tpu.memref_slice %arg12[%add3A_468, %dma_start3A_495] : memref<128x64xf32, #tpu.memory_space<vmem>> -> memref<1x64xf32, #tpu.memory_space<vmem>>
      %dma_start3A_497 = tpu.memref_squeeze %dma_start3A_496 : memref<1x64xf32, #tpu.memory_space<vmem>> -> memref<64xf32, #tpu.memory_space<vmem>>
      %dma_start3A_498 = arith.constant 0 : i32
      %dma_start3A_499 = tpu.memref_slice %arg6[%squeeze3A_494, %dma_start3A_498] : memref<1000x64xf32, #tpu.memory_space<hbm>> -> memref<1x64xf32, #tpu.memory_space<hbm>>
      %dma_start3A_500 = tpu.memref_squeeze %dma_start3A_499 : memref<1x64xf32, #tpu.memory_space<hbm>> -> memref<64xf32, #tpu.memory_space<hbm>>
      %dma_start3A_501 = arith.constant 0 : i32
      %dma_start3A_502 = tpu.memref_slice %arg12[%add3A_468, %dma_start3A_501] : memref<128x64xf32, #tpu.memory_space<vmem>> -> memref<1x64xf32, #tpu.memory_space<vmem>>
      %dma_start3A_503 = tpu.memref_squeeze %dma_start3A_502 : memref<1x64xf32, #tpu.memory_space<vmem>> -> memref<64xf32, #tpu.memory_space<vmem>>
      %dma_start3A_504 = arith.constant 0 : i32
      %dma_start3A_505 = tpu.memref_slice %arg6[%squeeze3A_494, %dma_start3A_504] : memref<1000x64xf32, #tpu.memory_space<hbm>> -> memref<1x64xf32, #tpu.memory_space<hbm>>
      %dma_start3A_506 = tpu.memref_squeeze %dma_start3A_505 : memref<1x64xf32, #tpu.memory_space<hbm>> -> memref<64xf32, #tpu.memory_space<hbm>>
      tpu.enqueue_dma source(%dma_start3A_506 : memref<64xf32, #tpu.memory_space<hbm>>) target(%dma_start3A_503 : memref<64xf32, #tpu.memory_space<vmem>>) target_semaphore(%arg15 : memref<!tpu.dma_semaphore, #tpu.memory_space<semaphore_mem>>)
      %slice3A_507 = vector.extract_strided_slice %get3A_64 {offsets = [7], sizes = [1], strides = [1]} : vector<16xi32> to vector<1xi32>
      %squeeze3A_508 = vector.extract %slice3A_507[0] : i32 from vector<1xi32>
      %mul3A_509 = arith.muli %convert_element_type3A_476, %scan3A_3 : i32
      %sub3A_510 = arith.subi %squeeze3A_508, %mul3A_509 : i32
      %dma_start3A_511 = arith.constant 0 : i32
      %dma_start3A_512 = tpu.memref_slice %arg13[%add3A_468, %dma_start3A_511] : memref<128x64xf32, #tpu.memory_space<vmem>> -> memref<1x64xf32, #tpu.memory_space<vmem>>
      %dma_start3A_513 = tpu.memref_squeeze %dma_start3A_512 : memref<1x64xf32, #tpu.memory_space<vmem>> -> memref<64xf32, #tpu.memory_space<vmem>>
      %dma_start3A_514 = arith.constant 0 : i32
      %dma_start3A_515 = tpu.memref_slice %arg5[%convert_element_type3A_476, %sub3A_510, %dma_start3A_514] : memref<2x500000x64xf32, #tpu.memory_space<hbm>> -> memref<1x1x64xf32, #tpu.memory_space<hbm>>
      %dma_start3A_516 = tpu.memref_squeeze %dma_start3A_515 : memref<1x1x64xf32, #tpu.memory_space<hbm>> -> memref<64xf32, #tpu.memory_space<hbm>>
      %dma_start3A_517 = arith.constant 0 : i32
      %dma_start3A_518 = tpu.memref_slice %arg13[%add3A_468, %dma_start3A_517] : memref<128x64xf32, #tpu.memory_space<vmem>> -> memref<1x64xf32, #tpu.memory_space<vmem>>
      %dma_start3A_519 = tpu.memref_squeeze %dma_start3A_518 : memref<1x64xf32, #tpu.memory_space<vmem>> -> memref<64xf32, #tpu.memory_space<vmem>>
      %dma_start3A_520 = arith.constant 0 : i32
      %dma_start3A_521 = tpu.memref_slice %arg5[%convert_element_type3A_476, %sub3A_510, %dma_start3A_520] : memref<2x500000x64xf32, #tpu.memory_space<hbm>> -> memref<1x1x64xf32, #tpu.memory_space<hbm>>
      %dma_start3A_522 = tpu.memref_squeeze %dma_start3A_521 : memref<1x1x64xf32, #tpu.memory_space<hbm>> -> memref<64xf32, #tpu.memory_space<hbm>>
      tpu.enqueue_dma source(%dma_start3A_522 : memref<64xf32, #tpu.memory_space<hbm>>) target(%dma_start3A_519 : memref<64xf32, #tpu.memory_space<vmem>>) target_semaphore(%arg15 : memref<!tpu.dma_semaphore, #tpu.memory_space<semaphore_mem>>)
      %mul3A_523 = arith.constant 16 : i32
      %mul3A_524 = arith.muli %scan3A_50, %mul3A_523 : i32
      %add3A_525 = arith.constant 8 : i32
      %add3A_526 = arith.addi %mul3A_524, %add3A_525 : i32
      %slice3A_527 = vector.extract_strided_slice %get3A_54 {offsets = [8], sizes = [1], strides = [1]} : vector<16xi32> to vector<1xi32>
      %squeeze3A_528 = vector.extract %slice3A_527[0] : i32 from vector<1xi32>
      %ge3A_529 = arith.cmpi sge, %squeeze3A_528, %scan3A_3 : i32
      %convert_element_type3A_530 = arith.extui %ge3A_529 : i1 to i32
      %slice3A_531 = vector.extract_strided_slice %get3A_64 {offsets = [8], sizes = [1], strides = [1]} : vector<16xi32> to vector<1xi32>
      %squeeze3A_532 = vector.extract %slice3A_531[0] : i32 from vector<1xi32>
      %ge3A_533 = arith.cmpi sge, %squeeze3A_532, %scan3A_3 : i32
      %convert_element_type3A_534 = arith.extui %ge3A_533 : i1 to i32
      %slice3A_535 = vector.extract_strided_slice %get3A_54 {offsets = [8], sizes = [1], strides = [1]} : vector<16xi32> to vector<1xi32>
      %squeeze3A_536 = vector.extract %slice3A_535[0] : i32 from vector<1xi32>
      %mul3A_537 = arith.muli %convert_element_type3A_530, %scan3A_3 : i32
      %sub3A_538 = arith.subi %squeeze3A_536, %mul3A_537 : i32
      %dma_start3A_539 = arith.constant 0 : i32
      %dma_start3A_540 = tpu.memref_slice %arg11[%add3A_526, %dma_start3A_539] : memref<128x64xf32, #tpu.memory_space<vmem>> -> memref<1x64xf32, #tpu.memory_space<vmem>>
      %dma_start3A_541 = tpu.memref_squeeze %dma_start3A_540 : memref<1x64xf32, #tpu.memory_space<vmem>> -> memref<64xf32, #tpu.memory_space<vmem>>
      %dma_start3A_542 = arith.constant 0 : i32
      %dma_start3A_543 = tpu.memref_slice %arg5[%convert_element_type3A_530, %sub3A_538, %dma_start3A_542] : memref<2x500000x64xf32, #tpu.memory_space<hbm>> -> memref<1x1x64xf32, #tpu.memory_space<hbm>>
      %dma_start3A_544 = tpu.memref_squeeze %dma_start3A_543 : memref<1x1x64xf32, #tpu.memory_space<hbm>> -> memref<64xf32, #tpu.memory_space<hbm>>
      %dma_start3A_545 = arith.constant 0 : i32
      %dma_start3A_546 = tpu.memref_slice %arg11[%add3A_526, %dma_start3A_545] : memref<128x64xf32, #tpu.memory_space<vmem>> -> memref<1x64xf32, #tpu.memory_space<vmem>>
      %dma_start3A_547 = tpu.memref_squeeze %dma_start3A_546 : memref<1x64xf32, #tpu.memory_space<vmem>> -> memref<64xf32, #tpu.memory_space<vmem>>
      %dma_start3A_548 = arith.constant 0 : i32
      %dma_start3A_549 = tpu.memref_slice %arg5[%convert_element_type3A_530, %sub3A_538, %dma_start3A_548] : memref<2x500000x64xf32, #tpu.memory_space<hbm>> -> memref<1x1x64xf32, #tpu.memory_space<hbm>>
      %dma_start3A_550 = tpu.memref_squeeze %dma_start3A_549 : memref<1x1x64xf32, #tpu.memory_space<hbm>> -> memref<64xf32, #tpu.memory_space<hbm>>
      tpu.enqueue_dma source(%dma_start3A_550 : memref<64xf32, #tpu.memory_space<hbm>>) target(%dma_start3A_547 : memref<64xf32, #tpu.memory_space<vmem>>) target_semaphore(%arg15 : memref<!tpu.dma_semaphore, #tpu.memory_space<semaphore_mem>>)
      %slice3A_551 = vector.extract_strided_slice %get3A_59 {offsets = [8], sizes = [1], strides = [1]} : vector<16xi32> to vector<1xi32>
      %squeeze3A_552 = vector.extract %slice3A_551[0] : i32 from vector<1xi32>
      %dma_start3A_553 = arith.constant 0 : i32
      %dma_start3A_554 = tpu.memref_slice %arg12[%add3A_526, %dma_start3A_553] : memref<128x64xf32, #tpu.memory_space<vmem>> -> memref<1x64xf32, #tpu.memory_space<vmem>>
      %dma_start3A_555 = tpu.memref_squeeze %dma_start3A_554 : memref<1x64xf32, #tpu.memory_space<vmem>> -> memref<64xf32, #tpu.memory_space<vmem>>
      %dma_start3A_556 = arith.constant 0 : i32
      %dma_start3A_557 = tpu.memref_slice %arg6[%squeeze3A_552, %dma_start3A_556] : memref<1000x64xf32, #tpu.memory_space<hbm>> -> memref<1x64xf32, #tpu.memory_space<hbm>>
      %dma_start3A_558 = tpu.memref_squeeze %dma_start3A_557 : memref<1x64xf32, #tpu.memory_space<hbm>> -> memref<64xf32, #tpu.memory_space<hbm>>
      %dma_start3A_559 = arith.constant 0 : i32
      %dma_start3A_560 = tpu.memref_slice %arg12[%add3A_526, %dma_start3A_559] : memref<128x64xf32, #tpu.memory_space<vmem>> -> memref<1x64xf32, #tpu.memory_space<vmem>>
      %dma_start3A_561 = tpu.memref_squeeze %dma_start3A_560 : memref<1x64xf32, #tpu.memory_space<vmem>> -> memref<64xf32, #tpu.memory_space<vmem>>
      %dma_start3A_562 = arith.constant 0 : i32
      %dma_start3A_563 = tpu.memref_slice %arg6[%squeeze3A_552, %dma_start3A_562] : memref<1000x64xf32, #tpu.memory_space<hbm>> -> memref<1x64xf32, #tpu.memory_space<hbm>>
      %dma_start3A_564 = tpu.memref_squeeze %dma_start3A_563 : memref<1x64xf32, #tpu.memory_space<hbm>> -> memref<64xf32, #tpu.memory_space<hbm>>
      tpu.enqueue_dma source(%dma_start3A_564 : memref<64xf32, #tpu.memory_space<hbm>>) target(%dma_start3A_561 : memref<64xf32, #tpu.memory_space<vmem>>) target_semaphore(%arg15 : memref<!tpu.dma_semaphore, #tpu.memory_space<semaphore_mem>>)
      %slice3A_565 = vector.extract_strided_slice %get3A_64 {offsets = [8], sizes = [1], strides = [1]} : vector<16xi32> to vector<1xi32>
      %squeeze3A_566 = vector.extract %slice3A_565[0] : i32 from vector<1xi32>
      %mul3A_567 = arith.muli %convert_element_type3A_534, %scan3A_3 : i32
      %sub3A_568 = arith.subi %squeeze3A_566, %mul3A_567 : i32
      %dma_start3A_569 = arith.constant 0 : i32
      %dma_start3A_570 = tpu.memref_slice %arg13[%add3A_526, %dma_start3A_569] : memref<128x64xf32, #tpu.memory_space<vmem>> -> memref<1x64xf32, #tpu.memory_space<vmem>>
      %dma_start3A_571 = tpu.memref_squeeze %dma_start3A_570 : memref<1x64xf32, #tpu.memory_space<vmem>> -> memref<64xf32, #tpu.memory_space<vmem>>
      %dma_start3A_572 = arith.constant 0 : i32
      %dma_start3A_573 = tpu.memref_slice %arg5[%convert_element_type3A_534, %sub3A_568, %dma_start3A_572] : memref<2x500000x64xf32, #tpu.memory_space<hbm>> -> memref<1x1x64xf32, #tpu.memory_space<hbm>>
      %dma_start3A_574 = tpu.memref_squeeze %dma_start3A_573 : memref<1x1x64xf32, #tpu.memory_space<hbm>> -> memref<64xf32, #tpu.memory_space<hbm>>
      %dma_start3A_575 = arith.constant 0 : i32
      %dma_start3A_576 = tpu.memref_slice %arg13[%add3A_526, %dma_start3A_575] : memref<128x64xf32, #tpu.memory_space<vmem>> -> memref<1x64xf32, #tpu.memory_space<vmem>>
      %dma_start3A_577 = tpu.memref_squeeze %dma_start3A_576 : memref<1x64xf32, #tpu.memory_space<vmem>> -> memref<64xf32, #tpu.memory_space<vmem>>
      %dma_start3A_578 = arith.constant 0 : i32
      %dma_start3A_579 = tpu.memref_slice %arg5[%convert_element_type3A_534, %sub3A_568, %dma_start3A_578] : memref<2x500000x64xf32, #tpu.memory_space<hbm>> -> memref<1x1x64xf32, #tpu.memory_space<hbm>>
      %dma_start3A_580 = tpu.memref_squeeze %dma_start3A_579 : memref<1x1x64xf32, #tpu.memory_space<hbm>> -> memref<64xf32, #tpu.memory_space<hbm>>
      tpu.enqueue_dma source(%dma_start3A_580 : memref<64xf32, #tpu.memory_space<hbm>>) target(%dma_start3A_577 : memref<64xf32, #tpu.memory_space<vmem>>) target_semaphore(%arg15 : memref<!tpu.dma_semaphore, #tpu.memory_space<semaphore_mem>>)
      %mul3A_581 = arith.constant 16 : i32
      %mul3A_582 = arith.muli %scan3A_50, %mul3A_581 : i32
      %add3A_583 = arith.constant 9 : i32
      %add3A_584 = arith.addi %mul3A_582, %add3A_583 : i32
      %slice3A_585 = vector.extract_strided_slice %get3A_54 {offsets = [9], sizes = [1], strides = [1]} : vector<16xi32> to vector<1xi32>
      %squeeze3A_586 = vector.extract %slice3A_585[0] : i32 from vector<1xi32>
      %ge3A_587 = arith.cmpi sge, %squeeze3A_586, %scan3A_3 : i32
      %convert_element_type3A_588 = arith.extui %ge3A_587 : i1 to i32
      %slice3A_589 = vector.extract_strided_slice %get3A_64 {offsets = [9], sizes = [1], strides = [1]} : vector<16xi32> to vector<1xi32>
      %squeeze3A_590 = vector.extract %slice3A_589[0] : i32 from vector<1xi32>
      %ge3A_591 = arith.cmpi sge, %squeeze3A_590, %scan3A_3 : i32
      %convert_element_type3A_592 = arith.extui %ge3A_591 : i1 to i32
      %slice3A_593 = vector.extract_strided_slice %get3A_54 {offsets = [9], sizes = [1], strides = [1]} : vector<16xi32> to vector<1xi32>
      %squeeze3A_594 = vector.extract %slice3A_593[0] : i32 from vector<1xi32>
      %mul3A_595 = arith.muli %convert_element_type3A_588, %scan3A_3 : i32
      %sub3A_596 = arith.subi %squeeze3A_594, %mul3A_595 : i32
      %dma_start3A_597 = arith.constant 0 : i32
      %dma_start3A_598 = tpu.memref_slice %arg11[%add3A_584, %dma_start3A_597] : memref<128x64xf32, #tpu.memory_space<vmem>> -> memref<1x64xf32, #tpu.memory_space<vmem>>
      %dma_start3A_599 = tpu.memref_squeeze %dma_start3A_598 : memref<1x64xf32, #tpu.memory_space<vmem>> -> memref<64xf32, #tpu.memory_space<vmem>>
      %dma_start3A_600 = arith.constant 0 : i32
      %dma_start3A_601 = tpu.memref_slice %arg5[%convert_element_type3A_588, %sub3A_596, %dma_start3A_600] : memref<2x500000x64xf32, #tpu.memory_space<hbm>> -> memref<1x1x64xf32, #tpu.memory_space<hbm>>
      %dma_start3A_602 = tpu.memref_squeeze %dma_start3A_601 : memref<1x1x64xf32, #tpu.memory_space<hbm>> -> memref<64xf32, #tpu.memory_space<hbm>>
      %dma_start3A_603 = arith.constant 0 : i32
      %dma_start3A_604 = tpu.memref_slice %arg11[%add3A_584, %dma_start3A_603] : memref<128x64xf32, #tpu.memory_space<vmem>> -> memref<1x64xf32, #tpu.memory_space<vmem>>
      %dma_start3A_605 = tpu.memref_squeeze %dma_start3A_604 : memref<1x64xf32, #tpu.memory_space<vmem>> -> memref<64xf32, #tpu.memory_space<vmem>>
      %dma_start3A_606 = arith.constant 0 : i32
      %dma_start3A_607 = tpu.memref_slice %arg5[%convert_element_type3A_588, %sub3A_596, %dma_start3A_606] : memref<2x500000x64xf32, #tpu.memory_space<hbm>> -> memref<1x1x64xf32, #tpu.memory_space<hbm>>
      %dma_start3A_608 = tpu.memref_squeeze %dma_start3A_607 : memref<1x1x64xf32, #tpu.memory_space<hbm>> -> memref<64xf32, #tpu.memory_space<hbm>>
      tpu.enqueue_dma source(%dma_start3A_608 : memref<64xf32, #tpu.memory_space<hbm>>) target(%dma_start3A_605 : memref<64xf32, #tpu.memory_space<vmem>>) target_semaphore(%arg15 : memref<!tpu.dma_semaphore, #tpu.memory_space<semaphore_mem>>)
      %slice3A_609 = vector.extract_strided_slice %get3A_59 {offsets = [9], sizes = [1], strides = [1]} : vector<16xi32> to vector<1xi32>
      %squeeze3A_610 = vector.extract %slice3A_609[0] : i32 from vector<1xi32>
      %dma_start3A_611 = arith.constant 0 : i32
      %dma_start3A_612 = tpu.memref_slice %arg12[%add3A_584, %dma_start3A_611] : memref<128x64xf32, #tpu.memory_space<vmem>> -> memref<1x64xf32, #tpu.memory_space<vmem>>
      %dma_start3A_613 = tpu.memref_squeeze %dma_start3A_612 : memref<1x64xf32, #tpu.memory_space<vmem>> -> memref<64xf32, #tpu.memory_space<vmem>>
      %dma_start3A_614 = arith.constant 0 : i32
      %dma_start3A_615 = tpu.memref_slice %arg6[%squeeze3A_610, %dma_start3A_614] : memref<1000x64xf32, #tpu.memory_space<hbm>> -> memref<1x64xf32, #tpu.memory_space<hbm>>
      %dma_start3A_616 = tpu.memref_squeeze %dma_start3A_615 : memref<1x64xf32, #tpu.memory_space<hbm>> -> memref<64xf32, #tpu.memory_space<hbm>>
      %dma_start3A_617 = arith.constant 0 : i32
      %dma_start3A_618 = tpu.memref_slice %arg12[%add3A_584, %dma_start3A_617] : memref<128x64xf32, #tpu.memory_space<vmem>> -> memref<1x64xf32, #tpu.memory_space<vmem>>
      %dma_start3A_619 = tpu.memref_squeeze %dma_start3A_618 : memref<1x64xf32, #tpu.memory_space<vmem>> -> memref<64xf32, #tpu.memory_space<vmem>>
      %dma_start3A_620 = arith.constant 0 : i32
      %dma_start3A_621 = tpu.memref_slice %arg6[%squeeze3A_610, %dma_start3A_620] : memref<1000x64xf32, #tpu.memory_space<hbm>> -> memref<1x64xf32, #tpu.memory_space<hbm>>
      %dma_start3A_622 = tpu.memref_squeeze %dma_start3A_621 : memref<1x64xf32, #tpu.memory_space<hbm>> -> memref<64xf32, #tpu.memory_space<hbm>>
      tpu.enqueue_dma source(%dma_start3A_622 : memref<64xf32, #tpu.memory_space<hbm>>) target(%dma_start3A_619 : memref<64xf32, #tpu.memory_space<vmem>>) target_semaphore(%arg15 : memref<!tpu.dma_semaphore, #tpu.memory_space<semaphore_mem>>)
      %slice3A_623 = vector.extract_strided_slice %get3A_64 {offsets = [9], sizes = [1], strides = [1]} : vector<16xi32> to vector<1xi32>
      %squeeze3A_624 = vector.extract %slice3A_623[0] : i32 from vector<1xi32>
      %mul3A_625 = arith.muli %convert_element_type3A_592, %scan3A_3 : i32
      %sub3A_626 = arith.subi %squeeze3A_624, %mul3A_625 : i32
      %dma_start3A_627 = arith.constant 0 : i32
      %dma_start3A_628 = tpu.memref_slice %arg13[%add3A_584, %dma_start3A_627] : memref<128x64xf32, #tpu.memory_space<vmem>> -> memref<1x64xf32, #tpu.memory_space<vmem>>
      %dma_start3A_629 = tpu.memref_squeeze %dma_start3A_628 : memref<1x64xf32, #tpu.memory_space<vmem>> -> memref<64xf32, #tpu.memory_space<vmem>>
      %dma_start3A_630 = arith.constant 0 : i32
      %dma_start3A_631 = tpu.memref_slice %arg5[%convert_element_type3A_592, %sub3A_626, %dma_start3A_630] : memref<2x500000x64xf32, #tpu.memory_space<hbm>> -> memref<1x1x64xf32, #tpu.memory_space<hbm>>
      %dma_start3A_632 = tpu.memref_squeeze %dma_start3A_631 : memref<1x1x64xf32, #tpu.memory_space<hbm>> -> memref<64xf32, #tpu.memory_space<hbm>>
      %dma_start3A_633 = arith.constant 0 : i32
      %dma_start3A_634 = tpu.memref_slice %arg13[%add3A_584, %dma_start3A_633] : memref<128x64xf32, #tpu.memory_space<vmem>> -> memref<1x64xf32, #tpu.memory_space<vmem>>
      %dma_start3A_635 = tpu.memref_squeeze %dma_start3A_634 : memref<1x64xf32, #tpu.memory_space<vmem>> -> memref<64xf32, #tpu.memory_space<vmem>>
      %dma_start3A_636 = arith.constant 0 : i32
      %dma_start3A_637 = tpu.memref_slice %arg5[%convert_element_type3A_592, %sub3A_626, %dma_start3A_636] : memref<2x500000x64xf32, #tpu.memory_space<hbm>> -> memref<1x1x64xf32, #tpu.memory_space<hbm>>
      %dma_start3A_638 = tpu.memref_squeeze %dma_start3A_637 : memref<1x1x64xf32, #tpu.memory_space<hbm>> -> memref<64xf32, #tpu.memory_space<hbm>>
      tpu.enqueue_dma source(%dma_start3A_638 : memref<64xf32, #tpu.memory_space<hbm>>) target(%dma_start3A_635 : memref<64xf32, #tpu.memory_space<vmem>>) target_semaphore(%arg15 : memref<!tpu.dma_semaphore, #tpu.memory_space<semaphore_mem>>)
      %mul3A_639 = arith.constant 16 : i32
      %mul3A_640 = arith.muli %scan3A_50, %mul3A_639 : i32
      %add3A_641 = arith.constant 10 : i32
      %add3A_642 = arith.addi %mul3A_640, %add3A_641 : i32
      %slice3A_643 = vector.extract_strided_slice %get3A_54 {offsets = [10], sizes = [1], strides = [1]} : vector<16xi32> to vector<1xi32>
      %squeeze3A_644 = vector.extract %slice3A_643[0] : i32 from vector<1xi32>
      %ge3A_645 = arith.cmpi sge, %squeeze3A_644, %scan3A_3 : i32
      %convert_element_type3A_646 = arith.extui %ge3A_645 : i1 to i32
      %slice3A_647 = vector.extract_strided_slice %get3A_64 {offsets = [10], sizes = [1], strides = [1]} : vector<16xi32> to vector<1xi32>
      %squeeze3A_648 = vector.extract %slice3A_647[0] : i32 from vector<1xi32>
      %ge3A_649 = arith.cmpi sge, %squeeze3A_648, %scan3A_3 : i32
      %convert_element_type3A_650 = arith.extui %ge3A_649 : i1 to i32
      %slice3A_651 = vector.extract_strided_slice %get3A_54 {offsets = [10], sizes = [1], strides = [1]} : vector<16xi32> to vector<1xi32>
      %squeeze3A_652 = vector.extract %slice3A_651[0] : i32 from vector<1xi32>
      %mul3A_653 = arith.muli %convert_element_type3A_646, %scan3A_3 : i32
      %sub3A_654 = arith.subi %squeeze3A_652, %mul3A_653 : i32
      %dma_start3A_655 = arith.constant 0 : i32
      %dma_start3A_656 = tpu.memref_slice %arg11[%add3A_642, %dma_start3A_655] : memref<128x64xf32, #tpu.memory_space<vmem>> -> memref<1x64xf32, #tpu.memory_space<vmem>>
      %dma_start3A_657 = tpu.memref_squeeze %dma_start3A_656 : memref<1x64xf32, #tpu.memory_space<vmem>> -> memref<64xf32, #tpu.memory_space<vmem>>
      %dma_start3A_658 = arith.constant 0 : i32
      %dma_start3A_659 = tpu.memref_slice %arg5[%convert_element_type3A_646, %sub3A_654, %dma_start3A_658] : memref<2x500000x64xf32, #tpu.memory_space<hbm>> -> memref<1x1x64xf32, #tpu.memory_space<hbm>>
      %dma_start3A_660 = tpu.memref_squeeze %dma_start3A_659 : memref<1x1x64xf32, #tpu.memory_space<hbm>> -> memref<64xf32, #tpu.memory_space<hbm>>
      %dma_start3A_661 = arith.constant 0 : i32
      %dma_start3A_662 = tpu.memref_slice %arg11[%add3A_642, %dma_start3A_661] : memref<128x64xf32, #tpu.memory_space<vmem>> -> memref<1x64xf32, #tpu.memory_space<vmem>>
      %dma_start3A_663 = tpu.memref_squeeze %dma_start3A_662 : memref<1x64xf32, #tpu.memory_space<vmem>> -> memref<64xf32, #tpu.memory_space<vmem>>
      %dma_start3A_664 = arith.constant 0 : i32
      %dma_start3A_665 = tpu.memref_slice %arg5[%convert_element_type3A_646, %sub3A_654, %dma_start3A_664] : memref<2x500000x64xf32, #tpu.memory_space<hbm>> -> memref<1x1x64xf32, #tpu.memory_space<hbm>>
      %dma_start3A_666 = tpu.memref_squeeze %dma_start3A_665 : memref<1x1x64xf32, #tpu.memory_space<hbm>> -> memref<64xf32, #tpu.memory_space<hbm>>
      tpu.enqueue_dma source(%dma_start3A_666 : memref<64xf32, #tpu.memory_space<hbm>>) target(%dma_start3A_663 : memref<64xf32, #tpu.memory_space<vmem>>) target_semaphore(%arg15 : memref<!tpu.dma_semaphore, #tpu.memory_space<semaphore_mem>>)
      %slice3A_667 = vector.extract_strided_slice %get3A_59 {offsets = [10], sizes = [1], strides = [1]} : vector<16xi32> to vector<1xi32>
      %squeeze3A_668 = vector.extract %slice3A_667[0] : i32 from vector<1xi32>
      %dma_start3A_669 = arith.constant 0 : i32
      %dma_start3A_670 = tpu.memref_slice %arg12[%add3A_642, %dma_start3A_669] : memref<128x64xf32, #tpu.memory_space<vmem>> -> memref<1x64xf32, #tpu.memory_space<vmem>>
      %dma_start3A_671 = tpu.memref_squeeze %dma_start3A_670 : memref<1x64xf32, #tpu.memory_space<vmem>> -> memref<64xf32, #tpu.memory_space<vmem>>
      %dma_start3A_672 = arith.constant 0 : i32
      %dma_start3A_673 = tpu.memref_slice %arg6[%squeeze3A_668, %dma_start3A_672] : memref<1000x64xf32, #tpu.memory_space<hbm>> -> memref<1x64xf32, #tpu.memory_space<hbm>>
      %dma_start3A_674 = tpu.memref_squeeze %dma_start3A_673 : memref<1x64xf32, #tpu.memory_space<hbm>> -> memref<64xf32, #tpu.memory_space<hbm>>
      %dma_start3A_675 = arith.constant 0 : i32
      %dma_start3A_676 = tpu.memref_slice %arg12[%add3A_642, %dma_start3A_675] : memref<128x64xf32, #tpu.memory_space<vmem>> -> memref<1x64xf32, #tpu.memory_space<vmem>>
      %dma_start3A_677 = tpu.memref_squeeze %dma_start3A_676 : memref<1x64xf32, #tpu.memory_space<vmem>> -> memref<64xf32, #tpu.memory_space<vmem>>
      %dma_start3A_678 = arith.constant 0 : i32
      %dma_start3A_679 = tpu.memref_slice %arg6[%squeeze3A_668, %dma_start3A_678] : memref<1000x64xf32, #tpu.memory_space<hbm>> -> memref<1x64xf32, #tpu.memory_space<hbm>>
      %dma_start3A_680 = tpu.memref_squeeze %dma_start3A_679 : memref<1x64xf32, #tpu.memory_space<hbm>> -> memref<64xf32, #tpu.memory_space<hbm>>
      tpu.enqueue_dma source(%dma_start3A_680 : memref<64xf32, #tpu.memory_space<hbm>>) target(%dma_start3A_677 : memref<64xf32, #tpu.memory_space<vmem>>) target_semaphore(%arg15 : memref<!tpu.dma_semaphore, #tpu.memory_space<semaphore_mem>>)
      %slice3A_681 = vector.extract_strided_slice %get3A_64 {offsets = [10], sizes = [1], strides = [1]} : vector<16xi32> to vector<1xi32>
      %squeeze3A_682 = vector.extract %slice3A_681[0] : i32 from vector<1xi32>
      %mul3A_683 = arith.muli %convert_element_type3A_650, %scan3A_3 : i32
      %sub3A_684 = arith.subi %squeeze3A_682, %mul3A_683 : i32
      %dma_start3A_685 = arith.constant 0 : i32
      %dma_start3A_686 = tpu.memref_slice %arg13[%add3A_642, %dma_start3A_685] : memref<128x64xf32, #tpu.memory_space<vmem>> -> memref<1x64xf32, #tpu.memory_space<vmem>>
      %dma_start3A_687 = tpu.memref_squeeze %dma_start3A_686 : memref<1x64xf32, #tpu.memory_space<vmem>> -> memref<64xf32, #tpu.memory_space<vmem>>
      %dma_start3A_688 = arith.constant 0 : i32
      %dma_start3A_689 = tpu.memref_slice %arg5[%convert_element_type3A_650, %sub3A_684, %dma_start3A_688] : memref<2x500000x64xf32, #tpu.memory_space<hbm>> -> memref<1x1x64xf32, #tpu.memory_space<hbm>>
      %dma_start3A_690 = tpu.memref_squeeze %dma_start3A_689 : memref<1x1x64xf32, #tpu.memory_space<hbm>> -> memref<64xf32, #tpu.memory_space<hbm>>
      %dma_start3A_691 = arith.constant 0 : i32
      %dma_start3A_692 = tpu.memref_slice %arg13[%add3A_642, %dma_start3A_691] : memref<128x64xf32, #tpu.memory_space<vmem>> -> memref<1x64xf32, #tpu.memory_space<vmem>>
      %dma_start3A_693 = tpu.memref_squeeze %dma_start3A_692 : memref<1x64xf32, #tpu.memory_space<vmem>> -> memref<64xf32, #tpu.memory_space<vmem>>
      %dma_start3A_694 = arith.constant 0 : i32
      %dma_start3A_695 = tpu.memref_slice %arg5[%convert_element_type3A_650, %sub3A_684, %dma_start3A_694] : memref<2x500000x64xf32, #tpu.memory_space<hbm>> -> memref<1x1x64xf32, #tpu.memory_space<hbm>>
      %dma_start3A_696 = tpu.memref_squeeze %dma_start3A_695 : memref<1x1x64xf32, #tpu.memory_space<hbm>> -> memref<64xf32, #tpu.memory_space<hbm>>
      tpu.enqueue_dma source(%dma_start3A_696 : memref<64xf32, #tpu.memory_space<hbm>>) target(%dma_start3A_693 : memref<64xf32, #tpu.memory_space<vmem>>) target_semaphore(%arg15 : memref<!tpu.dma_semaphore, #tpu.memory_space<semaphore_mem>>)
      %mul3A_697 = arith.constant 16 : i32
      %mul3A_698 = arith.muli %scan3A_50, %mul3A_697 : i32
      %add3A_699 = arith.constant 11 : i32
      %add3A_700 = arith.addi %mul3A_698, %add3A_699 : i32
      %slice3A_701 = vector.extract_strided_slice %get3A_54 {offsets = [11], sizes = [1], strides = [1]} : vector<16xi32> to vector<1xi32>
      %squeeze3A_702 = vector.extract %slice3A_701[0] : i32 from vector<1xi32>
      %ge3A_703 = arith.cmpi sge, %squeeze3A_702, %scan3A_3 : i32
      %convert_element_type3A_704 = arith.extui %ge3A_703 : i1 to i32
      %slice3A_705 = vector.extract_strided_slice %get3A_64 {offsets = [11], sizes = [1], strides = [1]} : vector<16xi32> to vector<1xi32>
      %squeeze3A_706 = vector.extract %slice3A_705[0] : i32 from vector<1xi32>
      %ge3A_707 = arith.cmpi sge, %squeeze3A_706, %scan3A_3 : i32
      %convert_element_type3A_708 = arith.extui %ge3A_707 : i1 to i32
      %slice3A_709 = vector.extract_strided_slice %get3A_54 {offsets = [11], sizes = [1], strides = [1]} : vector<16xi32> to vector<1xi32>
      %squeeze3A_710 = vector.extract %slice3A_709[0] : i32 from vector<1xi32>
      %mul3A_711 = arith.muli %convert_element_type3A_704, %scan3A_3 : i32
      %sub3A_712 = arith.subi %squeeze3A_710, %mul3A_711 : i32
      %dma_start3A_713 = arith.constant 0 : i32
      %dma_start3A_714 = tpu.memref_slice %arg11[%add3A_700, %dma_start3A_713] : memref<128x64xf32, #tpu.memory_space<vmem>> -> memref<1x64xf32, #tpu.memory_space<vmem>>
      %dma_start3A_715 = tpu.memref_squeeze %dma_start3A_714 : memref<1x64xf32, #tpu.memory_space<vmem>> -> memref<64xf32, #tpu.memory_space<vmem>>
      %dma_start3A_716 = arith.constant 0 : i32
      %dma_start3A_717 = tpu.memref_slice %arg5[%convert_element_type3A_704, %sub3A_712, %dma_start3A_716] : memref<2x500000x64xf32, #tpu.memory_space<hbm>> -> memref<1x1x64xf32, #tpu.memory_space<hbm>>
      %dma_start3A_718 = tpu.memref_squeeze %dma_start3A_717 : memref<1x1x64xf32, #tpu.memory_space<hbm>> -> memref<64xf32, #tpu.memory_space<hbm>>
      %dma_start3A_719 = arith.constant 0 : i32
      %dma_start3A_720 = tpu.memref_slice %arg11[%add3A_700, %dma_start3A_719] : memref<128x64xf32, #tpu.memory_space<vmem>> -> memref<1x64xf32, #tpu.memory_space<vmem>>
      %dma_start3A_721 = tpu.memref_squeeze %dma_start3A_720 : memref<1x64xf32, #tpu.memory_space<vmem>> -> memref<64xf32, #tpu.memory_space<vmem>>
      %dma_start3A_722 = arith.constant 0 : i32
      %dma_start3A_723 = tpu.memref_slice %arg5[%convert_element_type3A_704, %sub3A_712, %dma_start3A_722] : memref<2x500000x64xf32, #tpu.memory_space<hbm>> -> memref<1x1x64xf32, #tpu.memory_space<hbm>>
      %dma_start3A_724 = tpu.memref_squeeze %dma_start3A_723 : memref<1x1x64xf32, #tpu.memory_space<hbm>> -> memref<64xf32, #tpu.memory_space<hbm>>
      tpu.enqueue_dma source(%dma_start3A_724 : memref<64xf32, #tpu.memory_space<hbm>>) target(%dma_start3A_721 : memref<64xf32, #tpu.memory_space<vmem>>) target_semaphore(%arg15 : memref<!tpu.dma_semaphore, #tpu.memory_space<semaphore_mem>>)
      %slice3A_725 = vector.extract_strided_slice %get3A_59 {offsets = [11], sizes = [1], strides = [1]} : vector<16xi32> to vector<1xi32>
      %squeeze3A_726 = vector.extract %slice3A_725[0] : i32 from vector<1xi32>
      %dma_start3A_727 = arith.constant 0 : i32
      %dma_start3A_728 = tpu.memref_slice %arg12[%add3A_700, %dma_start3A_727] : memref<128x64xf32, #tpu.memory_space<vmem>> -> memref<1x64xf32, #tpu.memory_space<vmem>>
      %dma_start3A_729 = tpu.memref_squeeze %dma_start3A_728 : memref<1x64xf32, #tpu.memory_space<vmem>> -> memref<64xf32, #tpu.memory_space<vmem>>
      %dma_start3A_730 = arith.constant 0 : i32
      %dma_start3A_731 = tpu.memref_slice %arg6[%squeeze3A_726, %dma_start3A_730] : memref<1000x64xf32, #tpu.memory_space<hbm>> -> memref<1x64xf32, #tpu.memory_space<hbm>>
      %dma_start3A_732 = tpu.memref_squeeze %dma_start3A_731 : memref<1x64xf32, #tpu.memory_space<hbm>> -> memref<64xf32, #tpu.memory_space<hbm>>
      %dma_start3A_733 = arith.constant 0 : i32
      %dma_start3A_734 = tpu.memref_slice %arg12[%add3A_700, %dma_start3A_733] : memref<128x64xf32, #tpu.memory_space<vmem>> -> memref<1x64xf32, #tpu.memory_space<vmem>>
      %dma_start3A_735 = tpu.memref_squeeze %dma_start3A_734 : memref<1x64xf32, #tpu.memory_space<vmem>> -> memref<64xf32, #tpu.memory_space<vmem>>
      %dma_start3A_736 = arith.constant 0 : i32
      %dma_start3A_737 = tpu.memref_slice %arg6[%squeeze3A_726, %dma_start3A_736] : memref<1000x64xf32, #tpu.memory_space<hbm>> -> memref<1x64xf32, #tpu.memory_space<hbm>>
      %dma_start3A_738 = tpu.memref_squeeze %dma_start3A_737 : memref<1x64xf32, #tpu.memory_space<hbm>> -> memref<64xf32, #tpu.memory_space<hbm>>
      tpu.enqueue_dma source(%dma_start3A_738 : memref<64xf32, #tpu.memory_space<hbm>>) target(%dma_start3A_735 : memref<64xf32, #tpu.memory_space<vmem>>) target_semaphore(%arg15 : memref<!tpu.dma_semaphore, #tpu.memory_space<semaphore_mem>>)
      %slice3A_739 = vector.extract_strided_slice %get3A_64 {offsets = [11], sizes = [1], strides = [1]} : vector<16xi32> to vector<1xi32>
      %squeeze3A_740 = vector.extract %slice3A_739[0] : i32 from vector<1xi32>
      %mul3A_741 = arith.muli %convert_element_type3A_708, %scan3A_3 : i32
      %sub3A_742 = arith.subi %squeeze3A_740, %mul3A_741 : i32
      %dma_start3A_743 = arith.constant 0 : i32
      %dma_start3A_744 = tpu.memref_slice %arg13[%add3A_700, %dma_start3A_743] : memref<128x64xf32, #tpu.memory_space<vmem>> -> memref<1x64xf32, #tpu.memory_space<vmem>>
      %dma_start3A_745 = tpu.memref_squeeze %dma_start3A_744 : memref<1x64xf32, #tpu.memory_space<vmem>> -> memref<64xf32, #tpu.memory_space<vmem>>
      %dma_start3A_746 = arith.constant 0 : i32
      %dma_start3A_747 = tpu.memref_slice %arg5[%convert_element_type3A_708, %sub3A_742, %dma_start3A_746] : memref<2x500000x64xf32, #tpu.memory_space<hbm>> -> memref<1x1x64xf32, #tpu.memory_space<hbm>>
      %dma_start3A_748 = tpu.memref_squeeze %dma_start3A_747 : memref<1x1x64xf32, #tpu.memory_space<hbm>> -> memref<64xf32, #tpu.memory_space<hbm>>
      %dma_start3A_749 = arith.constant 0 : i32
      %dma_start3A_750 = tpu.memref_slice %arg13[%add3A_700, %dma_start3A_749] : memref<128x64xf32, #tpu.memory_space<vmem>> -> memref<1x64xf32, #tpu.memory_space<vmem>>
      %dma_start3A_751 = tpu.memref_squeeze %dma_start3A_750 : memref<1x64xf32, #tpu.memory_space<vmem>> -> memref<64xf32, #tpu.memory_space<vmem>>
      %dma_start3A_752 = arith.constant 0 : i32
      %dma_start3A_753 = tpu.memref_slice %arg5[%convert_element_type3A_708, %sub3A_742, %dma_start3A_752] : memref<2x500000x64xf32, #tpu.memory_space<hbm>> -> memref<1x1x64xf32, #tpu.memory_space<hbm>>
      %dma_start3A_754 = tpu.memref_squeeze %dma_start3A_753 : memref<1x1x64xf32, #tpu.memory_space<hbm>> -> memref<64xf32, #tpu.memory_space<hbm>>
      tpu.enqueue_dma source(%dma_start3A_754 : memref<64xf32, #tpu.memory_space<hbm>>) target(%dma_start3A_751 : memref<64xf32, #tpu.memory_space<vmem>>) target_semaphore(%arg15 : memref<!tpu.dma_semaphore, #tpu.memory_space<semaphore_mem>>)
      %mul3A_755 = arith.constant 16 : i32
      %mul3A_756 = arith.muli %scan3A_50, %mul3A_755 : i32
      %add3A_757 = arith.constant 12 : i32
      %add3A_758 = arith.addi %mul3A_756, %add3A_757 : i32
      %slice3A_759 = vector.extract_strided_slice %get3A_54 {offsets = [12], sizes = [1], strides = [1]} : vector<16xi32> to vector<1xi32>
      %squeeze3A_760 = vector.extract %slice3A_759[0] : i32 from vector<1xi32>
      %ge3A_761 = arith.cmpi sge, %squeeze3A_760, %scan3A_3 : i32
      %convert_element_type3A_762 = arith.extui %ge3A_761 : i1 to i32
      %slice3A_763 = vector.extract_strided_slice %get3A_64 {offsets = [12], sizes = [1], strides = [1]} : vector<16xi32> to vector<1xi32>
      %squeeze3A_764 = vector.extract %slice3A_763[0] : i32 from vector<1xi32>
      %ge3A_765 = arith.cmpi sge, %squeeze3A_764, %scan3A_3 : i32
      %convert_element_type3A_766 = arith.extui %ge3A_765 : i1 to i32
      %slice3A_767 = vector.extract_strided_slice %get3A_54 {offsets = [12], sizes = [1], strides = [1]} : vector<16xi32> to vector<1xi32>
      %squeeze3A_768 = vector.extract %slice3A_767[0] : i32 from vector<1xi32>
      %mul3A_769 = arith.muli %convert_element_type3A_762, %scan3A_3 : i32
      %sub3A_770 = arith.subi %squeeze3A_768, %mul3A_769 : i32
      %dma_start3A_771 = arith.constant 0 : i32
      %dma_start3A_772 = tpu.memref_slice %arg11[%add3A_758, %dma_start3A_771] : memref<128x64xf32, #tpu.memory_space<vmem>> -> memref<1x64xf32, #tpu.memory_space<vmem>>
      %dma_start3A_773 = tpu.memref_squeeze %dma_start3A_772 : memref<1x64xf32, #tpu.memory_space<vmem>> -> memref<64xf32, #tpu.memory_space<vmem>>
      %dma_start3A_774 = arith.constant 0 : i32
      %dma_start3A_775 = tpu.memref_slice %arg5[%convert_element_type3A_762, %sub3A_770, %dma_start3A_774] : memref<2x500000x64xf32, #tpu.memory_space<hbm>> -> memref<1x1x64xf32, #tpu.memory_space<hbm>>
      %dma_start3A_776 = tpu.memref_squeeze %dma_start3A_775 : memref<1x1x64xf32, #tpu.memory_space<hbm>> -> memref<64xf32, #tpu.memory_space<hbm>>
      %dma_start3A_777 = arith.constant 0 : i32
      %dma_start3A_778 = tpu.memref_slice %arg11[%add3A_758, %dma_start3A_777] : memref<128x64xf32, #tpu.memory_space<vmem>> -> memref<1x64xf32, #tpu.memory_space<vmem>>
      %dma_start3A_779 = tpu.memref_squeeze %dma_start3A_778 : memref<1x64xf32, #tpu.memory_space<vmem>> -> memref<64xf32, #tpu.memory_space<vmem>>
      %dma_start3A_780 = arith.constant 0 : i32
      %dma_start3A_781 = tpu.memref_slice %arg5[%convert_element_type3A_762, %sub3A_770, %dma_start3A_780] : memref<2x500000x64xf32, #tpu.memory_space<hbm>> -> memref<1x1x64xf32, #tpu.memory_space<hbm>>
      %dma_start3A_782 = tpu.memref_squeeze %dma_start3A_781 : memref<1x1x64xf32, #tpu.memory_space<hbm>> -> memref<64xf32, #tpu.memory_space<hbm>>
      tpu.enqueue_dma source(%dma_start3A_782 : memref<64xf32, #tpu.memory_space<hbm>>) target(%dma_start3A_779 : memref<64xf32, #tpu.memory_space<vmem>>) target_semaphore(%arg15 : memref<!tpu.dma_semaphore, #tpu.memory_space<semaphore_mem>>)
      %slice3A_783 = vector.extract_strided_slice %get3A_59 {offsets = [12], sizes = [1], strides = [1]} : vector<16xi32> to vector<1xi32>
      %squeeze3A_784 = vector.extract %slice3A_783[0] : i32 from vector<1xi32>
      %dma_start3A_785 = arith.constant 0 : i32
      %dma_start3A_786 = tpu.memref_slice %arg12[%add3A_758, %dma_start3A_785] : memref<128x64xf32, #tpu.memory_space<vmem>> -> memref<1x64xf32, #tpu.memory_space<vmem>>
      %dma_start3A_787 = tpu.memref_squeeze %dma_start3A_786 : memref<1x64xf32, #tpu.memory_space<vmem>> -> memref<64xf32, #tpu.memory_space<vmem>>
      %dma_start3A_788 = arith.constant 0 : i32
      %dma_start3A_789 = tpu.memref_slice %arg6[%squeeze3A_784, %dma_start3A_788] : memref<1000x64xf32, #tpu.memory_space<hbm>> -> memref<1x64xf32, #tpu.memory_space<hbm>>
      %dma_start3A_790 = tpu.memref_squeeze %dma_start3A_789 : memref<1x64xf32, #tpu.memory_space<hbm>> -> memref<64xf32, #tpu.memory_space<hbm>>
      %dma_start3A_791 = arith.constant 0 : i32
      %dma_start3A_792 = tpu.memref_slice %arg12[%add3A_758, %dma_start3A_791] : memref<128x64xf32, #tpu.memory_space<vmem>> -> memref<1x64xf32, #tpu.memory_space<vmem>>
      %dma_start3A_793 = tpu.memref_squeeze %dma_start3A_792 : memref<1x64xf32, #tpu.memory_space<vmem>> -> memref<64xf32, #tpu.memory_space<vmem>>
      %dma_start3A_794 = arith.constant 0 : i32
      %dma_start3A_795 = tpu.memref_slice %arg6[%squeeze3A_784, %dma_start3A_794] : memref<1000x64xf32, #tpu.memory_space<hbm>> -> memref<1x64xf32, #tpu.memory_space<hbm>>
      %dma_start3A_796 = tpu.memref_squeeze %dma_start3A_795 : memref<1x64xf32, #tpu.memory_space<hbm>> -> memref<64xf32, #tpu.memory_space<hbm>>
      tpu.enqueue_dma source(%dma_start3A_796 : memref<64xf32, #tpu.memory_space<hbm>>) target(%dma_start3A_793 : memref<64xf32, #tpu.memory_space<vmem>>) target_semaphore(%arg15 : memref<!tpu.dma_semaphore, #tpu.memory_space<semaphore_mem>>)
      %slice3A_797 = vector.extract_strided_slice %get3A_64 {offsets = [12], sizes = [1], strides = [1]} : vector<16xi32> to vector<1xi32>
      %squeeze3A_798 = vector.extract %slice3A_797[0] : i32 from vector<1xi32>
      %mul3A_799 = arith.muli %convert_element_type3A_766, %scan3A_3 : i32
      %sub3A_800 = arith.subi %squeeze3A_798, %mul3A_799 : i32
      %dma_start3A_801 = arith.constant 0 : i32
      %dma_start3A_802 = tpu.memref_slice %arg13[%add3A_758, %dma_start3A_801] : memref<128x64xf32, #tpu.memory_space<vmem>> -> memref<1x64xf32, #tpu.memory_space<vmem>>
      %dma_start3A_803 = tpu.memref_squeeze %dma_start3A_802 : memref<1x64xf32, #tpu.memory_space<vmem>> -> memref<64xf32, #tpu.memory_space<vmem>>
      %dma_start3A_804 = arith.constant 0 : i32
      %dma_start3A_805 = tpu.memref_slice %arg5[%convert_element_type3A_766, %sub3A_800, %dma_start3A_804] : memref<2x500000x64xf32, #tpu.memory_space<hbm>> -> memref<1x1x64xf32, #tpu.memory_space<hbm>>
      %dma_start3A_806 = tpu.memref_squeeze %dma_start3A_805 : memref<1x1x64xf32, #tpu.memory_space<hbm>> -> memref<64xf32, #tpu.memory_space<hbm>>
      %dma_start3A_807 = arith.constant 0 : i32
      %dma_start3A_808 = tpu.memref_slice %arg13[%add3A_758, %dma_start3A_807] : memref<128x64xf32, #tpu.memory_space<vmem>> -> memref<1x64xf32, #tpu.memory_space<vmem>>
      %dma_start3A_809 = tpu.memref_squeeze %dma_start3A_808 : memref<1x64xf32, #tpu.memory_space<vmem>> -> memref<64xf32, #tpu.memory_space<vmem>>
      %dma_start3A_810 = arith.constant 0 : i32
      %dma_start3A_811 = tpu.memref_slice %arg5[%convert_element_type3A_766, %sub3A_800, %dma_start3A_810] : memref<2x500000x64xf32, #tpu.memory_space<hbm>> -> memref<1x1x64xf32, #tpu.memory_space<hbm>>
      %dma_start3A_812 = tpu.memref_squeeze %dma_start3A_811 : memref<1x1x64xf32, #tpu.memory_space<hbm>> -> memref<64xf32, #tpu.memory_space<hbm>>
      tpu.enqueue_dma source(%dma_start3A_812 : memref<64xf32, #tpu.memory_space<hbm>>) target(%dma_start3A_809 : memref<64xf32, #tpu.memory_space<vmem>>) target_semaphore(%arg15 : memref<!tpu.dma_semaphore, #tpu.memory_space<semaphore_mem>>)
      %mul3A_813 = arith.constant 16 : i32
      %mul3A_814 = arith.muli %scan3A_50, %mul3A_813 : i32
      %add3A_815 = arith.constant 13 : i32
      %add3A_816 = arith.addi %mul3A_814, %add3A_815 : i32
      %slice3A_817 = vector.extract_strided_slice %get3A_54 {offsets = [13], sizes = [1], strides = [1]} : vector<16xi32> to vector<1xi32>
      %squeeze3A_818 = vector.extract %slice3A_817[0] : i32 from vector<1xi32>
      %ge3A_819 = arith.cmpi sge, %squeeze3A_818, %scan3A_3 : i32
      %convert_element_type3A_820 = arith.extui %ge3A_819 : i1 to i32
      %slice3A_821 = vector.extract_strided_slice %get3A_64 {offsets = [13], sizes = [1], strides = [1]} : vector<16xi32> to vector<1xi32>
      %squeeze3A_822 = vector.extract %slice3A_821[0] : i32 from vector<1xi32>
      %ge3A_823 = arith.cmpi sge, %squeeze3A_822, %scan3A_3 : i32
      %convert_element_type3A_824 = arith.extui %ge3A_823 : i1 to i32
      %slice3A_825 = vector.extract_strided_slice %get3A_54 {offsets = [13], sizes = [1], strides = [1]} : vector<16xi32> to vector<1xi32>
      %squeeze3A_826 = vector.extract %slice3A_825[0] : i32 from vector<1xi32>
      %mul3A_827 = arith.muli %convert_element_type3A_820, %scan3A_3 : i32
      %sub3A_828 = arith.subi %squeeze3A_826, %mul3A_827 : i32
      %dma_start3A_829 = arith.constant 0 : i32
      %dma_start3A_830 = tpu.memref_slice %arg11[%add3A_816, %dma_start3A_829] : memref<128x64xf32, #tpu.memory_space<vmem>> -> memref<1x64xf32, #tpu.memory_space<vmem>>
      %dma_start3A_831 = tpu.memref_squeeze %dma_start3A_830 : memref<1x64xf32, #tpu.memory_space<vmem>> -> memref<64xf32, #tpu.memory_space<vmem>>
      %dma_start3A_832 = arith.constant 0 : i32
      %dma_start3A_833 = tpu.memref_slice %arg5[%convert_element_type3A_820, %sub3A_828, %dma_start3A_832] : memref<2x500000x64xf32, #tpu.memory_space<hbm>> -> memref<1x1x64xf32, #tpu.memory_space<hbm>>
      %dma_start3A_834 = tpu.memref_squeeze %dma_start3A_833 : memref<1x1x64xf32, #tpu.memory_space<hbm>> -> memref<64xf32, #tpu.memory_space<hbm>>
      %dma_start3A_835 = arith.constant 0 : i32
      %dma_start3A_836 = tpu.memref_slice %arg11[%add3A_816, %dma_start3A_835] : memref<128x64xf32, #tpu.memory_space<vmem>> -> memref<1x64xf32, #tpu.memory_space<vmem>>
      %dma_start3A_837 = tpu.memref_squeeze %dma_start3A_836 : memref<1x64xf32, #tpu.memory_space<vmem>> -> memref<64xf32, #tpu.memory_space<vmem>>
      %dma_start3A_838 = arith.constant 0 : i32
      %dma_start3A_839 = tpu.memref_slice %arg5[%convert_element_type3A_820, %sub3A_828, %dma_start3A_838] : memref<2x500000x64xf32, #tpu.memory_space<hbm>> -> memref<1x1x64xf32, #tpu.memory_space<hbm>>
      %dma_start3A_840 = tpu.memref_squeeze %dma_start3A_839 : memref<1x1x64xf32, #tpu.memory_space<hbm>> -> memref<64xf32, #tpu.memory_space<hbm>>
      tpu.enqueue_dma source(%dma_start3A_840 : memref<64xf32, #tpu.memory_space<hbm>>) target(%dma_start3A_837 : memref<64xf32, #tpu.memory_space<vmem>>) target_semaphore(%arg15 : memref<!tpu.dma_semaphore, #tpu.memory_space<semaphore_mem>>)
      %slice3A_841 = vector.extract_strided_slice %get3A_59 {offsets = [13], sizes = [1], strides = [1]} : vector<16xi32> to vector<1xi32>
      %squeeze3A_842 = vector.extract %slice3A_841[0] : i32 from vector<1xi32>
      %dma_start3A_843 = arith.constant 0 : i32
      %dma_start3A_844 = tpu.memref_slice %arg12[%add3A_816, %dma_start3A_843] : memref<128x64xf32, #tpu.memory_space<vmem>> -> memref<1x64xf32, #tpu.memory_space<vmem>>
      %dma_start3A_845 = tpu.memref_squeeze %dma_start3A_844 : memref<1x64xf32, #tpu.memory_space<vmem>> -> memref<64xf32, #tpu.memory_space<vmem>>
      %dma_start3A_846 = arith.constant 0 : i32
      %dma_start3A_847 = tpu.memref_slice %arg6[%squeeze3A_842, %dma_start3A_846] : memref<1000x64xf32, #tpu.memory_space<hbm>> -> memref<1x64xf32, #tpu.memory_space<hbm>>
      %dma_start3A_848 = tpu.memref_squeeze %dma_start3A_847 : memref<1x64xf32, #tpu.memory_space<hbm>> -> memref<64xf32, #tpu.memory_space<hbm>>
      %dma_start3A_849 = arith.constant 0 : i32
      %dma_start3A_850 = tpu.memref_slice %arg12[%add3A_816, %dma_start3A_849] : memref<128x64xf32, #tpu.memory_space<vmem>> -> memref<1x64xf32, #tpu.memory_space<vmem>>
      %dma_start3A_851 = tpu.memref_squeeze %dma_start3A_850 : memref<1x64xf32, #tpu.memory_space<vmem>> -> memref<64xf32, #tpu.memory_space<vmem>>
      %dma_start3A_852 = arith.constant 0 : i32
      %dma_start3A_853 = tpu.memref_slice %arg6[%squeeze3A_842, %dma_start3A_852] : memref<1000x64xf32, #tpu.memory_space<hbm>> -> memref<1x64xf32, #tpu.memory_space<hbm>>
      %dma_start3A_854 = tpu.memref_squeeze %dma_start3A_853 : memref<1x64xf32, #tpu.memory_space<hbm>> -> memref<64xf32, #tpu.memory_space<hbm>>
      tpu.enqueue_dma source(%dma_start3A_854 : memref<64xf32, #tpu.memory_space<hbm>>) target(%dma_start3A_851 : memref<64xf32, #tpu.memory_space<vmem>>) target_semaphore(%arg15 : memref<!tpu.dma_semaphore, #tpu.memory_space<semaphore_mem>>)
      %slice3A_855 = vector.extract_strided_slice %get3A_64 {offsets = [13], sizes = [1], strides = [1]} : vector<16xi32> to vector<1xi32>
      %squeeze3A_856 = vector.extract %slice3A_855[0] : i32 from vector<1xi32>
      %mul3A_857 = arith.muli %convert_element_type3A_824, %scan3A_3 : i32
      %sub3A_858 = arith.subi %squeeze3A_856, %mul3A_857 : i32
      %dma_start3A_859 = arith.constant 0 : i32
      %dma_start3A_860 = tpu.memref_slice %arg13[%add3A_816, %dma_start3A_859] : memref<128x64xf32, #tpu.memory_space<vmem>> -> memref<1x64xf32, #tpu.memory_space<vmem>>
      %dma_start3A_861 = tpu.memref_squeeze %dma_start3A_860 : memref<1x64xf32, #tpu.memory_space<vmem>> -> memref<64xf32, #tpu.memory_space<vmem>>
      %dma_start3A_862 = arith.constant 0 : i32
      %dma_start3A_863 = tpu.memref_slice %arg5[%convert_element_type3A_824, %sub3A_858, %dma_start3A_862] : memref<2x500000x64xf32, #tpu.memory_space<hbm>> -> memref<1x1x64xf32, #tpu.memory_space<hbm>>
      %dma_start3A_864 = tpu.memref_squeeze %dma_start3A_863 : memref<1x1x64xf32, #tpu.memory_space<hbm>> -> memref<64xf32, #tpu.memory_space<hbm>>
      %dma_start3A_865 = arith.constant 0 : i32
      %dma_start3A_866 = tpu.memref_slice %arg13[%add3A_816, %dma_start3A_865] : memref<128x64xf32, #tpu.memory_space<vmem>> -> memref<1x64xf32, #tpu.memory_space<vmem>>
      %dma_start3A_867 = tpu.memref_squeeze %dma_start3A_866 : memref<1x64xf32, #tpu.memory_space<vmem>> -> memref<64xf32, #tpu.memory_space<vmem>>
      %dma_start3A_868 = arith.constant 0 : i32
      %dma_start3A_869 = tpu.memref_slice %arg5[%convert_element_type3A_824, %sub3A_858, %dma_start3A_868] : memref<2x500000x64xf32, #tpu.memory_space<hbm>> -> memref<1x1x64xf32, #tpu.memory_space<hbm>>
      %dma_start3A_870 = tpu.memref_squeeze %dma_start3A_869 : memref<1x1x64xf32, #tpu.memory_space<hbm>> -> memref<64xf32, #tpu.memory_space<hbm>>
      tpu.enqueue_dma source(%dma_start3A_870 : memref<64xf32, #tpu.memory_space<hbm>>) target(%dma_start3A_867 : memref<64xf32, #tpu.memory_space<vmem>>) target_semaphore(%arg15 : memref<!tpu.dma_semaphore, #tpu.memory_space<semaphore_mem>>)
      %mul3A_871 = arith.constant 16 : i32
      %mul3A_872 = arith.muli %scan3A_50, %mul3A_871 : i32
      %add3A_873 = arith.constant 14 : i32
      %add3A_874 = arith.addi %mul3A_872, %add3A_873 : i32
      %slice3A_875 = vector.extract_strided_slice %get3A_54 {offsets = [14], sizes = [1], strides = [1]} : vector<16xi32> to vector<1xi32>
      %squeeze3A_876 = vector.extract %slice3A_875[0] : i32 from vector<1xi32>
      %ge3A_877 = arith.cmpi sge, %squeeze3A_876, %scan3A_3 : i32
      %convert_element_type3A_878 = arith.extui %ge3A_877 : i1 to i32
      %slice3A_879 = vector.extract_strided_slice %get3A_64 {offsets = [14], sizes = [1], strides = [1]} : vector<16xi32> to vector<1xi32>
      %squeeze3A_880 = vector.extract %slice3A_879[0] : i32 from vector<1xi32>
      %ge3A_881 = arith.cmpi sge, %squeeze3A_880, %scan3A_3 : i32
      %convert_element_type3A_882 = arith.extui %ge3A_881 : i1 to i32
      %slice3A_883 = vector.extract_strided_slice %get3A_54 {offsets = [14], sizes = [1], strides = [1]} : vector<16xi32> to vector<1xi32>
      %squeeze3A_884 = vector.extract %slice3A_883[0] : i32 from vector<1xi32>
      %mul3A_885 = arith.muli %convert_element_type3A_878, %scan3A_3 : i32
      %sub3A_886 = arith.subi %squeeze3A_884, %mul3A_885 : i32
      %dma_start3A_887 = arith.constant 0 : i32
      %dma_start3A_888 = tpu.memref_slice %arg11[%add3A_874, %dma_start3A_887] : memref<128x64xf32, #tpu.memory_space<vmem>> -> memref<1x64xf32, #tpu.memory_space<vmem>>
      %dma_start3A_889 = tpu.memref_squeeze %dma_start3A_888 : memref<1x64xf32, #tpu.memory_space<vmem>> -> memref<64xf32, #tpu.memory_space<vmem>>
      %dma_start3A_890 = arith.constant 0 : i32
      %dma_start3A_891 = tpu.memref_slice %arg5[%convert_element_type3A_878, %sub3A_886, %dma_start3A_890] : memref<2x500000x64xf32, #tpu.memory_space<hbm>> -> memref<1x1x64xf32, #tpu.memory_space<hbm>>
      %dma_start3A_892 = tpu.memref_squeeze %dma_start3A_891 : memref<1x1x64xf32, #tpu.memory_space<hbm>> -> memref<64xf32, #tpu.memory_space<hbm>>
      %dma_start3A_893 = arith.constant 0 : i32
      %dma_start3A_894 = tpu.memref_slice %arg11[%add3A_874, %dma_start3A_893] : memref<128x64xf32, #tpu.memory_space<vmem>> -> memref<1x64xf32, #tpu.memory_space<vmem>>
      %dma_start3A_895 = tpu.memref_squeeze %dma_start3A_894 : memref<1x64xf32, #tpu.memory_space<vmem>> -> memref<64xf32, #tpu.memory_space<vmem>>
      %dma_start3A_896 = arith.constant 0 : i32
      %dma_start3A_897 = tpu.memref_slice %arg5[%convert_element_type3A_878, %sub3A_886, %dma_start3A_896] : memref<2x500000x64xf32, #tpu.memory_space<hbm>> -> memref<1x1x64xf32, #tpu.memory_space<hbm>>
      %dma_start3A_898 = tpu.memref_squeeze %dma_start3A_897 : memref<1x1x64xf32, #tpu.memory_space<hbm>> -> memref<64xf32, #tpu.memory_space<hbm>>
      tpu.enqueue_dma source(%dma_start3A_898 : memref<64xf32, #tpu.memory_space<hbm>>) target(%dma_start3A_895 : memref<64xf32, #tpu.memory_space<vmem>>) target_semaphore(%arg15 : memref<!tpu.dma_semaphore, #tpu.memory_space<semaphore_mem>>)
      %slice3A_899 = vector.extract_strided_slice %get3A_59 {offsets = [14], sizes = [1], strides = [1]} : vector<16xi32> to vector<1xi32>
      %squeeze3A_900 = vector.extract %slice3A_899[0] : i32 from vector<1xi32>
      %dma_start3A_901 = arith.constant 0 : i32
      %dma_start3A_902 = tpu.memref_slice %arg12[%add3A_874, %dma_start3A_901] : memref<128x64xf32, #tpu.memory_space<vmem>> -> memref<1x64xf32, #tpu.memory_space<vmem>>
      %dma_start3A_903 = tpu.memref_squeeze %dma_start3A_902 : memref<1x64xf32, #tpu.memory_space<vmem>> -> memref<64xf32, #tpu.memory_space<vmem>>
      %dma_start3A_904 = arith.constant 0 : i32
      %dma_start3A_905 = tpu.memref_slice %arg6[%squeeze3A_900, %dma_start3A_904] : memref<1000x64xf32, #tpu.memory_space<hbm>> -> memref<1x64xf32, #tpu.memory_space<hbm>>
      %dma_start3A_906 = tpu.memref_squeeze %dma_start3A_905 : memref<1x64xf32, #tpu.memory_space<hbm>> -> memref<64xf32, #tpu.memory_space<hbm>>
      %dma_start3A_907 = arith.constant 0 : i32
      %dma_start3A_908 = tpu.memref_slice %arg12[%add3A_874, %dma_start3A_907] : memref<128x64xf32, #tpu.memory_space<vmem>> -> memref<1x64xf32, #tpu.memory_space<vmem>>
      %dma_start3A_909 = tpu.memref_squeeze %dma_start3A_908 : memref<1x64xf32, #tpu.memory_space<vmem>> -> memref<64xf32, #tpu.memory_space<vmem>>
      %dma_start3A_910 = arith.constant 0 : i32
      %dma_start3A_911 = tpu.memref_slice %arg6[%squeeze3A_900, %dma_start3A_910] : memref<1000x64xf32, #tpu.memory_space<hbm>> -> memref<1x64xf32, #tpu.memory_space<hbm>>
      %dma_start3A_912 = tpu.memref_squeeze %dma_start3A_911 : memref<1x64xf32, #tpu.memory_space<hbm>> -> memref<64xf32, #tpu.memory_space<hbm>>
      tpu.enqueue_dma source(%dma_start3A_912 : memref<64xf32, #tpu.memory_space<hbm>>) target(%dma_start3A_909 : memref<64xf32, #tpu.memory_space<vmem>>) target_semaphore(%arg15 : memref<!tpu.dma_semaphore, #tpu.memory_space<semaphore_mem>>)
      %slice3A_913 = vector.extract_strided_slice %get3A_64 {offsets = [14], sizes = [1], strides = [1]} : vector<16xi32> to vector<1xi32>
      %squeeze3A_914 = vector.extract %slice3A_913[0] : i32 from vector<1xi32>
      %mul3A_915 = arith.muli %convert_element_type3A_882, %scan3A_3 : i32
      %sub3A_916 = arith.subi %squeeze3A_914, %mul3A_915 : i32
      %dma_start3A_917 = arith.constant 0 : i32
      %dma_start3A_918 = tpu.memref_slice %arg13[%add3A_874, %dma_start3A_917] : memref<128x64xf32, #tpu.memory_space<vmem>> -> memref<1x64xf32, #tpu.memory_space<vmem>>
      %dma_start3A_919 = tpu.memref_squeeze %dma_start3A_918 : memref<1x64xf32, #tpu.memory_space<vmem>> -> memref<64xf32, #tpu.memory_space<vmem>>
      %dma_start3A_920 = arith.constant 0 : i32
      %dma_start3A_921 = tpu.memref_slice %arg5[%convert_element_type3A_882, %sub3A_916, %dma_start3A_920] : memref<2x500000x64xf32, #tpu.memory_space<hbm>> -> memref<1x1x64xf32, #tpu.memory_space<hbm>>
      %dma_start3A_922 = tpu.memref_squeeze %dma_start3A_921 : memref<1x1x64xf32, #tpu.memory_space<hbm>> -> memref<64xf32, #tpu.memory_space<hbm>>
      %dma_start3A_923 = arith.constant 0 : i32
      %dma_start3A_924 = tpu.memref_slice %arg13[%add3A_874, %dma_start3A_923] : memref<128x64xf32, #tpu.memory_space<vmem>> -> memref<1x64xf32, #tpu.memory_space<vmem>>
      %dma_start3A_925 = tpu.memref_squeeze %dma_start3A_924 : memref<1x64xf32, #tpu.memory_space<vmem>> -> memref<64xf32, #tpu.memory_space<vmem>>
      %dma_start3A_926 = arith.constant 0 : i32
      %dma_start3A_927 = tpu.memref_slice %arg5[%convert_element_type3A_882, %sub3A_916, %dma_start3A_926] : memref<2x500000x64xf32, #tpu.memory_space<hbm>> -> memref<1x1x64xf32, #tpu.memory_space<hbm>>
      %dma_start3A_928 = tpu.memref_squeeze %dma_start3A_927 : memref<1x1x64xf32, #tpu.memory_space<hbm>> -> memref<64xf32, #tpu.memory_space<hbm>>
      tpu.enqueue_dma source(%dma_start3A_928 : memref<64xf32, #tpu.memory_space<hbm>>) target(%dma_start3A_925 : memref<64xf32, #tpu.memory_space<vmem>>) target_semaphore(%arg15 : memref<!tpu.dma_semaphore, #tpu.memory_space<semaphore_mem>>)
      %mul3A_929 = arith.constant 16 : i32
      %mul3A_930 = arith.muli %scan3A_50, %mul3A_929 : i32
      %add3A_931 = arith.constant 15 : i32
      %add3A_932 = arith.addi %mul3A_930, %add3A_931 : i32
      %slice3A_933 = vector.extract_strided_slice %get3A_54 {offsets = [15], sizes = [1], strides = [1]} : vector<16xi32> to vector<1xi32>
      %squeeze3A_934 = vector.extract %slice3A_933[0] : i32 from vector<1xi32>
      %ge3A_935 = arith.cmpi sge, %squeeze3A_934, %scan3A_3 : i32
      %convert_element_type3A_936 = arith.extui %ge3A_935 : i1 to i32
      %slice3A_937 = vector.extract_strided_slice %get3A_64 {offsets = [15], sizes = [1], strides = [1]} : vector<16xi32> to vector<1xi32>
      %squeeze3A_938 = vector.extract %slice3A_937[0] : i32 from vector<1xi32>
      %ge3A_939 = arith.cmpi sge, %squeeze3A_938, %scan3A_3 : i32
      %convert_element_type3A_940 = arith.extui %ge3A_939 : i1 to i32
      %slice3A_941 = vector.extract_strided_slice %get3A_54 {offsets = [15], sizes = [1], strides = [1]} : vector<16xi32> to vector<1xi32>
      %squeeze3A_942 = vector.extract %slice3A_941[0] : i32 from vector<1xi32>
      %mul3A_943 = arith.muli %convert_element_type3A_936, %scan3A_3 : i32
      %sub3A_944 = arith.subi %squeeze3A_942, %mul3A_943 : i32
      %dma_start3A_945 = arith.constant 0 : i32
      %dma_start3A_946 = tpu.memref_slice %arg11[%add3A_932, %dma_start3A_945] : memref<128x64xf32, #tpu.memory_space<vmem>> -> memref<1x64xf32, #tpu.memory_space<vmem>>
      %dma_start3A_947 = tpu.memref_squeeze %dma_start3A_946 : memref<1x64xf32, #tpu.memory_space<vmem>> -> memref<64xf32, #tpu.memory_space<vmem>>
      %dma_start3A_948 = arith.constant 0 : i32
      %dma_start3A_949 = tpu.memref_slice %arg5[%convert_element_type3A_936, %sub3A_944, %dma_start3A_948] : memref<2x500000x64xf32, #tpu.memory_space<hbm>> -> memref<1x1x64xf32, #tpu.memory_space<hbm>>
      %dma_start3A_950 = tpu.memref_squeeze %dma_start3A_949 : memref<1x1x64xf32, #tpu.memory_space<hbm>> -> memref<64xf32, #tpu.memory_space<hbm>>
      %dma_start3A_951 = arith.constant 0 : i32
      %dma_start3A_952 = tpu.memref_slice %arg11[%add3A_932, %dma_start3A_951] : memref<128x64xf32, #tpu.memory_space<vmem>> -> memref<1x64xf32, #tpu.memory_space<vmem>>
      %dma_start3A_953 = tpu.memref_squeeze %dma_start3A_952 : memref<1x64xf32, #tpu.memory_space<vmem>> -> memref<64xf32, #tpu.memory_space<vmem>>
      %dma_start3A_954 = arith.constant 0 : i32
      %dma_start3A_955 = tpu.memref_slice %arg5[%convert_element_type3A_936, %sub3A_944, %dma_start3A_954] : memref<2x500000x64xf32, #tpu.memory_space<hbm>> -> memref<1x1x64xf32, #tpu.memory_space<hbm>>
      %dma_start3A_956 = tpu.memref_squeeze %dma_start3A_955 : memref<1x1x64xf32, #tpu.memory_space<hbm>> -> memref<64xf32, #tpu.memory_space<hbm>>
      tpu.enqueue_dma source(%dma_start3A_956 : memref<64xf32, #tpu.memory_space<hbm>>) target(%dma_start3A_953 : memref<64xf32, #tpu.memory_space<vmem>>) target_semaphore(%arg15 : memref<!tpu.dma_semaphore, #tpu.memory_space<semaphore_mem>>)
      %slice3A_957 = vector.extract_strided_slice %get3A_59 {offsets = [15], sizes = [1], strides = [1]} : vector<16xi32> to vector<1xi32>
      %squeeze3A_958 = vector.extract %slice3A_957[0] : i32 from vector<1xi32>
      %dma_start3A_959 = arith.constant 0 : i32
      %dma_start3A_960 = tpu.memref_slice %arg12[%add3A_932, %dma_start3A_959] : memref<128x64xf32, #tpu.memory_space<vmem>> -> memref<1x64xf32, #tpu.memory_space<vmem>>
      %dma_start3A_961 = tpu.memref_squeeze %dma_start3A_960 : memref<1x64xf32, #tpu.memory_space<vmem>> -> memref<64xf32, #tpu.memory_space<vmem>>
      %dma_start3A_962 = arith.constant 0 : i32
      %dma_start3A_963 = tpu.memref_slice %arg6[%squeeze3A_958, %dma_start3A_962] : memref<1000x64xf32, #tpu.memory_space<hbm>> -> memref<1x64xf32, #tpu.memory_space<hbm>>
      %dma_start3A_964 = tpu.memref_squeeze %dma_start3A_963 : memref<1x64xf32, #tpu.memory_space<hbm>> -> memref<64xf32, #tpu.memory_space<hbm>>
      %dma_start3A_965 = arith.constant 0 : i32
      %dma_start3A_966 = tpu.memref_slice %arg12[%add3A_932, %dma_start3A_965] : memref<128x64xf32, #tpu.memory_space<vmem>> -> memref<1x64xf32, #tpu.memory_space<vmem>>
      %dma_start3A_967 = tpu.memref_squeeze %dma_start3A_966 : memref<1x64xf32, #tpu.memory_space<vmem>> -> memref<64xf32, #tpu.memory_space<vmem>>
      %dma_start3A_968 = arith.constant 0 : i32
      %dma_start3A_969 = tpu.memref_slice %arg6[%squeeze3A_958, %dma_start3A_968] : memref<1000x64xf32, #tpu.memory_space<hbm>> -> memref<1x64xf32, #tpu.memory_space<hbm>>
      %dma_start3A_970 = tpu.memref_squeeze %dma_start3A_969 : memref<1x64xf32, #tpu.memory_space<hbm>> -> memref<64xf32, #tpu.memory_space<hbm>>
      tpu.enqueue_dma source(%dma_start3A_970 : memref<64xf32, #tpu.memory_space<hbm>>) target(%dma_start3A_967 : memref<64xf32, #tpu.memory_space<vmem>>) target_semaphore(%arg15 : memref<!tpu.dma_semaphore, #tpu.memory_space<semaphore_mem>>)
      %slice3A_971 = vector.extract_strided_slice %get3A_64 {offsets = [15], sizes = [1], strides = [1]} : vector<16xi32> to vector<1xi32>
      %squeeze3A_972 = vector.extract %slice3A_971[0] : i32 from vector<1xi32>
      %mul3A_973 = arith.muli %convert_element_type3A_940, %scan3A_3 : i32
      %sub3A_974 = arith.subi %squeeze3A_972, %mul3A_973 : i32
      %dma_start3A_975 = arith.constant 0 : i32
      %dma_start3A_976 = tpu.memref_slice %arg13[%add3A_932, %dma_start3A_975] : memref<128x64xf32, #tpu.memory_space<vmem>> -> memref<1x64xf32, #tpu.memory_space<vmem>>
      %dma_start3A_977 = tpu.memref_squeeze %dma_start3A_976 : memref<1x64xf32, #tpu.memory_space<vmem>> -> memref<64xf32, #tpu.memory_space<vmem>>
      %dma_start3A_978 = arith.constant 0 : i32
      %dma_start3A_979 = tpu.memref_slice %arg5[%convert_element_type3A_940, %sub3A_974, %dma_start3A_978] : memref<2x500000x64xf32, #tpu.memory_space<hbm>> -> memref<1x1x64xf32, #tpu.memory_space<hbm>>
      %dma_start3A_980 = tpu.memref_squeeze %dma_start3A_979 : memref<1x1x64xf32, #tpu.memory_space<hbm>> -> memref<64xf32, #tpu.memory_space<hbm>>
      %dma_start3A_981 = arith.constant 0 : i32
      %dma_start3A_982 = tpu.memref_slice %arg13[%add3A_932, %dma_start3A_981] : memref<128x64xf32, #tpu.memory_space<vmem>> -> memref<1x64xf32, #tpu.memory_space<vmem>>
      %dma_start3A_983 = tpu.memref_squeeze %dma_start3A_982 : memref<1x64xf32, #tpu.memory_space<vmem>> -> memref<64xf32, #tpu.memory_space<vmem>>
      %dma_start3A_984 = arith.constant 0 : i32
      %dma_start3A_985 = tpu.memref_slice %arg5[%convert_element_type3A_940, %sub3A_974, %dma_start3A_984] : memref<2x500000x64xf32, #tpu.memory_space<hbm>> -> memref<1x1x64xf32, #tpu.memory_space<hbm>>
      %dma_start3A_986 = tpu.memref_squeeze %dma_start3A_985 : memref<1x1x64xf32, #tpu.memory_space<hbm>> -> memref<64xf32, #tpu.memory_space<hbm>>
      tpu.enqueue_dma source(%dma_start3A_986 : memref<64xf32, #tpu.memory_space<hbm>>) target(%dma_start3A_983 : memref<64xf32, #tpu.memory_space<vmem>>) target_semaphore(%arg15 : memref<!tpu.dma_semaphore, #tpu.memory_space<semaphore_mem>>)
    }
    %scan3A_8 = arith.constant 8 : i32
    %iota3A = tpu.iota {dimensions = array<i32: 0>} : vector<16xi32>
    %dma_wait3A = arith.constant 0 : i32
    %dma_wait3A_9 = arith.constant 0 : i32
    %dma_wait3A_10 = arith.constant 0 : i32
    %dma_wait3A_11 = tpu.memref_slice %arg5[%dma_wait3A, %dma_wait3A_9, %dma_wait3A_10] : memref<2x500000x64xf32, #tpu.memory_space<hbm>> -> memref<1x500000x64xf32, #tpu.memory_space<hbm>>
    %dma_wait3A_12 = tpu.memref_squeeze %dma_wait3A_11 : memref<1x500000x64xf32, #tpu.memory_space<hbm>> -> memref<500000x64xf32, #tpu.memory_space<hbm>>
    %dma_wait3A_13 = arith.constant 0 : i32
    %dma_wait3A_14 = arith.constant 0 : i32
    %dma_wait3A_15 = tpu.memref_slice %dma_wait3A_12[%dma_wait3A_13, %dma_wait3A_14] : memref<500000x64xf32, #tpu.memory_space<hbm>> -> memref<128x64xf32, #tpu.memory_space<hbm>>
    %dma_wait3A_16 = arith.constant 0 : i32
    %dma_wait3A_17 = arith.constant 0 : i32
    %dma_wait3A_18 = tpu.memref_slice %arg5[%dma_wait3A, %dma_wait3A_16, %dma_wait3A_17] : memref<2x500000x64xf32, #tpu.memory_space<hbm>> -> memref<1x500000x64xf32, #tpu.memory_space<hbm>>
    %dma_wait3A_19 = tpu.memref_squeeze %dma_wait3A_18 : memref<1x500000x64xf32, #tpu.memory_space<hbm>> -> memref<500000x64xf32, #tpu.memory_space<hbm>>
    %dma_wait3A_20 = arith.constant 0 : i32
    %dma_wait3A_21 = arith.constant 0 : i32
    %dma_wait3A_22 = tpu.memref_slice %dma_wait3A_19[%dma_wait3A_20, %dma_wait3A_21] : memref<500000x64xf32, #tpu.memory_space<hbm>> -> memref<128x64xf32, #tpu.memory_space<hbm>>
    tpu.wait_dma2 semaphore(%arg15 : memref<!tpu.dma_semaphore, #tpu.memory_space<semaphore_mem>>) src(%dma_wait3A_22 : memref<128x64xf32, #tpu.memory_space<hbm>>) dst(%arg11 : memref<128x64xf32, #tpu.memory_space<vmem>>)
    %dma_wait3A_23 = arith.constant 0 : i32
    %dma_wait3A_24 = arith.constant 0 : i32
    %dma_wait3A_25 = tpu.memref_slice %arg6[%dma_wait3A_23, %dma_wait3A_24] : memref<1000x64xf32, #tpu.memory_space<hbm>> -> memref<128x64xf32, #tpu.memory_space<hbm>>
    %dma_wait3A_26 = arith.constant 0 : i32
    %dma_wait3A_27 = arith.constant 0 : i32
    %dma_wait3A_28 = tpu.memref_slice %arg6[%dma_wait3A_26, %dma_wait3A_27] : memref<1000x64xf32, #tpu.memory_space<hbm>> -> memref<128x64xf32, #tpu.memory_space<hbm>>
    tpu.wait_dma2 semaphore(%arg15 : memref<!tpu.dma_semaphore, #tpu.memory_space<semaphore_mem>>) src(%dma_wait3A_28 : memref<128x64xf32, #tpu.memory_space<hbm>>) dst(%arg12 : memref<128x64xf32, #tpu.memory_space<vmem>>)
    %dma_wait3A_29 = arith.constant 0 : i32
    %dma_wait3A_30 = arith.constant 0 : i32
    %dma_wait3A_31 = arith.constant 0 : i32
    %dma_wait3A_32 = tpu.memref_slice %arg5[%dma_wait3A_29, %dma_wait3A_30, %dma_wait3A_31] : memref<2x500000x64xf32, #tpu.memory_space<hbm>> -> memref<1x500000x64xf32, #tpu.memory_space<hbm>>
    %dma_wait3A_33 = tpu.memref_squeeze %dma_wait3A_32 : memref<1x500000x64xf32, #tpu.memory_space<hbm>> -> memref<500000x64xf32, #tpu.memory_space<hbm>>
    %dma_wait3A_34 = arith.constant 0 : i32
    %dma_wait3A_35 = arith.constant 0 : i32
    %dma_wait3A_36 = tpu.memref_slice %dma_wait3A_33[%dma_wait3A_34, %dma_wait3A_35] : memref<500000x64xf32, #tpu.memory_space<hbm>> -> memref<128x64xf32, #tpu.memory_space<hbm>>
    %dma_wait3A_37 = arith.constant 0 : i32
    %dma_wait3A_38 = arith.constant 0 : i32
    %dma_wait3A_39 = tpu.memref_slice %arg5[%dma_wait3A_29, %dma_wait3A_37, %dma_wait3A_38] : memref<2x500000x64xf32, #tpu.memory_space<hbm>> -> memref<1x500000x64xf32, #tpu.memory_space<hbm>>
    %dma_wait3A_40 = tpu.memref_squeeze %dma_wait3A_39 : memref<1x500000x64xf32, #tpu.memory_space<hbm>> -> memref<500000x64xf32, #tpu.memory_space<hbm>>
    %dma_wait3A_41 = arith.constant 0 : i32
    %dma_wait3A_42 = arith.constant 0 : i32
    %dma_wait3A_43 = tpu.memref_slice %dma_wait3A_40[%dma_wait3A_41, %dma_wait3A_42] : memref<500000x64xf32, #tpu.memory_space<hbm>> -> memref<128x64xf32, #tpu.memory_space<hbm>>
    tpu.wait_dma2 semaphore(%arg15 : memref<!tpu.dma_semaphore, #tpu.memory_space<semaphore_mem>>) src(%dma_wait3A_43 : memref<128x64xf32, #tpu.memory_space<hbm>>) dst(%arg13 : memref<128x64xf32, #tpu.memory_space<vmem>>)
    %scan3A_44 = arith.constant 0 : i32
    %scan3A_45 = arith.constant 0 : i32
    %scan3A_46 = arith.constant 8 : i32
    %scan3A_47 = arith.addi %scan3A_45, %scan3A_46 : i32
    %scan3A_48 = arith.constant 1 : i32
    scf.for %scan3A_50 = %scan3A_45 to %scan3A_47 step %scan3A_48  : i32 {
      %broadcast_in_dim3A = arith.constant 0.000000e+00 : f32
      %broadcast_in_dim3A_51 = vector.broadcast %broadcast_in_dim3A : f32 to vector<16xf32>
      %mul3A_52 = arith.constant 16 : i32
      %mul3A_53 = arith.muli %scan3A_50, %mul3A_52 : i32
      %add3A_54 = arith.constant 0 : i32
      %add3A_55 = arith.addi %mul3A_53, %add3A_54 : i32
      %get3A = arith.index_cast %add3A_55 : i32 to index
      %get3A_56 = arith.constant 0 : index
      %get3A_57 = tpu.vector_load %arg11[%get3A, %get3A_56] {strides = array<i32>} : memref<128x64xf32, #tpu.memory_space<vmem>>, vector<1x16xf32>,
      %get3A_58 = vector.shape_cast %get3A_57 : vector<1x16xf32> to vector<16xf32>
      %get3A_59 = arith.index_cast %add3A_55 : i32 to index
      %get3A_60 = arith.constant 0 : index
      %get3A_61 = tpu.vector_load %arg12[%get3A_59, %get3A_60] {strides = array<i32>} : memref<128x64xf32, #tpu.memory_space<vmem>>, vector<1x16xf32>,
      %get3A_62 = vector.shape_cast %get3A_61 : vector<1x16xf32> to vector<16xf32>
      %mul3A_63 = arith.mulf %get3A_58, %get3A_62 : vector<16xf32>
      %get3A_64 = arith.index_cast %add3A_55 : i32 to index
      %get3A_65 = arith.constant 0 : index
      %get3A_66 = tpu.vector_load %arg13[%get3A_64, %get3A_65] {strides = array<i32>} : memref<128x64xf32, #tpu.memory_space<vmem>>, vector<1x16xf32>,
      %get3A_67 = vector.shape_cast %get3A_66 : vector<1x16xf32> to vector<16xf32>
      %mul3A_68 = arith.mulf %mul3A_63, %get3A_67 : vector<16xf32>
      %get3A_69 = arith.index_cast %add3A_55 : i32 to index
      %get3A_70 = arith.constant 16 : index
      %get3A_71 = tpu.vector_load %arg11[%get3A_69, %get3A_70] {strides = array<i32>} : memref<128x64xf32, #tpu.memory_space<vmem>>, vector<1x16xf32>,
      %get3A_72 = vector.shape_cast %get3A_71 : vector<1x16xf32> to vector<16xf32>
      %get3A_73 = arith.index_cast %add3A_55 : i32 to index
      %get3A_74 = arith.constant 16 : index
      %get3A_75 = tpu.vector_load %arg12[%get3A_73, %get3A_74] {strides = array<i32>} : memref<128x64xf32, #tpu.memory_space<vmem>>, vector<1x16xf32>,
      %get3A_76 = vector.shape_cast %get3A_75 : vector<1x16xf32> to vector<16xf32>
      %mul3A_77 = arith.mulf %get3A_72, %get3A_76 : vector<16xf32>
      %get3A_78 = arith.index_cast %add3A_55 : i32 to index
      %get3A_79 = arith.constant 16 : index
      %get3A_80 = tpu.vector_load %arg13[%get3A_78, %get3A_79] {strides = array<i32>} : memref<128x64xf32, #tpu.memory_space<vmem>>, vector<1x16xf32>,
      %get3A_81 = vector.shape_cast %get3A_80 : vector<1x16xf32> to vector<16xf32>
      %mul3A_82 = arith.mulf %mul3A_77, %get3A_81 : vector<16xf32>
      %add3A_83 = arith.addf %mul3A_68, %mul3A_82 : vector<16xf32>
      %get3A_84 = arith.index_cast %add3A_55 : i32 to index
      %get3A_85 = arith.constant 32 : index
      %get3A_86 = tpu.vector_load %arg11[%get3A_84, %get3A_85] {strides = array<i32>} : memref<128x64xf32, #tpu.memory_space<vmem>>, vector<1x16xf32>,
      %get3A_87 = vector.shape_cast %get3A_86 : vector<1x16xf32> to vector<16xf32>
      %get3A_88 = arith.index_cast %add3A_55 : i32 to index
      %get3A_89 = arith.constant 32 : index
      %get3A_90 = tpu.vector_load %arg12[%get3A_88, %get3A_89] {strides = array<i32>} : memref<128x64xf32, #tpu.memory_space<vmem>>, vector<1x16xf32>,
      %get3A_91 = vector.shape_cast %get3A_90 : vector<1x16xf32> to vector<16xf32>
      %mul3A_92 = arith.mulf %get3A_87, %get3A_91 : vector<16xf32>
      %get3A_93 = arith.index_cast %add3A_55 : i32 to index
      %get3A_94 = arith.constant 32 : index
      %get3A_95 = tpu.vector_load %arg13[%get3A_93, %get3A_94] {strides = array<i32>} : memref<128x64xf32, #tpu.memory_space<vmem>>, vector<1x16xf32>,
      %get3A_96 = vector.shape_cast %get3A_95 : vector<1x16xf32> to vector<16xf32>
      %mul3A_97 = arith.mulf %mul3A_92, %get3A_96 : vector<16xf32>
      %add3A_98 = arith.addf %add3A_83, %mul3A_97 : vector<16xf32>
      %get3A_99 = arith.index_cast %add3A_55 : i32 to index
      %get3A_100 = arith.constant 48 : index
      %get3A_101 = tpu.vector_load %arg11[%get3A_99, %get3A_100] {strides = array<i32>} : memref<128x64xf32, #tpu.memory_space<vmem>>, vector<1x16xf32>,
      %get3A_102 = vector.shape_cast %get3A_101 : vector<1x16xf32> to vector<16xf32>
      %get3A_103 = arith.index_cast %add3A_55 : i32 to index
      %get3A_104 = arith.constant 48 : index
      %get3A_105 = tpu.vector_load %arg12[%get3A_103, %get3A_104] {strides = array<i32>} : memref<128x64xf32, #tpu.memory_space<vmem>>, vector<1x16xf32>,
      %get3A_106 = vector.shape_cast %get3A_105 : vector<1x16xf32> to vector<16xf32>
      %mul3A_107 = arith.mulf %get3A_102, %get3A_106 : vector<16xf32>
      %get3A_108 = arith.index_cast %add3A_55 : i32 to index
      %get3A_109 = arith.constant 48 : index
      %get3A_110 = tpu.vector_load %arg13[%get3A_108, %get3A_109] {strides = array<i32>} : memref<128x64xf32, #tpu.memory_space<vmem>>, vector<1x16xf32>,
      %get3A_111 = vector.shape_cast %get3A_110 : vector<1x16xf32> to vector<16xf32>
      %mul3A_112 = arith.mulf %mul3A_107, %get3A_111 : vector<16xf32>
      %add3A_113 = arith.addf %add3A_98, %mul3A_112 : vector<16xf32>
      %xor3A = arith.constant 1 : i32
      %xor3A_114 = vector.broadcast %xor3A : i32 to vector<16xi32>
      %xor3A_115 = arith.xori %iota3A, %xor3A_114 : vector<16xi32>
      %broadcast_in_dim3A_116 = vector.shape_cast %xor3A_115 : vector<16xi32> to vector<16x1xi32>
      %gather3A = vector.shape_cast %broadcast_in_dim3A_116 : vector<16x1xi32> to vector<16xi32>
      %gather3A_117 = tpu.dynamic_gather %add3A_113[%gather3A] in [0] : vector<16xf32>, vector<16xi32> -> vector<16xf32>
      %add3A_118 = arith.addf %add3A_113, %gather3A_117 : vector<16xf32>
      %xor3A_119 = arith.constant 2 : i32
      %xor3A_120 = vector.broadcast %xor3A_119 : i32 to vector<16xi32>
      %xor3A_121 = arith.xori %iota3A, %xor3A_120 : vector<16xi32>
      %broadcast_in_dim3A_122 = vector.shape_cast %xor3A_121 : vector<16xi32> to vector<16x1xi32>
      %gather3A_123 = vector.shape_cast %broadcast_in_dim3A_122 : vector<16x1xi32> to vector<16xi32>
      %gather3A_124 = tpu.dynamic_gather %add3A_118[%gather3A_123] in [0] : vector<16xf32>, vector<16xi32> -> vector<16xf32>
      %add3A_125 = arith.addf %add3A_118, %gather3A_124 : vector<16xf32>
      %xor3A_126 = arith.constant 4 : i32
      %xor3A_127 = vector.broadcast %xor3A_126 : i32 to vector<16xi32>
      %xor3A_128 = arith.xori %iota3A, %xor3A_127 : vector<16xi32>
      %broadcast_in_dim3A_129 = vector.shape_cast %xor3A_128 : vector<16xi32> to vector<16x1xi32>
      %gather3A_130 = vector.shape_cast %broadcast_in_dim3A_129 : vector<16x1xi32> to vector<16xi32>
      %gather3A_131 = tpu.dynamic_gather %add3A_125[%gather3A_130] in [0] : vector<16xf32>, vector<16xi32> -> vector<16xf32>
      %add3A_132 = arith.addf %add3A_125, %gather3A_131 : vector<16xf32>
      %xor3A_133 = arith.constant 8 : i32
      %xor3A_134 = vector.broadcast %xor3A_133 : i32 to vector<16xi32>
      %xor3A_135 = arith.xori %iota3A, %xor3A_134 : vector<16xi32>
      %broadcast_in_dim3A_136 = vector.shape_cast %xor3A_135 : vector<16xi32> to vector<16x1xi32>
      %gather3A_137 = vector.shape_cast %broadcast_in_dim3A_136 : vector<16x1xi32> to vector<16xi32>
      %gather3A_138 = tpu.dynamic_gather %add3A_132[%gather3A_137] in [0] : vector<16xf32>, vector<16xi32> -> vector<16xf32>
      %add3A_139 = arith.addf %add3A_132, %gather3A_138 : vector<16xf32>
      %eq3A = arith.constant 0 : i32
      %eq3A_140 = vector.broadcast %eq3A : i32 to vector<16xi32>
      %eq3A_141 = arith.cmpi eq, %iota3A, %eq3A_140 : vector<16xi32>
      %select_n3A = arith.select %eq3A_141, %add3A_139, %broadcast_in_dim3A_51 : vector<16xi1>, vector<16xf32>
      %mul3A_142 = arith.constant 16 : i32
      %mul3A_143 = arith.muli %scan3A_50, %mul3A_142 : i32
      %add3A_144 = arith.constant 1 : i32
      %add3A_145 = arith.addi %mul3A_143, %add3A_144 : i32
      %get3A_146 = arith.index_cast %add3A_145 : i32 to index
      %get3A_147 = arith.constant 0 : index
      %get3A_148 = tpu.vector_load %arg11[%get3A_146, %get3A_147] {strides = array<i32>} : memref<128x64xf32, #tpu.memory_space<vmem>>, vector<1x16xf32>,
      %get3A_149 = vector.shape_cast %get3A_148 : vector<1x16xf32> to vector<16xf32>
      %get3A_150 = arith.index_cast %add3A_145 : i32 to index
      %get3A_151 = arith.constant 0 : index
      %get3A_152 = tpu.vector_load %arg12[%get3A_150, %get3A_151] {strides = array<i32>} : memref<128x64xf32, #tpu.memory_space<vmem>>, vector<1x16xf32>,
      %get3A_153 = vector.shape_cast %get3A_152 : vector<1x16xf32> to vector<16xf32>
      %mul3A_154 = arith.mulf %get3A_149, %get3A_153 : vector<16xf32>
      %get3A_155 = arith.index_cast %add3A_145 : i32 to index
      %get3A_156 = arith.constant 0 : index
      %get3A_157 = tpu.vector_load %arg13[%get3A_155, %get3A_156] {strides = array<i32>} : memref<128x64xf32, #tpu.memory_space<vmem>>, vector<1x16xf32>,
      %get3A_158 = vector.shape_cast %get3A_157 : vector<1x16xf32> to vector<16xf32>
      %mul3A_159 = arith.mulf %mul3A_154, %get3A_158 : vector<16xf32>
      %get3A_160 = arith.index_cast %add3A_145 : i32 to index
      %get3A_161 = arith.constant 16 : index
      %get3A_162 = tpu.vector_load %arg11[%get3A_160, %get3A_161] {strides = array<i32>} : memref<128x64xf32, #tpu.memory_space<vmem>>, vector<1x16xf32>,
      %get3A_163 = vector.shape_cast %get3A_162 : vector<1x16xf32> to vector<16xf32>
      %get3A_164 = arith.index_cast %add3A_145 : i32 to index
      %get3A_165 = arith.constant 16 : index
      %get3A_166 = tpu.vector_load %arg12[%get3A_164, %get3A_165] {strides = array<i32>} : memref<128x64xf32, #tpu.memory_space<vmem>>, vector<1x16xf32>,
      %get3A_167 = vector.shape_cast %get3A_166 : vector<1x16xf32> to vector<16xf32>
      %mul3A_168 = arith.mulf %get3A_163, %get3A_167 : vector<16xf32>
      %get3A_169 = arith.index_cast %add3A_145 : i32 to index
      %get3A_170 = arith.constant 16 : index
      %get3A_171 = tpu.vector_load %arg13[%get3A_169, %get3A_170] {strides = array<i32>} : memref<128x64xf32, #tpu.memory_space<vmem>>, vector<1x16xf32>,
      %get3A_172 = vector.shape_cast %get3A_171 : vector<1x16xf32> to vector<16xf32>
      %mul3A_173 = arith.mulf %mul3A_168, %get3A_172 : vector<16xf32>
      %add3A_174 = arith.addf %mul3A_159, %mul3A_173 : vector<16xf32>
      %get3A_175 = arith.index_cast %add3A_145 : i32 to index
      %get3A_176 = arith.constant 32 : index
      %get3A_177 = tpu.vector_load %arg11[%get3A_175, %get3A_176] {strides = array<i32>} : memref<128x64xf32, #tpu.memory_space<vmem>>, vector<1x16xf32>,
      %get3A_178 = vector.shape_cast %get3A_177 : vector<1x16xf32> to vector<16xf32>
      %get3A_179 = arith.index_cast %add3A_145 : i32 to index
      %get3A_180 = arith.constant 32 : index
      %get3A_181 = tpu.vector_load %arg12[%get3A_179, %get3A_180] {strides = array<i32>} : memref<128x64xf32, #tpu.memory_space<vmem>>, vector<1x16xf32>,
      %get3A_182 = vector.shape_cast %get3A_181 : vector<1x16xf32> to vector<16xf32>
      %mul3A_183 = arith.mulf %get3A_178, %get3A_182 : vector<16xf32>
      %get3A_184 = arith.index_cast %add3A_145 : i32 to index
      %get3A_185 = arith.constant 32 : index
      %get3A_186 = tpu.vector_load %arg13[%get3A_184, %get3A_185] {strides = array<i32>} : memref<128x64xf32, #tpu.memory_space<vmem>>, vector<1x16xf32>,
      %get3A_187 = vector.shape_cast %get3A_186 : vector<1x16xf32> to vector<16xf32>
      %mul3A_188 = arith.mulf %mul3A_183, %get3A_187 : vector<16xf32>
      %add3A_189 = arith.addf %add3A_174, %mul3A_188 : vector<16xf32>
      %get3A_190 = arith.index_cast %add3A_145 : i32 to index
      %get3A_191 = arith.constant 48 : index
      %get3A_192 = tpu.vector_load %arg11[%get3A_190, %get3A_191] {strides = array<i32>} : memref<128x64xf32, #tpu.memory_space<vmem>>, vector<1x16xf32>,
      %get3A_193 = vector.shape_cast %get3A_192 : vector<1x16xf32> to vector<16xf32>
      %get3A_194 = arith.index_cast %add3A_145 : i32 to index
      %get3A_195 = arith.constant 48 : index
      %get3A_196 = tpu.vector_load %arg12[%get3A_194, %get3A_195] {strides = array<i32>} : memref<128x64xf32, #tpu.memory_space<vmem>>, vector<1x16xf32>,
      %get3A_197 = vector.shape_cast %get3A_196 : vector<1x16xf32> to vector<16xf32>
      %mul3A_198 = arith.mulf %get3A_193, %get3A_197 : vector<16xf32>
      %get3A_199 = arith.index_cast %add3A_145 : i32 to index
      %get3A_200 = arith.constant 48 : index
      %get3A_201 = tpu.vector_load %arg13[%get3A_199, %get3A_200] {strides = array<i32>} : memref<128x64xf32, #tpu.memory_space<vmem>>, vector<1x16xf32>,
      %get3A_202 = vector.shape_cast %get3A_201 : vector<1x16xf32> to vector<16xf32>
      %mul3A_203 = arith.mulf %mul3A_198, %get3A_202 : vector<16xf32>
      %add3A_204 = arith.addf %add3A_189, %mul3A_203 : vector<16xf32>
      %xor3A_205 = arith.constant 1 : i32
      %xor3A_206 = vector.broadcast %xor3A_205 : i32 to vector<16xi32>
      %xor3A_207 = arith.xori %iota3A, %xor3A_206 : vector<16xi32>
      %broadcast_in_dim3A_208 = vector.shape_cast %xor3A_207 : vector<16xi32> to vector<16x1xi32>
      %gather3A_209 = vector.shape_cast %broadcast_in_dim3A_208 : vector<16x1xi32> to vector<16xi32>
      %gather3A_210 = tpu.dynamic_gather %add3A_204[%gather3A_209] in [0] : vector<16xf32>, vector<16xi32> -> vector<16xf32>
      %add3A_211 = arith.addf %add3A_204, %gather3A_210 : vector<16xf32>
      %xor3A_212 = arith.constant 2 : i32
      %xor3A_213 = vector.broadcast %xor3A_212 : i32 to vector<16xi32>
      %xor3A_214 = arith.xori %iota3A, %xor3A_213 : vector<16xi32>
      %broadcast_in_dim3A_215 = vector.shape_cast %xor3A_214 : vector<16xi32> to vector<16x1xi32>
      %gather3A_216 = vector.shape_cast %broadcast_in_dim3A_215 : vector<16x1xi32> to vector<16xi32>
      %gather3A_217 = tpu.dynamic_gather %add3A_211[%gather3A_216] in [0] : vector<16xf32>, vector<16xi32> -> vector<16xf32>
      %add3A_218 = arith.addf %add3A_211, %gather3A_217 : vector<16xf32>
      %xor3A_219 = arith.constant 4 : i32
      %xor3A_220 = vector.broadcast %xor3A_219 : i32 to vector<16xi32>
      %xor3A_221 = arith.xori %iota3A, %xor3A_220 : vector<16xi32>
      %broadcast_in_dim3A_222 = vector.shape_cast %xor3A_221 : vector<16xi32> to vector<16x1xi32>
      %gather3A_223 = vector.shape_cast %broadcast_in_dim3A_222 : vector<16x1xi32> to vector<16xi32>
      %gather3A_224 = tpu.dynamic_gather %add3A_218[%gather3A_223] in [0] : vector<16xf32>, vector<16xi32> -> vector<16xf32>
      %add3A_225 = arith.addf %add3A_218, %gather3A_224 : vector<16xf32>
      %xor3A_226 = arith.constant 8 : i32
      %xor3A_227 = vector.broadcast %xor3A_226 : i32 to vector<16xi32>
      %xor3A_228 = arith.xori %iota3A, %xor3A_227 : vector<16xi32>
      %broadcast_in_dim3A_229 = vector.shape_cast %xor3A_228 : vector<16xi32> to vector<16x1xi32>
      %gather3A_230 = vector.shape_cast %broadcast_in_dim3A_229 : vector<16x1xi32> to vector<16xi32>
      %gather3A_231 = tpu.dynamic_gather %add3A_225[%gather3A_230] in [0] : vector<16xf32>, vector<16xi32> -> vector<16xf32>
      %add3A_232 = arith.addf %add3A_225, %gather3A_231 : vector<16xf32>
      %eq3A_233 = arith.constant 1 : i32
      %eq3A_234 = vector.broadcast %eq3A_233 : i32 to vector<16xi32>
      %eq3A_235 = arith.cmpi eq, %iota3A, %eq3A_234 : vector<16xi32>
      %select_n3A_236 = arith.select %eq3A_235, %add3A_232, %select_n3A : vector<16xi1>, vector<16xf32>
      %mul3A_237 = arith.constant 16 : i32
      %mul3A_238 = arith.muli %scan3A_50, %mul3A_237 : i32
      %add3A_239 = arith.constant 2 : i32
      %add3A_240 = arith.addi %mul3A_238, %add3A_239 : i32
      %get3A_241 = arith.index_cast %add3A_240 : i32 to index
      %get3A_242 = arith.constant 0 : index
      %get3A_243 = tpu.vector_load %arg11[%get3A_241, %get3A_242] {strides = array<i32>} : memref<128x64xf32, #tpu.memory_space<vmem>>, vector<1x16xf32>,
      %get3A_244 = vector.shape_cast %get3A_243 : vector<1x16xf32> to vector<16xf32>
      %get3A_245 = arith.index_cast %add3A_240 : i32 to index
      %get3A_246 = arith.constant 0 : index
      %get3A_247 = tpu.vector_load %arg12[%get3A_245, %get3A_246] {strides = array<i32>} : memref<128x64xf32, #tpu.memory_space<vmem>>, vector<1x16xf32>,
      %get3A_248 = vector.shape_cast %get3A_247 : vector<1x16xf32> to vector<16xf32>
      %mul3A_249 = arith.mulf %get3A_244, %get3A_248 : vector<16xf32>
      %get3A_250 = arith.index_cast %add3A_240 : i32 to index
      %get3A_251 = arith.constant 0 : index
      %get3A_252 = tpu.vector_load %arg13[%get3A_250, %get3A_251] {strides = array<i32>} : memref<128x64xf32, #tpu.memory_space<vmem>>, vector<1x16xf32>,
      %get3A_253 = vector.shape_cast %get3A_252 : vector<1x16xf32> to vector<16xf32>
      %mul3A_254 = arith.mulf %mul3A_249, %get3A_253 : vector<16xf32>
      %get3A_255 = arith.index_cast %add3A_240 : i32 to index
      %get3A_256 = arith.constant 16 : index
      %get3A_257 = tpu.vector_load %arg11[%get3A_255, %get3A_256] {strides = array<i32>} : memref<128x64xf32, #tpu.memory_space<vmem>>, vector<1x16xf32>,
      %get3A_258 = vector.shape_cast %get3A_257 : vector<1x16xf32> to vector<16xf32>
      %get3A_259 = arith.index_cast %add3A_240 : i32 to index
      %get3A_260 = arith.constant 16 : index
      %get3A_261 = tpu.vector_load %arg12[%get3A_259, %get3A_260] {strides = array<i32>} : memref<128x64xf32, #tpu.memory_space<vmem>>, vector<1x16xf32>,
      %get3A_262 = vector.shape_cast %get3A_261 : vector<1x16xf32> to vector<16xf32>
      %mul3A_263 = arith.mulf %get3A_258, %get3A_262 : vector<16xf32>
      %get3A_264 = arith.index_cast %add3A_240 : i32 to index
      %get3A_265 = arith.constant 16 : index
      %get3A_266 = tpu.vector_load %arg13[%get3A_264, %get3A_265] {strides = array<i32>} : memref<128x64xf32, #tpu.memory_space<vmem>>, vector<1x16xf32>,
      %get3A_267 = vector.shape_cast %get3A_266 : vector<1x16xf32> to vector<16xf32>
      %mul3A_268 = arith.mulf %mul3A_263, %get3A_267 : vector<16xf32>
      %add3A_269 = arith.addf %mul3A_254, %mul3A_268 : vector<16xf32>
      %get3A_270 = arith.index_cast %add3A_240 : i32 to index
      %get3A_271 = arith.constant 32 : index
      %get3A_272 = tpu.vector_load %arg11[%get3A_270, %get3A_271] {strides = array<i32>} : memref<128x64xf32, #tpu.memory_space<vmem>>, vector<1x16xf32>,
      %get3A_273 = vector.shape_cast %get3A_272 : vector<1x16xf32> to vector<16xf32>
      %get3A_274 = arith.index_cast %add3A_240 : i32 to index
      %get3A_275 = arith.constant 32 : index
      %get3A_276 = tpu.vector_load %arg12[%get3A_274, %get3A_275] {strides = array<i32>} : memref<128x64xf32, #tpu.memory_space<vmem>>, vector<1x16xf32>,
      %get3A_277 = vector.shape_cast %get3A_276 : vector<1x16xf32> to vector<16xf32>
      %mul3A_278 = arith.mulf %get3A_273, %get3A_277 : vector<16xf32>
      %get3A_279 = arith.index_cast %add3A_240 : i32 to index
      %get3A_280 = arith.constant 32 : index
      %get3A_281 = tpu.vector_load %arg13[%get3A_279, %get3A_280] {strides = array<i32>} : memref<128x64xf32, #tpu.memory_space<vmem>>, vector<1x16xf32>,
      %get3A_282 = vector.shape_cast %get3A_281 : vector<1x16xf32> to vector<16xf32>
      %mul3A_283 = arith.mulf %mul3A_278, %get3A_282 : vector<16xf32>
      %add3A_284 = arith.addf %add3A_269, %mul3A_283 : vector<16xf32>
      %get3A_285 = arith.index_cast %add3A_240 : i32 to index
      %get3A_286 = arith.constant 48 : index
      %get3A_287 = tpu.vector_load %arg11[%get3A_285, %get3A_286] {strides = array<i32>} : memref<128x64xf32, #tpu.memory_space<vmem>>, vector<1x16xf32>,
      %get3A_288 = vector.shape_cast %get3A_287 : vector<1x16xf32> to vector<16xf32>
      %get3A_289 = arith.index_cast %add3A_240 : i32 to index
      %get3A_290 = arith.constant 48 : index
      %get3A_291 = tpu.vector_load %arg12[%get3A_289, %get3A_290] {strides = array<i32>} : memref<128x64xf32, #tpu.memory_space<vmem>>, vector<1x16xf32>,
      %get3A_292 = vector.shape_cast %get3A_291 : vector<1x16xf32> to vector<16xf32>
      %mul3A_293 = arith.mulf %get3A_288, %get3A_292 : vector<16xf32>
      %get3A_294 = arith.index_cast %add3A_240 : i32 to index
      %get3A_295 = arith.constant 48 : index
      %get3A_296 = tpu.vector_load %arg13[%get3A_294, %get3A_295] {strides = array<i32>} : memref<128x64xf32, #tpu.memory_space<vmem>>, vector<1x16xf32>,
      %get3A_297 = vector.shape_cast %get3A_296 : vector<1x16xf32> to vector<16xf32>
      %mul3A_298 = arith.mulf %mul3A_293, %get3A_297 : vector<16xf32>
      %add3A_299 = arith.addf %add3A_284, %mul3A_298 : vector<16xf32>
      %xor3A_300 = arith.constant 1 : i32
      %xor3A_301 = vector.broadcast %xor3A_300 : i32 to vector<16xi32>
      %xor3A_302 = arith.xori %iota3A, %xor3A_301 : vector<16xi32>
      %broadcast_in_dim3A_303 = vector.shape_cast %xor3A_302 : vector<16xi32> to vector<16x1xi32>
      %gather3A_304 = vector.shape_cast %broadcast_in_dim3A_303 : vector<16x1xi32> to vector<16xi32>
      %gather3A_305 = tpu.dynamic_gather %add3A_299[%gather3A_304] in [0] : vector<16xf32>, vector<16xi32> -> vector<16xf32>
      %add3A_306 = arith.addf %add3A_299, %gather3A_305 : vector<16xf32>
      %xor3A_307 = arith.constant 2 : i32
      %xor3A_308 = vector.broadcast %xor3A_307 : i32 to vector<16xi32>
      %xor3A_309 = arith.xori %iota3A, %xor3A_308 : vector<16xi32>
      %broadcast_in_dim3A_310 = vector.shape_cast %xor3A_309 : vector<16xi32> to vector<16x1xi32>
      %gather3A_311 = vector.shape_cast %broadcast_in_dim3A_310 : vector<16x1xi32> to vector<16xi32>
      %gather3A_312 = tpu.dynamic_gather %add3A_306[%gather3A_311] in [0] : vector<16xf32>, vector<16xi32> -> vector<16xf32>
      %add3A_313 = arith.addf %add3A_306, %gather3A_312 : vector<16xf32>
      %xor3A_314 = arith.constant 4 : i32
      %xor3A_315 = vector.broadcast %xor3A_314 : i32 to vector<16xi32>
      %xor3A_316 = arith.xori %iota3A, %xor3A_315 : vector<16xi32>
      %broadcast_in_dim3A_317 = vector.shape_cast %xor3A_316 : vector<16xi32> to vector<16x1xi32>
      %gather3A_318 = vector.shape_cast %broadcast_in_dim3A_317 : vector<16x1xi32> to vector<16xi32>
      %gather3A_319 = tpu.dynamic_gather %add3A_313[%gather3A_318] in [0] : vector<16xf32>, vector<16xi32> -> vector<16xf32>
      %add3A_320 = arith.addf %add3A_313, %gather3A_319 : vector<16xf32>
      %xor3A_321 = arith.constant 8 : i32
      %xor3A_322 = vector.broadcast %xor3A_321 : i32 to vector<16xi32>
      %xor3A_323 = arith.xori %iota3A, %xor3A_322 : vector<16xi32>
      %broadcast_in_dim3A_324 = vector.shape_cast %xor3A_323 : vector<16xi32> to vector<16x1xi32>
      %gather3A_325 = vector.shape_cast %broadcast_in_dim3A_324 : vector<16x1xi32> to vector<16xi32>
      %gather3A_326 = tpu.dynamic_gather %add3A_320[%gather3A_325] in [0] : vector<16xf32>, vector<16xi32> -> vector<16xf32>
      %add3A_327 = arith.addf %add3A_320, %gather3A_326 : vector<16xf32>
      %eq3A_328 = arith.constant 2 : i32
      %eq3A_329 = vector.broadcast %eq3A_328 : i32 to vector<16xi32>
      %eq3A_330 = arith.cmpi eq, %iota3A, %eq3A_329 : vector<16xi32>
      %select_n3A_331 = arith.select %eq3A_330, %add3A_327, %select_n3A_236 : vector<16xi1>, vector<16xf32>
      %mul3A_332 = arith.constant 16 : i32
      %mul3A_333 = arith.muli %scan3A_50, %mul3A_332 : i32
      %add3A_334 = arith.constant 3 : i32
      %add3A_335 = arith.addi %mul3A_333, %add3A_334 : i32
      %get3A_336 = arith.index_cast %add3A_335 : i32 to index
      %get3A_337 = arith.constant 0 : index
      %get3A_338 = tpu.vector_load %arg11[%get3A_336, %get3A_337] {strides = array<i32>} : memref<128x64xf32, #tpu.memory_space<vmem>>, vector<1x16xf32>,
      %get3A_339 = vector.shape_cast %get3A_338 : vector<1x16xf32> to vector<16xf32>
      %get3A_340 = arith.index_cast %add3A_335 : i32 to index
      %get3A_341 = arith.constant 0 : index
      %get3A_342 = tpu.vector_load %arg12[%get3A_340, %get3A_341] {strides = array<i32>} : memref<128x64xf32, #tpu.memory_space<vmem>>, vector<1x16xf32>,
      %get3A_343 = vector.shape_cast %get3A_342 : vector<1x16xf32> to vector<16xf32>
      %mul3A_344 = arith.mulf %get3A_339, %get3A_343 : vector<16xf32>
      %get3A_345 = arith.index_cast %add3A_335 : i32 to index
      %get3A_346 = arith.constant 0 : index
      %get3A_347 = tpu.vector_load %arg13[%get3A_345, %get3A_346] {strides = array<i32>} : memref<128x64xf32, #tpu.memory_space<vmem>>, vector<1x16xf32>,
      %get3A_348 = vector.shape_cast %get3A_347 : vector<1x16xf32> to vector<16xf32>
      %mul3A_349 = arith.mulf %mul3A_344, %get3A_348 : vector<16xf32>
      %get3A_350 = arith.index_cast %add3A_335 : i32 to index
      %get3A_351 = arith.constant 16 : index
      %get3A_352 = tpu.vector_load %arg11[%get3A_350, %get3A_351] {strides = array<i32>} : memref<128x64xf32, #tpu.memory_space<vmem>>, vector<1x16xf32>,
      %get3A_353 = vector.shape_cast %get3A_352 : vector<1x16xf32> to vector<16xf32>
      %get3A_354 = arith.index_cast %add3A_335 : i32 to index
      %get3A_355 = arith.constant 16 : index
      %get3A_356 = tpu.vector_load %arg12[%get3A_354, %get3A_355] {strides = array<i32>} : memref<128x64xf32, #tpu.memory_space<vmem>>, vector<1x16xf32>,
      %get3A_357 = vector.shape_cast %get3A_356 : vector<1x16xf32> to vector<16xf32>
      %mul3A_358 = arith.mulf %get3A_353, %get3A_357 : vector<16xf32>
      %get3A_359 = arith.index_cast %add3A_335 : i32 to index
      %get3A_360 = arith.constant 16 : index
      %get3A_361 = tpu.vector_load %arg13[%get3A_359, %get3A_360] {strides = array<i32>} : memref<128x64xf32, #tpu.memory_space<vmem>>, vector<1x16xf32>,
      %get3A_362 = vector.shape_cast %get3A_361 : vector<1x16xf32> to vector<16xf32>
      %mul3A_363 = arith.mulf %mul3A_358, %get3A_362 : vector<16xf32>
      %add3A_364 = arith.addf %mul3A_349, %mul3A_363 : vector<16xf32>
      %get3A_365 = arith.index_cast %add3A_335 : i32 to index
      %get3A_366 = arith.constant 32 : index
      %get3A_367 = tpu.vector_load %arg11[%get3A_365, %get3A_366] {strides = array<i32>} : memref<128x64xf32, #tpu.memory_space<vmem>>, vector<1x16xf32>,
      %get3A_368 = vector.shape_cast %get3A_367 : vector<1x16xf32> to vector<16xf32>
      %get3A_369 = arith.index_cast %add3A_335 : i32 to index
      %get3A_370 = arith.constant 32 : index
      %get3A_371 = tpu.vector_load %arg12[%get3A_369, %get3A_370] {strides = array<i32>} : memref<128x64xf32, #tpu.memory_space<vmem>>, vector<1x16xf32>,
      %get3A_372 = vector.shape_cast %get3A_371 : vector<1x16xf32> to vector<16xf32>
      %mul3A_373 = arith.mulf %get3A_368, %get3A_372 : vector<16xf32>
      %get3A_374 = arith.index_cast %add3A_335 : i32 to index
      %get3A_375 = arith.constant 32 : index
      %get3A_376 = tpu.vector_load %arg13[%get3A_374, %get3A_375] {strides = array<i32>} : memref<128x64xf32, #tpu.memory_space<vmem>>, vector<1x16xf32>,
      %get3A_377 = vector.shape_cast %get3A_376 : vector<1x16xf32> to vector<16xf32>
      %mul3A_378 = arith.mulf %mul3A_373, %get3A_377 : vector<16xf32>
      %add3A_379 = arith.addf %add3A_364, %mul3A_378 : vector<16xf32>
      %get3A_380 = arith.index_cast %add3A_335 : i32 to index
      %get3A_381 = arith.constant 48 : index
      %get3A_382 = tpu.vector_load %arg11[%get3A_380, %get3A_381] {strides = array<i32>} : memref<128x64xf32, #tpu.memory_space<vmem>>, vector<1x16xf32>,
      %get3A_383 = vector.shape_cast %get3A_382 : vector<1x16xf32> to vector<16xf32>
      %get3A_384 = arith.index_cast %add3A_335 : i32 to index
      %get3A_385 = arith.constant 48 : index
      %get3A_386 = tpu.vector_load %arg12[%get3A_384, %get3A_385] {strides = array<i32>} : memref<128x64xf32, #tpu.memory_space<vmem>>, vector<1x16xf32>,
      %get3A_387 = vector.shape_cast %get3A_386 : vector<1x16xf32> to vector<16xf32>
      %mul3A_388 = arith.mulf %get3A_383, %get3A_387 : vector<16xf32>
      %get3A_389 = arith.index_cast %add3A_335 : i32 to index
      %get3A_390 = arith.constant 48 : index
      %get3A_391 = tpu.vector_load %arg13[%get3A_389, %get3A_390] {strides = array<i32>} : memref<128x64xf32, #tpu.memory_space<vmem>>, vector<1x16xf32>,
      %get3A_392 = vector.shape_cast %get3A_391 : vector<1x16xf32> to vector<16xf32>
      %mul3A_393 = arith.mulf %mul3A_388, %get3A_392 : vector<16xf32>
      %add3A_394 = arith.addf %add3A_379, %mul3A_393 : vector<16xf32>
      %xor3A_395 = arith.constant 1 : i32
      %xor3A_396 = vector.broadcast %xor3A_395 : i32 to vector<16xi32>
      %xor3A_397 = arith.xori %iota3A, %xor3A_396 : vector<16xi32>
      %broadcast_in_dim3A_398 = vector.shape_cast %xor3A_397 : vector<16xi32> to vector<16x1xi32>
      %gather3A_399 = vector.shape_cast %broadcast_in_dim3A_398 : vector<16x1xi32> to vector<16xi32>
      %gather3A_400 = tpu.dynamic_gather %add3A_394[%gather3A_399] in [0] : vector<16xf32>, vector<16xi32> -> vector<16xf32>
      %add3A_401 = arith.addf %add3A_394, %gather3A_400 : vector<16xf32>
      %xor3A_402 = arith.constant 2 : i32
      %xor3A_403 = vector.broadcast %xor3A_402 : i32 to vector<16xi32>
      %xor3A_404 = arith.xori %iota3A, %xor3A_403 : vector<16xi32>
      %broadcast_in_dim3A_405 = vector.shape_cast %xor3A_404 : vector<16xi32> to vector<16x1xi32>
      %gather3A_406 = vector.shape_cast %broadcast_in_dim3A_405 : vector<16x1xi32> to vector<16xi32>
      %gather3A_407 = tpu.dynamic_gather %add3A_401[%gather3A_406] in [0] : vector<16xf32>, vector<16xi32> -> vector<16xf32>
      %add3A_408 = arith.addf %add3A_401, %gather3A_407 : vector<16xf32>
      %xor3A_409 = arith.constant 4 : i32
      %xor3A_410 = vector.broadcast %xor3A_409 : i32 to vector<16xi32>
      %xor3A_411 = arith.xori %iota3A, %xor3A_410 : vector<16xi32>
      %broadcast_in_dim3A_412 = vector.shape_cast %xor3A_411 : vector<16xi32> to vector<16x1xi32>
      %gather3A_413 = vector.shape_cast %broadcast_in_dim3A_412 : vector<16x1xi32> to vector<16xi32>
      %gather3A_414 = tpu.dynamic_gather %add3A_408[%gather3A_413] in [0] : vector<16xf32>, vector<16xi32> -> vector<16xf32>
      %add3A_415 = arith.addf %add3A_408, %gather3A_414 : vector<16xf32>
      %xor3A_416 = arith.constant 8 : i32
      %xor3A_417 = vector.broadcast %xor3A_416 : i32 to vector<16xi32>
      %xor3A_418 = arith.xori %iota3A, %xor3A_417 : vector<16xi32>
      %broadcast_in_dim3A_419 = vector.shape_cast %xor3A_418 : vector<16xi32> to vector<16x1xi32>
      %gather3A_420 = vector.shape_cast %broadcast_in_dim3A_419 : vector<16x1xi32> to vector<16xi32>
      %gather3A_421 = tpu.dynamic_gather %add3A_415[%gather3A_420] in [0] : vector<16xf32>, vector<16xi32> -> vector<16xf32>
      %add3A_422 = arith.addf %add3A_415, %gather3A_421 : vector<16xf32>
      %eq3A_423 = arith.constant 3 : i32
      %eq3A_424 = vector.broadcast %eq3A_423 : i32 to vector<16xi32>
      %eq3A_425 = arith.cmpi eq, %iota3A, %eq3A_424 : vector<16xi32>
      %select_n3A_426 = arith.select %eq3A_425, %add3A_422, %select_n3A_331 : vector<16xi1>, vector<16xf32>
      %mul3A_427 = arith.constant 16 : i32
      %mul3A_428 = arith.muli %scan3A_50, %mul3A_427 : i32
      %add3A_429 = arith.constant 4 : i32
      %add3A_430 = arith.addi %mul3A_428, %add3A_429 : i32
      %get3A_431 = arith.index_cast %add3A_430 : i32 to index
      %get3A_432 = arith.constant 0 : index
      %get3A_433 = tpu.vector_load %arg11[%get3A_431, %get3A_432] {strides = array<i32>} : memref<128x64xf32, #tpu.memory_space<vmem>>, vector<1x16xf32>,
      %get3A_434 = vector.shape_cast %get3A_433 : vector<1x16xf32> to vector<16xf32>
      %get3A_435 = arith.index_cast %add3A_430 : i32 to index
      %get3A_436 = arith.constant 0 : index
      %get3A_437 = tpu.vector_load %arg12[%get3A_435, %get3A_436] {strides = array<i32>} : memref<128x64xf32, #tpu.memory_space<vmem>>, vector<1x16xf32>,
      %get3A_438 = vector.shape_cast %get3A_437 : vector<1x16xf32> to vector<16xf32>
      %mul3A_439 = arith.mulf %get3A_434, %get3A_438 : vector<16xf32>
      %get3A_440 = arith.index_cast %add3A_430 : i32 to index
      %get3A_441 = arith.constant 0 : index
      %get3A_442 = tpu.vector_load %arg13[%get3A_440, %get3A_441] {strides = array<i32>} : memref<128x64xf32, #tpu.memory_space<vmem>>, vector<1x16xf32>,
      %get3A_443 = vector.shape_cast %get3A_442 : vector<1x16xf32> to vector<16xf32>
      %mul3A_444 = arith.mulf %mul3A_439, %get3A_443 : vector<16xf32>
      %get3A_445 = arith.index_cast %add3A_430 : i32 to index
      %get3A_446 = arith.constant 16 : index
      %get3A_447 = tpu.vector_load %arg11[%get3A_445, %get3A_446] {strides = array<i32>} : memref<128x64xf32, #tpu.memory_space<vmem>>, vector<1x16xf32>,
      %get3A_448 = vector.shape_cast %get3A_447 : vector<1x16xf32> to vector<16xf32>
      %get3A_449 = arith.index_cast %add3A_430 : i32 to index
      %get3A_450 = arith.constant 16 : index
      %get3A_451 = tpu.vector_load %arg12[%get3A_449, %get3A_450] {strides = array<i32>} : memref<128x64xf32, #tpu.memory_space<vmem>>, vector<1x16xf32>,
      %get3A_452 = vector.shape_cast %get3A_451 : vector<1x16xf32> to vector<16xf32>
      %mul3A_453 = arith.mulf %get3A_448, %get3A_452 : vector<16xf32>
      %get3A_454 = arith.index_cast %add3A_430 : i32 to index
      %get3A_455 = arith.constant 16 : index
      %get3A_456 = tpu.vector_load %arg13[%get3A_454, %get3A_455] {strides = array<i32>} : memref<128x64xf32, #tpu.memory_space<vmem>>, vector<1x16xf32>,
      %get3A_457 = vector.shape_cast %get3A_456 : vector<1x16xf32> to vector<16xf32>
      %mul3A_458 = arith.mulf %mul3A_453, %get3A_457 : vector<16xf32>
      %add3A_459 = arith.addf %mul3A_444, %mul3A_458 : vector<16xf32>
      %get3A_460 = arith.index_cast %add3A_430 : i32 to index
      %get3A_461 = arith.constant 32 : index
      %get3A_462 = tpu.vector_load %arg11[%get3A_460, %get3A_461] {strides = array<i32>} : memref<128x64xf32, #tpu.memory_space<vmem>>, vector<1x16xf32>,
      %get3A_463 = vector.shape_cast %get3A_462 : vector<1x16xf32> to vector<16xf32>
      %get3A_464 = arith.index_cast %add3A_430 : i32 to index
      %get3A_465 = arith.constant 32 : index
      %get3A_466 = tpu.vector_load %arg12[%get3A_464, %get3A_465] {strides = array<i32>} : memref<128x64xf32, #tpu.memory_space<vmem>>, vector<1x16xf32>,
      %get3A_467 = vector.shape_cast %get3A_466 : vector<1x16xf32> to vector<16xf32>
      %mul3A_468 = arith.mulf %get3A_463, %get3A_467 : vector<16xf32>
      %get3A_469 = arith.index_cast %add3A_430 : i32 to index
      %get3A_470 = arith.constant 32 : index
      %get3A_471 = tpu.vector_load %arg13[%get3A_469, %get3A_470] {strides = array<i32>} : memref<128x64xf32, #tpu.memory_space<vmem>>, vector<1x16xf32>,
      %get3A_472 = vector.shape_cast %get3A_471 : vector<1x16xf32> to vector<16xf32>
      %mul3A_473 = arith.mulf %mul3A_468, %get3A_472 : vector<16xf32>
      %add3A_474 = arith.addf %add3A_459, %mul3A_473 : vector<16xf32>
      %get3A_475 = arith.index_cast %add3A_430 : i32 to index
      %get3A_476 = arith.constant 48 : index
      %get3A_477 = tpu.vector_load %arg11[%get3A_475, %get3A_476] {strides = array<i32>} : memref<128x64xf32, #tpu.memory_space<vmem>>, vector<1x16xf32>,
      %get3A_478 = vector.shape_cast %get3A_477 : vector<1x16xf32> to vector<16xf32>
      %get3A_479 = arith.index_cast %add3A_430 : i32 to index
      %get3A_480 = arith.constant 48 : index
      %get3A_481 = tpu.vector_load %arg12[%get3A_479, %get3A_480] {strides = array<i32>} : memref<128x64xf32, #tpu.memory_space<vmem>>, vector<1x16xf32>,
      %get3A_482 = vector.shape_cast %get3A_481 : vector<1x16xf32> to vector<16xf32>
      %mul3A_483 = arith.mulf %get3A_478, %get3A_482 : vector<16xf32>
      %get3A_484 = arith.index_cast %add3A_430 : i32 to index
      %get3A_485 = arith.constant 48 : index
      %get3A_486 = tpu.vector_load %arg13[%get3A_484, %get3A_485] {strides = array<i32>} : memref<128x64xf32, #tpu.memory_space<vmem>>, vector<1x16xf32>,
      %get3A_487 = vector.shape_cast %get3A_486 : vector<1x16xf32> to vector<16xf32>
      %mul3A_488 = arith.mulf %mul3A_483, %get3A_487 : vector<16xf32>
      %add3A_489 = arith.addf %add3A_474, %mul3A_488 : vector<16xf32>
      %xor3A_490 = arith.constant 1 : i32
      %xor3A_491 = vector.broadcast %xor3A_490 : i32 to vector<16xi32>
      %xor3A_492 = arith.xori %iota3A, %xor3A_491 : vector<16xi32>
      %broadcast_in_dim3A_493 = vector.shape_cast %xor3A_492 : vector<16xi32> to vector<16x1xi32>
      %gather3A_494 = vector.shape_cast %broadcast_in_dim3A_493 : vector<16x1xi32> to vector<16xi32>
      %gather3A_495 = tpu.dynamic_gather %add3A_489[%gather3A_494] in [0] : vector<16xf32>, vector<16xi32> -> vector<16xf32>
      %add3A_496 = arith.addf %add3A_489, %gather3A_495 : vector<16xf32>
      %xor3A_497 = arith.constant 2 : i32
      %xor3A_498 = vector.broadcast %xor3A_497 : i32 to vector<16xi32>
      %xor3A_499 = arith.xori %iota3A, %xor3A_498 : vector<16xi32>
      %broadcast_in_dim3A_500 = vector.shape_cast %xor3A_499 : vector<16xi32> to vector<16x1xi32>
      %gather3A_501 = vector.shape_cast %broadcast_in_dim3A_500 : vector<16x1xi32> to vector<16xi32>
      %gather3A_502 = tpu.dynamic_gather %add3A_496[%gather3A_501] in [0] : vector<16xf32>, vector<16xi32> -> vector<16xf32>
      %add3A_503 = arith.addf %add3A_496, %gather3A_502 : vector<16xf32>
      %xor3A_504 = arith.constant 4 : i32
      %xor3A_505 = vector.broadcast %xor3A_504 : i32 to vector<16xi32>
      %xor3A_506 = arith.xori %iota3A, %xor3A_505 : vector<16xi32>
      %broadcast_in_dim3A_507 = vector.shape_cast %xor3A_506 : vector<16xi32> to vector<16x1xi32>
      %gather3A_508 = vector.shape_cast %broadcast_in_dim3A_507 : vector<16x1xi32> to vector<16xi32>
      %gather3A_509 = tpu.dynamic_gather %add3A_503[%gather3A_508] in [0] : vector<16xf32>, vector<16xi32> -> vector<16xf32>
      %add3A_510 = arith.addf %add3A_503, %gather3A_509 : vector<16xf32>
      %xor3A_511 = arith.constant 8 : i32
      %xor3A_512 = vector.broadcast %xor3A_511 : i32 to vector<16xi32>
      %xor3A_513 = arith.xori %iota3A, %xor3A_512 : vector<16xi32>
      %broadcast_in_dim3A_514 = vector.shape_cast %xor3A_513 : vector<16xi32> to vector<16x1xi32>
      %gather3A_515 = vector.shape_cast %broadcast_in_dim3A_514 : vector<16x1xi32> to vector<16xi32>
      %gather3A_516 = tpu.dynamic_gather %add3A_510[%gather3A_515] in [0] : vector<16xf32>, vector<16xi32> -> vector<16xf32>
      %add3A_517 = arith.addf %add3A_510, %gather3A_516 : vector<16xf32>
      %eq3A_518 = arith.constant 4 : i32
      %eq3A_519 = vector.broadcast %eq3A_518 : i32 to vector<16xi32>
      %eq3A_520 = arith.cmpi eq, %iota3A, %eq3A_519 : vector<16xi32>
      %select_n3A_521 = arith.select %eq3A_520, %add3A_517, %select_n3A_426 : vector<16xi1>, vector<16xf32>
      %mul3A_522 = arith.constant 16 : i32
      %mul3A_523 = arith.muli %scan3A_50, %mul3A_522 : i32
      %add3A_524 = arith.constant 5 : i32
      %add3A_525 = arith.addi %mul3A_523, %add3A_524 : i32
      %get3A_526 = arith.index_cast %add3A_525 : i32 to index
      %get3A_527 = arith.constant 0 : index
      %get3A_528 = tpu.vector_load %arg11[%get3A_526, %get3A_527] {strides = array<i32>} : memref<128x64xf32, #tpu.memory_space<vmem>>, vector<1x16xf32>,
      %get3A_529 = vector.shape_cast %get3A_528 : vector<1x16xf32> to vector<16xf32>
      %get3A_530 = arith.index_cast %add3A_525 : i32 to index
      %get3A_531 = arith.constant 0 : index
      %get3A_532 = tpu.vector_load %arg12[%get3A_530, %get3A_531] {strides = array<i32>} : memref<128x64xf32, #tpu.memory_space<vmem>>, vector<1x16xf32>,
      %get3A_533 = vector.shape_cast %get3A_532 : vector<1x16xf32> to vector<16xf32>
      %mul3A_534 = arith.mulf %get3A_529, %get3A_533 : vector<16xf32>
      %get3A_535 = arith.index_cast %add3A_525 : i32 to index
      %get3A_536 = arith.constant 0 : index
      %get3A_537 = tpu.vector_load %arg13[%get3A_535, %get3A_536] {strides = array<i32>} : memref<128x64xf32, #tpu.memory_space<vmem>>, vector<1x16xf32>,
      %get3A_538 = vector.shape_cast %get3A_537 : vector<1x16xf32> to vector<16xf32>
      %mul3A_539 = arith.mulf %mul3A_534, %get3A_538 : vector<16xf32>
      %get3A_540 = arith.index_cast %add3A_525 : i32 to index
      %get3A_541 = arith.constant 16 : index
      %get3A_542 = tpu.vector_load %arg11[%get3A_540, %get3A_541] {strides = array<i32>} : memref<128x64xf32, #tpu.memory_space<vmem>>, vector<1x16xf32>,
      %get3A_543 = vector.shape_cast %get3A_542 : vector<1x16xf32> to vector<16xf32>
      %get3A_544 = arith.index_cast %add3A_525 : i32 to index
      %get3A_545 = arith.constant 16 : index
      %get3A_546 = tpu.vector_load %arg12[%get3A_544, %get3A_545] {strides = array<i32>} : memref<128x64xf32, #tpu.memory_space<vmem>>, vector<1x16xf32>,
      %get3A_547 = vector.shape_cast %get3A_546 : vector<1x16xf32> to vector<16xf32>
      %mul3A_548 = arith.mulf %get3A_543, %get3A_547 : vector<16xf32>
      %get3A_549 = arith.index_cast %add3A_525 : i32 to index
      %get3A_550 = arith.constant 16 : index
      %get3A_551 = tpu.vector_load %arg13[%get3A_549, %get3A_550] {strides = array<i32>} : memref<128x64xf32, #tpu.memory_space<vmem>>, vector<1x16xf32>,
      %get3A_552 = vector.shape_cast %get3A_551 : vector<1x16xf32> to vector<16xf32>
      %mul3A_553 = arith.mulf %mul3A_548, %get3A_552 : vector<16xf32>
      %add3A_554 = arith.addf %mul3A_539, %mul3A_553 : vector<16xf32>
      %get3A_555 = arith.index_cast %add3A_525 : i32 to index
      %get3A_556 = arith.constant 32 : index
      %get3A_557 = tpu.vector_load %arg11[%get3A_555, %get3A_556] {strides = array<i32>} : memref<128x64xf32, #tpu.memory_space<vmem>>, vector<1x16xf32>,
      %get3A_558 = vector.shape_cast %get3A_557 : vector<1x16xf32> to vector<16xf32>
      %get3A_559 = arith.index_cast %add3A_525 : i32 to index
      %get3A_560 = arith.constant 32 : index
      %get3A_561 = tpu.vector_load %arg12[%get3A_559, %get3A_560] {strides = array<i32>} : memref<128x64xf32, #tpu.memory_space<vmem>>, vector<1x16xf32>,
      %get3A_562 = vector.shape_cast %get3A_561 : vector<1x16xf32> to vector<16xf32>
      %mul3A_563 = arith.mulf %get3A_558, %get3A_562 : vector<16xf32>
      %get3A_564 = arith.index_cast %add3A_525 : i32 to index
      %get3A_565 = arith.constant 32 : index
      %get3A_566 = tpu.vector_load %arg13[%get3A_564, %get3A_565] {strides = array<i32>} : memref<128x64xf32, #tpu.memory_space<vmem>>, vector<1x16xf32>,
      %get3A_567 = vector.shape_cast %get3A_566 : vector<1x16xf32> to vector<16xf32>
      %mul3A_568 = arith.mulf %mul3A_563, %get3A_567 : vector<16xf32>
      %add3A_569 = arith.addf %add3A_554, %mul3A_568 : vector<16xf32>
      %get3A_570 = arith.index_cast %add3A_525 : i32 to index
      %get3A_571 = arith.constant 48 : index
      %get3A_572 = tpu.vector_load %arg11[%get3A_570, %get3A_571] {strides = array<i32>} : memref<128x64xf32, #tpu.memory_space<vmem>>, vector<1x16xf32>,
      %get3A_573 = vector.shape_cast %get3A_572 : vector<1x16xf32> to vector<16xf32>
      %get3A_574 = arith.index_cast %add3A_525 : i32 to index
      %get3A_575 = arith.constant 48 : index
      %get3A_576 = tpu.vector_load %arg12[%get3A_574, %get3A_575] {strides = array<i32>} : memref<128x64xf32, #tpu.memory_space<vmem>>, vector<1x16xf32>,
      %get3A_577 = vector.shape_cast %get3A_576 : vector<1x16xf32> to vector<16xf32>
      %mul3A_578 = arith.mulf %get3A_573, %get3A_577 : vector<16xf32>
      %get3A_579 = arith.index_cast %add3A_525 : i32 to index
      %get3A_580 = arith.constant 48 : index
      %get3A_581 = tpu.vector_load %arg13[%get3A_579, %get3A_580] {strides = array<i32>} : memref<128x64xf32, #tpu.memory_space<vmem>>, vector<1x16xf32>,
      %get3A_582 = vector.shape_cast %get3A_581 : vector<1x16xf32> to vector<16xf32>
      %mul3A_583 = arith.mulf %mul3A_578, %get3A_582 : vector<16xf32>
      %add3A_584 = arith.addf %add3A_569, %mul3A_583 : vector<16xf32>
      %xor3A_585 = arith.constant 1 : i32
      %xor3A_586 = vector.broadcast %xor3A_585 : i32 to vector<16xi32>
      %xor3A_587 = arith.xori %iota3A, %xor3A_586 : vector<16xi32>
      %broadcast_in_dim3A_588 = vector.shape_cast %xor3A_587 : vector<16xi32> to vector<16x1xi32>
      %gather3A_589 = vector.shape_cast %broadcast_in_dim3A_588 : vector<16x1xi32> to vector<16xi32>
      %gather3A_590 = tpu.dynamic_gather %add3A_584[%gather3A_589] in [0] : vector<16xf32>, vector<16xi32> -> vector<16xf32>
      %add3A_591 = arith.addf %add3A_584, %gather3A_590 : vector<16xf32>
      %xor3A_592 = arith.constant 2 : i32
      %xor3A_593 = vector.broadcast %xor3A_592 : i32 to vector<16xi32>
      %xor3A_594 = arith.xori %iota3A, %xor3A_593 : vector<16xi32>
      %broadcast_in_dim3A_595 = vector.shape_cast %xor3A_594 : vector<16xi32> to vector<16x1xi32>
      %gather3A_596 = vector.shape_cast %broadcast_in_dim3A_595 : vector<16x1xi32> to vector<16xi32>
      %gather3A_597 = tpu.dynamic_gather %add3A_591[%gather3A_596] in [0] : vector<16xf32>, vector<16xi32> -> vector<16xf32>
      %add3A_598 = arith.addf %add3A_591, %gather3A_597 : vector<16xf32>
      %xor3A_599 = arith.constant 4 : i32
      %xor3A_600 = vector.broadcast %xor3A_599 : i32 to vector<16xi32>
      %xor3A_601 = arith.xori %iota3A, %xor3A_600 : vector<16xi32>
      %broadcast_in_dim3A_602 = vector.shape_cast %xor3A_601 : vector<16xi32> to vector<16x1xi32>
      %gather3A_603 = vector.shape_cast %broadcast_in_dim3A_602 : vector<16x1xi32> to vector<16xi32>
      %gather3A_604 = tpu.dynamic_gather %add3A_598[%gather3A_603] in [0] : vector<16xf32>, vector<16xi32> -> vector<16xf32>
      %add3A_605 = arith.addf %add3A_598, %gather3A_604 : vector<16xf32>
      %xor3A_606 = arith.constant 8 : i32
      %xor3A_607 = vector.broadcast %xor3A_606 : i32 to vector<16xi32>
      %xor3A_608 = arith.xori %iota3A, %xor3A_607 : vector<16xi32>
      %broadcast_in_dim3A_609 = vector.shape_cast %xor3A_608 : vector<16xi32> to vector<16x1xi32>
      %gather3A_610 = vector.shape_cast %broadcast_in_dim3A_609 : vector<16x1xi32> to vector<16xi32>
      %gather3A_611 = tpu.dynamic_gather %add3A_605[%gather3A_610] in [0] : vector<16xf32>, vector<16xi32> -> vector<16xf32>
      %add3A_612 = arith.addf %add3A_605, %gather3A_611 : vector<16xf32>
      %eq3A_613 = arith.constant 5 : i32
      %eq3A_614 = vector.broadcast %eq3A_613 : i32 to vector<16xi32>
      %eq3A_615 = arith.cmpi eq, %iota3A, %eq3A_614 : vector<16xi32>
      %select_n3A_616 = arith.select %eq3A_615, %add3A_612, %select_n3A_521 : vector<16xi1>, vector<16xf32>
      %mul3A_617 = arith.constant 16 : i32
      %mul3A_618 = arith.muli %scan3A_50, %mul3A_617 : i32
      %add3A_619 = arith.constant 6 : i32
      %add3A_620 = arith.addi %mul3A_618, %add3A_619 : i32
      %get3A_621 = arith.index_cast %add3A_620 : i32 to index
      %get3A_622 = arith.constant 0 : index
      %get3A_623 = tpu.vector_load %arg11[%get3A_621, %get3A_622] {strides = array<i32>} : memref<128x64xf32, #tpu.memory_space<vmem>>, vector<1x16xf32>,
      %get3A_624 = vector.shape_cast %get3A_623 : vector<1x16xf32> to vector<16xf32>
      %get3A_625 = arith.index_cast %add3A_620 : i32 to index
      %get3A_626 = arith.constant 0 : index
      %get3A_627 = tpu.vector_load %arg12[%get3A_625, %get3A_626] {strides = array<i32>} : memref<128x64xf32, #tpu.memory_space<vmem>>, vector<1x16xf32>,
      %get3A_628 = vector.shape_cast %get3A_627 : vector<1x16xf32> to vector<16xf32>
      %mul3A_629 = arith.mulf %get3A_624, %get3A_628 : vector<16xf32>
      %get3A_630 = arith.index_cast %add3A_620 : i32 to index
      %get3A_631 = arith.constant 0 : index
      %get3A_632 = tpu.vector_load %arg13[%get3A_630, %get3A_631] {strides = array<i32>} : memref<128x64xf32, #tpu.memory_space<vmem>>, vector<1x16xf32>,
      %get3A_633 = vector.shape_cast %get3A_632 : vector<1x16xf32> to vector<16xf32>
      %mul3A_634 = arith.mulf %mul3A_629, %get3A_633 : vector<16xf32>
      %get3A_635 = arith.index_cast %add3A_620 : i32 to index
      %get3A_636 = arith.constant 16 : index
      %get3A_637 = tpu.vector_load %arg11[%get3A_635, %get3A_636] {strides = array<i32>} : memref<128x64xf32, #tpu.memory_space<vmem>>, vector<1x16xf32>,
      %get3A_638 = vector.shape_cast %get3A_637 : vector<1x16xf32> to vector<16xf32>
      %get3A_639 = arith.index_cast %add3A_620 : i32 to index
      %get3A_640 = arith.constant 16 : index
      %get3A_641 = tpu.vector_load %arg12[%get3A_639, %get3A_640] {strides = array<i32>} : memref<128x64xf32, #tpu.memory_space<vmem>>, vector<1x16xf32>,
      %get3A_642 = vector.shape_cast %get3A_641 : vector<1x16xf32> to vector<16xf32>
      %mul3A_643 = arith.mulf %get3A_638, %get3A_642 : vector<16xf32>
      %get3A_644 = arith.index_cast %add3A_620 : i32 to index
      %get3A_645 = arith.constant 16 : index
      %get3A_646 = tpu.vector_load %arg13[%get3A_644, %get3A_645] {strides = array<i32>} : memref<128x64xf32, #tpu.memory_space<vmem>>, vector<1x16xf32>,
      %get3A_647 = vector.shape_cast %get3A_646 : vector<1x16xf32> to vector<16xf32>
      %mul3A_648 = arith.mulf %mul3A_643, %get3A_647 : vector<16xf32>
      %add3A_649 = arith.addf %mul3A_634, %mul3A_648 : vector<16xf32>
      %get3A_650 = arith.index_cast %add3A_620 : i32 to index
      %get3A_651 = arith.constant 32 : index
      %get3A_652 = tpu.vector_load %arg11[%get3A_650, %get3A_651] {strides = array<i32>} : memref<128x64xf32, #tpu.memory_space<vmem>>, vector<1x16xf32>,
      %get3A_653 = vector.shape_cast %get3A_652 : vector<1x16xf32> to vector<16xf32>
      %get3A_654 = arith.index_cast %add3A_620 : i32 to index
      %get3A_655 = arith.constant 32 : index
      %get3A_656 = tpu.vector_load %arg12[%get3A_654, %get3A_655] {strides = array<i32>} : memref<128x64xf32, #tpu.memory_space<vmem>>, vector<1x16xf32>,
      %get3A_657 = vector.shape_cast %get3A_656 : vector<1x16xf32> to vector<16xf32>
      %mul3A_658 = arith.mulf %get3A_653, %get3A_657 : vector<16xf32>
      %get3A_659 = arith.index_cast %add3A_620 : i32 to index
      %get3A_660 = arith.constant 32 : index
      %get3A_661 = tpu.vector_load %arg13[%get3A_659, %get3A_660] {strides = array<i32>} : memref<128x64xf32, #tpu.memory_space<vmem>>, vector<1x16xf32>,
      %get3A_662 = vector.shape_cast %get3A_661 : vector<1x16xf32> to vector<16xf32>
      %mul3A_663 = arith.mulf %mul3A_658, %get3A_662 : vector<16xf32>
      %add3A_664 = arith.addf %add3A_649, %mul3A_663 : vector<16xf32>
      %get3A_665 = arith.index_cast %add3A_620 : i32 to index
      %get3A_666 = arith.constant 48 : index
      %get3A_667 = tpu.vector_load %arg11[%get3A_665, %get3A_666] {strides = array<i32>} : memref<128x64xf32, #tpu.memory_space<vmem>>, vector<1x16xf32>,
      %get3A_668 = vector.shape_cast %get3A_667 : vector<1x16xf32> to vector<16xf32>
      %get3A_669 = arith.index_cast %add3A_620 : i32 to index
      %get3A_670 = arith.constant 48 : index
      %get3A_671 = tpu.vector_load %arg12[%get3A_669, %get3A_670] {strides = array<i32>} : memref<128x64xf32, #tpu.memory_space<vmem>>, vector<1x16xf32>,
      %get3A_672 = vector.shape_cast %get3A_671 : vector<1x16xf32> to vector<16xf32>
      %mul3A_673 = arith.mulf %get3A_668, %get3A_672 : vector<16xf32>
      %get3A_674 = arith.index_cast %add3A_620 : i32 to index
      %get3A_675 = arith.constant 48 : index
      %get3A_676 = tpu.vector_load %arg13[%get3A_674, %get3A_675] {strides = array<i32>} : memref<128x64xf32, #tpu.memory_space<vmem>>, vector<1x16xf32>,
      %get3A_677 = vector.shape_cast %get3A_676 : vector<1x16xf32> to vector<16xf32>
      %mul3A_678 = arith.mulf %mul3A_673, %get3A_677 : vector<16xf32>
      %add3A_679 = arith.addf %add3A_664, %mul3A_678 : vector<16xf32>
      %xor3A_680 = arith.constant 1 : i32
      %xor3A_681 = vector.broadcast %xor3A_680 : i32 to vector<16xi32>
      %xor3A_682 = arith.xori %iota3A, %xor3A_681 : vector<16xi32>
      %broadcast_in_dim3A_683 = vector.shape_cast %xor3A_682 : vector<16xi32> to vector<16x1xi32>
      %gather3A_684 = vector.shape_cast %broadcast_in_dim3A_683 : vector<16x1xi32> to vector<16xi32>
      %gather3A_685 = tpu.dynamic_gather %add3A_679[%gather3A_684] in [0] : vector<16xf32>, vector<16xi32> -> vector<16xf32>
      %add3A_686 = arith.addf %add3A_679, %gather3A_685 : vector<16xf32>
      %xor3A_687 = arith.constant 2 : i32
      %xor3A_688 = vector.broadcast %xor3A_687 : i32 to vector<16xi32>
      %xor3A_689 = arith.xori %iota3A, %xor3A_688 : vector<16xi32>
      %broadcast_in_dim3A_690 = vector.shape_cast %xor3A_689 : vector<16xi32> to vector<16x1xi32>
      %gather3A_691 = vector.shape_cast %broadcast_in_dim3A_690 : vector<16x1xi32> to vector<16xi32>
      %gather3A_692 = tpu.dynamic_gather %add3A_686[%gather3A_691] in [0] : vector<16xf32>, vector<16xi32> -> vector<16xf32>
      %add3A_693 = arith.addf %add3A_686, %gather3A_692 : vector<16xf32>
      %xor3A_694 = arith.constant 4 : i32
      %xor3A_695 = vector.broadcast %xor3A_694 : i32 to vector<16xi32>
      %xor3A_696 = arith.xori %iota3A, %xor3A_695 : vector<16xi32>
      %broadcast_in_dim3A_697 = vector.shape_cast %xor3A_696 : vector<16xi32> to vector<16x1xi32>
      %gather3A_698 = vector.shape_cast %broadcast_in_dim3A_697 : vector<16x1xi32> to vector<16xi32>
      %gather3A_699 = tpu.dynamic_gather %add3A_693[%gather3A_698] in [0] : vector<16xf32>, vector<16xi32> -> vector<16xf32>
      %add3A_700 = arith.addf %add3A_693, %gather3A_699 : vector<16xf32>
      %xor3A_701 = arith.constant 8 : i32
      %xor3A_702 = vector.broadcast %xor3A_701 : i32 to vector<16xi32>
      %xor3A_703 = arith.xori %iota3A, %xor3A_702 : vector<16xi32>
      %broadcast_in_dim3A_704 = vector.shape_cast %xor3A_703 : vector<16xi32> to vector<16x1xi32>
      %gather3A_705 = vector.shape_cast %broadcast_in_dim3A_704 : vector<16x1xi32> to vector<16xi32>
      %gather3A_706 = tpu.dynamic_gather %add3A_700[%gather3A_705] in [0] : vector<16xf32>, vector<16xi32> -> vector<16xf32>
      %add3A_707 = arith.addf %add3A_700, %gather3A_706 : vector<16xf32>
      %eq3A_708 = arith.constant 6 : i32
      %eq3A_709 = vector.broadcast %eq3A_708 : i32 to vector<16xi32>
      %eq3A_710 = arith.cmpi eq, %iota3A, %eq3A_709 : vector<16xi32>
      %select_n3A_711 = arith.select %eq3A_710, %add3A_707, %select_n3A_616 : vector<16xi1>, vector<16xf32>
      %mul3A_712 = arith.constant 16 : i32
      %mul3A_713 = arith.muli %scan3A_50, %mul3A_712 : i32
      %add3A_714 = arith.constant 7 : i32
      %add3A_715 = arith.addi %mul3A_713, %add3A_714 : i32
      %get3A_716 = arith.index_cast %add3A_715 : i32 to index
      %get3A_717 = arith.constant 0 : index
      %get3A_718 = tpu.vector_load %arg11[%get3A_716, %get3A_717] {strides = array<i32>} : memref<128x64xf32, #tpu.memory_space<vmem>>, vector<1x16xf32>,
      %get3A_719 = vector.shape_cast %get3A_718 : vector<1x16xf32> to vector<16xf32>
      %get3A_720 = arith.index_cast %add3A_715 : i32 to index
      %get3A_721 = arith.constant 0 : index
      %get3A_722 = tpu.vector_load %arg12[%get3A_720, %get3A_721] {strides = array<i32>} : memref<128x64xf32, #tpu.memory_space<vmem>>, vector<1x16xf32>,
      %get3A_723 = vector.shape_cast %get3A_722 : vector<1x16xf32> to vector<16xf32>
      %mul3A_724 = arith.mulf %get3A_719, %get3A_723 : vector<16xf32>
      %get3A_725 = arith.index_cast %add3A_715 : i32 to index
      %get3A_726 = arith.constant 0 : index
      %get3A_727 = tpu.vector_load %arg13[%get3A_725, %get3A_726] {strides = array<i32>} : memref<128x64xf32, #tpu.memory_space<vmem>>, vector<1x16xf32>,
      %get3A_728 = vector.shape_cast %get3A_727 : vector<1x16xf32> to vector<16xf32>
      %mul3A_729 = arith.mulf %mul3A_724, %get3A_728 : vector<16xf32>
      %get3A_730 = arith.index_cast %add3A_715 : i32 to index
      %get3A_731 = arith.constant 16 : index
      %get3A_732 = tpu.vector_load %arg11[%get3A_730, %get3A_731] {strides = array<i32>} : memref<128x64xf32, #tpu.memory_space<vmem>>, vector<1x16xf32>,
      %get3A_733 = vector.shape_cast %get3A_732 : vector<1x16xf32> to vector<16xf32>
      %get3A_734 = arith.index_cast %add3A_715 : i32 to index
      %get3A_735 = arith.constant 16 : index
      %get3A_736 = tpu.vector_load %arg12[%get3A_734, %get3A_735] {strides = array<i32>} : memref<128x64xf32, #tpu.memory_space<vmem>>, vector<1x16xf32>,
      %get3A_737 = vector.shape_cast %get3A_736 : vector<1x16xf32> to vector<16xf32>
      %mul3A_738 = arith.mulf %get3A_733, %get3A_737 : vector<16xf32>
      %get3A_739 = arith.index_cast %add3A_715 : i32 to index
      %get3A_740 = arith.constant 16 : index
      %get3A_741 = tpu.vector_load %arg13[%get3A_739, %get3A_740] {strides = array<i32>} : memref<128x64xf32, #tpu.memory_space<vmem>>, vector<1x16xf32>,
      %get3A_742 = vector.shape_cast %get3A_741 : vector<1x16xf32> to vector<16xf32>
      %mul3A_743 = arith.mulf %mul3A_738, %get3A_742 : vector<16xf32>
      %add3A_744 = arith.addf %mul3A_729, %mul3A_743 : vector<16xf32>
      %get3A_745 = arith.index_cast %add3A_715 : i32 to index
      %get3A_746 = arith.constant 32 : index
      %get3A_747 = tpu.vector_load %arg11[%get3A_745, %get3A_746] {strides = array<i32>} : memref<128x64xf32, #tpu.memory_space<vmem>>, vector<1x16xf32>,
      %get3A_748 = vector.shape_cast %get3A_747 : vector<1x16xf32> to vector<16xf32>
      %get3A_749 = arith.index_cast %add3A_715 : i32 to index
      %get3A_750 = arith.constant 32 : index
      %get3A_751 = tpu.vector_load %arg12[%get3A_749, %get3A_750] {strides = array<i32>} : memref<128x64xf32, #tpu.memory_space<vmem>>, vector<1x16xf32>,
      %get3A_752 = vector.shape_cast %get3A_751 : vector<1x16xf32> to vector<16xf32>
      %mul3A_753 = arith.mulf %get3A_748, %get3A_752 : vector<16xf32>
      %get3A_754 = arith.index_cast %add3A_715 : i32 to index
      %get3A_755 = arith.constant 32 : index
      %get3A_756 = tpu.vector_load %arg13[%get3A_754, %get3A_755] {strides = array<i32>} : memref<128x64xf32, #tpu.memory_space<vmem>>, vector<1x16xf32>,
      %get3A_757 = vector.shape_cast %get3A_756 : vector<1x16xf32> to vector<16xf32>
      %mul3A_758 = arith.mulf %mul3A_753, %get3A_757 : vector<16xf32>
      %add3A_759 = arith.addf %add3A_744, %mul3A_758 : vector<16xf32>
      %get3A_760 = arith.index_cast %add3A_715 : i32 to index
      %get3A_761 = arith.constant 48 : index
      %get3A_762 = tpu.vector_load %arg11[%get3A_760, %get3A_761] {strides = array<i32>} : memref<128x64xf32, #tpu.memory_space<vmem>>, vector<1x16xf32>,
      %get3A_763 = vector.shape_cast %get3A_762 : vector<1x16xf32> to vector<16xf32>
      %get3A_764 = arith.index_cast %add3A_715 : i32 to index
      %get3A_765 = arith.constant 48 : index
      %get3A_766 = tpu.vector_load %arg12[%get3A_764, %get3A_765] {strides = array<i32>} : memref<128x64xf32, #tpu.memory_space<vmem>>, vector<1x16xf32>,
      %get3A_767 = vector.shape_cast %get3A_766 : vector<1x16xf32> to vector<16xf32>
      %mul3A_768 = arith.mulf %get3A_763, %get3A_767 : vector<16xf32>
      %get3A_769 = arith.index_cast %add3A_715 : i32 to index
      %get3A_770 = arith.constant 48 : index
      %get3A_771 = tpu.vector_load %arg13[%get3A_769, %get3A_770] {strides = array<i32>} : memref<128x64xf32, #tpu.memory_space<vmem>>, vector<1x16xf32>,
      %get3A_772 = vector.shape_cast %get3A_771 : vector<1x16xf32> to vector<16xf32>
      %mul3A_773 = arith.mulf %mul3A_768, %get3A_772 : vector<16xf32>
      %add3A_774 = arith.addf %add3A_759, %mul3A_773 : vector<16xf32>
      %xor3A_775 = arith.constant 1 : i32
      %xor3A_776 = vector.broadcast %xor3A_775 : i32 to vector<16xi32>
      %xor3A_777 = arith.xori %iota3A, %xor3A_776 : vector<16xi32>
      %broadcast_in_dim3A_778 = vector.shape_cast %xor3A_777 : vector<16xi32> to vector<16x1xi32>
      %gather3A_779 = vector.shape_cast %broadcast_in_dim3A_778 : vector<16x1xi32> to vector<16xi32>
      %gather3A_780 = tpu.dynamic_gather %add3A_774[%gather3A_779] in [0] : vector<16xf32>, vector<16xi32> -> vector<16xf32>
      %add3A_781 = arith.addf %add3A_774, %gather3A_780 : vector<16xf32>
      %xor3A_782 = arith.constant 2 : i32
      %xor3A_783 = vector.broadcast %xor3A_782 : i32 to vector<16xi32>
      %xor3A_784 = arith.xori %iota3A, %xor3A_783 : vector<16xi32>
      %broadcast_in_dim3A_785 = vector.shape_cast %xor3A_784 : vector<16xi32> to vector<16x1xi32>
      %gather3A_786 = vector.shape_cast %broadcast_in_dim3A_785 : vector<16x1xi32> to vector<16xi32>
      %gather3A_787 = tpu.dynamic_gather %add3A_781[%gather3A_786] in [0] : vector<16xf32>, vector<16xi32> -> vector<16xf32>
      %add3A_788 = arith.addf %add3A_781, %gather3A_787 : vector<16xf32>
      %xor3A_789 = arith.constant 4 : i32
      %xor3A_790 = vector.broadcast %xor3A_789 : i32 to vector<16xi32>
      %xor3A_791 = arith.xori %iota3A, %xor3A_790 : vector<16xi32>
      %broadcast_in_dim3A_792 = vector.shape_cast %xor3A_791 : vector<16xi32> to vector<16x1xi32>
      %gather3A_793 = vector.shape_cast %broadcast_in_dim3A_792 : vector<16x1xi32> to vector<16xi32>
      %gather3A_794 = tpu.dynamic_gather %add3A_788[%gather3A_793] in [0] : vector<16xf32>, vector<16xi32> -> vector<16xf32>
      %add3A_795 = arith.addf %add3A_788, %gather3A_794 : vector<16xf32>
      %xor3A_796 = arith.constant 8 : i32
      %xor3A_797 = vector.broadcast %xor3A_796 : i32 to vector<16xi32>
      %xor3A_798 = arith.xori %iota3A, %xor3A_797 : vector<16xi32>
      %broadcast_in_dim3A_799 = vector.shape_cast %xor3A_798 : vector<16xi32> to vector<16x1xi32>
      %gather3A_800 = vector.shape_cast %broadcast_in_dim3A_799 : vector<16x1xi32> to vector<16xi32>
      %gather3A_801 = tpu.dynamic_gather %add3A_795[%gather3A_800] in [0] : vector<16xf32>, vector<16xi32> -> vector<16xf32>
      %add3A_802 = arith.addf %add3A_795, %gather3A_801 : vector<16xf32>
      %eq3A_803 = arith.constant 7 : i32
      %eq3A_804 = vector.broadcast %eq3A_803 : i32 to vector<16xi32>
      %eq3A_805 = arith.cmpi eq, %iota3A, %eq3A_804 : vector<16xi32>
      %select_n3A_806 = arith.select %eq3A_805, %add3A_802, %select_n3A_711 : vector<16xi1>, vector<16xf32>
      %mul3A_807 = arith.constant 16 : i32
      %mul3A_808 = arith.muli %scan3A_50, %mul3A_807 : i32
      %add3A_809 = arith.constant 8 : i32
      %add3A_810 = arith.addi %mul3A_808, %add3A_809 : i32
      %get3A_811 = arith.index_cast %add3A_810 : i32 to index
      %get3A_812 = arith.constant 0 : index
      %get3A_813 = tpu.vector_load %arg11[%get3A_811, %get3A_812] {strides = array<i32>} : memref<128x64xf32, #tpu.memory_space<vmem>>, vector<1x16xf32>,
      %get3A_814 = vector.shape_cast %get3A_813 : vector<1x16xf32> to vector<16xf32>
      %get3A_815 = arith.index_cast %add3A_810 : i32 to index
      %get3A_816 = arith.constant 0 : index
      %get3A_817 = tpu.vector_load %arg12[%get3A_815, %get3A_816] {strides = array<i32>} : memref<128x64xf32, #tpu.memory_space<vmem>>, vector<1x16xf32>,
      %get3A_818 = vector.shape_cast %get3A_817 : vector<1x16xf32> to vector<16xf32>
      %mul3A_819 = arith.mulf %get3A_814, %get3A_818 : vector<16xf32>
      %get3A_820 = arith.index_cast %add3A_810 : i32 to index
      %get3A_821 = arith.constant 0 : index
      %get3A_822 = tpu.vector_load %arg13[%get3A_820, %get3A_821] {strides = array<i32>} : memref<128x64xf32, #tpu.memory_space<vmem>>, vector<1x16xf32>,
      %get3A_823 = vector.shape_cast %get3A_822 : vector<1x16xf32> to vector<16xf32>
      %mul3A_824 = arith.mulf %mul3A_819, %get3A_823 : vector<16xf32>
      %get3A_825 = arith.index_cast %add3A_810 : i32 to index
      %get3A_826 = arith.constant 16 : index
      %get3A_827 = tpu.vector_load %arg11[%get3A_825, %get3A_826] {strides = array<i32>} : memref<128x64xf32, #tpu.memory_space<vmem>>, vector<1x16xf32>,
      %get3A_828 = vector.shape_cast %get3A_827 : vector<1x16xf32> to vector<16xf32>
      %get3A_829 = arith.index_cast %add3A_810 : i32 to index
      %get3A_830 = arith.constant 16 : index
      %get3A_831 = tpu.vector_load %arg12[%get3A_829, %get3A_830] {strides = array<i32>} : memref<128x64xf32, #tpu.memory_space<vmem>>, vector<1x16xf32>,
      %get3A_832 = vector.shape_cast %get3A_831 : vector<1x16xf32> to vector<16xf32>
      %mul3A_833 = arith.mulf %get3A_828, %get3A_832 : vector<16xf32>
      %get3A_834 = arith.index_cast %add3A_810 : i32 to index
      %get3A_835 = arith.constant 16 : index
      %get3A_836 = tpu.vector_load %arg13[%get3A_834, %get3A_835] {strides = array<i32>} : memref<128x64xf32, #tpu.memory_space<vmem>>, vector<1x16xf32>,
      %get3A_837 = vector.shape_cast %get3A_836 : vector<1x16xf32> to vector<16xf32>
      %mul3A_838 = arith.mulf %mul3A_833, %get3A_837 : vector<16xf32>
      %add3A_839 = arith.addf %mul3A_824, %mul3A_838 : vector<16xf32>
      %get3A_840 = arith.index_cast %add3A_810 : i32 to index
      %get3A_841 = arith.constant 32 : index
      %get3A_842 = tpu.vector_load %arg11[%get3A_840, %get3A_841] {strides = array<i32>} : memref<128x64xf32, #tpu.memory_space<vmem>>, vector<1x16xf32>,
      %get3A_843 = vector.shape_cast %get3A_842 : vector<1x16xf32> to vector<16xf32>
      %get3A_844 = arith.index_cast %add3A_810 : i32 to index
      %get3A_845 = arith.constant 32 : index
      %get3A_846 = tpu.vector_load %arg12[%get3A_844, %get3A_845] {strides = array<i32>} : memref<128x64xf32, #tpu.memory_space<vmem>>, vector<1x16xf32>,
      %get3A_847 = vector.shape_cast %get3A_846 : vector<1x16xf32> to vector<16xf32>
      %mul3A_848 = arith.mulf %get3A_843, %get3A_847 : vector<16xf32>
      %get3A_849 = arith.index_cast %add3A_810 : i32 to index
      %get3A_850 = arith.constant 32 : index
      %get3A_851 = tpu.vector_load %arg13[%get3A_849, %get3A_850] {strides = array<i32>} : memref<128x64xf32, #tpu.memory_space<vmem>>, vector<1x16xf32>,
      %get3A_852 = vector.shape_cast %get3A_851 : vector<1x16xf32> to vector<16xf32>
      %mul3A_853 = arith.mulf %mul3A_848, %get3A_852 : vector<16xf32>
      %add3A_854 = arith.addf %add3A_839, %mul3A_853 : vector<16xf32>
      %get3A_855 = arith.index_cast %add3A_810 : i32 to index
      %get3A_856 = arith.constant 48 : index
      %get3A_857 = tpu.vector_load %arg11[%get3A_855, %get3A_856] {strides = array<i32>} : memref<128x64xf32, #tpu.memory_space<vmem>>, vector<1x16xf32>,
      %get3A_858 = vector.shape_cast %get3A_857 : vector<1x16xf32> to vector<16xf32>
      %get3A_859 = arith.index_cast %add3A_810 : i32 to index
      %get3A_860 = arith.constant 48 : index
      %get3A_861 = tpu.vector_load %arg12[%get3A_859, %get3A_860] {strides = array<i32>} : memref<128x64xf32, #tpu.memory_space<vmem>>, vector<1x16xf32>,
      %get3A_862 = vector.shape_cast %get3A_861 : vector<1x16xf32> to vector<16xf32>
      %mul3A_863 = arith.mulf %get3A_858, %get3A_862 : vector<16xf32>
      %get3A_864 = arith.index_cast %add3A_810 : i32 to index
      %get3A_865 = arith.constant 48 : index
      %get3A_866 = tpu.vector_load %arg13[%get3A_864, %get3A_865] {strides = array<i32>} : memref<128x64xf32, #tpu.memory_space<vmem>>, vector<1x16xf32>,
      %get3A_867 = vector.shape_cast %get3A_866 : vector<1x16xf32> to vector<16xf32>
      %mul3A_868 = arith.mulf %mul3A_863, %get3A_867 : vector<16xf32>
      %add3A_869 = arith.addf %add3A_854, %mul3A_868 : vector<16xf32>
      %xor3A_870 = arith.constant 1 : i32
      %xor3A_871 = vector.broadcast %xor3A_870 : i32 to vector<16xi32>
      %xor3A_872 = arith.xori %iota3A, %xor3A_871 : vector<16xi32>
      %broadcast_in_dim3A_873 = vector.shape_cast %xor3A_872 : vector<16xi32> to vector<16x1xi32>
      %gather3A_874 = vector.shape_cast %broadcast_in_dim3A_873 : vector<16x1xi32> to vector<16xi32>
      %gather3A_875 = tpu.dynamic_gather %add3A_869[%gather3A_874] in [0] : vector<16xf32>, vector<16xi32> -> vector<16xf32>
      %add3A_876 = arith.addf %add3A_869, %gather3A_875 : vector<16xf32>
      %xor3A_877 = arith.constant 2 : i32
      %xor3A_878 = vector.broadcast %xor3A_877 : i32 to vector<16xi32>
      %xor3A_879 = arith.xori %iota3A, %xor3A_878 : vector<16xi32>
      %broadcast_in_dim3A_880 = vector.shape_cast %xor3A_879 : vector<16xi32> to vector<16x1xi32>
      %gather3A_881 = vector.shape_cast %broadcast_in_dim3A_880 : vector<16x1xi32> to vector<16xi32>
      %gather3A_882 = tpu.dynamic_gather %add3A_876[%gather3A_881] in [0] : vector<16xf32>, vector<16xi32> -> vector<16xf32>
      %add3A_883 = arith.addf %add3A_876, %gather3A_882 : vector<16xf32>
      %xor3A_884 = arith.constant 4 : i32
      %xor3A_885 = vector.broadcast %xor3A_884 : i32 to vector<16xi32>
      %xor3A_886 = arith.xori %iota3A, %xor3A_885 : vector<16xi32>
      %broadcast_in_dim3A_887 = vector.shape_cast %xor3A_886 : vector<16xi32> to vector<16x1xi32>
      %gather3A_888 = vector.shape_cast %broadcast_in_dim3A_887 : vector<16x1xi32> to vector<16xi32>
      %gather3A_889 = tpu.dynamic_gather %add3A_883[%gather3A_888] in [0] : vector<16xf32>, vector<16xi32> -> vector<16xf32>
      %add3A_890 = arith.addf %add3A_883, %gather3A_889 : vector<16xf32>
      %xor3A_891 = arith.constant 8 : i32
      %xor3A_892 = vector.broadcast %xor3A_891 : i32 to vector<16xi32>
      %xor3A_893 = arith.xori %iota3A, %xor3A_892 : vector<16xi32>
      %broadcast_in_dim3A_894 = vector.shape_cast %xor3A_893 : vector<16xi32> to vector<16x1xi32>
      %gather3A_895 = vector.shape_cast %broadcast_in_dim3A_894 : vector<16x1xi32> to vector<16xi32>
      %gather3A_896 = tpu.dynamic_gather %add3A_890[%gather3A_895] in [0] : vector<16xf32>, vector<16xi32> -> vector<16xf32>
      %add3A_897 = arith.addf %add3A_890, %gather3A_896 : vector<16xf32>
      %eq3A_898 = arith.constant 8 : i32
      %eq3A_899 = vector.broadcast %eq3A_898 : i32 to vector<16xi32>
      %eq3A_900 = arith.cmpi eq, %iota3A, %eq3A_899 : vector<16xi32>
      %select_n3A_901 = arith.select %eq3A_900, %add3A_897, %select_n3A_806 : vector<16xi1>, vector<16xf32>
      %mul3A_902 = arith.constant 16 : i32
      %mul3A_903 = arith.muli %scan3A_50, %mul3A_902 : i32
      %add3A_904 = arith.constant 9 : i32
      %add3A_905 = arith.addi %mul3A_903, %add3A_904 : i32
      %get3A_906 = arith.index_cast %add3A_905 : i32 to index
      %get3A_907 = arith.constant 0 : index
      %get3A_908 = tpu.vector_load %arg11[%get3A_906, %get3A_907] {strides = array<i32>} : memref<128x64xf32, #tpu.memory_space<vmem>>, vector<1x16xf32>,
      %get3A_909 = vector.shape_cast %get3A_908 : vector<1x16xf32> to vector<16xf32>
      %get3A_910 = arith.index_cast %add3A_905 : i32 to index
      %get3A_911 = arith.constant 0 : index
      %get3A_912 = tpu.vector_load %arg12[%get3A_910, %get3A_911] {strides = array<i32>} : memref<128x64xf32, #tpu.memory_space<vmem>>, vector<1x16xf32>,
      %get3A_913 = vector.shape_cast %get3A_912 : vector<1x16xf32> to vector<16xf32>
      %mul3A_914 = arith.mulf %get3A_909, %get3A_913 : vector<16xf32>
      %get3A_915 = arith.index_cast %add3A_905 : i32 to index
      %get3A_916 = arith.constant 0 : index
      %get3A_917 = tpu.vector_load %arg13[%get3A_915, %get3A_916] {strides = array<i32>} : memref<128x64xf32, #tpu.memory_space<vmem>>, vector<1x16xf32>,
      %get3A_918 = vector.shape_cast %get3A_917 : vector<1x16xf32> to vector<16xf32>
      %mul3A_919 = arith.mulf %mul3A_914, %get3A_918 : vector<16xf32>
      %get3A_920 = arith.index_cast %add3A_905 : i32 to index
      %get3A_921 = arith.constant 16 : index
      %get3A_922 = tpu.vector_load %arg11[%get3A_920, %get3A_921] {strides = array<i32>} : memref<128x64xf32, #tpu.memory_space<vmem>>, vector<1x16xf32>,
      %get3A_923 = vector.shape_cast %get3A_922 : vector<1x16xf32> to vector<16xf32>
      %get3A_924 = arith.index_cast %add3A_905 : i32 to index
      %get3A_925 = arith.constant 16 : index
      %get3A_926 = tpu.vector_load %arg12[%get3A_924, %get3A_925] {strides = array<i32>} : memref<128x64xf32, #tpu.memory_space<vmem>>, vector<1x16xf32>,
      %get3A_927 = vector.shape_cast %get3A_926 : vector<1x16xf32> to vector<16xf32>
      %mul3A_928 = arith.mulf %get3A_923, %get3A_927 : vector<16xf32>
      %get3A_929 = arith.index_cast %add3A_905 : i32 to index
      %get3A_930 = arith.constant 16 : index
      %get3A_931 = tpu.vector_load %arg13[%get3A_929, %get3A_930] {strides = array<i32>} : memref<128x64xf32, #tpu.memory_space<vmem>>, vector<1x16xf32>,
      %get3A_932 = vector.shape_cast %get3A_931 : vector<1x16xf32> to vector<16xf32>
      %mul3A_933 = arith.mulf %mul3A_928, %get3A_932 : vector<16xf32>
      %add3A_934 = arith.addf %mul3A_919, %mul3A_933 : vector<16xf32>
      %get3A_935 = arith.index_cast %add3A_905 : i32 to index
      %get3A_936 = arith.constant 32 : index
      %get3A_937 = tpu.vector_load %arg11[%get3A_935, %get3A_936] {strides = array<i32>} : memref<128x64xf32, #tpu.memory_space<vmem>>, vector<1x16xf32>,
      %get3A_938 = vector.shape_cast %get3A_937 : vector<1x16xf32> to vector<16xf32>
      %get3A_939 = arith.index_cast %add3A_905 : i32 to index
      %get3A_940 = arith.constant 32 : index
      %get3A_941 = tpu.vector_load %arg12[%get3A_939, %get3A_940] {strides = array<i32>} : memref<128x64xf32, #tpu.memory_space<vmem>>, vector<1x16xf32>,
      %get3A_942 = vector.shape_cast %get3A_941 : vector<1x16xf32> to vector<16xf32>
      %mul3A_943 = arith.mulf %get3A_938, %get3A_942 : vector<16xf32>
      %get3A_944 = arith.index_cast %add3A_905 : i32 to index
      %get3A_945 = arith.constant 32 : index
      %get3A_946 = tpu.vector_load %arg13[%get3A_944, %get3A_945] {strides = array<i32>} : memref<128x64xf32, #tpu.memory_space<vmem>>, vector<1x16xf32>,
      %get3A_947 = vector.shape_cast %get3A_946 : vector<1x16xf32> to vector<16xf32>
      %mul3A_948 = arith.mulf %mul3A_943, %get3A_947 : vector<16xf32>
      %add3A_949 = arith.addf %add3A_934, %mul3A_948 : vector<16xf32>
      %get3A_950 = arith.index_cast %add3A_905 : i32 to index
      %get3A_951 = arith.constant 48 : index
      %get3A_952 = tpu.vector_load %arg11[%get3A_950, %get3A_951] {strides = array<i32>} : memref<128x64xf32, #tpu.memory_space<vmem>>, vector<1x16xf32>,
      %get3A_953 = vector.shape_cast %get3A_952 : vector<1x16xf32> to vector<16xf32>
      %get3A_954 = arith.index_cast %add3A_905 : i32 to index
      %get3A_955 = arith.constant 48 : index
      %get3A_956 = tpu.vector_load %arg12[%get3A_954, %get3A_955] {strides = array<i32>} : memref<128x64xf32, #tpu.memory_space<vmem>>, vector<1x16xf32>,
      %get3A_957 = vector.shape_cast %get3A_956 : vector<1x16xf32> to vector<16xf32>
      %mul3A_958 = arith.mulf %get3A_953, %get3A_957 : vector<16xf32>
      %get3A_959 = arith.index_cast %add3A_905 : i32 to index
      %get3A_960 = arith.constant 48 : index
      %get3A_961 = tpu.vector_load %arg13[%get3A_959, %get3A_960] {strides = array<i32>} : memref<128x64xf32, #tpu.memory_space<vmem>>, vector<1x16xf32>,
      %get3A_962 = vector.shape_cast %get3A_961 : vector<1x16xf32> to vector<16xf32>
      %mul3A_963 = arith.mulf %mul3A_958, %get3A_962 : vector<16xf32>
      %add3A_964 = arith.addf %add3A_949, %mul3A_963 : vector<16xf32>
      %xor3A_965 = arith.constant 1 : i32
      %xor3A_966 = vector.broadcast %xor3A_965 : i32 to vector<16xi32>
      %xor3A_967 = arith.xori %iota3A, %xor3A_966 : vector<16xi32>
      %broadcast_in_dim3A_968 = vector.shape_cast %xor3A_967 : vector<16xi32> to vector<16x1xi32>
      %gather3A_969 = vector.shape_cast %broadcast_in_dim3A_968 : vector<16x1xi32> to vector<16xi32>
      %gather3A_970 = tpu.dynamic_gather %add3A_964[%gather3A_969] in [0] : vector<16xf32>, vector<16xi32> -> vector<16xf32>
      %add3A_971 = arith.addf %add3A_964, %gather3A_970 : vector<16xf32>
      %xor3A_972 = arith.constant 2 : i32
      %xor3A_973 = vector.broadcast %xor3A_972 : i32 to vector<16xi32>
      %xor3A_974 = arith.xori %iota3A, %xor3A_973 : vector<16xi32>
      %broadcast_in_dim3A_975 = vector.shape_cast %xor3A_974 : vector<16xi32> to vector<16x1xi32>
      %gather3A_976 = vector.shape_cast %broadcast_in_dim3A_975 : vector<16x1xi32> to vector<16xi32>
      %gather3A_977 = tpu.dynamic_gather %add3A_971[%gather3A_976] in [0] : vector<16xf32>, vector<16xi32> -> vector<16xf32>
      %add3A_978 = arith.addf %add3A_971, %gather3A_977 : vector<16xf32>
      %xor3A_979 = arith.constant 4 : i32
      %xor3A_980 = vector.broadcast %xor3A_979 : i32 to vector<16xi32>
      %xor3A_981 = arith.xori %iota3A, %xor3A_980 : vector<16xi32>
      %broadcast_in_dim3A_982 = vector.shape_cast %xor3A_981 : vector<16xi32> to vector<16x1xi32>
      %gather3A_983 = vector.shape_cast %broadcast_in_dim3A_982 : vector<16x1xi32> to vector<16xi32>
      %gather3A_984 = tpu.dynamic_gather %add3A_978[%gather3A_983] in [0] : vector<16xf32>, vector<16xi32> -> vector<16xf32>
      %add3A_985 = arith.addf %add3A_978, %gather3A_984 : vector<16xf32>
      %xor3A_986 = arith.constant 8 : i32
      %xor3A_987 = vector.broadcast %xor3A_986 : i32 to vector<16xi32>
      %xor3A_988 = arith.xori %iota3A, %xor3A_987 : vector<16xi32>
      %broadcast_in_dim3A_989 = vector.shape_cast %xor3A_988 : vector<16xi32> to vector<16x1xi32>
      %gather3A_990 = vector.shape_cast %broadcast_in_dim3A_989 : vector<16x1xi32> to vector<16xi32>
      %gather3A_991 = tpu.dynamic_gather %add3A_985[%gather3A_990] in [0] : vector<16xf32>, vector<16xi32> -> vector<16xf32>
      %add3A_992 = arith.addf %add3A_985, %gather3A_991 : vector<16xf32>
      %eq3A_993 = arith.constant 9 : i32
      %eq3A_994 = vector.broadcast %eq3A_993 : i32 to vector<16xi32>
      %eq3A_995 = arith.cmpi eq, %iota3A, %eq3A_994 : vector<16xi32>
      %select_n3A_996 = arith.select %eq3A_995, %add3A_992, %select_n3A_901 : vector<16xi1>, vector<16xf32>
      %mul3A_997 = arith.constant 16 : i32
      %mul3A_998 = arith.muli %scan3A_50, %mul3A_997 : i32
      %add3A_999 = arith.constant 10 : i32
      %add3A_1000 = arith.addi %mul3A_998, %add3A_999 : i32
      %get3A_1001 = arith.index_cast %add3A_1000 : i32 to index
      %get3A_1002 = arith.constant 0 : index
      %get3A_1003 = tpu.vector_load %arg11[%get3A_1001, %get3A_1002] {strides = array<i32>} : memref<128x64xf32, #tpu.memory_space<vmem>>, vector<1x16xf32>,
      %get3A_1004 = vector.shape_cast %get3A_1003 : vector<1x16xf32> to vector<16xf32>
      %get3A_1005 = arith.index_cast %add3A_1000 : i32 to index
      %get3A_1006 = arith.constant 0 : index
      %get3A_1007 = tpu.vector_load %arg12[%get3A_1005, %get3A_1006] {strides = array<i32>} : memref<128x64xf32, #tpu.memory_space<vmem>>, vector<1x16xf32>,
      %get3A_1008 = vector.shape_cast %get3A_1007 : vector<1x16xf32> to vector<16xf32>
      %mul3A_1009 = arith.mulf %get3A_1004, %get3A_1008 : vector<16xf32>
      %get3A_1010 = arith.index_cast %add3A_1000 : i32 to index
      %get3A_1011 = arith.constant 0 : index
      %get3A_1012 = tpu.vector_load %arg13[%get3A_1010, %get3A_1011] {strides = array<i32>} : memref<128x64xf32, #tpu.memory_space<vmem>>, vector<1x16xf32>,
      %get3A_1013 = vector.shape_cast %get3A_1012 : vector<1x16xf32> to vector<16xf32>
      %mul3A_1014 = arith.mulf %mul3A_1009, %get3A_1013 : vector<16xf32>
      %get3A_1015 = arith.index_cast %add3A_1000 : i32 to index
      %get3A_1016 = arith.constant 16 : index
      %get3A_1017 = tpu.vector_load %arg11[%get3A_1015, %get3A_1016] {strides = array<i32>} : memref<128x64xf32, #tpu.memory_space<vmem>>, vector<1x16xf32>,
      %get3A_1018 = vector.shape_cast %get3A_1017 : vector<1x16xf32> to vector<16xf32>
      %get3A_1019 = arith.index_cast %add3A_1000 : i32 to index
      %get3A_1020 = arith.constant 16 : index
      %get3A_1021 = tpu.vector_load %arg12[%get3A_1019, %get3A_1020] {strides = array<i32>} : memref<128x64xf32, #tpu.memory_space<vmem>>, vector<1x16xf32>,
      %get3A_1022 = vector.shape_cast %get3A_1021 : vector<1x16xf32> to vector<16xf32>
      %mul3A_1023 = arith.mulf %get3A_1018, %get3A_1022 : vector<16xf32>
      %get3A_1024 = arith.index_cast %add3A_1000 : i32 to index
      %get3A_1025 = arith.constant 16 : index
      %get3A_1026 = tpu.vector_load %arg13[%get3A_1024, %get3A_1025] {strides = array<i32>} : memref<128x64xf32, #tpu.memory_space<vmem>>, vector<1x16xf32>,
      %get3A_1027 = vector.shape_cast %get3A_1026 : vector<1x16xf32> to vector<16xf32>
      %mul3A_1028 = arith.mulf %mul3A_1023, %get3A_1027 : vector<16xf32>
      %add3A_1029 = arith.addf %mul3A_1014, %mul3A_1028 : vector<16xf32>
      %get3A_1030 = arith.index_cast %add3A_1000 : i32 to index
      %get3A_1031 = arith.constant 32 : index
      %get3A_1032 = tpu.vector_load %arg11[%get3A_1030, %get3A_1031] {strides = array<i32>} : memref<128x64xf32, #tpu.memory_space<vmem>>, vector<1x16xf32>,
      %get3A_1033 = vector.shape_cast %get3A_1032 : vector<1x16xf32> to vector<16xf32>
      %get3A_1034 = arith.index_cast %add3A_1000 : i32 to index
      %get3A_1035 = arith.constant 32 : index
      %get3A_1036 = tpu.vector_load %arg12[%get3A_1034, %get3A_1035] {strides = array<i32>} : memref<128x64xf32, #tpu.memory_space<vmem>>, vector<1x16xf32>,
      %get3A_1037 = vector.shape_cast %get3A_1036 : vector<1x16xf32> to vector<16xf32>
      %mul3A_1038 = arith.mulf %get3A_1033, %get3A_1037 : vector<16xf32>
      %get3A_1039 = arith.index_cast %add3A_1000 : i32 to index
      %get3A_1040 = arith.constant 32 : index
      %get3A_1041 = tpu.vector_load %arg13[%get3A_1039, %get3A_1040] {strides = array<i32>} : memref<128x64xf32, #tpu.memory_space<vmem>>, vector<1x16xf32>,
      %get3A_1042 = vector.shape_cast %get3A_1041 : vector<1x16xf32> to vector<16xf32>
      %mul3A_1043 = arith.mulf %mul3A_1038, %get3A_1042 : vector<16xf32>
      %add3A_1044 = arith.addf %add3A_1029, %mul3A_1043 : vector<16xf32>
      %get3A_1045 = arith.index_cast %add3A_1000 : i32 to index
      %get3A_1046 = arith.constant 48 : index
      %get3A_1047 = tpu.vector_load %arg11[%get3A_1045, %get3A_1046] {strides = array<i32>} : memref<128x64xf32, #tpu.memory_space<vmem>>, vector<1x16xf32>,
      %get3A_1048 = vector.shape_cast %get3A_1047 : vector<1x16xf32> to vector<16xf32>
      %get3A_1049 = arith.index_cast %add3A_1000 : i32 to index
      %get3A_1050 = arith.constant 48 : index
      %get3A_1051 = tpu.vector_load %arg12[%get3A_1049, %get3A_1050] {strides = array<i32>} : memref<128x64xf32, #tpu.memory_space<vmem>>, vector<1x16xf32>,
      %get3A_1052 = vector.shape_cast %get3A_1051 : vector<1x16xf32> to vector<16xf32>
      %mul3A_1053 = arith.mulf %get3A_1048, %get3A_1052 : vector<16xf32>
      %get3A_1054 = arith.index_cast %add3A_1000 : i32 to index
      %get3A_1055 = arith.constant 48 : index
      %get3A_1056 = tpu.vector_load %arg13[%get3A_1054, %get3A_1055] {strides = array<i32>} : memref<128x64xf32, #tpu.memory_space<vmem>>, vector<1x16xf32>,
      %get3A_1057 = vector.shape_cast %get3A_1056 : vector<1x16xf32> to vector<16xf32>
      %mul3A_1058 = arith.mulf %mul3A_1053, %get3A_1057 : vector<16xf32>
      %add3A_1059 = arith.addf %add3A_1044, %mul3A_1058 : vector<16xf32>
      %xor3A_1060 = arith.constant 1 : i32
      %xor3A_1061 = vector.broadcast %xor3A_1060 : i32 to vector<16xi32>
      %xor3A_1062 = arith.xori %iota3A, %xor3A_1061 : vector<16xi32>
      %broadcast_in_dim3A_1063 = vector.shape_cast %xor3A_1062 : vector<16xi32> to vector<16x1xi32>
      %gather3A_1064 = vector.shape_cast %broadcast_in_dim3A_1063 : vector<16x1xi32> to vector<16xi32>
      %gather3A_1065 = tpu.dynamic_gather %add3A_1059[%gather3A_1064] in [0] : vector<16xf32>, vector<16xi32> -> vector<16xf32>
      %add3A_1066 = arith.addf %add3A_1059, %gather3A_1065 : vector<16xf32>
      %xor3A_1067 = arith.constant 2 : i32
      %xor3A_1068 = vector.broadcast %xor3A_1067 : i32 to vector<16xi32>
      %xor3A_1069 = arith.xori %iota3A, %xor3A_1068 : vector<16xi32>
      %broadcast_in_dim3A_1070 = vector.shape_cast %xor3A_1069 : vector<16xi32> to vector<16x1xi32>
      %gather3A_1071 = vector.shape_cast %broadcast_in_dim3A_1070 : vector<16x1xi32> to vector<16xi32>
      %gather3A_1072 = tpu.dynamic_gather %add3A_1066[%gather3A_1071] in [0] : vector<16xf32>, vector<16xi32> -> vector<16xf32>
      %add3A_1073 = arith.addf %add3A_1066, %gather3A_1072 : vector<16xf32>
      %xor3A_1074 = arith.constant 4 : i32
      %xor3A_1075 = vector.broadcast %xor3A_1074 : i32 to vector<16xi32>
      %xor3A_1076 = arith.xori %iota3A, %xor3A_1075 : vector<16xi32>
      %broadcast_in_dim3A_1077 = vector.shape_cast %xor3A_1076 : vector<16xi32> to vector<16x1xi32>
      %gather3A_1078 = vector.shape_cast %broadcast_in_dim3A_1077 : vector<16x1xi32> to vector<16xi32>
      %gather3A_1079 = tpu.dynamic_gather %add3A_1073[%gather3A_1078] in [0] : vector<16xf32>, vector<16xi32> -> vector<16xf32>
      %add3A_1080 = arith.addf %add3A_1073, %gather3A_1079 : vector<16xf32>
      %xor3A_1081 = arith.constant 8 : i32
      %xor3A_1082 = vector.broadcast %xor3A_1081 : i32 to vector<16xi32>
      %xor3A_1083 = arith.xori %iota3A, %xor3A_1082 : vector<16xi32>
      %broadcast_in_dim3A_1084 = vector.shape_cast %xor3A_1083 : vector<16xi32> to vector<16x1xi32>
      %gather3A_1085 = vector.shape_cast %broadcast_in_dim3A_1084 : vector<16x1xi32> to vector<16xi32>
      %gather3A_1086 = tpu.dynamic_gather %add3A_1080[%gather3A_1085] in [0] : vector<16xf32>, vector<16xi32> -> vector<16xf32>
      %add3A_1087 = arith.addf %add3A_1080, %gather3A_1086 : vector<16xf32>
      %eq3A_1088 = arith.constant 10 : i32
      %eq3A_1089 = vector.broadcast %eq3A_1088 : i32 to vector<16xi32>
      %eq3A_1090 = arith.cmpi eq, %iota3A, %eq3A_1089 : vector<16xi32>
      %select_n3A_1091 = arith.select %eq3A_1090, %add3A_1087, %select_n3A_996 : vector<16xi1>, vector<16xf32>
      %mul3A_1092 = arith.constant 16 : i32
      %mul3A_1093 = arith.muli %scan3A_50, %mul3A_1092 : i32
      %add3A_1094 = arith.constant 11 : i32
      %add3A_1095 = arith.addi %mul3A_1093, %add3A_1094 : i32
      %get3A_1096 = arith.index_cast %add3A_1095 : i32 to index
      %get3A_1097 = arith.constant 0 : index
      %get3A_1098 = tpu.vector_load %arg11[%get3A_1096, %get3A_1097] {strides = array<i32>} : memref<128x64xf32, #tpu.memory_space<vmem>>, vector<1x16xf32>,
      %get3A_1099 = vector.shape_cast %get3A_1098 : vector<1x16xf32> to vector<16xf32>
      %get3A_1100 = arith.index_cast %add3A_1095 : i32 to index
      %get3A_1101 = arith.constant 0 : index
      %get3A_1102 = tpu.vector_load %arg12[%get3A_1100, %get3A_1101] {strides = array<i32>} : memref<128x64xf32, #tpu.memory_space<vmem>>, vector<1x16xf32>,
      %get3A_1103 = vector.shape_cast %get3A_1102 : vector<1x16xf32> to vector<16xf32>
      %mul3A_1104 = arith.mulf %get3A_1099, %get3A_1103 : vector<16xf32>
      %get3A_1105 = arith.index_cast %add3A_1095 : i32 to index
      %get3A_1106 = arith.constant 0 : index
      %get3A_1107 = tpu.vector_load %arg13[%get3A_1105, %get3A_1106] {strides = array<i32>} : memref<128x64xf32, #tpu.memory_space<vmem>>, vector<1x16xf32>,
      %get3A_1108 = vector.shape_cast %get3A_1107 : vector<1x16xf32> to vector<16xf32>
      %mul3A_1109 = arith.mulf %mul3A_1104, %get3A_1108 : vector<16xf32>
      %get3A_1110 = arith.index_cast %add3A_1095 : i32 to index
      %get3A_1111 = arith.constant 16 : index
      %get3A_1112 = tpu.vector_load %arg11[%get3A_1110, %get3A_1111] {strides = array<i32>} : memref<128x64xf32, #tpu.memory_space<vmem>>, vector<1x16xf32>,
      %get3A_1113 = vector.shape_cast %get3A_1112 : vector<1x16xf32> to vector<16xf32>
      %get3A_1114 = arith.index_cast %add3A_1095 : i32 to index
      %get3A_1115 = arith.constant 16 : index
      %get3A_1116 = tpu.vector_load %arg12[%get3A_1114, %get3A_1115] {strides = array<i32>} : memref<128x64xf32, #tpu.memory_space<vmem>>, vector<1x16xf32>,
      %get3A_1117 = vector.shape_cast %get3A_1116 : vector<1x16xf32> to vector<16xf32>
      %mul3A_1118 = arith.mulf %get3A_1113, %get3A_1117 : vector<16xf32>
      %get3A_1119 = arith.index_cast %add3A_1095 : i32 to index
      %get3A_1120 = arith.constant 16 : index
      %get3A_1121 = tpu.vector_load %arg13[%get3A_1119, %get3A_1120] {strides = array<i32>} : memref<128x64xf32, #tpu.memory_space<vmem>>, vector<1x16xf32>,
      %get3A_1122 = vector.shape_cast %get3A_1121 : vector<1x16xf32> to vector<16xf32>
      %mul3A_1123 = arith.mulf %mul3A_1118, %get3A_1122 : vector<16xf32>
      %add3A_1124 = arith.addf %mul3A_1109, %mul3A_1123 : vector<16xf32>
      %get3A_1125 = arith.index_cast %add3A_1095 : i32 to index
      %get3A_1126 = arith.constant 32 : index
      %get3A_1127 = tpu.vector_load %arg11[%get3A_1125, %get3A_1126] {strides = array<i32>} : memref<128x64xf32, #tpu.memory_space<vmem>>, vector<1x16xf32>,
      %get3A_1128 = vector.shape_cast %get3A_1127 : vector<1x16xf32> to vector<16xf32>
      %get3A_1129 = arith.index_cast %add3A_1095 : i32 to index
      %get3A_1130 = arith.constant 32 : index
      %get3A_1131 = tpu.vector_load %arg12[%get3A_1129, %get3A_1130] {strides = array<i32>} : memref<128x64xf32, #tpu.memory_space<vmem>>, vector<1x16xf32>,
      %get3A_1132 = vector.shape_cast %get3A_1131 : vector<1x16xf32> to vector<16xf32>
      %mul3A_1133 = arith.mulf %get3A_1128, %get3A_1132 : vector<16xf32>
      %get3A_1134 = arith.index_cast %add3A_1095 : i32 to index
      %get3A_1135 = arith.constant 32 : index
      %get3A_1136 = tpu.vector_load %arg13[%get3A_1134, %get3A_1135] {strides = array<i32>} : memref<128x64xf32, #tpu.memory_space<vmem>>, vector<1x16xf32>,
      %get3A_1137 = vector.shape_cast %get3A_1136 : vector<1x16xf32> to vector<16xf32>
      %mul3A_1138 = arith.mulf %mul3A_1133, %get3A_1137 : vector<16xf32>
      %add3A_1139 = arith.addf %add3A_1124, %mul3A_1138 : vector<16xf32>
      %get3A_1140 = arith.index_cast %add3A_1095 : i32 to index
      %get3A_1141 = arith.constant 48 : index
      %get3A_1142 = tpu.vector_load %arg11[%get3A_1140, %get3A_1141] {strides = array<i32>} : memref<128x64xf32, #tpu.memory_space<vmem>>, vector<1x16xf32>,
      %get3A_1143 = vector.shape_cast %get3A_1142 : vector<1x16xf32> to vector<16xf32>
      %get3A_1144 = arith.index_cast %add3A_1095 : i32 to index
      %get3A_1145 = arith.constant 48 : index
      %get3A_1146 = tpu.vector_load %arg12[%get3A_1144, %get3A_1145] {strides = array<i32>} : memref<128x64xf32, #tpu.memory_space<vmem>>, vector<1x16xf32>,
      %get3A_1147 = vector.shape_cast %get3A_1146 : vector<1x16xf32> to vector<16xf32>
      %mul3A_1148 = arith.mulf %get3A_1143, %get3A_1147 : vector<16xf32>
      %get3A_1149 = arith.index_cast %add3A_1095 : i32 to index
      %get3A_1150 = arith.constant 48 : index
      %get3A_1151 = tpu.vector_load %arg13[%get3A_1149, %get3A_1150] {strides = array<i32>} : memref<128x64xf32, #tpu.memory_space<vmem>>, vector<1x16xf32>,
      %get3A_1152 = vector.shape_cast %get3A_1151 : vector<1x16xf32> to vector<16xf32>
      %mul3A_1153 = arith.mulf %mul3A_1148, %get3A_1152 : vector<16xf32>
      %add3A_1154 = arith.addf %add3A_1139, %mul3A_1153 : vector<16xf32>
      %xor3A_1155 = arith.constant 1 : i32
      %xor3A_1156 = vector.broadcast %xor3A_1155 : i32 to vector<16xi32>
      %xor3A_1157 = arith.xori %iota3A, %xor3A_1156 : vector<16xi32>
      %broadcast_in_dim3A_1158 = vector.shape_cast %xor3A_1157 : vector<16xi32> to vector<16x1xi32>
      %gather3A_1159 = vector.shape_cast %broadcast_in_dim3A_1158 : vector<16x1xi32> to vector<16xi32>
      %gather3A_1160 = tpu.dynamic_gather %add3A_1154[%gather3A_1159] in [0] : vector<16xf32>, vector<16xi32> -> vector<16xf32>
      %add3A_1161 = arith.addf %add3A_1154, %gather3A_1160 : vector<16xf32>
      %xor3A_1162 = arith.constant 2 : i32
      %xor3A_1163 = vector.broadcast %xor3A_1162 : i32 to vector<16xi32>
      %xor3A_1164 = arith.xori %iota3A, %xor3A_1163 : vector<16xi32>
      %broadcast_in_dim3A_1165 = vector.shape_cast %xor3A_1164 : vector<16xi32> to vector<16x1xi32>
      %gather3A_1166 = vector.shape_cast %broadcast_in_dim3A_1165 : vector<16x1xi32> to vector<16xi32>
      %gather3A_1167 = tpu.dynamic_gather %add3A_1161[%gather3A_1166] in [0] : vector<16xf32>, vector<16xi32> -> vector<16xf32>
      %add3A_1168 = arith.addf %add3A_1161, %gather3A_1167 : vector<16xf32>
      %xor3A_1169 = arith.constant 4 : i32
      %xor3A_1170 = vector.broadcast %xor3A_1169 : i32 to vector<16xi32>
      %xor3A_1171 = arith.xori %iota3A, %xor3A_1170 : vector<16xi32>
      %broadcast_in_dim3A_1172 = vector.shape_cast %xor3A_1171 : vector<16xi32> to vector<16x1xi32>
      %gather3A_1173 = vector.shape_cast %broadcast_in_dim3A_1172 : vector<16x1xi32> to vector<16xi32>
      %gather3A_1174 = tpu.dynamic_gather %add3A_1168[%gather3A_1173] in [0] : vector<16xf32>, vector<16xi32> -> vector<16xf32>
      %add3A_1175 = arith.addf %add3A_1168, %gather3A_1174 : vector<16xf32>
      %xor3A_1176 = arith.constant 8 : i32
      %xor3A_1177 = vector.broadcast %xor3A_1176 : i32 to vector<16xi32>
      %xor3A_1178 = arith.xori %iota3A, %xor3A_1177 : vector<16xi32>
      %broadcast_in_dim3A_1179 = vector.shape_cast %xor3A_1178 : vector<16xi32> to vector<16x1xi32>
      %gather3A_1180 = vector.shape_cast %broadcast_in_dim3A_1179 : vector<16x1xi32> to vector<16xi32>
      %gather3A_1181 = tpu.dynamic_gather %add3A_1175[%gather3A_1180] in [0] : vector<16xf32>, vector<16xi32> -> vector<16xf32>
      %add3A_1182 = arith.addf %add3A_1175, %gather3A_1181 : vector<16xf32>
      %eq3A_1183 = arith.constant 11 : i32
      %eq3A_1184 = vector.broadcast %eq3A_1183 : i32 to vector<16xi32>
      %eq3A_1185 = arith.cmpi eq, %iota3A, %eq3A_1184 : vector<16xi32>
      %select_n3A_1186 = arith.select %eq3A_1185, %add3A_1182, %select_n3A_1091 : vector<16xi1>, vector<16xf32>
      %mul3A_1187 = arith.constant 16 : i32
      %mul3A_1188 = arith.muli %scan3A_50, %mul3A_1187 : i32
      %add3A_1189 = arith.constant 12 : i32
      %add3A_1190 = arith.addi %mul3A_1188, %add3A_1189 : i32
      %get3A_1191 = arith.index_cast %add3A_1190 : i32 to index
      %get3A_1192 = arith.constant 0 : index
      %get3A_1193 = tpu.vector_load %arg11[%get3A_1191, %get3A_1192] {strides = array<i32>} : memref<128x64xf32, #tpu.memory_space<vmem>>, vector<1x16xf32>,
      %get3A_1194 = vector.shape_cast %get3A_1193 : vector<1x16xf32> to vector<16xf32>
      %get3A_1195 = arith.index_cast %add3A_1190 : i32 to index
      %get3A_1196 = arith.constant 0 : index
      %get3A_1197 = tpu.vector_load %arg12[%get3A_1195, %get3A_1196] {strides = array<i32>} : memref<128x64xf32, #tpu.memory_space<vmem>>, vector<1x16xf32>,
      %get3A_1198 = vector.shape_cast %get3A_1197 : vector<1x16xf32> to vector<16xf32>
      %mul3A_1199 = arith.mulf %get3A_1194, %get3A_1198 : vector<16xf32>
      %get3A_1200 = arith.index_cast %add3A_1190 : i32 to index
      %get3A_1201 = arith.constant 0 : index
      %get3A_1202 = tpu.vector_load %arg13[%get3A_1200, %get3A_1201] {strides = array<i32>} : memref<128x64xf32, #tpu.memory_space<vmem>>, vector<1x16xf32>,
      %get3A_1203 = vector.shape_cast %get3A_1202 : vector<1x16xf32> to vector<16xf32>
      %mul3A_1204 = arith.mulf %mul3A_1199, %get3A_1203 : vector<16xf32>
      %get3A_1205 = arith.index_cast %add3A_1190 : i32 to index
      %get3A_1206 = arith.constant 16 : index
      %get3A_1207 = tpu.vector_load %arg11[%get3A_1205, %get3A_1206] {strides = array<i32>} : memref<128x64xf32, #tpu.memory_space<vmem>>, vector<1x16xf32>,
      %get3A_1208 = vector.shape_cast %get3A_1207 : vector<1x16xf32> to vector<16xf32>
      %get3A_1209 = arith.index_cast %add3A_1190 : i32 to index
      %get3A_1210 = arith.constant 16 : index
      %get3A_1211 = tpu.vector_load %arg12[%get3A_1209, %get3A_1210] {strides = array<i32>} : memref<128x64xf32, #tpu.memory_space<vmem>>, vector<1x16xf32>,
      %get3A_1212 = vector.shape_cast %get3A_1211 : vector<1x16xf32> to vector<16xf32>
      %mul3A_1213 = arith.mulf %get3A_1208, %get3A_1212 : vector<16xf32>
      %get3A_1214 = arith.index_cast %add3A_1190 : i32 to index
      %get3A_1215 = arith.constant 16 : index
      %get3A_1216 = tpu.vector_load %arg13[%get3A_1214, %get3A_1215] {strides = array<i32>} : memref<128x64xf32, #tpu.memory_space<vmem>>, vector<1x16xf32>,
      %get3A_1217 = vector.shape_cast %get3A_1216 : vector<1x16xf32> to vector<16xf32>
      %mul3A_1218 = arith.mulf %mul3A_1213, %get3A_1217 : vector<16xf32>
      %add3A_1219 = arith.addf %mul3A_1204, %mul3A_1218 : vector<16xf32>
      %get3A_1220 = arith.index_cast %add3A_1190 : i32 to index
      %get3A_1221 = arith.constant 32 : index
      %get3A_1222 = tpu.vector_load %arg11[%get3A_1220, %get3A_1221] {strides = array<i32>} : memref<128x64xf32, #tpu.memory_space<vmem>>, vector<1x16xf32>,
      %get3A_1223 = vector.shape_cast %get3A_1222 : vector<1x16xf32> to vector<16xf32>
      %get3A_1224 = arith.index_cast %add3A_1190 : i32 to index
      %get3A_1225 = arith.constant 32 : index
      %get3A_1226 = tpu.vector_load %arg12[%get3A_1224, %get3A_1225] {strides = array<i32>} : memref<128x64xf32, #tpu.memory_space<vmem>>, vector<1x16xf32>,
      %get3A_1227 = vector.shape_cast %get3A_1226 : vector<1x16xf32> to vector<16xf32>
      %mul3A_1228 = arith.mulf %get3A_1223, %get3A_1227 : vector<16xf32>
      %get3A_1229 = arith.index_cast %add3A_1190 : i32 to index
      %get3A_1230 = arith.constant 32 : index
      %get3A_1231 = tpu.vector_load %arg13[%get3A_1229, %get3A_1230] {strides = array<i32>} : memref<128x64xf32, #tpu.memory_space<vmem>>, vector<1x16xf32>,
      %get3A_1232 = vector.shape_cast %get3A_1231 : vector<1x16xf32> to vector<16xf32>
      %mul3A_1233 = arith.mulf %mul3A_1228, %get3A_1232 : vector<16xf32>
      %add3A_1234 = arith.addf %add3A_1219, %mul3A_1233 : vector<16xf32>
      %get3A_1235 = arith.index_cast %add3A_1190 : i32 to index
      %get3A_1236 = arith.constant 48 : index
      %get3A_1237 = tpu.vector_load %arg11[%get3A_1235, %get3A_1236] {strides = array<i32>} : memref<128x64xf32, #tpu.memory_space<vmem>>, vector<1x16xf32>,
      %get3A_1238 = vector.shape_cast %get3A_1237 : vector<1x16xf32> to vector<16xf32>
      %get3A_1239 = arith.index_cast %add3A_1190 : i32 to index
      %get3A_1240 = arith.constant 48 : index
      %get3A_1241 = tpu.vector_load %arg12[%get3A_1239, %get3A_1240] {strides = array<i32>} : memref<128x64xf32, #tpu.memory_space<vmem>>, vector<1x16xf32>,
      %get3A_1242 = vector.shape_cast %get3A_1241 : vector<1x16xf32> to vector<16xf32>
      %mul3A_1243 = arith.mulf %get3A_1238, %get3A_1242 : vector<16xf32>
      %get3A_1244 = arith.index_cast %add3A_1190 : i32 to index
      %get3A_1245 = arith.constant 48 : index
      %get3A_1246 = tpu.vector_load %arg13[%get3A_1244, %get3A_1245] {strides = array<i32>} : memref<128x64xf32, #tpu.memory_space<vmem>>, vector<1x16xf32>,
      %get3A_1247 = vector.shape_cast %get3A_1246 : vector<1x16xf32> to vector<16xf32>
      %mul3A_1248 = arith.mulf %mul3A_1243, %get3A_1247 : vector<16xf32>
      %add3A_1249 = arith.addf %add3A_1234, %mul3A_1248 : vector<16xf32>
      %xor3A_1250 = arith.constant 1 : i32
      %xor3A_1251 = vector.broadcast %xor3A_1250 : i32 to vector<16xi32>
      %xor3A_1252 = arith.xori %iota3A, %xor3A_1251 : vector<16xi32>
      %broadcast_in_dim3A_1253 = vector.shape_cast %xor3A_1252 : vector<16xi32> to vector<16x1xi32>
      %gather3A_1254 = vector.shape_cast %broadcast_in_dim3A_1253 : vector<16x1xi32> to vector<16xi32>
      %gather3A_1255 = tpu.dynamic_gather %add3A_1249[%gather3A_1254] in [0] : vector<16xf32>, vector<16xi32> -> vector<16xf32>
      %add3A_1256 = arith.addf %add3A_1249, %gather3A_1255 : vector<16xf32>
      %xor3A_1257 = arith.constant 2 : i32
      %xor3A_1258 = vector.broadcast %xor3A_1257 : i32 to vector<16xi32>
      %xor3A_1259 = arith.xori %iota3A, %xor3A_1258 : vector<16xi32>
      %broadcast_in_dim3A_1260 = vector.shape_cast %xor3A_1259 : vector<16xi32> to vector<16x1xi32>
      %gather3A_1261 = vector.shape_cast %broadcast_in_dim3A_1260 : vector<16x1xi32> to vector<16xi32>
      %gather3A_1262 = tpu.dynamic_gather %add3A_1256[%gather3A_1261] in [0] : vector<16xf32>, vector<16xi32> -> vector<16xf32>
      %add3A_1263 = arith.addf %add3A_1256, %gather3A_1262 : vector<16xf32>
      %xor3A_1264 = arith.constant 4 : i32
      %xor3A_1265 = vector.broadcast %xor3A_1264 : i32 to vector<16xi32>
      %xor3A_1266 = arith.xori %iota3A, %xor3A_1265 : vector<16xi32>
      %broadcast_in_dim3A_1267 = vector.shape_cast %xor3A_1266 : vector<16xi32> to vector<16x1xi32>
      %gather3A_1268 = vector.shape_cast %broadcast_in_dim3A_1267 : vector<16x1xi32> to vector<16xi32>
      %gather3A_1269 = tpu.dynamic_gather %add3A_1263[%gather3A_1268] in [0] : vector<16xf32>, vector<16xi32> -> vector<16xf32>
      %add3A_1270 = arith.addf %add3A_1263, %gather3A_1269 : vector<16xf32>
      %xor3A_1271 = arith.constant 8 : i32
      %xor3A_1272 = vector.broadcast %xor3A_1271 : i32 to vector<16xi32>
      %xor3A_1273 = arith.xori %iota3A, %xor3A_1272 : vector<16xi32>
      %broadcast_in_dim3A_1274 = vector.shape_cast %xor3A_1273 : vector<16xi32> to vector<16x1xi32>
      %gather3A_1275 = vector.shape_cast %broadcast_in_dim3A_1274 : vector<16x1xi32> to vector<16xi32>
      %gather3A_1276 = tpu.dynamic_gather %add3A_1270[%gather3A_1275] in [0] : vector<16xf32>, vector<16xi32> -> vector<16xf32>
      %add3A_1277 = arith.addf %add3A_1270, %gather3A_1276 : vector<16xf32>
      %eq3A_1278 = arith.constant 12 : i32
      %eq3A_1279 = vector.broadcast %eq3A_1278 : i32 to vector<16xi32>
      %eq3A_1280 = arith.cmpi eq, %iota3A, %eq3A_1279 : vector<16xi32>
      %select_n3A_1281 = arith.select %eq3A_1280, %add3A_1277, %select_n3A_1186 : vector<16xi1>, vector<16xf32>
      %mul3A_1282 = arith.constant 16 : i32
      %mul3A_1283 = arith.muli %scan3A_50, %mul3A_1282 : i32
      %add3A_1284 = arith.constant 13 : i32
      %add3A_1285 = arith.addi %mul3A_1283, %add3A_1284 : i32
      %get3A_1286 = arith.index_cast %add3A_1285 : i32 to index
      %get3A_1287 = arith.constant 0 : index
      %get3A_1288 = tpu.vector_load %arg11[%get3A_1286, %get3A_1287] {strides = array<i32>} : memref<128x64xf32, #tpu.memory_space<vmem>>, vector<1x16xf32>,
      %get3A_1289 = vector.shape_cast %get3A_1288 : vector<1x16xf32> to vector<16xf32>
      %get3A_1290 = arith.index_cast %add3A_1285 : i32 to index
      %get3A_1291 = arith.constant 0 : index
      %get3A_1292 = tpu.vector_load %arg12[%get3A_1290, %get3A_1291] {strides = array<i32>} : memref<128x64xf32, #tpu.memory_space<vmem>>, vector<1x16xf32>,
      %get3A_1293 = vector.shape_cast %get3A_1292 : vector<1x16xf32> to vector<16xf32>
      %mul3A_1294 = arith.mulf %get3A_1289, %get3A_1293 : vector<16xf32>
      %get3A_1295 = arith.index_cast %add3A_1285 : i32 to index
      %get3A_1296 = arith.constant 0 : index
      %get3A_1297 = tpu.vector_load %arg13[%get3A_1295, %get3A_1296] {strides = array<i32>} : memref<128x64xf32, #tpu.memory_space<vmem>>, vector<1x16xf32>,
      %get3A_1298 = vector.shape_cast %get3A_1297 : vector<1x16xf32> to vector<16xf32>
      %mul3A_1299 = arith.mulf %mul3A_1294, %get3A_1298 : vector<16xf32>
      %get3A_1300 = arith.index_cast %add3A_1285 : i32 to index
      %get3A_1301 = arith.constant 16 : index
      %get3A_1302 = tpu.vector_load %arg11[%get3A_1300, %get3A_1301] {strides = array<i32>} : memref<128x64xf32, #tpu.memory_space<vmem>>, vector<1x16xf32>,
      %get3A_1303 = vector.shape_cast %get3A_1302 : vector<1x16xf32> to vector<16xf32>
      %get3A_1304 = arith.index_cast %add3A_1285 : i32 to index
      %get3A_1305 = arith.constant 16 : index
      %get3A_1306 = tpu.vector_load %arg12[%get3A_1304, %get3A_1305] {strides = array<i32>} : memref<128x64xf32, #tpu.memory_space<vmem>>, vector<1x16xf32>,
      %get3A_1307 = vector.shape_cast %get3A_1306 : vector<1x16xf32> to vector<16xf32>
      %mul3A_1308 = arith.mulf %get3A_1303, %get3A_1307 : vector<16xf32>
      %get3A_1309 = arith.index_cast %add3A_1285 : i32 to index
      %get3A_1310 = arith.constant 16 : index
      %get3A_1311 = tpu.vector_load %arg13[%get3A_1309, %get3A_1310] {strides = array<i32>} : memref<128x64xf32, #tpu.memory_space<vmem>>, vector<1x16xf32>,
      %get3A_1312 = vector.shape_cast %get3A_1311 : vector<1x16xf32> to vector<16xf32>
      %mul3A_1313 = arith.mulf %mul3A_1308, %get3A_1312 : vector<16xf32>
      %add3A_1314 = arith.addf %mul3A_1299, %mul3A_1313 : vector<16xf32>
      %get3A_1315 = arith.index_cast %add3A_1285 : i32 to index
      %get3A_1316 = arith.constant 32 : index
      %get3A_1317 = tpu.vector_load %arg11[%get3A_1315, %get3A_1316] {strides = array<i32>} : memref<128x64xf32, #tpu.memory_space<vmem>>, vector<1x16xf32>,
      %get3A_1318 = vector.shape_cast %get3A_1317 : vector<1x16xf32> to vector<16xf32>
      %get3A_1319 = arith.index_cast %add3A_1285 : i32 to index
      %get3A_1320 = arith.constant 32 : index
      %get3A_1321 = tpu.vector_load %arg12[%get3A_1319, %get3A_1320] {strides = array<i32>} : memref<128x64xf32, #tpu.memory_space<vmem>>, vector<1x16xf32>,
      %get3A_1322 = vector.shape_cast %get3A_1321 : vector<1x16xf32> to vector<16xf32>
      %mul3A_1323 = arith.mulf %get3A_1318, %get3A_1322 : vector<16xf32>
      %get3A_1324 = arith.index_cast %add3A_1285 : i32 to index
      %get3A_1325 = arith.constant 32 : index
      %get3A_1326 = tpu.vector_load %arg13[%get3A_1324, %get3A_1325] {strides = array<i32>} : memref<128x64xf32, #tpu.memory_space<vmem>>, vector<1x16xf32>,
      %get3A_1327 = vector.shape_cast %get3A_1326 : vector<1x16xf32> to vector<16xf32>
      %mul3A_1328 = arith.mulf %mul3A_1323, %get3A_1327 : vector<16xf32>
      %add3A_1329 = arith.addf %add3A_1314, %mul3A_1328 : vector<16xf32>
      %get3A_1330 = arith.index_cast %add3A_1285 : i32 to index
      %get3A_1331 = arith.constant 48 : index
      %get3A_1332 = tpu.vector_load %arg11[%get3A_1330, %get3A_1331] {strides = array<i32>} : memref<128x64xf32, #tpu.memory_space<vmem>>, vector<1x16xf32>,
      %get3A_1333 = vector.shape_cast %get3A_1332 : vector<1x16xf32> to vector<16xf32>
      %get3A_1334 = arith.index_cast %add3A_1285 : i32 to index
      %get3A_1335 = arith.constant 48 : index
      %get3A_1336 = tpu.vector_load %arg12[%get3A_1334, %get3A_1335] {strides = array<i32>} : memref<128x64xf32, #tpu.memory_space<vmem>>, vector<1x16xf32>,
      %get3A_1337 = vector.shape_cast %get3A_1336 : vector<1x16xf32> to vector<16xf32>
      %mul3A_1338 = arith.mulf %get3A_1333, %get3A_1337 : vector<16xf32>
      %get3A_1339 = arith.index_cast %add3A_1285 : i32 to index
      %get3A_1340 = arith.constant 48 : index
      %get3A_1341 = tpu.vector_load %arg13[%get3A_1339, %get3A_1340] {strides = array<i32>} : memref<128x64xf32, #tpu.memory_space<vmem>>, vector<1x16xf32>,
      %get3A_1342 = vector.shape_cast %get3A_1341 : vector<1x16xf32> to vector<16xf32>
      %mul3A_1343 = arith.mulf %mul3A_1338, %get3A_1342 : vector<16xf32>
      %add3A_1344 = arith.addf %add3A_1329, %mul3A_1343 : vector<16xf32>
      %xor3A_1345 = arith.constant 1 : i32
      %xor3A_1346 = vector.broadcast %xor3A_1345 : i32 to vector<16xi32>
      %xor3A_1347 = arith.xori %iota3A, %xor3A_1346 : vector<16xi32>
      %broadcast_in_dim3A_1348 = vector.shape_cast %xor3A_1347 : vector<16xi32> to vector<16x1xi32>
      %gather3A_1349 = vector.shape_cast %broadcast_in_dim3A_1348 : vector<16x1xi32> to vector<16xi32>
      %gather3A_1350 = tpu.dynamic_gather %add3A_1344[%gather3A_1349] in [0] : vector<16xf32>, vector<16xi32> -> vector<16xf32>
      %add3A_1351 = arith.addf %add3A_1344, %gather3A_1350 : vector<16xf32>
      %xor3A_1352 = arith.constant 2 : i32
      %xor3A_1353 = vector.broadcast %xor3A_1352 : i32 to vector<16xi32>
      %xor3A_1354 = arith.xori %iota3A, %xor3A_1353 : vector<16xi32>
      %broadcast_in_dim3A_1355 = vector.shape_cast %xor3A_1354 : vector<16xi32> to vector<16x1xi32>
      %gather3A_1356 = vector.shape_cast %broadcast_in_dim3A_1355 : vector<16x1xi32> to vector<16xi32>
      %gather3A_1357 = tpu.dynamic_gather %add3A_1351[%gather3A_1356] in [0] : vector<16xf32>, vector<16xi32> -> vector<16xf32>
      %add3A_1358 = arith.addf %add3A_1351, %gather3A_1357 : vector<16xf32>
      %xor3A_1359 = arith.constant 4 : i32
      %xor3A_1360 = vector.broadcast %xor3A_1359 : i32 to vector<16xi32>
      %xor3A_1361 = arith.xori %iota3A, %xor3A_1360 : vector<16xi32>
      %broadcast_in_dim3A_1362 = vector.shape_cast %xor3A_1361 : vector<16xi32> to vector<16x1xi32>
      %gather3A_1363 = vector.shape_cast %broadcast_in_dim3A_1362 : vector<16x1xi32> to vector<16xi32>
      %gather3A_1364 = tpu.dynamic_gather %add3A_1358[%gather3A_1363] in [0] : vector<16xf32>, vector<16xi32> -> vector<16xf32>
      %add3A_1365 = arith.addf %add3A_1358, %gather3A_1364 : vector<16xf32>
      %xor3A_1366 = arith.constant 8 : i32
      %xor3A_1367 = vector.broadcast %xor3A_1366 : i32 to vector<16xi32>
      %xor3A_1368 = arith.xori %iota3A, %xor3A_1367 : vector<16xi32>
      %broadcast_in_dim3A_1369 = vector.shape_cast %xor3A_1368 : vector<16xi32> to vector<16x1xi32>
      %gather3A_1370 = vector.shape_cast %broadcast_in_dim3A_1369 : vector<16x1xi32> to vector<16xi32>
      %gather3A_1371 = tpu.dynamic_gather %add3A_1365[%gather3A_1370] in [0] : vector<16xf32>, vector<16xi32> -> vector<16xf32>
      %add3A_1372 = arith.addf %add3A_1365, %gather3A_1371 : vector<16xf32>
      %eq3A_1373 = arith.constant 13 : i32
      %eq3A_1374 = vector.broadcast %eq3A_1373 : i32 to vector<16xi32>
      %eq3A_1375 = arith.cmpi eq, %iota3A, %eq3A_1374 : vector<16xi32>
      %select_n3A_1376 = arith.select %eq3A_1375, %add3A_1372, %select_n3A_1281 : vector<16xi1>, vector<16xf32>
      %mul3A_1377 = arith.constant 16 : i32
      %mul3A_1378 = arith.muli %scan3A_50, %mul3A_1377 : i32
      %add3A_1379 = arith.constant 14 : i32
      %add3A_1380 = arith.addi %mul3A_1378, %add3A_1379 : i32
      %get3A_1381 = arith.index_cast %add3A_1380 : i32 to index
      %get3A_1382 = arith.constant 0 : index
      %get3A_1383 = tpu.vector_load %arg11[%get3A_1381, %get3A_1382] {strides = array<i32>} : memref<128x64xf32, #tpu.memory_space<vmem>>, vector<1x16xf32>,
      %get3A_1384 = vector.shape_cast %get3A_1383 : vector<1x16xf32> to vector<16xf32>
      %get3A_1385 = arith.index_cast %add3A_1380 : i32 to index
      %get3A_1386 = arith.constant 0 : index
      %get3A_1387 = tpu.vector_load %arg12[%get3A_1385, %get3A_1386] {strides = array<i32>} : memref<128x64xf32, #tpu.memory_space<vmem>>, vector<1x16xf32>,
      %get3A_1388 = vector.shape_cast %get3A_1387 : vector<1x16xf32> to vector<16xf32>
      %mul3A_1389 = arith.mulf %get3A_1384, %get3A_1388 : vector<16xf32>
      %get3A_1390 = arith.index_cast %add3A_1380 : i32 to index
      %get3A_1391 = arith.constant 0 : index
      %get3A_1392 = tpu.vector_load %arg13[%get3A_1390, %get3A_1391] {strides = array<i32>} : memref<128x64xf32, #tpu.memory_space<vmem>>, vector<1x16xf32>,
      %get3A_1393 = vector.shape_cast %get3A_1392 : vector<1x16xf32> to vector<16xf32>
      %mul3A_1394 = arith.mulf %mul3A_1389, %get3A_1393 : vector<16xf32>
      %get3A_1395 = arith.index_cast %add3A_1380 : i32 to index
      %get3A_1396 = arith.constant 16 : index
      %get3A_1397 = tpu.vector_load %arg11[%get3A_1395, %get3A_1396] {strides = array<i32>} : memref<128x64xf32, #tpu.memory_space<vmem>>, vector<1x16xf32>,
      %get3A_1398 = vector.shape_cast %get3A_1397 : vector<1x16xf32> to vector<16xf32>
      %get3A_1399 = arith.index_cast %add3A_1380 : i32 to index
      %get3A_1400 = arith.constant 16 : index
      %get3A_1401 = tpu.vector_load %arg12[%get3A_1399, %get3A_1400] {strides = array<i32>} : memref<128x64xf32, #tpu.memory_space<vmem>>, vector<1x16xf32>,
      %get3A_1402 = vector.shape_cast %get3A_1401 : vector<1x16xf32> to vector<16xf32>
      %mul3A_1403 = arith.mulf %get3A_1398, %get3A_1402 : vector<16xf32>
      %get3A_1404 = arith.index_cast %add3A_1380 : i32 to index
      %get3A_1405 = arith.constant 16 : index
      %get3A_1406 = tpu.vector_load %arg13[%get3A_1404, %get3A_1405] {strides = array<i32>} : memref<128x64xf32, #tpu.memory_space<vmem>>, vector<1x16xf32>,
      %get3A_1407 = vector.shape_cast %get3A_1406 : vector<1x16xf32> to vector<16xf32>
      %mul3A_1408 = arith.mulf %mul3A_1403, %get3A_1407 : vector<16xf32>
      %add3A_1409 = arith.addf %mul3A_1394, %mul3A_1408 : vector<16xf32>
      %get3A_1410 = arith.index_cast %add3A_1380 : i32 to index
      %get3A_1411 = arith.constant 32 : index
      %get3A_1412 = tpu.vector_load %arg11[%get3A_1410, %get3A_1411] {strides = array<i32>} : memref<128x64xf32, #tpu.memory_space<vmem>>, vector<1x16xf32>,
      %get3A_1413 = vector.shape_cast %get3A_1412 : vector<1x16xf32> to vector<16xf32>
      %get3A_1414 = arith.index_cast %add3A_1380 : i32 to index
      %get3A_1415 = arith.constant 32 : index
      %get3A_1416 = tpu.vector_load %arg12[%get3A_1414, %get3A_1415] {strides = array<i32>} : memref<128x64xf32, #tpu.memory_space<vmem>>, vector<1x16xf32>,
      %get3A_1417 = vector.shape_cast %get3A_1416 : vector<1x16xf32> to vector<16xf32>
      %mul3A_1418 = arith.mulf %get3A_1413, %get3A_1417 : vector<16xf32>
      %get3A_1419 = arith.index_cast %add3A_1380 : i32 to index
      %get3A_1420 = arith.constant 32 : index
      %get3A_1421 = tpu.vector_load %arg13[%get3A_1419, %get3A_1420] {strides = array<i32>} : memref<128x64xf32, #tpu.memory_space<vmem>>, vector<1x16xf32>,
      %get3A_1422 = vector.shape_cast %get3A_1421 : vector<1x16xf32> to vector<16xf32>
      %mul3A_1423 = arith.mulf %mul3A_1418, %get3A_1422 : vector<16xf32>
      %add3A_1424 = arith.addf %add3A_1409, %mul3A_1423 : vector<16xf32>
      %get3A_1425 = arith.index_cast %add3A_1380 : i32 to index
      %get3A_1426 = arith.constant 48 : index
      %get3A_1427 = tpu.vector_load %arg11[%get3A_1425, %get3A_1426] {strides = array<i32>} : memref<128x64xf32, #tpu.memory_space<vmem>>, vector<1x16xf32>,
      %get3A_1428 = vector.shape_cast %get3A_1427 : vector<1x16xf32> to vector<16xf32>
      %get3A_1429 = arith.index_cast %add3A_1380 : i32 to index
      %get3A_1430 = arith.constant 48 : index
      %get3A_1431 = tpu.vector_load %arg12[%get3A_1429, %get3A_1430] {strides = array<i32>} : memref<128x64xf32, #tpu.memory_space<vmem>>, vector<1x16xf32>,
      %get3A_1432 = vector.shape_cast %get3A_1431 : vector<1x16xf32> to vector<16xf32>
      %mul3A_1433 = arith.mulf %get3A_1428, %get3A_1432 : vector<16xf32>
      %get3A_1434 = arith.index_cast %add3A_1380 : i32 to index
      %get3A_1435 = arith.constant 48 : index
      %get3A_1436 = tpu.vector_load %arg13[%get3A_1434, %get3A_1435] {strides = array<i32>} : memref<128x64xf32, #tpu.memory_space<vmem>>, vector<1x16xf32>,
      %get3A_1437 = vector.shape_cast %get3A_1436 : vector<1x16xf32> to vector<16xf32>
      %mul3A_1438 = arith.mulf %mul3A_1433, %get3A_1437 : vector<16xf32>
      %add3A_1439 = arith.addf %add3A_1424, %mul3A_1438 : vector<16xf32>
      %xor3A_1440 = arith.constant 1 : i32
      %xor3A_1441 = vector.broadcast %xor3A_1440 : i32 to vector<16xi32>
      %xor3A_1442 = arith.xori %iota3A, %xor3A_1441 : vector<16xi32>
      %broadcast_in_dim3A_1443 = vector.shape_cast %xor3A_1442 : vector<16xi32> to vector<16x1xi32>
      %gather3A_1444 = vector.shape_cast %broadcast_in_dim3A_1443 : vector<16x1xi32> to vector<16xi32>
      %gather3A_1445 = tpu.dynamic_gather %add3A_1439[%gather3A_1444] in [0] : vector<16xf32>, vector<16xi32> -> vector<16xf32>
      %add3A_1446 = arith.addf %add3A_1439, %gather3A_1445 : vector<16xf32>
      %xor3A_1447 = arith.constant 2 : i32
      %xor3A_1448 = vector.broadcast %xor3A_1447 : i32 to vector<16xi32>
      %xor3A_1449 = arith.xori %iota3A, %xor3A_1448 : vector<16xi32>
      %broadcast_in_dim3A_1450 = vector.shape_cast %xor3A_1449 : vector<16xi32> to vector<16x1xi32>
      %gather3A_1451 = vector.shape_cast %broadcast_in_dim3A_1450 : vector<16x1xi32> to vector<16xi32>
      %gather3A_1452 = tpu.dynamic_gather %add3A_1446[%gather3A_1451] in [0] : vector<16xf32>, vector<16xi32> -> vector<16xf32>
      %add3A_1453 = arith.addf %add3A_1446, %gather3A_1452 : vector<16xf32>
      %xor3A_1454 = arith.constant 4 : i32
      %xor3A_1455 = vector.broadcast %xor3A_1454 : i32 to vector<16xi32>
      %xor3A_1456 = arith.xori %iota3A, %xor3A_1455 : vector<16xi32>
      %broadcast_in_dim3A_1457 = vector.shape_cast %xor3A_1456 : vector<16xi32> to vector<16x1xi32>
      %gather3A_1458 = vector.shape_cast %broadcast_in_dim3A_1457 : vector<16x1xi32> to vector<16xi32>
      %gather3A_1459 = tpu.dynamic_gather %add3A_1453[%gather3A_1458] in [0] : vector<16xf32>, vector<16xi32> -> vector<16xf32>
      %add3A_1460 = arith.addf %add3A_1453, %gather3A_1459 : vector<16xf32>
      %xor3A_1461 = arith.constant 8 : i32
      %xor3A_1462 = vector.broadcast %xor3A_1461 : i32 to vector<16xi32>
      %xor3A_1463 = arith.xori %iota3A, %xor3A_1462 : vector<16xi32>
      %broadcast_in_dim3A_1464 = vector.shape_cast %xor3A_1463 : vector<16xi32> to vector<16x1xi32>
      %gather3A_1465 = vector.shape_cast %broadcast_in_dim3A_1464 : vector<16x1xi32> to vector<16xi32>
      %gather3A_1466 = tpu.dynamic_gather %add3A_1460[%gather3A_1465] in [0] : vector<16xf32>, vector<16xi32> -> vector<16xf32>
      %add3A_1467 = arith.addf %add3A_1460, %gather3A_1466 : vector<16xf32>
      %eq3A_1468 = arith.constant 14 : i32
      %eq3A_1469 = vector.broadcast %eq3A_1468 : i32 to vector<16xi32>
      %eq3A_1470 = arith.cmpi eq, %iota3A, %eq3A_1469 : vector<16xi32>
      %select_n3A_1471 = arith.select %eq3A_1470, %add3A_1467, %select_n3A_1376 : vector<16xi1>, vector<16xf32>
      %mul3A_1472 = arith.constant 16 : i32
      %mul3A_1473 = arith.muli %scan3A_50, %mul3A_1472 : i32
      %add3A_1474 = arith.constant 15 : i32
      %add3A_1475 = arith.addi %mul3A_1473, %add3A_1474 : i32
      %get3A_1476 = arith.index_cast %add3A_1475 : i32 to index
      %get3A_1477 = arith.constant 0 : index
      %get3A_1478 = tpu.vector_load %arg11[%get3A_1476, %get3A_1477] {strides = array<i32>} : memref<128x64xf32, #tpu.memory_space<vmem>>, vector<1x16xf32>,
      %get3A_1479 = vector.shape_cast %get3A_1478 : vector<1x16xf32> to vector<16xf32>
      %get3A_1480 = arith.index_cast %add3A_1475 : i32 to index
      %get3A_1481 = arith.constant 0 : index
      %get3A_1482 = tpu.vector_load %arg12[%get3A_1480, %get3A_1481] {strides = array<i32>} : memref<128x64xf32, #tpu.memory_space<vmem>>, vector<1x16xf32>,
      %get3A_1483 = vector.shape_cast %get3A_1482 : vector<1x16xf32> to vector<16xf32>
      %mul3A_1484 = arith.mulf %get3A_1479, %get3A_1483 : vector<16xf32>
      %get3A_1485 = arith.index_cast %add3A_1475 : i32 to index
      %get3A_1486 = arith.constant 0 : index
      %get3A_1487 = tpu.vector_load %arg13[%get3A_1485, %get3A_1486] {strides = array<i32>} : memref<128x64xf32, #tpu.memory_space<vmem>>, vector<1x16xf32>,
      %get3A_1488 = vector.shape_cast %get3A_1487 : vector<1x16xf32> to vector<16xf32>
      %mul3A_1489 = arith.mulf %mul3A_1484, %get3A_1488 : vector<16xf32>
      %get3A_1490 = arith.index_cast %add3A_1475 : i32 to index
      %get3A_1491 = arith.constant 16 : index
      %get3A_1492 = tpu.vector_load %arg11[%get3A_1490, %get3A_1491] {strides = array<i32>} : memref<128x64xf32, #tpu.memory_space<vmem>>, vector<1x16xf32>,
      %get3A_1493 = vector.shape_cast %get3A_1492 : vector<1x16xf32> to vector<16xf32>
      %get3A_1494 = arith.index_cast %add3A_1475 : i32 to index
      %get3A_1495 = arith.constant 16 : index
      %get3A_1496 = tpu.vector_load %arg12[%get3A_1494, %get3A_1495] {strides = array<i32>} : memref<128x64xf32, #tpu.memory_space<vmem>>, vector<1x16xf32>,
      %get3A_1497 = vector.shape_cast %get3A_1496 : vector<1x16xf32> to vector<16xf32>
      %mul3A_1498 = arith.mulf %get3A_1493, %get3A_1497 : vector<16xf32>
      %get3A_1499 = arith.index_cast %add3A_1475 : i32 to index
      %get3A_1500 = arith.constant 16 : index
      %get3A_1501 = tpu.vector_load %arg13[%get3A_1499, %get3A_1500] {strides = array<i32>} : memref<128x64xf32, #tpu.memory_space<vmem>>, vector<1x16xf32>,
      %get3A_1502 = vector.shape_cast %get3A_1501 : vector<1x16xf32> to vector<16xf32>
      %mul3A_1503 = arith.mulf %mul3A_1498, %get3A_1502 : vector<16xf32>
      %add3A_1504 = arith.addf %mul3A_1489, %mul3A_1503 : vector<16xf32>
      %get3A_1505 = arith.index_cast %add3A_1475 : i32 to index
      %get3A_1506 = arith.constant 32 : index
      %get3A_1507 = tpu.vector_load %arg11[%get3A_1505, %get3A_1506] {strides = array<i32>} : memref<128x64xf32, #tpu.memory_space<vmem>>, vector<1x16xf32>,
      %get3A_1508 = vector.shape_cast %get3A_1507 : vector<1x16xf32> to vector<16xf32>
      %get3A_1509 = arith.index_cast %add3A_1475 : i32 to index
      %get3A_1510 = arith.constant 32 : index
      %get3A_1511 = tpu.vector_load %arg12[%get3A_1509, %get3A_1510] {strides = array<i32>} : memref<128x64xf32, #tpu.memory_space<vmem>>, vector<1x16xf32>,
      %get3A_1512 = vector.shape_cast %get3A_1511 : vector<1x16xf32> to vector<16xf32>
      %mul3A_1513 = arith.mulf %get3A_1508, %get3A_1512 : vector<16xf32>
      %get3A_1514 = arith.index_cast %add3A_1475 : i32 to index
      %get3A_1515 = arith.constant 32 : index
      %get3A_1516 = tpu.vector_load %arg13[%get3A_1514, %get3A_1515] {strides = array<i32>} : memref<128x64xf32, #tpu.memory_space<vmem>>, vector<1x16xf32>,
      %get3A_1517 = vector.shape_cast %get3A_1516 : vector<1x16xf32> to vector<16xf32>
      %mul3A_1518 = arith.mulf %mul3A_1513, %get3A_1517 : vector<16xf32>
      %add3A_1519 = arith.addf %add3A_1504, %mul3A_1518 : vector<16xf32>
      %get3A_1520 = arith.index_cast %add3A_1475 : i32 to index
      %get3A_1521 = arith.constant 48 : index
      %get3A_1522 = tpu.vector_load %arg11[%get3A_1520, %get3A_1521] {strides = array<i32>} : memref<128x64xf32, #tpu.memory_space<vmem>>, vector<1x16xf32>,
      %get3A_1523 = vector.shape_cast %get3A_1522 : vector<1x16xf32> to vector<16xf32>
      %get3A_1524 = arith.index_cast %add3A_1475 : i32 to index
      %get3A_1525 = arith.constant 48 : index
      %get3A_1526 = tpu.vector_load %arg12[%get3A_1524, %get3A_1525] {strides = array<i32>} : memref<128x64xf32, #tpu.memory_space<vmem>>, vector<1x16xf32>,
      %get3A_1527 = vector.shape_cast %get3A_1526 : vector<1x16xf32> to vector<16xf32>
      %mul3A_1528 = arith.mulf %get3A_1523, %get3A_1527 : vector<16xf32>
      %get3A_1529 = arith.index_cast %add3A_1475 : i32 to index
      %get3A_1530 = arith.constant 48 : index
      %get3A_1531 = tpu.vector_load %arg13[%get3A_1529, %get3A_1530] {strides = array<i32>} : memref<128x64xf32, #tpu.memory_space<vmem>>, vector<1x16xf32>,
      %get3A_1532 = vector.shape_cast %get3A_1531 : vector<1x16xf32> to vector<16xf32>
      %mul3A_1533 = arith.mulf %mul3A_1528, %get3A_1532 : vector<16xf32>
      %add3A_1534 = arith.addf %add3A_1519, %mul3A_1533 : vector<16xf32>
      %xor3A_1535 = arith.constant 1 : i32
      %xor3A_1536 = vector.broadcast %xor3A_1535 : i32 to vector<16xi32>
      %xor3A_1537 = arith.xori %iota3A, %xor3A_1536 : vector<16xi32>
      %broadcast_in_dim3A_1538 = vector.shape_cast %xor3A_1537 : vector<16xi32> to vector<16x1xi32>
      %gather3A_1539 = vector.shape_cast %broadcast_in_dim3A_1538 : vector<16x1xi32> to vector<16xi32>
      %gather3A_1540 = tpu.dynamic_gather %add3A_1534[%gather3A_1539] in [0] : vector<16xf32>, vector<16xi32> -> vector<16xf32>
      %add3A_1541 = arith.addf %add3A_1534, %gather3A_1540 : vector<16xf32>
      %xor3A_1542 = arith.constant 2 : i32
      %xor3A_1543 = vector.broadcast %xor3A_1542 : i32 to vector<16xi32>
      %xor3A_1544 = arith.xori %iota3A, %xor3A_1543 : vector<16xi32>
      %broadcast_in_dim3A_1545 = vector.shape_cast %xor3A_1544 : vector<16xi32> to vector<16x1xi32>
      %gather3A_1546 = vector.shape_cast %broadcast_in_dim3A_1545 : vector<16x1xi32> to vector<16xi32>
      %gather3A_1547 = tpu.dynamic_gather %add3A_1541[%gather3A_1546] in [0] : vector<16xf32>, vector<16xi32> -> vector<16xf32>
      %add3A_1548 = arith.addf %add3A_1541, %gather3A_1547 : vector<16xf32>
      %xor3A_1549 = arith.constant 4 : i32
      %xor3A_1550 = vector.broadcast %xor3A_1549 : i32 to vector<16xi32>
      %xor3A_1551 = arith.xori %iota3A, %xor3A_1550 : vector<16xi32>
      %broadcast_in_dim3A_1552 = vector.shape_cast %xor3A_1551 : vector<16xi32> to vector<16x1xi32>
      %gather3A_1553 = vector.shape_cast %broadcast_in_dim3A_1552 : vector<16x1xi32> to vector<16xi32>
      %gather3A_1554 = tpu.dynamic_gather %add3A_1548[%gather3A_1553] in [0] : vector<16xf32>, vector<16xi32> -> vector<16xf32>
      %add3A_1555 = arith.addf %add3A_1548, %gather3A_1554 : vector<16xf32>
      %xor3A_1556 = arith.constant 8 : i32
      %xor3A_1557 = vector.broadcast %xor3A_1556 : i32 to vector<16xi32>
      %xor3A_1558 = arith.xori %iota3A, %xor3A_1557 : vector<16xi32>
      %broadcast_in_dim3A_1559 = vector.shape_cast %xor3A_1558 : vector<16xi32> to vector<16x1xi32>
      %gather3A_1560 = vector.shape_cast %broadcast_in_dim3A_1559 : vector<16x1xi32> to vector<16xi32>
      %gather3A_1561 = tpu.dynamic_gather %add3A_1555[%gather3A_1560] in [0] : vector<16xf32>, vector<16xi32> -> vector<16xf32>
      %add3A_1562 = arith.addf %add3A_1555, %gather3A_1561 : vector<16xf32>
      %eq3A_1563 = arith.constant 15 : i32
      %eq3A_1564 = vector.broadcast %eq3A_1563 : i32 to vector<16xi32>
      %eq3A_1565 = arith.cmpi eq, %iota3A, %eq3A_1564 : vector<16xi32>
      %select_n3A_1566 = arith.select %eq3A_1565, %add3A_1562, %select_n3A_1471 : vector<16xi1>, vector<16xf32>
      %mul3A_1567 = arith.constant 16 : i32
      %mul3A_1568 = arith.muli %scan3A_50, %mul3A_1567 : i32
      %swap3A = arith.index_cast %mul3A_1568 : i32 to index
      %swap3A_1569 = tpu.vector_load %arg14[%swap3A] {strides = array<i32>} : memref<128xf32, #tpu.memory_space<vmem>>, vector<16xf32>,
      %swap3A_1570 = vector.shape_cast %swap3A_1569 : vector<16xf32> to vector<16xf32>
      %swap3A_1571 = vector.shape_cast %select_n3A_1566 : vector<16xf32> to vector<16xf32>
      tpu.vector_store %arg14[%swap3A], %swap3A_1571 {strides = array<i32>} : memref<128xf32, #tpu.memory_space<vmem>>, vector<16xf32>,
    }
    %scan3A_49 = arith.constant 8 : i32
    "tpu.region"() ({
      %run_scoped3A = tpu.sem_alloc : memref<!tpu.dma_semaphore, #tpu.memory_space<semaphore_mem>>
      %dma_start3A = tpu.memref_slice %arg7[%mul3A_2] : memref<4096xf32, #tpu.memory_space<hbm>> -> memref<128xf32, #tpu.memory_space<hbm>>
      %dma_start3A_50 = tpu.memref_slice %arg7[%mul3A_2] : memref<4096xf32, #tpu.memory_space<hbm>> -> memref<128xf32, #tpu.memory_space<hbm>>
      tpu.enqueue_dma source(%arg14 : memref<128xf32, #tpu.memory_space<vmem>>) target(%dma_start3A_50 : memref<128xf32, #tpu.memory_space<hbm>>) target_semaphore(%run_scoped3A : memref<!tpu.dma_semaphore, #tpu.memory_space<semaphore_mem>>)
      %dma_wait3A_51 = tpu.memref_slice %arg7[%mul3A_2] : memref<4096xf32, #tpu.memory_space<hbm>> -> memref<128xf32, #tpu.memory_space<hbm>>
      %dma_wait3A_52 = tpu.memref_slice %arg7[%mul3A_2] : memref<4096xf32, #tpu.memory_space<hbm>> -> memref<128xf32, #tpu.memory_space<hbm>>
      tpu.wait_dma2 semaphore(%run_scoped3A : memref<!tpu.dma_semaphore, #tpu.memory_space<semaphore_mem>>) src(%arg14 : memref<128xf32, #tpu.memory_space<vmem>>) dst(%dma_wait3A_52 : memref<128xf32, #tpu.memory_space<hbm>>)
      tpu.yield
    }) : () -> ()
    return
  }
}

</mosaic_0001>

<sc_bundles>
// kernel: kernel.3.cloned.1.call-start
scs
__scs_entry_jumppad:
0x0: {  	(pc) =	sbr.rel $0x88, $3  }
0x1: {  	(tag) =	ssettag $0x0;
	lr =	simm.s32 $0x1  }
0x2: {  	[smem:$0x3F9C] =	sst lr;
	_ =	strace $0xD0000000  }
0x3: {  	_ = 	snop  }
0x4: {  	_ = 	snop  }
0x5: {  	_ = 	snop  }
0x6: {  	_ = 	snop  }
0x7: {  	_ = 	snop  }
__scs_overlays_trampoline_lowered:
0x8: {  	[smem:$0x3FAB] =	sst s0  }
0x9: {  	[smem:$0x3FAC] =	sst s1  }
0xa: {  	[smem:$0x3FAD] =	sst s2  }
0xb: {  	[smem:$0x3FAE] =	sst s3  }
0xc: {  	[smem:$0x3FAF] =	sst s4  }
0xd: {  	[smem:$0x3FB0] =	sst s5  }
0xe: {  	[smem:$0x3FB1] =	sst s6  }
0xf: {  	[smem:$0x3FB2] =	sst s7  }
0x10: {  	[smem:$0x3FB3] =	sst s8  }
0x11: {  	[smem:$0x3FB4] =	sst s9;
	s0 =	simm.s32 @!p0 $0x0  }
0x12: {  	s1 =	sld [smem:$0x3F9A];
	s0 =	simm.s32 @p0 $0x1  }
0x13: {  	[smem:$0x3FB5] =	sst s0;
	s0 =	simm.s32 @!p1 $0x0  }
0x14: {  	s2 =	sld [smem:$0x3F99];
	s0 =	simm.s32 @p1 $0x1  }
0x15: {  	[smem:$0x3FB6] =	sst s0;
	s0 =	simm.s32 @!p2 $0x0  }
0x16: {  	s3 =	sld [smem:$0x3FDB];
	s0 =	simm.s32 @p2 $0x1  }
0x17: {  	s4 =	simm.s32 $0x1BF5;
	[smem:$0x3FB8] =	sst s0  }
0x18: {  	s0 =	sld [smem:$0x3F9B];
	_ =	swait.ge [sflag:s4], $0x0  }
0x19: {  	s7 =	sld [smem:$0x3F9C]  }
0x1a: {  	s8 =	sadd.s32 $0xFFFFE003, lr  }
0x1b: {  	s9 =	sadd.s32 $0xFFFFFEF7, lr;
	s5 =	simm.s32 $0xFFFFFFFF;
	p2 =	slt.u32 s8, $0xFFFFF086  }
0x1c: {  	p1 =	slt.u32 s9, $0xF7A;
	s5 =	simm.s32 @!p2 $0x0  }
0x1d: {  	s5 =	simm.s32 @p1 $0x1;
	p0 =	seq.s32 s7, s2  }
0x1e: {  	s7 =	smul.u32 @!p0 $0xF7A, s2;
	p2 =	seq.s32 @!p0 s5, $0x0  }
0x1f: {  	s9 =	smul.u32 $0xF7A, s1;
	s8 =	simm.s32 @!p0 $0x1BF5;
	p2 =	por !p2, p0  }
0x20: {  	[sflag:s8] =	ssyncset.s32 @!p0 $0xFFFFF086;
	s6 =	sadd.s32 @!p0 s3, s7;
	s7 =	simm.s32 @!p0 $0x108  }
0x21: {  	s3 =	sadd.s32 s3, s9;
	s6 =	sadd.s32 @!p0 $0x88, s6;
	s7 =	simm.s32 @p2 $0x1082  }
0x22: {  	[simem:s7], [sflag:s8] =	dma.local @!p0 [hbm:s6], $0xF7A  }
0x23: {  	s9 =	sor.u32 $0xD0000000, s2;
	s6 =	simm.s32 $0x108;
	_ =	swait.ge @!p0 [sflag:s8], $0x0  }
0x24: {  	s3 =	sadd.s32 $0x88, s3;
	s6 =	simm.s32 @!p1 $0x1082;
	[sflag:s4] =	ssyncset.s32 $0xFFFFF086  }
0x25: {  	[simem:s6], [sflag:s4] =	dma.local [hbm:s3], $0xF7A  }
0x26: {  	[smem:$0x3F9C] =	sst s1;
	(tag) =	ssettag s2;
	_ =	strace s9  }
0x27: {  	s1 =	sld [smem:$0x3FAC]  }
0x28: {  	s2 =	sld [smem:$0x3FAD]  }
0x29: {  	s4 =	sld [smem:$0x3FAF]  }
0x2a: {  	p0 =	seq.s32 s5, $0x0;
	s5 =	sld [smem:$0x3FB0]  }
0x2b: {  	s6 =	sld [smem:$0x3FB1]  }
0x2c: {  	s7 =	sld [smem:$0x3FB2]  }
0x2d: {  	s3 =	simm.s32 $0x108;
	s8 =	sld [smem:$0x3FB3]  }
0x2e: {  	s3 =	simm.s32 @!p0 $0x1082;
	s9 =	sld [smem:$0x3FB4]  }
0x2f: {  	lr =	sadd.s32 s0, s3;
	s0 =	sld [smem:$0x3FAB]  }
0x30: {  	s3 =	sld [smem:$0x3FAE]  }
0x31: {  	[smem:$0x3FB7] =	sst s10  }
0x32: {  	s10 =	sld [smem:$0x3FB5];
	_ =	sdelay $0x3  }
0x33: {  	p0 =	seq.s32 s10, $0x1;
	s10 =	sld [smem:$0x3FB7];
	_ =	sdelay $0x3  }
0x34: {  	[smem:$0x3FB7] =	sst s10  }
0x35: {  	s10 =	sld [smem:$0x3FB6];
	_ =	sdelay $0x3  }
0x36: {  	p1 =	seq.s32 s10, $0x1;
	s10 =	sld [smem:$0x3FB7];
	_ =	sdelay $0x3  }
0x37: {  	[smem:$0x3FB7] =	sst s10  }
0x38: {  	s10 =	sld [smem:$0x3FB8]  }
0x39: {  	_ = 	snop;
	(pc) =	sbr.ind lr, $3  }
0x3a: {  	_ = 	snop  }
0x3b: {  	_ = 	snop  }
0x3c: {  	p2 =	seq.s32 s10, $0x1;
	s10 =	sld [smem:$0x3FB7]  }
0x3d: {  	_ =	shalt  }
0x3e: {  	_ =	shalt  }
0x3f: {  	_ =	shalt  }
0x40: {  	_ =	shalt  }
0x41: {  	_ =	shalt  }
0x42: {  	_ =	shalt  }
0x43: {  	_ =	shalt  }
0x44: {  	_ =	shalt  }
0x45: {  	_ =	shalt  }
0x46: {  	_ =	shalt  }
0x47: {  	_ =	shalt  }
0x48: {  	_ =	shalt  }
0x49: {  	_ =	shalt  }
0x4a: {  	_ =	shalt  }
0x4b: {  	_ =	shalt  }
0x4c: {  	_ =	shalt  }
0x4d: {  	_ =	shalt  }
0x4e: {  	_ =	shalt  }
0x4f: {  	_ =	shalt  }
0x50: {  	_ =	shalt  }
0x51: {  	_ =	shalt  }
0x52: {  	_ =	shalt  }
0x53: {  	_ =	shalt  }
0x54: {  	_ =	shalt  }
0x55: {  	_ =	shalt  }
0x56: {  	_ =	shalt  }
0x57: {  	_ =	shalt  }
0x58: {  	_ =	shalt  }
0x59: {  	_ =	shalt  }
0x5a: {  	_ =	shalt  }
0x5b: {  	_ =	shalt  }
0x5c: {  	_ =	shalt  }
0x5d: {  	_ =	shalt  }
0x5e: {  	_ =	shalt  }
0x5f: {  	_ =	shalt  }
0x60: {  	_ =	shalt  }
0x61: {  	_ =	shalt  }
0x62: {  	_ =	shalt  }
0x63: {  	_ =	shalt  }
0x64: {  	_ =	shalt  }
0x65: {  	_ =	shalt  }
0x66: {  	_ =	shalt  }
0x67: {  	_ =	shalt  }
0x68: {  	_ =	shalt  }
0x69: {  	_ =	shalt  }
0x6a: {  	_ =	shalt  }
0x6b: {  	_ =	shalt  }
0x6c: {  	_ =	shalt  }
0x6d: {  	_ =	shalt  }
0x6e: {  	_ =	shalt  }
0x6f: {  	_ =	shalt  }
0x70: {  	_ =	shalt  }
0x71: {  	_ =	shalt  }
0x72: {  	_ =	shalt  }
0x73: {  	_ =	shalt  }
0x74: {  	_ =	shalt  }
0x75: {  	_ =	shalt  }
0x76: {  	_ =	shalt  }
0x77: {  	_ =	shalt  }
0x78: {  	_ =	shalt  }
0x79: {  	_ =	shalt  }
0x7a: {  	_ =	shalt  }
0x7b: {  	_ =	shalt  }
0x7c: {  	_ =	shalt  }
0x7d: {  	_ =	shalt  }
0x7e: {  	_ =	shalt  }
0x7f: {  	_ =	shalt  }
0x80: {  	_ =	shalt  }
0x81: {  	_ =	shalt  }
0x82: {  	_ =	shalt  }
0x83: {  	_ =	shalt  }
0x84: {  	_ =	shalt  }
0x85: {  	_ =	shalt  }
0x86: {  	_ =	shalt  }
0x87: {  	_ =	shalt  }
.Lfunc_end0:
.L_simem_size_0:
called_computation_lowered:
.L_overlay_start_0:
0x88: {  	s2 =	sld [smem:$0x3FD9]  }
0x89: {  	s3 =	sld [smem:$0x3FFE];
	_ =	sdelay $0x1  }
0x8a: {  	s1 =	srdreg.scid  }
0x8b: {  	s0 =	sand.u32 $0x1, s1  }
0x8c: {  	s17 =	sshll.u32 s0, $0xA;
	s2 =	sadd.s32 s3, s2  }
0x8d: {  	s2 =	sadd.s32 s2, s17  }
0x8e: {  	[smem:$0x3FC3] =	sst s2  }
0x8f: {  	_ = 	snop  }
0x90: {  	s2 =	sld [smem:$0x3FC9]  }
0x91: {  	s18 =	sld [smem:$0x3FC8]  }
0x92: {  	s4 =	sld [smem:$0x3FC7]  }
0x93: {  	s5 =	sld [smem:$0x3FD0];
	(tm) =	ssettm $0x1  }
0x94: {  	s6 =	sld [smem:$0x3FFB];
	_ =	sdelay $0x3  }
0x95: {  	_ =	strace s6  }
0x96: {  	s6 =	sld [smem:$0x3FFC];
	_ =	sdelay $0x3  }
0x97: {  	_ =	strace s6  }
0x98: {  	s6 =	sld [smem:$0x3FFD];
	_ =	sdelay $0x3  }
0x99: {  	_ =	strace s6  }
0x9a: {  	_ =	strace $0x8FFFFFFF  }
0x9b: {  	s19 =	sld [smem:$0x3FDB];
	_ =	sdelay $0x1  }
0x9c: {  	s7 =	simm.s32 $_scs_section_size  }
0x9d: {  	s8 =	simm.s32 $_size__tile_overlayer_lowered;
	s9 =	simm.s32 $_tile_overlayer_lowered  }
0x9e: {  	s22 =	simm.s32 $0x1BFF;
	s21 =	sshll.u32 s9, $0x1;
	s6 =	sadd.s32 s7, s19  }
0x9f: {  	s10 =	simm.s32 $0x0;
	s20 =	sshll.u32 s8, $0x1;
	s8 =	sadd.s32 s21, s6  }
0xa0: {  	[timem:s10], [sflag:s22] =	dma.local [hbm:s8], s20  }
0xa1: {  	_ =	swait.ge [sflag:s22], s20  }
0xa2: {  	s7 =	ssub.s32 $0x0, s20;
	[sflag:s22] =	ssyncset.done $0x0  }
0xa3: {  	[sflag:s22] =	ssyncadd.s32 s7;
	_ =	sdelay $0x1  }
0xa4: {  	s23 =	simm.s32 $0x1B8B  }
0xa5: {  	_ =	swait.ge [sflag:s23], $0x1  }
0xa6: {  	[sflag:s23] =	ssyncset.done $0x0  }
0xa7: {  	s25 =	simm.s32 $0x1B8E;
	s24 =	sld [smem:$0x3FFE];
	[sflag:s23] =	ssyncadd.s32 $0xFFFFFFFF  }
0xa8: {  	s26 =	simm.s32 $execute0_lowered;
	[smem:$0x3FD2] =	sst s25  }
0xa9: {  	s8 =	sshll.u32 s26, $0x1;
	_ =	strace $0x80000046;
	[dreg:$0x1] =	wrdreg $0xFFFFFFFF  }
0xaa: {  	s28 =	simm.s32 $_size_execute0_lowered;
	s6 =	sadd.s32 s6, s8;
	[dreg:$0x0] =	wrdreg $0x0  }
0xab: {  	s8 =	sshll.u32 s28, $0x1;
	[dreg:$0x2] =	wrdreg s6  }
0xac: {  	[dreg:$0x3] =	wrdreg s8  }
0xad: {  	[dreg:$0x4] =	wrdreg $0xC0  }
0xae: {  	_ =	task [dreg:s10], $0x5FFFF  }
0xaf: {  	[dreg:$0x1] =	wrdreg $0xFFFFFFFF  }
0xb0: {  	[dreg:$0x0] =	wrdreg $0x60  }
0xb1: {  	[dreg:$0x2] =	wrdreg s2  }
0xb2: {  	[dreg:$0x3] =	wrdreg s18  }
0xb3: {  	[dreg:$0x4] =	wrdreg s4  }
0xb4: {  	[dreg:$0x5] =	wrdreg s24  }
0xb5: {  	[dreg:$0x6] =	wrdreg s5  }
0xb6: {  	[dreg:$0x7] =	wrdreg $0x9  }
0xb7: {  	_ =	task.clear_ibuf [dreg:s10], $0x8FFFF;
	_ =	strace $0x90000046  }
0xb8: {  	s29 =	simm.s32 $0x9;
	_ =	strace $0x80000048  }
0xb9: {  	_ =	swait.ge [sflag:s29], $0x1  }
0xba: {  	[sflag:s29] =	ssyncadd.s32 $0xFFFFFFFF  }
0xbb: {  	_ =	strace $0x90000048  }
0xbc: {  	_ =	sfence  }
0xbd: {  	s30 =	sld [smem:$0x0];
	_ =	sdelay $0x2  }
0xbe: {  	s31 =	sshll.u32 s1, $0xD;
	s1 =	sshrl.u32 s1, $0x2  }
0xbf: {  	s3 =	sand.u32 $0x4000, s31;
	s1 =	sadd.s32 s1, s30  }
0xc0: {  	s0 =	sor.u32 s3, s0;
	s1 =	sshll.u32 s1, $0x11  }
0xc1: {  	s0 =	sor.u32 s1, s0  }
0xc2: {  	s0 =	sadd.s32 $0x8F2B, s0  }
0xc3: {  	[sflag:s0] =	ssyncadd.remote.s32 $0x1  }
0xc4: {  	_ =	sfence.sel $0xFFFF  }
0xc5: {  	[dreg:$0x0] =	wrdreg $0xFFFFFFFF;
	(pc) =	sbr.abs _section_cstart, $3  }
0xc6: {  	[dreg:$0x1] =	wrdreg $0xFFFFFFFF  }
0xc7: {  	_ =	task.clear_ibuf [dreg:s10], $0x2FFFF;
	_ =	strace $0x9FFFFFFF  }
0xc8: {  	(tm) =	ssettm $0x7FFFFFFF  }
0xc9: {  	_ =	shalt  }
tec
execute0_lowered:
.L_overlay_start_1:
0x0: {  	(tag) =	ssettag $0x1  }
0x1: {  	v0 =	vimm.s32 $0xEFCDAB89;
	v1 =	vimm.s32 $0x67452301  }
0x2: {  	v2 =	vimm.s32 $0xDCFE98BA;
	v3 =	vimm.s32 $0x54761032;
	v4 =	vimm.s32 $0xBA98FEDC  }
0x3: {  	v5 =	vimm.s32 $0x32107654;
	v6 =	vimm.s32 $0xFEDCBA98;
	v7 =	vimm.s32 $0x76543210  }
0x4: {  	s5 =	rddreg [dreg:$0x0];
	vm0 =	vmmov $0x1;
	vm1 =	vmmov $0x3;
	vm2 =	vmmov $0x7  }
0x5: {  	s6 =	rddreg [dreg:$0x1];
	vm3 =	vmmov $0xf;
	vm4 =	vmmov $0x1f;
	vm5 =	vmmov $0x3f  }
0x6: {  	s7 =	rddreg [dreg:$0x2];
	v0 =	vunpack.c.l.s4.s8 v0;
	v1 =	vunpack.c.l.s4.s8 v1;
	v2 =	vunpack.c.l.s4.s8 v2  }
0x7: {  	s4 =	rddreg [dreg:$0x3];
	v3 =	vunpack.c.l.s4.s8 v3;
	v4 =	vunpack.c.l.s4.s8 v4;
	v5 =	vunpack.c.l.s4.s8 v5  }
0x8: {  	s8 =	rddreg [dreg:$0x4];
	v6 =	vunpack.c.l.s4.s8 v6;
	v0 =	vunpack.c.0.s8.s32 v0;
	v1 =	vunpack.c.0.s8.s32 v1  }
0x9: {  	s0 =	rddreg [dreg:$0x5];
	s1 =	simm.s32 $0x0;
	s2 =	srdreg.scid;
	v7 =	vunpack.c.l.s4.s8 v7;
	v2 =	vunpack.c.0.s8.s32 v2;
	v3 =	vunpack.c.0.s8.s32 v3  }
0xa: {  	s13 =	simm.s32 $0x0;
	[smem:$0x7FF] =	sst s1;
	s9 =	sand.u32 $0x1, s2;
	v4 =	vunpack.c.0.s8.s32 v4;
	v5 =	vunpack.c.0.s8.s32 v5;
	v0 =	vcombine.low v1, v0  }
0xb: {  	vm6 =	vmmov $0x7f;
	s3 =	sadd.s32 $0x4400, s4;
	s2 =	stileid.u32;
	s4 =	sadd.s32 $0x400, s4;
	v57 =	vunpack.c.0.s8.s32 v6;
	v2 =	vcombine.low v3, v2  }
0xc: {  	s10 =	ssub.s32 $0x2, s9;
	s12 =	sshll.u32 s2, $0x5;
	s9 =	sshll.u32 s9, $0x4;
	v59 =	vunpack.c.0.s8.s32 v7;
	v58 =	vcombine.low v5, v4;
	v60 =	vand.u32 $0xF, v0  }
0xd: {  	vm7 =	vmmov $0xff;
	_ =	strace $0x80000047;
	s11 =	sshrl.u32 s10, $0x1;
	s9 =	sor.u32 s9, s12;
	v61 =	vand.u32 $0xF, v57;
	v62 =	vand.u32 $0xF, v2;
	[tilespmem:$0x1FFC0] =	vst v60  }
0xe: {  	vm8 =	vmmov $0x1ff;
	s12 =	simm.s32 $0xC180;
	s10 =	ssub.s32 s10, s11;
	s5 =	sadd.s32 s5, s9;
	v63 =	vand.u32 $0xF, v58;
	v0 =	vcombine.low v61, v59;
	[tilespmem:$0x1FFD0] =	vst v62  }
0xf: {  	vm9 =	vmmov $0x3ff;
	vm10 =	vmmov $0x7ff;
	vm11 =	vmmov $0xfff;
	s6 =	sadd.s32 s6, s9;
	s7 =	sadd.s32 s7, s9;
	s8 =	sadd.s32 s8, s9;
	[tilespmem:$0x1FFE0] =	vst v63  }
0x10: {  	vm12 =	vmmov $0x1fff;
	vm13 =	vmmov $0x3fff;
	vm14 =	vmmov $0x7fff;
	s11 =	simm.s32 $0x1;
	s9 =	smax.u32 s10, $0x1;
	s10 =	simm.s32 $0x2;
	[tilespmem:$0x1FFF0] =	vst v0  }
.LBB2_1:
0x11: {  	[tilespmem:s1], [sflag:$0x2] =	stream.linear.gather [hbm4b:s5+s1], $0x80, $0x38;
	[tilespmem:$0xC200] =	vst v63  }
0x12: {  	_ =	swait.ge [sflag:s10], $0x80  }
0x13: {  	[sflag:s10] =	ssyncset.done $0x0  }
0x14: {  	s14 =	simm.s32 $0x80;
	[sflag:s10] =	ssyncadd.s32 $0xFFFFFF80  }
0x15: {  	[tilespmem:s14], [sflag:$0x2] =	stream.linear.gather [hbm4b:s6+s1], $0x80, $0x38;
	[tilespmem:$0xC200] =	vst v63  }
0x16: {  	_ =	swait.ge [sflag:s10], $0x80  }
0x17: {  	[sflag:s10] =	ssyncset.done $0x0  }
0x18: {  	s15 =	simm.s32 $0x100;
	[sflag:s10] =	ssyncadd.s32 $0xFFFFFF80  }
0x19: {  	[tilespmem:s15], [sflag:$0x2] =	stream.linear.gather [hbm4b:s7+s1], $0x80, $0x38;
	[tilespmem:$0xC200] =	vst v63  }
0x1a: {  	_ =	swait.ge [sflag:s10], $0x80  }
0x1b: {  	[sflag:s10] =	ssyncset.done $0x0  }
0x1c: {  	s16 =	simm.s32 $0x0;
	s17 =	simm.s32 $0x0;
	[sflag:s10] =	ssyncadd.s32 $0xFFFFFF80  }
.LBB2_2:
0x1d: {  	v6 =	vld [tilespmem:s15+$0x0]  }
0x1e: {  	v5 =	vld [tilespmem:s16+$0x0];
	_ =	sdelay $0x3  }
0x1f: {  	(v2sf) =	vpush v6, $0x0  }
0x20: {  	(v2sf) =	vpush v5, $0x0;
	_ =	sdelay $0x2  }
0x21: {  	v0 =	vld [tilespmem:s14+$0x0];
	_ =	sdelay $0x4  }
0x22: {  	v4 =	vshll.u32 v0, $0x4  }
0x23: {  	(v2sf) =	vpush v4, $0x0;
	_ =	sdelay $0x4  }
0x24: {  	s19 =	spop (v2sf)  }
0x25: {  	s18 =	spop (v2sf)  }
0x26: {  	s20 =	simm.s32 $0x1F85EE0;
	p0 =	sgt.s32 s18, $0x7A11F  }
0x27: {  	s20 =	simm.s32 @!p0 $0x0  }
0x28: {  	(v2sf) =	vpush v6, $0x1;
	s20 =	sadd.s32 s18, s20  }
0x29: {  	s21 =	simm.s32 $0x3D09000;
	(v2sf) =	vpush v5, $0x1;
	s20 =	sshll.u32 s20, $0x7  }
0x2a: {  	s21 =	simm.s32 @!p0 $0x0;
	s18 =	sshll.u32 s18, $0x7;
	s20 =	sand.u32 $0xFFFFFC00, s20  }
0x2b: {  	s18 =	sand.u32 $0x380, s18;
	s20 =	sadd.s32 s21, s20  }
0x2c: {  	s20 =	sor.u32 s18, s20  }
0x2d: {  	s18 =	sshra.s32 s17, $0x2;
	s20 =	sshrl.u32 s20, $0x3  }
0x2e: {  	s30 =	spop (v2sf);
	s29 =	sadd.s32 $0x180, s18;
	s20 =	sadd.s32 s3, s20  }
0x2f: {  	[tilespmem:s29], [sflag:$0x1] =	stream.linear.gather [hbm4b:s20+s1], $0x80, $0x38;
	[tilespmem:$0xC200] =	vst v63  }
0x30: {  	s20 =	sand.u32 $0x1FFFFFF0, s30  }
0x31: {  	s31 =	sadd.s32 $0x4180, s18;
	s20 =	sadd.s32 s4, s20  }
0x32: {  	[tilespmem:s31], [sflag:$0x1] =	stream.linear.gather [hbm4b:s20+s1], $0x80, $0x38;
	[tilespmem:$0xC200] =	vst v63  }
0x33: {  	(v2sf) =	vpush v4, $0x1;
	p0 =	sgt.s32 s19, $0x7A11F;
	s20 =	simm.s32 $0x1F85EE0  }
0x34: {  	s20 =	simm.s32 @!p0 $0x0  }
0x35: {  	s21 =	simm.s32 $0x3D09000;
	s20 =	sadd.s32 s19, s20  }
0x36: {  	s21 =	simm.s32 @!p0 $0x0;
	s20 =	sshll.u32 s20, $0x7  }
0x37: {  	s19 =	sshll.u32 s19, $0x7;
	s23 =	spop (v2sf);
	s20 =	sand.u32 $0xFFFFFC00, s20  }
0x38: {  	s19 =	sand.u32 $0x380, s19;
	s24 =	spop (v2sf);
	s20 =	sadd.s32 s21, s20  }
0x39: {  	p0 =	sgt.s32 s24, $0x7A11F;
	s21 =	simm.s32 $0x1F85EE0;
	s19 =	sor.u32 s19, s20  }
0x3a: {  	s21 =	simm.s32 @!p0 $0x0;
	s19 =	sshrl.u32 s19, $0x3  }
0x3b: {  	s22 =	sadd.s32 $0x8180, s18;
	(v2sf) =	vpush v6, $0x2;
	s21 =	sadd.s32 s24, s21;
	s19 =	sadd.s32 s3, s19  }
0x3c: {  	(v2sf) =	vpush v5, $0x2;
	[tilespmem:s22], [sflag:$0x1] =	stream.linear.gather [hbm4b:s19+s1], $0x80, $0x38;
	[tilespmem:$0xC200] =	vst v63  }
0x3d: {  	s21 =	sshll.u32 s21, $0x7;
	s22 =	simm.s32 $0x3D09000  }
0x3e: {  	s20 =	sshll.u32 s24, $0x7;
	s21 =	sand.u32 $0xFFFFFC00, s21;
	s22 =	simm.s32 @!p0 $0x0  }
0x3f: {  	s20 =	sand.u32 $0x380, s20;
	s21 =	sadd.s32 s22, s21  }
0x40: {  	s20 =	sor.u32 s20, s21  }
0x41: {  	s20 =	sshrl.u32 s20, $0x3  }
0x42: {  	s25 =	sadd.s32 $0x200, s18;
	s26 =	spop (v2sf);
	s20 =	sadd.s32 s3, s20  }
0x43: {  	[tilespmem:s25], [sflag:$0x1] =	stream.linear.gather [hbm4b:s20+s1], $0x80, $0x38;
	[tilespmem:$0xC200] =	vst v63  }
0x44: {  	s20 =	sand.u32 $0x1FFFFFF0, s26  }
0x45: {  	s28 =	sadd.s32 $0x4200, s18;
	s20 =	sadd.s32 s4, s20  }
0x46: {  	(v2sf) =	vpush v4, $0x2;
	[tilespmem:s28], [sflag:$0x1] =	stream.linear.gather [hbm4b:s20+s1], $0x80, $0x38;
	[tilespmem:$0xC200] =	vst v63  }
0x47: {  	p0 =	sgt.s32 s23, $0x7A11F;
	s20 =	simm.s32 $0x1F85EE0  }
0x48: {  	s19 =	sshll.u32 s23, $0x7;
	s20 =	simm.s32 @!p0 $0x0  }
0x49: {  	s19 =	sand.u32 $0x380, s19;
	s20 =	sadd.s32 s23, s20  }
0x4a: {  	s21 =	simm.s32 $0x3D09000;
	s30 =	spop (v2sf);
	s20 =	sshll.u32 s20, $0x7  }
0x4b: {  	s21 =	simm.s32 @!p0 $0x0;
	s31 =	spop (v2sf);
	s20 =	sand.u32 $0xFFFFFC00, s20  }
0x4c: {  	p0 =	sgt.s32 s31, $0x7A11F;
	s20 =	sadd.s32 s21, s20;
	s21 =	simm.s32 $0x1F85EE0  }
0x4d: {  	s19 =	sor.u32 s19, s20;
	s21 =	simm.s32 @!p0 $0x0  }
0x4e: {  	s29 =	sadd.s32 $0x8200, s18;
	(v2sf) =	vpush v6, $0x3;
	s19 =	sshrl.u32 s19, $0x3;
	s21 =	sadd.s32 s31, s21  }
0x4f: {  	s22 =	simm.s32 $0x3D09000;
	(v2sf) =	vpush v5, $0x3;
	s19 =	sadd.s32 s3, s19;
	s21 =	sshll.u32 s21, $0x7  }
0x50: {  	[tilespmem:s29], [sflag:$0x1] =	stream.linear.gather [hbm4b:s19+s1], $0x80, $0x38;
	[tilespmem:$0xC200] =	vst v63  }
0x51: {  	s22 =	simm.s32 @!p0 $0x0;
	s20 =	sshll.u32 s31, $0x7;
	s21 =	sand.u32 $0xFFFFFC00, s21  }
0x52: {  	s20 =	sand.u32 $0x380, s20;
	s21 =	sadd.s32 s22, s21  }
0x53: {  	s20 =	sor.u32 s20, s21  }
0x54: {  	s20 =	sshrl.u32 s20, $0x3  }
0x55: {  	s23 =	spop (v2sf);
	s22 =	sadd.s32 $0x280, s18;
	s20 =	sadd.s32 s3, s20  }
0x56: {  	[tilespmem:s22], [sflag:$0x1] =	stream.linear.gather [hbm4b:s20+s1], $0x80, $0x38;
	[tilespmem:$0xC200] =	vst v63  }
0x57: {  	s20 =	sand.u32 $0x1FFFFFF0, s23  }
0x58: {  	s24 =	sadd.s32 $0x4280, s18;
	s20 =	sadd.s32 s4, s20  }
0x59: {  	(v2sf) =	vpush v4, $0x3;
	[tilespmem:s24], [sflag:$0x1] =	stream.linear.gather [hbm4b:s20+s1], $0x80, $0x38;
	[tilespmem:$0xC200] =	vst v63  }
0x5a: {  	p0 =	sgt.s32 s30, $0x7A11F;
	s20 =	simm.s32 $0x1F85EE0  }
0x5b: {  	s19 =	sshll.u32 s30, $0x7;
	s20 =	simm.s32 @!p0 $0x0  }
0x5c: {  	s19 =	sand.u32 $0x380, s19;
	s20 =	sadd.s32 s30, s20  }
0x5d: {  	s21 =	simm.s32 $0x3D09000;
	s26 =	spop (v2sf);
	s20 =	sshll.u32 s20, $0x7  }
0x5e: {  	s21 =	simm.s32 @!p0 $0x0;
	s28 =	spop (v2sf);
	s20 =	sand.u32 $0xFFFFFC00, s20  }
0x5f: {  	p0 =	sgt.s32 s28, $0x7A11F;
	s20 =	sadd.s32 s21, s20;
	s21 =	simm.s32 $0x1F85EE0  }
0x60: {  	s19 =	sor.u32 s19, s20;
	s21 =	simm.s32 @!p0 $0x0  }
0x61: {  	s25 =	sadd.s32 $0x8280, s18;
	s19 =	sshrl.u32 s19, $0x3;
	s21 =	sadd.s32 s28, s21  }
0x62: {  	s22 =	simm.s32 $0x3D09000;
	(v2sf) =	vpush v6, $0x4;
	s19 =	sadd.s32 s3, s19;
	s21 =	sshll.u32 s21, $0x7  }
0x63: {  	(v2sf) =	vpush v5, $0x4;
	[tilespmem:s25], [sflag:$0x1] =	stream.linear.gather [hbm4b:s19+s1], $0x80, $0x38;
	[tilespmem:$0xC200] =	vst v63  }
0x64: {  	s22 =	simm.s32 @!p0 $0x0;
	s20 =	sshll.u32 s28, $0x7;
	s21 =	sand.u32 $0xFFFFFC00, s21  }
0x65: {  	s20 =	sand.u32 $0x380, s20;
	s21 =	sadd.s32 s22, s21  }
0x66: {  	s20 =	sor.u32 s20, s21  }
0x67: {  	s20 =	sshrl.u32 s20, $0x3  }
0x68: {  	s29 =	sadd.s32 $0x300, s18;
	s30 =	spop (v2sf);
	s20 =	sadd.s32 s3, s20  }
0x69: {  	[tilespmem:s29], [sflag:$0x1] =	stream.linear.gather [hbm4b:s20+s1], $0x80, $0x38;
	[tilespmem:$0xC200] =	vst v63  }
0x6a: {  	s20 =	sand.u32 $0x1FFFFFF0, s30  }
0x6b: {  	s31 =	sadd.s32 $0x4300, s18;
	s20 =	sadd.s32 s4, s20  }
0x6c: {  	[tilespmem:s31], [sflag:$0x1] =	stream.linear.gather [hbm4b:s20+s1], $0x80, $0x38;
	[tilespmem:$0xC200] =	vst v63  }
0x6d: {  	(v2sf) =	vpush v4, $0x4;
	p0 =	sgt.s32 s26, $0x7A11F;
	s20 =	simm.s32 $0x1F85EE0  }
0x6e: {  	s20 =	simm.s32 @!p0 $0x0  }
0x6f: {  	s20 =	sadd.s32 s26, s20  }
0x70: {  	s19 =	sshll.u32 s26, $0x7;
	s21 =	simm.s32 $0x3D09000;
	s20 =	sshll.u32 s20, $0x7  }
0x71: {  	s21 =	simm.s32 @!p0 $0x0;
	s23 =	spop (v2sf);
	s20 =	sand.u32 $0xFFFFFC00, s20  }
0x72: {  	s19 =	sand.u32 $0x380, s19;
	s24 =	spop (v2sf);
	s20 =	sadd.s32 s21, s20  }
0x73: {  	p0 =	sgt.s32 s24, $0x7A11F;
	s21 =	simm.s32 $0x1F85EE0;
	s19 =	sor.u32 s19, s20  }
0x74: {  	s21 =	simm.s32 @!p0 $0x0;
	s19 =	sshrl.u32 s19, $0x3  }
0x75: {  	s22 =	sadd.s32 $0x8300, s18;
	(v2sf) =	vpush v6, $0x5;
	s21 =	sadd.s32 s24, s21;
	s19 =	sadd.s32 s3, s19  }
0x76: {  	(v2sf) =	vpush v5, $0x5;
	[tilespmem:s22], [sflag:$0x1] =	stream.linear.gather [hbm4b:s19+s1], $0x80, $0x38;
	[tilespmem:$0xC200] =	vst v63  }
0x77: {  	s21 =	sshll.u32 s21, $0x7;
	s22 =	simm.s32 $0x3D09000  }
0x78: {  	s20 =	sshll.u32 s24, $0x7;
	s21 =	sand.u32 $0xFFFFFC00, s21;
	s22 =	simm.s32 @!p0 $0x0  }
0x79: {  	s20 =	sand.u32 $0x380, s20;
	s21 =	sadd.s32 s22, s21  }
0x7a: {  	s20 =	sor.u32 s20, s21  }
0x7b: {  	s20 =	sshrl.u32 s20, $0x3  }
0x7c: {  	s25 =	sadd.s32 $0x380, s18;
	s26 =	spop (v2sf);
	s20 =	sadd.s32 s3, s20  }
0x7d: {  	[tilespmem:s25], [sflag:$0x1] =	stream.linear.gather [hbm4b:s20+s1], $0x80, $0x38;
	[tilespmem:$0xC200] =	vst v63  }
0x7e: {  	s20 =	sand.u32 $0x1FFFFFF0, s26  }
0x7f: {  	s28 =	sadd.s32 $0x4380, s18;
	s20 =	sadd.s32 s4, s20  }
0x80: {  	(v2sf) =	vpush v4, $0x5;
	[tilespmem:s28], [sflag:$0x1] =	stream.linear.gather [hbm4b:s20+s1], $0x80, $0x38;
	[tilespmem:$0xC200] =	vst v63  }
0x81: {  	p0 =	sgt.s32 s23, $0x7A11F;
	s20 =	simm.s32 $0x1F85EE0  }
0x82: {  	s19 =	sshll.u32 s23, $0x7;
	s20 =	simm.s32 @!p0 $0x0  }
0x83: {  	s19 =	sand.u32 $0x380, s19;
	s20 =	sadd.s32 s23, s20  }
0x84: {  	s21 =	simm.s32 $0x3D09000;
	s30 =	spop (v2sf);
	s20 =	sshll.u32 s20, $0x7  }
0x85: {  	s21 =	simm.s32 @!p0 $0x0;
	s31 =	spop (v2sf);
	s20 =	sand.u32 $0xFFFFFC00, s20  }
0x86: {  	p0 =	sgt.s32 s31, $0x7A11F;
	s20 =	sadd.s32 s21, s20;
	s21 =	simm.s32 $0x1F85EE0  }
0x87: {  	s19 =	sor.u32 s19, s20;
	s21 =	simm.s32 @!p0 $0x0  }
0x88: {  	s29 =	sadd.s32 $0x8380, s18;
	(v2sf) =	vpush v6, $0x6;
	s19 =	sshrl.u32 s19, $0x3;
	s21 =	sadd.s32 s31, s21  }
0x89: {  	s22 =	simm.s32 $0x3D09000;
	(v2sf) =	vpush v5, $0x6;
	s19 =	sadd.s32 s3, s19;
	s21 =	sshll.u32 s21, $0x7  }
0x8a: {  	[tilespmem:s29], [sflag:$0x1] =	stream.linear.gather [hbm4b:s19+s1], $0x80, $0x38;
	[tilespmem:$0xC200] =	vst v63  }
0x8b: {  	s22 =	simm.s32 @!p0 $0x0;
	s20 =	sshll.u32 s31, $0x7;
	s21 =	sand.u32 $0xFFFFFC00, s21  }
0x8c: {  	s20 =	sand.u32 $0x380, s20;
	s21 =	sadd.s32 s22, s21  }
0x8d: {  	s20 =	sor.u32 s20, s21  }
0x8e: {  	s20 =	sshrl.u32 s20, $0x3  }
0x8f: {  	s23 =	spop (v2sf);
	s22 =	sadd.s32 $0x400, s18;
	s20 =	sadd.s32 s3, s20  }
0x90: {  	[tilespmem:s22], [sflag:$0x1] =	stream.linear.gather [hbm4b:s20+s1], $0x80, $0x38;
	[tilespmem:$0xC200] =	vst v63  }
0x91: {  	s20 =	sand.u32 $0x1FFFFFF0, s23  }
0x92: {  	s24 =	sadd.s32 $0x4400, s18;
	s20 =	sadd.s32 s4, s20  }
0x93: {  	(v2sf) =	vpush v4, $0x6;
	[tilespmem:s24], [sflag:$0x1] =	stream.linear.gather [hbm4b:s20+s1], $0x80, $0x38;
	[tilespmem:$0xC200] =	vst v63  }
0x94: {  	p0 =	sgt.s32 s30, $0x7A11F;
	s20 =	simm.s32 $0x1F85EE0  }
0x95: {  	s19 =	sshll.u32 s30, $0x7;
	s20 =	simm.s32 @!p0 $0x0  }
0x96: {  	s19 =	sand.u32 $0x380, s19;
	s20 =	sadd.s32 s30, s20  }
0x97: {  	s21 =	simm.s32 $0x3D09000;
	s26 =	spop (v2sf);
	s20 =	sshll.u32 s20, $0x7  }
0x98: {  	s21 =	simm.s32 @!p0 $0x0;
	s28 =	spop (v2sf);
	s20 =	sand.u32 $0xFFFFFC00, s20  }
0x99: {  	p0 =	sgt.s32 s28, $0x7A11F;
	s20 =	sadd.s32 s21, s20;
	s21 =	simm.s32 $0x1F85EE0  }
0x9a: {  	s19 =	sor.u32 s19, s20;
	s21 =	simm.s32 @!p0 $0x0  }
0x9b: {  	s25 =	sadd.s32 $0x8400, s18;
	s19 =	sshrl.u32 s19, $0x3;
	s21 =	sadd.s32 s28, s21  }
0x9c: {  	(v2sf) =	vpush v6, $0x7;
	s22 =	simm.s32 $0x3D09000;
	s19 =	sadd.s32 s3, s19;
	s21 =	sshll.u32 s21, $0x7  }
0x9d: {  	(v2sf) =	vpush v5, $0x7;
	[tilespmem:s25], [sflag:$0x1] =	stream.linear.gather [hbm4b:s19+s1], $0x80, $0x38;
	[tilespmem:$0xC200] =	vst v63  }
0x9e: {  	s22 =	simm.s32 @!p0 $0x0;
	s20 =	sshll.u32 s28, $0x7;
	s21 =	sand.u32 $0xFFFFFC00, s21  }
0x9f: {  	s20 =	sand.u32 $0x380, s20;
	s21 =	sadd.s32 s22, s21  }
0xa0: {  	s20 =	sor.u32 s20, s21  }
0xa1: {  	s20 =	sshrl.u32 s20, $0x3  }
0xa2: {  	s29 =	sadd.s32 $0x480, s18;
	s30 =	spop (v2sf);
	s20 =	sadd.s32 s3, s20  }
0xa3: {  	[tilespmem:s29], [sflag:$0x1] =	stream.linear.gather [hbm4b:s20+s1], $0x80, $0x38;
	[tilespmem:$0xC200] =	vst v63  }
0xa4: {  	s20 =	sand.u32 $0x1FFFFFF0, s30  }
0xa5: {  	s31 =	sadd.s32 $0x4480, s18;
	s20 =	sadd.s32 s4, s20  }
0xa6: {  	[tilespmem:s31], [sflag:$0x1] =	stream.linear.gather [hbm4b:s20+s1], $0x80, $0x38;
	[tilespmem:$0xC200] =	vst v63  }
0xa7: {  	(v2sf) =	vpush v4, $0x7;
	p0 =	sgt.s32 s26, $0x7A11F;
	s20 =	simm.s32 $0x1F85EE0  }
0xa8: {  	s20 =	simm.s32 @!p0 $0x0  }
0xa9: {  	s20 =	sadd.s32 s26, s20  }
0xaa: {  	s19 =	sshll.u32 s26, $0x7;
	s21 =	simm.s32 $0x3D09000;
	s20 =	sshll.u32 s20, $0x7  }
0xab: {  	s23 =	spop (v2sf);
	s21 =	simm.s32 @!p0 $0x0;
	s20 =	sand.u32 $0xFFFFFC00, s20  }
0xac: {  	s19 =	sand.u32 $0x380, s19;
	s24 =	spop (v2sf);
	s20 =	sadd.s32 s21, s20  }
0xad: {  	p0 =	sgt.s32 s24, $0x7A11F;
	s21 =	simm.s32 $0x1F85EE0;
	s19 =	sor.u32 s19, s20  }
0xae: {  	(v2sf) =	vpush v6, $0x8;
	s21 =	simm.s32 @!p0 $0x0;
	s19 =	sshrl.u32 s19, $0x3  }
0xaf: {  	s22 =	sadd.s32 $0x8480, s18;
	s21 =	sadd.s32 s24, s21;
	s19 =	sadd.s32 s3, s19  }
0xb0: {  	(v2sf) =	vpush v5, $0x8;
	[tilespmem:s22], [sflag:$0x1] =	stream.linear.gather [hbm4b:s19+s1], $0x80, $0x38;
	[tilespmem:$0xC200] =	vst v63  }
0xb1: {  	s21 =	sshll.u32 s21, $0x7;
	s22 =	simm.s32 $0x3D09000  }
0xb2: {  	s20 =	sshll.u32 s24, $0x7;
	s21 =	sand.u32 $0xFFFFFC00, s21;
	s22 =	simm.s32 @!p0 $0x0  }
0xb3: {  	s20 =	sand.u32 $0x380, s20;
	s21 =	sadd.s32 s22, s21  }
0xb4: {  	s20 =	sor.u32 s20, s21  }
0xb5: {  	s20 =	sshrl.u32 s20, $0x3  }
0xb6: {  	s25 =	sadd.s32 $0x500, s18;
	s26 =	spop (v2sf);
	s20 =	sadd.s32 s3, s20  }
0xb7: {  	[tilespmem:s25], [sflag:$0x1] =	stream.linear.gather [hbm4b:s20+s1], $0x80, $0x38;
	[tilespmem:$0xC200] =	vst v63  }
0xb8: {  	s20 =	sand.u32 $0x1FFFFFF0, s26  }
0xb9: {  	s28 =	sadd.s32 $0x4500, s18;
	s20 =	sadd.s32 s4, s20  }
0xba: {  	(v2sf) =	vpush v4, $0x8;
	[tilespmem:s28], [sflag:$0x1] =	stream.linear.gather [hbm4b:s20+s1], $0x80, $0x38;
	[tilespmem:$0xC200] =	vst v63  }
0xbb: {  	p0 =	sgt.s32 s23, $0x7A11F;
	s20 =	simm.s32 $0x1F85EE0  }
0xbc: {  	s20 =	simm.s32 @!p0 $0x0  }
0xbd: {  	s19 =	sshll.u32 s23, $0x7;
	s30 =	spop (v2sf);
	s20 =	sadd.s32 s23, s20  }
0xbe: {  	s19 =	sand.u32 $0x380, s19;
	s21 =	simm.s32 $0x3D09000;
	s20 =	sshll.u32 s20, $0x7  }
0xbf: {  	s31 =	spop (v2sf);
	s21 =	simm.s32 @!p0 $0x0;
	s20 =	sand.u32 $0xFFFFFC00, s20  }
0xc0: {  	(v2sf) =	vpush v6, $0x9;
	p0 =	sgt.s32 s31, $0x7A11F;
	s20 =	sadd.s32 s21, s20;
	s21 =	simm.s32 $0x1F85EE0  }
0xc1: {  	(v2sf) =	vpush v5, $0x9;
	s19 =	sor.u32 s19, s20;
	s21 =	simm.s32 @!p0 $0x0  }
0xc2: {  	s29 =	sadd.s32 $0x8500, s18;
	s19 =	sshrl.u32 s19, $0x3;
	s21 =	sadd.s32 s31, s21  }
0xc3: {  	s22 =	simm.s32 $0x3D09000;
	s19 =	sadd.s32 s3, s19;
	s21 =	sshll.u32 s21, $0x7  }
0xc4: {  	[tilespmem:s29], [sflag:$0x1] =	stream.linear.gather [hbm4b:s19+s1], $0x80, $0x38;
	[tilespmem:$0xC200] =	vst v63  }
0xc5: {  	s22 =	simm.s32 @!p0 $0x0;
	s20 =	sshll.u32 s31, $0x7;
	s21 =	sand.u32 $0xFFFFFC00, s21  }
0xc6: {  	s20 =	sand.u32 $0x380, s20;
	s21 =	sadd.s32 s22, s21  }
0xc7: {  	s20 =	sor.u32 s20, s21  }
0xc8: {  	s20 =	sshrl.u32 s20, $0x3  }
0xc9: {  	s23 =	spop (v2sf);
	s22 =	sadd.s32 $0x580, s18;
	s20 =	sadd.s32 s3, s20  }
0xca: {  	[tilespmem:s22], [sflag:$0x1] =	stream.linear.gather [hbm4b:s20+s1], $0x80, $0x38;
	[tilespmem:$0xC200] =	vst v63  }
0xcb: {  	s20 =	sand.u32 $0x1FFFFFF0, s23  }
0xcc: {  	s24 =	sadd.s32 $0x4580, s18;
	s20 =	sadd.s32 s4, s20  }
0xcd: {  	(v2sf) =	vpush v4, $0x9;
	[tilespmem:s24], [sflag:$0x1] =	stream.linear.gather [hbm4b:s20+s1], $0x80, $0x38;
	[tilespmem:$0xC200] =	vst v63  }
0xce: {  	p0 =	sgt.s32 s30, $0x7A11F;
	s20 =	simm.s32 $0x1F85EE0  }
0xcf: {  	s26 =	spop (v2sf);
	s20 =	simm.s32 @!p0 $0x0  }
0xd0: {  	s28 =	spop (v2sf);
	s20 =	sadd.s32 s30, s20  }
0xd1: {  	s19 =	sshll.u32 s30, $0x7;
	s21 =	simm.s32 $0x3D09000;
	s20 =	sshll.u32 s20, $0x7  }
0xd2: {  	s19 =	sand.u32 $0x380, s19;
	s21 =	simm.s32 @!p0 $0x0;
	s20 =	sand.u32 $0xFFFFFC00, s20  }
0xd3: {  	p0 =	sgt.s32 s28, $0x7A11F;
	s20 =	sadd.s32 s21, s20;
	s21 =	simm.s32 $0x1F85EE0  }
0xd4: {  	s19 =	sor.u32 s19, s20;
	s21 =	simm.s32 @!p0 $0x0  }
0xd5: {  	s25 =	sadd.s32 $0x8580, s18;
	(v2sf) =	vpush v6, $0xA;
	s19 =	sshrl.u32 s19, $0x3;
	s21 =	sadd.s32 s28, s21  }
0xd6: {  	s22 =	simm.s32 $0x3D09000;
	s19 =	sadd.s32 s3, s19;
	s21 =	sshll.u32 s21, $0x7  }
0xd7: {  	(v2sf) =	vpush v5, $0xA;
	[tilespmem:s25], [sflag:$0x1] =	stream.linear.gather [hbm4b:s19+s1], $0x80, $0x38;
	[tilespmem:$0xC200] =	vst v63  }
0xd8: {  	s22 =	simm.s32 @!p0 $0x0;
	s20 =	sshll.u32 s28, $0x7;
	s21 =	sand.u32 $0xFFFFFC00, s21  }
0xd9: {  	s20 =	sand.u32 $0x380, s20;
	s21 =	sadd.s32 s22, s21  }
0xda: {  	s20 =	sor.u32 s20, s21  }
0xdb: {  	s20 =	sshrl.u32 s20, $0x3  }
0xdc: {  	s29 =	sadd.s32 $0x600, s18;
	s30 =	spop (v2sf);
	s20 =	sadd.s32 s3, s20  }
0xdd: {  	[tilespmem:s29], [sflag:$0x1] =	stream.linear.gather [hbm4b:s20+s1], $0x80, $0x38;
	[tilespmem:$0xC200] =	vst v63  }
0xde: {  	s20 =	sand.u32 $0x1FFFFFF0, s30  }
0xdf: {  	s31 =	sadd.s32 $0x4600, s18;
	s20 =	sadd.s32 s4, s20  }
0xe0: {  	[tilespmem:s31], [sflag:$0x1] =	stream.linear.gather [hbm4b:s20+s1], $0x80, $0x38;
	[tilespmem:$0xC200] =	vst v63  }
0xe1: {  	(v2sf) =	vpush v4, $0xA;
	p0 =	sgt.s32 s26, $0x7A11F;
	s20 =	simm.s32 $0x1F85EE0  }
0xe2: {  	s20 =	simm.s32 @!p0 $0x0  }
0xe3: {  	s20 =	sadd.s32 s26, s20  }
0xe4: {  	s23 =	spop (v2sf);
	s21 =	simm.s32 $0x3D09000;
	s20 =	sshll.u32 s20, $0x7  }
0xe5: {  	s19 =	sshll.u32 s26, $0x7;
	s21 =	simm.s32 @!p0 $0x0;
	s20 =	sand.u32 $0xFFFFFC00, s20  }
0xe6: {  	s24 =	spop (v2sf);
	s19 =	sand.u32 $0x380, s19;
	s20 =	sadd.s32 s21, s20  }
0xe7: {  	(v2sf) =	vpush v6, $0xB;
	p0 =	sgt.s32 s24, $0x7A11F;
	s21 =	simm.s32 $0x1F85EE0;
	s19 =	sor.u32 s19, s20  }
0xe8: {  	(v2sf) =	vpush v5, $0xB;
	s21 =	simm.s32 @!p0 $0x0;
	s19 =	sshrl.u32 s19, $0x3  }
0xe9: {  	s22 =	sadd.s32 $0x8600, s18;
	s21 =	sadd.s32 s24, s21;
	s19 =	sadd.s32 s3, s19  }
0xea: {  	[tilespmem:s22], [sflag:$0x1] =	stream.linear.gather [hbm4b:s19+s1], $0x80, $0x38;
	[tilespmem:$0xC200] =	vst v63  }
0xeb: {  	s21 =	sshll.u32 s21, $0x7;
	s22 =	simm.s32 $0x3D09000  }
0xec: {  	s20 =	sshll.u32 s24, $0x7;
	s21 =	sand.u32 $0xFFFFFC00, s21;
	s22 =	simm.s32 @!p0 $0x0  }
0xed: {  	s20 =	sand.u32 $0x380, s20;
	s21 =	sadd.s32 s22, s21  }
0xee: {  	s20 =	sor.u32 s20, s21  }
0xef: {  	s20 =	sshrl.u32 s20, $0x3  }
0xf0: {  	s25 =	sadd.s32 $0x680, s18;
	s26 =	spop (v2sf);
	s20 =	sadd.s32 s3, s20  }
0xf1: {  	[tilespmem:s25], [sflag:$0x1] =	stream.linear.gather [hbm4b:s20+s1], $0x80, $0x38;
	[tilespmem:$0xC200] =	vst v63  }
0xf2: {  	s20 =	sand.u32 $0x1FFFFFF0, s26  }
0xf3: {  	s28 =	sadd.s32 $0x4680, s18;
	s20 =	sadd.s32 s4, s20  }
0xf4: {  	(v2sf) =	vpush v4, $0xB;
	[tilespmem:s28], [sflag:$0x1] =	stream.linear.gather [hbm4b:s20+s1], $0x80, $0x38;
	[tilespmem:$0xC200] =	vst v63  }
0xf5: {  	p0 =	sgt.s32 s23, $0x7A11F;
	s20 =	simm.s32 $0x1F85EE0  }
0xf6: {  	s30 =	spop (v2sf);
	s20 =	simm.s32 @!p0 $0x0  }
0xf7: {  	s31 =	spop (v2sf);
	s20 =	sadd.s32 s23, s20  }
0xf8: {  	s19 =	sshll.u32 s23, $0x7;
	s21 =	simm.s32 $0x3D09000;
	s20 =	sshll.u32 s20, $0x7  }
0xf9: {  	s19 =	sand.u32 $0x380, s19;
	s21 =	simm.s32 @!p0 $0x0;
	s20 =	sand.u32 $0xFFFFFC00, s20  }
0xfa: {  	(v2sf) =	vpush v6, $0xC;
	p0 =	sgt.s32 s31, $0x7A11F;
	s20 =	sadd.s32 s21, s20;
	s21 =	simm.s32 $0x1F85EE0  }
0xfb: {  	(v2sf) =	vpush v5, $0xC;
	s19 =	sor.u32 s19, s20;
	s21 =	simm.s32 @!p0 $0x0  }
0xfc: {  	s29 =	sadd.s32 $0x8680, s18;
	s19 =	sshrl.u32 s19, $0x3;
	s21 =	sadd.s32 s31, s21  }
0xfd: {  	s22 =	simm.s32 $0x3D09000;
	s19 =	sadd.s32 s3, s19;
	s21 =	sshll.u32 s21, $0x7  }
0xfe: {  	[tilespmem:s29], [sflag:$0x1] =	stream.linear.gather [hbm4b:s19+s1], $0x80, $0x38;
	[tilespmem:$0xC200] =	vst v63  }
0xff: {  	s22 =	simm.s32 @!p0 $0x0;
	s20 =	sshll.u32 s31, $0x7;
	s21 =	sand.u32 $0xFFFFFC00, s21  }
0x100: {  	s20 =	sand.u32 $0x380, s20;
	s21 =	sadd.s32 s22, s21  }
0x101: {  	s20 =	sor.u32 s20, s21  }
0x102: {  	s20 =	sshrl.u32 s20, $0x3  }
0x103: {  	s23 =	spop (v2sf);
	s22 =	sadd.s32 $0x700, s18;
	s20 =	sadd.s32 s3, s20  }
0x104: {  	[tilespmem:s22], [sflag:$0x1] =	stream.linear.gather [hbm4b:s20+s1], $0x80, $0x38;
	[tilespmem:$0xC200] =	vst v63  }
0x105: {  	s20 =	sand.u32 $0x1FFFFFF0, s23  }
0x106: {  	s24 =	sadd.s32 $0x4700, s18;
	s20 =	sadd.s32 s4, s20  }
0x107: {  	(v2sf) =	vpush v4, $0xC;
	[tilespmem:s24], [sflag:$0x1] =	stream.linear.gather [hbm4b:s20+s1], $0x80, $0x38;
	[tilespmem:$0xC200] =	vst v63  }
0x108: {  	p0 =	sgt.s32 s30, $0x7A11F;
	s20 =	simm.s32 $0x1F85EE0  }
0x109: {  	s26 =	spop (v2sf);
	s20 =	simm.s32 @!p0 $0x0  }
0x10a: {  	s28 =	spop (v2sf);
	s20 =	sadd.s32 s30, s20  }
0x10b: {  	s19 =	sshll.u32 s30, $0x7;
	s21 =	simm.s32 $0x3D09000;
	s20 =	sshll.u32 s20, $0x7  }
0x10c: {  	s19 =	sand.u32 $0x380, s19;
	s21 =	simm.s32 @!p0 $0x0;
	s20 =	sand.u32 $0xFFFFFC00, s20  }
0x10d: {  	p0 =	sgt.s32 s28, $0x7A11F;
	s20 =	sadd.s32 s21, s20;
	s21 =	simm.s32 $0x1F85EE0  }
0x10e: {  	s19 =	sor.u32 s19, s20;
	s21 =	simm.s32 @!p0 $0x0  }
0x10f: {  	s25 =	sadd.s32 $0x8700, s18;
	(v2sf) =	vpush v6, $0xD;
	s19 =	sshrl.u32 s19, $0x3;
	s21 =	sadd.s32 s28, s21  }
0x110: {  	s22 =	simm.s32 $0x3D09000;
	s19 =	sadd.s32 s3, s19;
	s21 =	sshll.u32 s21, $0x7  }
0x111: {  	(v2sf) =	vpush v5, $0xD;
	[tilespmem:s25], [sflag:$0x1] =	stream.linear.gather [hbm4b:s19+s1], $0x80, $0x38;
	[tilespmem:$0xC200] =	vst v63  }
0x112: {  	s22 =	simm.s32 @!p0 $0x0;
	s20 =	sshll.u32 s28, $0x7;
	s21 =	sand.u32 $0xFFFFFC00, s21  }
0x113: {  	s20 =	sand.u32 $0x380, s20;
	s21 =	sadd.s32 s22, s21  }
0x114: {  	s20 =	sor.u32 s20, s21  }
0x115: {  	s20 =	sshrl.u32 s20, $0x3  }
0x116: {  	s29 =	sadd.s32 $0x780, s18;
	s30 =	spop (v2sf);
	s20 =	sadd.s32 s3, s20  }
0x117: {  	[tilespmem:s29], [sflag:$0x1] =	stream.linear.gather [hbm4b:s20+s1], $0x80, $0x38;
	[tilespmem:$0xC200] =	vst v63  }
0x118: {  	s20 =	sand.u32 $0x1FFFFFF0, s30  }
0x119: {  	s31 =	sadd.s32 $0x4780, s18;
	s20 =	sadd.s32 s4, s20  }
0x11a: {  	[tilespmem:s31], [sflag:$0x1] =	stream.linear.gather [hbm4b:s20+s1], $0x80, $0x38;
	[tilespmem:$0xC200] =	vst v63  }
0x11b: {  	(v2sf) =	vpush v4, $0xD;
	p0 =	sgt.s32 s26, $0x7A11F;
	s20 =	simm.s32 $0x1F85EE0  }
0x11c: {  	s20 =	simm.s32 @!p0 $0x0  }
0x11d: {  	s20 =	sadd.s32 s26, s20  }
0x11e: {  	s23 =	spop (v2sf);
	s21 =	simm.s32 $0x3D09000;
	s20 =	sshll.u32 s20, $0x7  }
0x11f: {  	s19 =	sshll.u32 s26, $0x7;
	s21 =	simm.s32 @!p0 $0x0;
	s20 =	sand.u32 $0xFFFFFC00, s20  }
0x120: {  	s24 =	spop (v2sf);
	s19 =	sand.u32 $0x380, s19;
	s20 =	sadd.s32 s21, s20  }
0x121: {  	(v2sf) =	vpush v6, $0xE;
	p0 =	sgt.s32 s24, $0x7A11F;
	s21 =	simm.s32 $0x1F85EE0;
	s19 =	sor.u32 s19, s20  }
0x122: {  	(v2sf) =	vpush v5, $0xE;
	s21 =	simm.s32 @!p0 $0x0;
	s19 =	sshrl.u32 s19, $0x3  }
0x123: {  	s22 =	sadd.s32 $0x8780, s18;
	s21 =	sadd.s32 s24, s21;
	s19 =	sadd.s32 s3, s19  }
0x124: {  	[tilespmem:s22], [sflag:$0x1] =	stream.linear.gather [hbm4b:s19+s1], $0x80, $0x38;
	[tilespmem:$0xC200] =	vst v63  }
0x125: {  	s21 =	sshll.u32 s21, $0x7;
	s22 =	simm.s32 $0x3D09000  }
0x126: {  	s20 =	sshll.u32 s24, $0x7;
	s21 =	sand.u32 $0xFFFFFC00, s21;
	s22 =	simm.s32 @!p0 $0x0  }
0x127: {  	s20 =	sand.u32 $0x380, s20;
	s21 =	sadd.s32 s22, s21  }
0x128: {  	s20 =	sor.u32 s20, s21  }
0x129: {  	s20 =	sshrl.u32 s20, $0x3  }
0x12a: {  	s25 =	sadd.s32 $0x800, s18;
	s26 =	spop (v2sf);
	s20 =	sadd.s32 s3, s20  }
0x12b: {  	[tilespmem:s25], [sflag:$0x1] =	stream.linear.gather [hbm4b:s20+s1], $0x80, $0x38;
	[tilespmem:$0xC200] =	vst v63  }
0x12c: {  	s20 =	sand.u32 $0x1FFFFFF0, s26  }
0x12d: {  	s28 =	sadd.s32 $0x4800, s18;
	s20 =	sadd.s32 s4, s20  }
0x12e: {  	(v2sf) =	vpush v4, $0xE;
	[tilespmem:s28], [sflag:$0x1] =	stream.linear.gather [hbm4b:s20+s1], $0x80, $0x38;
	[tilespmem:$0xC200] =	vst v63  }
0x12f: {  	p0 =	sgt.s32 s23, $0x7A11F;
	s20 =	simm.s32 $0x1F85EE0  }
0x130: {  	s30 =	spop (v2sf);
	s20 =	simm.s32 @!p0 $0x0  }
0x131: {  	s31 =	spop (v2sf);
	s20 =	sadd.s32 s23, s20  }
0x132: {  	s19 =	sshll.u32 s23, $0x7;
	s21 =	simm.s32 $0x3D09000;
	s20 =	sshll.u32 s20, $0x7  }
0x133: {  	s19 =	sand.u32 $0x380, s19;
	s21 =	simm.s32 @!p0 $0x0;
	s20 =	sand.u32 $0xFFFFFC00, s20  }
0x134: {  	p0 =	sgt.s32 s31, $0x7A11F;
	s20 =	sadd.s32 s21, s20;
	s21 =	simm.s32 $0x1F85EE0  }
0x135: {  	s19 =	sor.u32 s19, s20;
	s21 =	simm.s32 @!p0 $0x0  }
0x136: {  	s29 =	sadd.s32 $0x8800, s18;
	s19 =	sshrl.u32 s19, $0x3;
	s21 =	sadd.s32 s31, s21  }
0x137: {  	s22 =	simm.s32 $0x3D09000;
	s19 =	sadd.s32 s3, s19;
	s21 =	sshll.u32 s21, $0x7  }
0x138: {  	[tilespmem:s29], [sflag:$0x1] =	stream.linear.gather [hbm4b:s19+s1], $0x80, $0x38;
	[tilespmem:$0xC200] =	vst v63  }
0x139: {  	s22 =	simm.s32 @!p0 $0x0;
	s20 =	sshll.u32 s31, $0x7;
	s21 =	sand.u32 $0xFFFFFC00, s21  }
0x13a: {  	(v2sf) =	vpush v6, $0xF;
	s20 =	sand.u32 $0x380, s20;
	s21 =	sadd.s32 s22, s21  }
0x13b: {  	(v2sf) =	vpush v5, $0xF;
	s20 =	sor.u32 s20, s21  }
0x13c: {  	s20 =	sshrl.u32 s20, $0x3  }
0x13d: {  	s23 =	spop (v2sf);
	s22 =	sadd.s32 $0x880, s18;
	s20 =	sadd.s32 s3, s20  }
0x13e: {  	[tilespmem:s22], [sflag:$0x1] =	stream.linear.gather [hbm4b:s20+s1], $0x80, $0x38;
	[tilespmem:$0xC200] =	vst v63  }
0x13f: {  	s20 =	sand.u32 $0x1FFFFFF0, s23  }
0x140: {  	s24 =	sadd.s32 $0x4880, s18;
	s20 =	sadd.s32 s4, s20  }
0x141: {  	[tilespmem:s24], [sflag:$0x1] =	stream.linear.gather [hbm4b:s20+s1], $0x80, $0x38;
	[tilespmem:$0xC200] =	vst v63  }
0x142: {  	p0 =	sgt.s32 s30, $0x7A11F;
	s20 =	simm.s32 $0x1F85EE0  }
0x143: {  	s20 =	simm.s32 @!p0 $0x0  }
0x144: {  	s20 =	sadd.s32 s30, s20  }
0x145: {  	(v2sf) =	vpush v4, $0xF;
	s21 =	simm.s32 $0x3D09000;
	s20 =	sshll.u32 s20, $0x7  }
0x146: {  	s19 =	sshll.u32 s30, $0x7;
	s21 =	simm.s32 @!p0 $0x0;
	s20 =	sand.u32 $0xFFFFFC00, s20  }
0x147: {  	s19 =	sand.u32 $0x380, s19;
	s20 =	sadd.s32 s21, s20  }
0x148: {  	s19 =	sor.u32 s19, s20  }
0x149: {  	s25 =	spop (v2sf);
	s19 =	sshrl.u32 s19, $0x3  }
0x14a: {  	s28 =	sadd.s32 $0x8880, s18;
	s26 =	spop (v2sf);
	s19 =	sadd.s32 s3, s19  }
0x14b: {  	[tilespmem:s28], [sflag:$0x1] =	stream.linear.gather [hbm4b:s19+s1], $0x80, $0x38;
	[tilespmem:$0xC200] =	vst v63  }
0x14c: {  	p0 =	sgt.s32 s26, $0x7A11F;
	s19 =	simm.s32 $0x1F85EE0  }
0x14d: {  	s19 =	simm.s32 @!p0 $0x0  }
0x14e: {  	s19 =	sadd.s32 s26, s19  }
0x14f: {  	s22 =	simm.s32 $0x3D09000;
	s19 =	sshll.u32 s19, $0x7  }
0x150: {  	s22 =	simm.s32 @!p0 $0x0;
	s21 =	sshll.u32 s26, $0x7;
	s19 =	sand.u32 $0xFFFFFC00, s19  }
0x151: {  	s21 =	sand.u32 $0x380, s21;
	s19 =	sadd.s32 s22, s19  }
0x152: {  	s19 =	sor.u32 s21, s19  }
0x153: {  	s19 =	sshrl.u32 s19, $0x3  }
0x154: {  	s29 =	sadd.s32 $0x900, s18;
	s30 =	spop (v2sf);
	s19 =	sadd.s32 s3, s19  }
0x155: {  	[tilespmem:s29], [sflag:$0x1] =	stream.linear.gather [hbm4b:s19+s1], $0x80, $0x38;
	[tilespmem:$0xC200] =	vst v63  }
0x156: {  	s19 =	sand.u32 $0x1FFFFFF0, s30  }
0x157: {  	s31 =	sadd.s32 $0x4900, s18;
	s19 =	sadd.s32 s4, s19  }
0x158: {  	[tilespmem:s31], [sflag:$0x1] =	stream.linear.gather [hbm4b:s19+s1], $0x80, $0x38;
	[tilespmem:$0xC200] =	vst v63  }
0x159: {  	p0 =	sgt.s32 s25, $0x7A11F;
	s19 =	simm.s32 $0x1F85EE0  }
0x15a: {  	s19 =	simm.s32 @!p0 $0x0  }
0x15b: {  	s19 =	sadd.s32 s25, s19  }
0x15c: {  	s20 =	sshll.u32 s25, $0x7;
	s21 =	simm.s32 $0x3D09000;
	s19 =	sshll.u32 s19, $0x7  }
0x15d: {  	s21 =	simm.s32 @!p0 $0x0;
	p0 =	sne.s32 s17, $0xE000;
	s19 =	sand.u32 $0xFFFFFC00, s19  }
.Ltmp0:
0x15e: {  	s20 =	sand.u32 $0x380, s20;
	s19 =	sadd.s32 s21, s19;
	(pc) =	sbr.rel @p0 .LBB2_2-.Ltmp0, $4  }
0x15f: {  	s16 =	sadd.s32 $0x10, s16;
	s19 =	sor.u32 s20, s19  }
0x160: {  	s14 =	sadd.s32 $0x10, s14;
	s15 =	sadd.s32 $0x10, s15;
	s19 =	sshrl.u32 s19, $0x3  }
0x161: {  	s18 =	sadd.s32 $0x8900, s18;
	s17 =	sadd.s32 $0x2000, s17;
	s19 =	sadd.s32 s3, s19  }
0x162: {  	[tilespmem:s18], [sflag:$0x1] =	stream.linear.gather [hbm4b:s19+s1], $0x80, $0x38;
	[tilespmem:$0xC200] =	vst v63  }
0x163: {  	_ =	swait.ge [sflag:s11], $0x4000  }
0x164: {  	[sflag:s11] =	ssyncset.done $0x0  }
0x165: {  	[sflag:s11] =	ssyncadd.s32 $0xFFFFC000  }
0x166: {  	_ =	swait.ge [sflag:s11], $0x4000  }
0x167: {  	[sflag:s11] =	ssyncset.done $0x0  }
0x168: {  	[sflag:s11] =	ssyncadd.s32 $0xFFFFC000  }
0x169: {  	_ =	swait.ge [sflag:s11], $0x4000  }
0x16a: {  	[sflag:s11] =	ssyncset.done $0x0  }
0x16b: {  	s14 =	simm.s32 $0x0;
	[sflag:s11] =	ssyncadd.s32 $0xFFFFC000  }
0x16c: {  	v45 =	vld [tilespmem:s14+$0x8930]  }
0x16d: {  	v42 =	vld [tilespmem:s14+$0x88B0]  }
0x16e: {  	v46 =	vld [tilespmem:s14+$0x8920]  }
0x16f: {  	v33 =	vld [tilespmem:s14+$0x930]  }
0x170: {  	v28 =	vld [tilespmem:s14+$0x4930]  }
0x171: {  	v50 =	vld [tilespmem:s14+$0x8830]  }
0x172: {  	v54 =	vld [tilespmem:s14+$0x88A0]  }
0x173: {  	v29 =	vld [tilespmem:s14+$0x8B0]  }
0x174: {  	v30 =	vld [tilespmem:s14+$0x48B0]  }
0x175: {  	v47 =	vld [tilespmem:s14+$0x8900]  }
0x176: {  	v48 =	vld [tilespmem:s14+$0x8910]  }
0x177: {  	v23 =	vld [tilespmem:s14+$0x920]  }
0x178: {  	v22 =	vld [tilespmem:s14+$0x4920]  }
0x179: {  	v0 =	vld [tilespmem:s14+$0x87B0]  }
0x17a: {  	v25 =	vld [tilespmem:s14+$0x830]  }
0x17b: {  	v24 =	vld [tilespmem:s14+$0x4830]  }
0x17c: {  	v52 =	vld [tilespmem:s14+$0x8880]  }
0x17d: {  	v53 =	vld [tilespmem:s14+$0x8890]  }
0x17e: {  	v27 =	vld [tilespmem:s14+$0x8A0]  }
0x17f: {  	[tilespmem:$0x1F8C0] =	vst v0;
	v0 =	vld [tilespmem:s14+$0x8820]  }
0x180: {  	v26 =	vld [tilespmem:s14+$0x48A0]  }
0x181: {  	v21 =	vld [tilespmem:s14+$0x900]  }
0x182: {  	v17 =	vld [tilespmem:s14+$0x4900]  }
0x183: {  	v19 =	vld [tilespmem:s14+$0x910]  }
0x184: {  	[tilespmem:$0x1F880] =	vst v0;
	v0 =	vld [tilespmem:s14+$0x8730]  }
0x185: {  	v12 =	vld [tilespmem:s14+$0x4910]  }
0x186: {  	v43 =	vld [tilespmem:s14+$0x8800]  }
0x187: {  	v44 =	vld [tilespmem:s14+$0x8810]  }
0x188: {  	v18 =	vld [tilespmem:s14+$0x820]  }
0x189: {  	[tilespmem:$0x1F910] =	vst v0;
	v0 =	vld [tilespmem:s14+$0x87A0]  }
0x18a: {  	v13 =	vld [tilespmem:s14+$0x4820]  }
0x18b: {  	v20 =	vld [tilespmem:s14+$0x880]  }
0x18c: {  	v15 =	vld [tilespmem:s14+$0x4880]  }
0x18d: {  	v16 =	vld [tilespmem:s14+$0x890]  }
0x18e: {  	[tilespmem:$0x1F8B0] =	vst v0;
	v0 =	vld [tilespmem:s14+$0x7B0]  }
0x18f: {  	v14 =	vld [tilespmem:s14+$0x4890]  }
0x190: {  	v39 =	vld [tilespmem:s14+$0x8780]  }
0x191: {  	v40 =	vld [tilespmem:s14+$0x8790]  }
0x192: {  	v8 =	vld [tilespmem:s14+$0x85B0]  }
0x193: {  	[tilespmem:$0x1F890] =	vst v0;
	v0 =	vld [tilespmem:s14+$0x47B0]  }
0x194: {  	v32 =	vld [tilespmem:s14+$0x7A0]  }
0x195: {  	v31 =	vld [tilespmem:s14+$0x47A0]  }
0x196: {  	v7 =	vld [tilespmem:s14+$0x800]  }
0x197: {  	[tilespmem:$0x1F9D0] =	vst v8;
	v8 =	vld [tilespmem:s14+$0x8620]  }
0x198: {  	[tilespmem:$0x1F8A0] =	vst v0;
	v0 =	vld [tilespmem:s14+$0x86B0]  }
0x199: {  	v6 =	vld [tilespmem:s14+$0x4800]  }
0x19a: {  	v5 =	vld [tilespmem:s14+$0x810]  }
0x19b: {  	v4 =	vld [tilespmem:s14+$0x4810]  }
0x19c: {  	[tilespmem:$0x1FA20] =	vst v8;
	v8 =	vld [tilespmem:s14+$0x630]  }
0x19d: {  	[tilespmem:$0x1F920] =	vst v0;
	v0 =	vld [tilespmem:s14+$0x8720]  }
0x19e: {  	v63 =	vld [tilespmem:s14+$0x46B0]  }
0x19f: {  	v51 =	vld [tilespmem:s14+$0x8700]  }
0x1a0: {  	v49 =	vld [tilespmem:s14+$0x8710]  }
0x1a1: {  	[tilespmem:$0x1F930] =	vst v8;
	v8 =	vld [tilespmem:s14+$0x4630]  }
0x1a2: {  	[tilespmem:$0x1F8F0] =	vst v0;
	v0 =	vld [tilespmem:s14+$0x730]  }
0x1a3: {  	v41 =	vld [tilespmem:s14+$0x720]  }
0x1a4: {  	v38 =	vld [tilespmem:s14+$0x4720]  }
0x1a5: {  	v3 =	vld [tilespmem:s14+$0x780]  }
0x1a6: {  	[tilespmem:$0x1F940] =	vst v8;
	v8 =	vld [tilespmem:s14+$0x8680]  }
0x1a7: {  	[tilespmem:$0x1F8D0] =	vst v0;
	v0 =	vld [tilespmem:s14+$0x4730]  }
0x1a8: {  	v2 =	vld [tilespmem:s14+$0x4780]  }
0x1a9: {  	v1 =	vld [tilespmem:s14+$0x790]  }
0x1aa: {  	v34 =	vld [tilespmem:s14+$0x8530]  }
0x1ab: {  	[tilespmem:$0x1F970] =	vst v8;
	v8 =	vld [tilespmem:s14+$0x8690]  }
0x1ac: {  	[tilespmem:$0x1F8E0] =	vst v0;
	v0 =	vld [tilespmem:s14+$0x8630]  }
0x1ad: {  	v36 =	vld [tilespmem:s14+$0x85A0]  }
0x1ae: {  	v37 =	vld [tilespmem:s14+$0x5B0]  }
0x1af: {  	v55 =	vld [tilespmem:s14+$0x45B0];
	[tilespmem:$0x1FB00] =	vst v34  }
0x1b0: {  	[tilespmem:$0x1F980] =	vst v8;
	v8 =	vld [tilespmem:s14+$0x6A0]  }
0x1b1: {  	[tilespmem:$0x1F9B0] =	vst v0;
	v0 =	vld [tilespmem:s14+$0x86A0]  }
0x1b2: {  	v56 =	vld [tilespmem:s14+$0x8600];
	[tilespmem:$0x1FA60] =	vst v36  }
0x1b3: {  	v57 =	vld [tilespmem:s14+$0x8610];
	[tilespmem:$0x1F990] =	vst v37  }
0x1b4: {  	v58 =	vld [tilespmem:s14+$0x620];
	[tilespmem:$0x1F9A0] =	vst v55  }
0x1b5: {  	[tilespmem:$0x1F950] =	vst v8;
	v8 =	vld [tilespmem:s14+$0x46A0]  }
0x1b6: {  	[tilespmem:$0x1F9C0] =	vst v0;
	v0 =	vld [tilespmem:s14+$0x6B0]  }
0x1b7: {  	v59 =	vld [tilespmem:s14+$0x4620];
	[tilespmem:$0x1FA30] =	vst v56  }
0x1b8: {  	v11 =	vld [tilespmem:s14+$0x700];
	[tilespmem:$0x1FA50] =	vst v57;
	v18 =	vmul.f32 v13, v18  }
0x1b9: {  	v10 =	vld [tilespmem:s14+$0x4700];
	[tilespmem:$0x1F9E0] =	vst v58;
	v6 =	vmul.f32 v6, v7;
	v4 =	vmul.f32 v4, v5  }
0x1ba: {  	v9 =	vld [tilespmem:s14+$0x710];
	v13 =	vmul.f32 v15, v20;
	v16 =	vmul.f32 v14, v16;
	[tilespmem:$0x1F960] =	vst v8  }
0x1bb: {  	v6 =	vmul.f32 v43, v6;
	v4 =	vmul.f32 v44, v4;
	v8 =	vld [tilespmem:s14+$0x4710];
	[tilespmem:$0x1F900] =	vst v0  }
0x1bc: {  	v5 =	vmul.f32 v52, v13;
	v7 =	vmul.f32 v53, v16;
	v0 =	vld [tilespmem:s14+$0x4790];
	[tilespmem:$0x1F9F0] =	vst v59  }
0x1bd: {  	v4 =	vadd.f32 v4, v6;
	v6 =	vld [tilespmem:$0x1F890]  }
0x1be: {  	v5 =	vadd.f32 v7, v5;
	v7 =	vld [tilespmem:$0x1F8A0];
	_ =	sdelay $0x4  }
0x1bf: {  	v6 =	vmul.f32 v7, v6;
	v7 =	vld [tilespmem:$0x1F8B0];
	_ =	sdelay $0x1  }
0x1c0: {  	v2 =	vmul.f32 v2, v3  }
0x1c1: {  	v3 =	vld [tilespmem:$0x1F880];
	v0 =	vmul.f32 v0, v1;
	v1 =	vmul.f32 v31, v32  }
0x1c2: {  	v2 =	vmul.f32 v39, v2  }
0x1c3: {  	v0 =	vmul.f32 v40, v0;
	v7 =	vmul.f32 v7, v1;
	v1 =	vld [tilespmem:$0x1F8C0];
	_ =	sdelay $0x1  }
0x1c4: {  	v0 =	vadd.f32 v0, v2  }
0x1c5: {  	v3 =	vmul.f32 v3, v18  }
0x1c6: {  	v0 =	vadd.f32 v7, v0;
	v7 =	vld [tilespmem:$0x1F8E0]  }
0x1c7: {  	v3 =	vadd.f32 v3, v4;
	v4 =	vmul.f32 v1, v6;
	v1 =	vld [tilespmem:$0x1F8D0];
	_ =	sdelay $0x3  }
0x1c8: {  	v24 =	vmul.f32 v24, v25  }
0x1c9: {  	v17 =	vmul.f32 v17, v21;
	v7 =	vmul.f32 v7, v1;
	v1 =	vld [tilespmem:$0x1F8F0]  }
0x1ca: {  	v12 =	vmul.f32 v12, v19;
	v21 =	vmul.f32 v50, v24  }
0x1cb: {  	v24 =	vmul.f32 v26, v27;
	v27 =	vmul.f32 v47, v17  }
0x1cc: {  	v12 =	vmul.f32 v48, v12;
	v6 =	vmul.f32 v38, v41;
	_ =	sdelay $0x1  }
0x1cd: {  	v12 =	vadd.f32 v12, v27;
	v27 =	vmul.f32 v1, v6;
	v1 =	vld [tilespmem:$0x1F900]  }
0x1ce: {  	v30 =	vmul.f32 v30, v29;
	v24 =	vmul.f32 v54, v24;
	_ =	sdelay $0x1  }
0x1cf: {  	v30 =	vmul.f32 v42, v30;
	v5 =	vadd.f32 v24, v5;
	_ =	sdelay $0x1  }
0x1d0: {  	v2 =	vmul.f32 v10, v11;
	v10 =	vadd.f32 v30, v5;
	v30 =	vmul.f32 v63, v1;
	v1 =	vld [tilespmem:s14+$0x8380];
	_ =	sdelay $0x4  }
0x1d1: {  	[tilespmem:$0x1FBE0] =	vst v1;
	v1 =	vld [tilespmem:$0x1F910];
	_ =	sdelay $0x3  }
0x1d2: {  	v21 =	vadd.f32 v21, v3;
	v3 =	vld [tilespmem:$0x1F940]  }
0x1d3: {  	v31 =	vmul.f32 v1, v7;
	v1 =	vld [tilespmem:$0x1F930];
	_ =	sdelay $0x3  }
0x1d4: {  	v37 =	vld [tilespmem:s14+$0x680]  }
0x1d5: {  	v8 =	vmul.f32 v8, v9;
	v48 =	vmul.f32 v3, v1;
	v1 =	vld [tilespmem:$0x1F950]  }
0x1d6: {  	v3 =	vld [tilespmem:$0x1F960]  }
0x1d7: {  	v24 =	vmul.f32 v49, v8;
	v49 =	vld [tilespmem:$0x1FFC0]  }
0x1d8: {  	v36 =	vld [tilespmem:s14+$0x4680]  }
0x1d9: {  	v35 =	vld [tilespmem:s14+$0x690];
	v2 =	vmul.f32 v51, v2  }
0x1da: {  	v34 =	vld [tilespmem:s14+$0x4690]  }
0x1db: {  	v2 =	vadd.f32 v24, v2;
	v24 =	vmul.f32 v3, v1;
	v1 =	vld [tilespmem:$0x1F970]  }
0x1dc: {  	v4 =	vadd.f32 v4, v0;
	v7 =	vperm.xlane v10, v49;
	_ =	sdelay $0x1  }
0x1dd: {  	v50 =	vperm.xlane v4, v49;
	v7 =	vadd.f32 v10, v7;
	v10 =	vmul.f32 v36, v37;
	_ =	sdelay $0x1  }
0x1de: {  	v47 =	vmul.f32 v34, v35;
	v34 =	vadd.f32 v4, v50;
	v4 =	vmul.f32 v1, v10;
	v1 =	vld [tilespmem:$0x1F980]  }
0x1df: {  	v28 =	vmul.f32 v28, v33;
	v33 =	vmul.f32 v22, v23;
	_ =	sdelay $0x1  }
0x1e0: {  	v25 =	vmul.f32 v46, v33  }
0x1e1: {  	v3 =	vld [tilespmem:$0x1F9A0]  }
0x1e2: {  	v42 =	vmul.f32 v45, v28;
	v12 =	vadd.f32 v25, v12;
	v53 =	vmul.f32 v1, v47;
	v1 =	vld [tilespmem:$0x1F990];
	_ =	sdelay $0x1  }
0x1e3: {  	v16 =	vadd.f32 v42, v12  }
0x1e4: {  	v43 =	vld [tilespmem:$0x1FFD0]  }
0x1e5: {  	v11 =	vperm.xlane v16, v49  }
0x1e6: {  	v54 =	vmul.f32 v3, v1;
	v1 =	vld [tilespmem:$0x1F9B0]  }
0x1e7: {  	v16 =	vadd.f32 v16, v11;
	_ =	sdelay $0x1  }
0x1e8: {  	v10 =	vperm.xlane v16, v43;
	_ =	sdelay $0x1  }
0x1e9: {  	v3 =	vadd.f32 v16, v10;
	v10 =	vmul.f32 v1, v48;
	v1 =	vld [tilespmem:$0x1F9C0];
	_ =	sdelay $0x2  }
0x1ea: {  	v60 =	vld [tilespmem:s14+$0x8520];
	v46 =	vperm.xlane v21, v49  }
0x1eb: {  	v61 =	vld [tilespmem:s14+$0x530]  }
0x1ec: {  	v21 =	vadd.f32 v21, v46;
	v2 =	vadd.f32 v27, v2;
	v27 =	vmul.f32 v1, v24;
	v1 =	vld [tilespmem:$0x1F9D0]  }
0x1ed: {  	v62 =	vld [tilespmem:s14+$0x4530]  }
0x1ee: {  	v59 =	vld [tilespmem:s14+$0x5A0];
	v16 =	vperm.xlane v21, v43  }
0x1ef: {  	[tilespmem:$0x1FAF0] =	vst v60;
	v60 =	vld [tilespmem:s14+$0x45A0]  }
0x1f0: {  	v33 =	vadd.f32 v21, v16;
	v16 =	vld [tilespmem:$0x1F9F0]  }
0x1f1: {  	v63 =	vmul.f32 v1, v54;
	v1 =	vld [tilespmem:$0x1F9E0]  }
0x1f2: {  	[tilespmem:$0x1FAC0] =	vst v61  }
0x1f3: {  	[tilespmem:$0x1FAD0] =	vst v62;
	v61 =	vld [tilespmem:s14+$0x84A0]  }
0x1f4: {  	v62 =	vld [tilespmem:s14+$0x4B0];
	[tilespmem:$0x1FA10] =	vst v60  }
0x1f5: {  	[tilespmem:$0x1FA00] =	vst v59;
	v35 =	vadd.f32 v53, v4;
	v4 =	vld [tilespmem:$0x1FA10]  }
0x1f6: {  	v16 =	vmul.f32 v16, v1;
	v1 =	vld [tilespmem:$0x1FA00]  }
0x1f7: {  	v57 =	vld [tilespmem:s14+$0x8580]  }
0x1f8: {  	v55 =	vld [tilespmem:s14+$0x84B0]  }
0x1f9: {  	[tilespmem:$0x1FB50] =	vst v61;
	v61 =	vld [tilespmem:s14+$0x8500]  }
0x1fa: {  	[tilespmem:$0x1FB30] =	vst v62;
	v62 =	vld [tilespmem:s14+$0x8510]  }
0x1fb: {  	v53 =	vmul.f32 v4, v1;
	v1 =	vld [tilespmem:$0x1FA20]  }
0x1fc: {  	[tilespmem:$0x1FA70] =	vst v57;
	v57 =	vld [tilespmem:s14+$0x600]  }
0x1fd: {  	[tilespmem:$0x1FB60] =	vst v55;
	v55 =	vld [tilespmem:s14+$0x4600]  }
0x1fe: {  	[tilespmem:$0x1FAB0] =	vst v61;
	v61 =	vld [tilespmem:s14+$0x4520]  }
0x1ff: {  	[tilespmem:$0x1FAE0] =	vst v62;
	v62 =	vld [tilespmem:s14+$0x580]  }
0x200: {  	v16 =	vmul.f32 v1, v16;
	v1 =	vld [tilespmem:$0x1FA30];
	_ =	sdelay $0x2  }
0x201: {  	v58 =	vld [tilespmem:s14+$0x8590];
	[tilespmem:$0x1FAA0] =	vst v61;
	v21 =	vmul.f32 v55, v57  }
0x202: {  	[tilespmem:$0x1FA40] =	vst v62;
	v61 =	vld [tilespmem:s14+$0x4580]  }
0x203: {  	v21 =	vmul.f32 v1, v21;
	v1 =	vld [tilespmem:$0x1FA40];
	_ =	sdelay $0x1  }
0x204: {  	v56 =	vld [tilespmem:s14+$0x4610]  }
0x205: {  	[tilespmem:$0x1FA80] =	vst v58;
	v58 =	vld [tilespmem:s14+$0x610];
	_ =	sdelay $0x1  }
0x206: {  	v55 =	vmul.f32 v61, v1;
	v1 =	vld [tilespmem:$0x1FA50];
	_ =	sdelay $0x2  }
0x207: {  	v2 =	vadd.f32 v31, v2;
	v31 =	vmul.f32 v56, v58;
	_ =	sdelay $0x1  }
0x208: {  	v31 =	vmul.f32 v1, v31;
	v1 =	vld [tilespmem:$0x1FA60]  }
0x209: {  	v29 =	vld [tilespmem:s14+$0x4A0]  }
0x20a: {  	v59 =	vld [tilespmem:s14+$0x8430]  }
0x20b: {  	v0 =	vld [tilespmem:$0x1F920]  }
0x20c: {  	v60 =	vld [tilespmem:s14+$0x44B0]  }
0x20d: {  	v57 =	vmul.f32 v1, v53;
	v1 =	vld [tilespmem:$0x1FA70]  }
0x20e: {  	v22 =	vld [tilespmem:s14+$0x44A0]  }
0x20f: {  	[tilespmem:$0x1FB90] =	vst v59;
	v59 =	vld [tilespmem:s14+$0x4590]  }
0x210: {  	v62 =	vld [tilespmem:s14+$0x590];
	v30 =	vmul.f32 v0, v30;
	v27 =	vadd.f32 v27, v35  }
0x211: {  	[tilespmem:$0x1FB40] =	vst v60;
	v60 =	vld [tilespmem:s14+$0x520]  }
0x212: {  	v27 =	vadd.f32 v30, v27;
	v30 =	vmul.f32 v1, v55;
	v1 =	vld [tilespmem:$0x1FA80]  }
0x213: {  	v23 =	vld [tilespmem:s14+$0x500]  }
0x214: {  	v45 =	vld [tilespmem:s14+$0x4500]  }
0x215: {  	v19 =	vld [tilespmem:s14+$0x510];
	[tilespmem:$0x1FB10] =	vst v29;
	v56 =	vmul.f32 v59, v62  }
0x216: {  	[tilespmem:$0x1FA90] =	vst v60;
	v29 =	vld [tilespmem:$0x1FAA0]  }
0x217: {  	v58 =	vmul.f32 v1, v56;
	v1 =	vld [tilespmem:$0x1FA90]  }
0x218: {  	v26 =	vld [tilespmem:s14+$0x4510]  }
0x219: {  	v17 =	vld [tilespmem:s14+$0x83A0]  }
0x21a: {  	v15 =	vld [tilespmem:s14+$0x43B0]  }
0x21b: {  	v14 =	vld [tilespmem:s14+$0x8400]  }
0x21c: {  	v21 =	vadd.f32 v31, v21;
	v31 =	vmul.f32 v29, v1;
	v1 =	vld [tilespmem:$0x1FAB0]  }
0x21d: {  	v13 =	vld [tilespmem:s14+$0x8410]  }
0x21e: {  	v28 =	vld [tilespmem:s14+$0x420]  }
0x21f: {  	v12 =	vld [tilespmem:s14+$0x4420];
	v23 =	vmul.f32 v45, v23  }
0x220: {  	v20 =	vld [tilespmem:s14+$0x4480]  }
0x221: {  	v16 =	vadd.f32 v16, v21;
	v21 =	vmul.f32 v1, v23;
	v1 =	vld [tilespmem:$0x1FAC0]  }
0x222: {  	v23 =	vld [tilespmem:$0x1FAD0]  }
0x223: {  	v25 =	vld [tilespmem:s14+$0x490]  }
0x224: {  	v9 =	vld [tilespmem:s14+$0x4490]  }
0x225: {  	v8 =	vld [tilespmem:s14+$0x4330]  }
0x226: {  	v52 =	vld [tilespmem:s14+$0x400]  }
0x227: {  	v23 =	vmul.f32 v23, v1;
	v1 =	vld [tilespmem:s14+$0x81A0]  }
0x228: {  	v39 =	vld [tilespmem:s14+$0x2B0]  }
0x229: {  	v42 =	vld [tilespmem:s14+$0x320]  }
0x22a: {  	[tilespmem:$0x1FBC0] =	vst v17;
	v17 =	vld [tilespmem:s14+$0x3B0]  }
0x22b: {  	v60 =	vld [tilespmem:s14+$0x83B0]  }
0x22c: {  	[tilespmem:$0x1FBF0] =	vst v1;
	v1 =	vld [tilespmem:$0x1FAE0]  }
0x22d: {  	v18 =	vld [tilespmem:s14+$0x480]  }
0x22e: {  	[tilespmem:$0x1FBD0] =	vst v13;
	v13 =	vld [tilespmem:s14+$0x8320]  }
0x22f: {  	v19 =	vmul.f32 v26, v19;
	v26 =	vld [tilespmem:s14+$0x390]  }
0x230: {  	[tilespmem:$0x1FBA0] =	vst v60;
	v60 =	vld [tilespmem:s14+$0x8420]  }
0x231: {  	v19 =	vmul.f32 v1, v19;
	v1 =	vld [tilespmem:$0x1FAF0]  }
0x232: {  	v45 =	vld [tilespmem:s14+$0x4390]  }
0x233: {  	v9 =	vmul.f32 v9, v25;
	v25 =	vld [tilespmem:s14+$0x4230]  }
0x234: {  	v12 =	vmul.f32 v12, v28;
	v28 =	vld [tilespmem:s14+$0x1A0]  }
0x235: {  	[tilespmem:$0x1FBB0] =	vst v60;
	v60 =	vld [tilespmem:s14+$0x430]  }
0x236: {  	v31 =	vmul.f32 v1, v31;
	v1 =	vld [tilespmem:$0x1FB00]  }
0x237: {  	v5 =	vld [tilespmem:s14+$0x330]  }
0x238: {  	v11 =	vld [tilespmem:s14+$0x3A0]  }
0x239: {  	v18 =	vmul.f32 v20, v18;
	v20 =	vld [tilespmem:s14+$0x230]  }
0x23a: {  	[tilespmem:$0x1FB80] =	vst v60;
	v60 =	vld [tilespmem:s14+$0x4430]  }
0x23b: {  	v23 =	vmul.f32 v1, v23;
	v1 =	vld [tilespmem:$0x1FB10]  }
0x23c: {  	v15 =	vmul.f32 v15, v17;
	v17 =	vld [tilespmem:s14+$0x8190]  }
0x23d: {  	v26 =	vmul.f32 v45, v26;
	v45 =	vld [tilespmem:s14+$0x4190]  }
0x23e: {  	v41 =	vld [tilespmem:s14+$0x42B0]  }
0x23f: {  	[tilespmem:$0x1FB70] =	vst v60;
	v60 =	vld [tilespmem:s14+$0x8480]  }
0x240: {  	v22 =	vmul.f32 v22, v1;
	v1 =	vld [tilespmem:s14+$0x8280]  }
0x241: {  	v46 =	vld [tilespmem:s14+$0x380]  }
0x242: {  	v5 =	vmul.f32 v8, v5;
	v8 =	vld [tilespmem:s14+$0x290]  }
0x243: {  	v38 =	vld [tilespmem:s14+$0x4410]  }
0x244: {  	v39 =	vmul.f32 v41, v39;
	v41 =	vld [tilespmem:s14+$0x180];
	[tilespmem:$0x1FB20] =	vst v60  }
0x245: {  	[tilespmem:$0x1FC00] =	vst v1;
	v1 =	vld [tilespmem:$0x1FB20]  }
0x246: {  	v0 =	vld [tilespmem:s14+$0x43A0]  }
0x247: {  	v50 =	vld [tilespmem:s14+$0x41B0]  }
0x248: {  	v6 =	vld [tilespmem:s14+$0x8390]  }
0x249: {  	v62 =	vld [tilespmem:$0x1FB40]  }
0x24a: {  	v18 =	vmul.f32 v1, v18;
	v1 =	vld [tilespmem:$0x1FB30]  }
0x24b: {  	v0 =	vmul.f32 v0, v11;
	v11 =	vld [tilespmem:s14+$0x280]  }
0x24c: {  	v37 =	vld [tilespmem:s14+$0x410]  }
0x24d: {  	v60 =	vld [tilespmem:s14+$0x8490];
	v54 =	vperm.xlane v2, v49  }
0x24e: {  	v36 =	vld [tilespmem:s14+$0x4400];
	v51 =	vperm.xlane v7, v43  }
0x24f: {  	v2 =	vadd.f32 v2, v54;
	v54 =	vmul.f32 v62, v1;
	v1 =	vld [tilespmem:$0x1FB50]  }
0x250: {  	v40 =	vadd.f32 v7, v51;
	v7 =	vld [tilespmem:s14+$0x81B0]  }
0x251: {  	v51 =	vperm.xlane v34, v43;
	v37 =	vmul.f32 v38, v37;
	v38 =	vld [tilespmem:s14+$0x4280]  }
0x252: {  	v9 =	vmul.f32 v60, v9;
	v47 =	vld [tilespmem:s14+$0x4380]  }
0x253: {  	v44 =	vadd.f32 v34, v51;
	v51 =	vld [tilespmem:s14+$0x2A0]  }
0x254: {  	v30 =	vadd.f32 v58, v30;
	v9 =	vadd.f32 v9, v18;
	v18 =	vmul.f32 v1, v22;
	v1 =	vld [tilespmem:$0x1FB60]  }
0x255: {  	v60 =	vld [tilespmem:s14+$0x41A0]  }
0x256: {  	v48 =	vld [tilespmem:s14+$0x4320];
	v30 =	vadd.f32 v57, v30  }
0x257: {  	v46 =	vmul.f32 v47, v46;
	v47 =	vld [tilespmem:s14+$0x8200]  }
0x258: {  	v30 =	vadd.f32 v63, v30;
	v63 =	vld [tilespmem:$0x1FB80]  }
0x259: {  	v54 =	vmul.f32 v1, v54;
	v1 =	vld [tilespmem:$0x1FB70]  }
0x25a: {  	v24 =	vld [tilespmem:s14+$0x8300]  }
0x25b: {  	v42 =	vmul.f32 v48, v42;
	v48 =	vld [tilespmem:s14+$0x190]  }
0x25c: {  	v35 =	vld [tilespmem:s14+$0x1B0]  }
0x25d: {  	v29 =	vld [tilespmem:$0x1FFE0]  }
0x25e: {  	v20 =	vmul.f32 v25, v20;
	v19 =	vadd.f32 v19, v21;
	v58 =	vmul.f32 v1, v63;
	v1 =	vld [tilespmem:$0x1FB90]  }
0x25f: {  	v59 =	vperm.xlane v27, v49;
	v4 =	vld [tilespmem:s14+$0x8310];
	v61 =	vperm.xlane v2, v43  }
0x260: {  	v26 =	vmul.f32 v6, v26;
	v42 =	vmul.f32 v13, v42;
	v53 =	vld [tilespmem:s14+$0x42A0];
	v19 =	vadd.f32 v31, v19  }
0x261: {  	v27 =	vadd.f32 v27, v59;
	v32 =	vadd.f32 v2, v61;
	v55 =	vld [tilespmem:s14+$0x300];
	v2 =	vperm.xlane v30, v49  }
0x262: {  	v10 =	vadd.f32 v10, v16;
	v56 =	vld [tilespmem:s14+$0x310];
	v34 =	vperm.xlane v3, v29;
	v19 =	vadd.f32 v23, v19  }
0x263: {  	v2 =	vadd.f32 v30, v2;
	v30 =	vperm.xlane v27, v43;
	v58 =	vmul.f32 v1, v58;
	v1 =	vld [tilespmem:$0x1FBA0]  }
0x264: {  	v13 =	vadd.f32 v3, v34;
	v3 =	vld [tilespmem:$0x1FBE0];
	v31 =	vperm.xlane v10, v49;
	v22 =	vperm.xlane v19, v49  }
0x265: {  	v35 =	vmul.f32 v50, v35;
	v57 =	vld [tilespmem:s14+$0x4310];
	v16 =	vperm.xlane v40, v29;
	v27 =	vadd.f32 v27, v30  }
0x266: {  	v30 =	vperm.xlane v2, v43;
	v10 =	vadd.f32 v10, v31;
	v31 =	vld [tilespmem:s14+$0x4300];
	v19 =	vadd.f32 v19, v22  }
0x267: {  	v34 =	vld [tilespmem:s14+$0x200];
	v6 =	vadd.f32 v40, v16;
	v16 =	vmul.f32 v7, v35;
	v21 =	vperm.xlane v33, v29  }
0x268: {  	v30 =	vadd.f32 v2, v30;
	v2 =	vperm.xlane v19, v43;
	v15 =	vmul.f32 v1, v15;
	v1 =	vld [tilespmem:$0x1FBB0]  }
0x269: {  	v40 =	vld [tilespmem:s14+$0x4200];
	v46 =	vmul.f32 v3, v46;
	v7 =	vadd.f32 v33, v21;
	v23 =	vperm.xlane v44, v29  }
0x26a: {  	v21 =	vld [tilespmem:s14+$0x210];
	v9 =	vadd.f32 v18, v9;
	v19 =	vadd.f32 v19, v2;
	v2 =	vmul.f32 v36, v52  }
0x26b: {  	v25 =	vmul.f32 v31, v55;
	v3 =	vadd.f32 v44, v23;
	v23 =	vmul.f32 v60, v28;
	v28 =	vld [tilespmem:s14+$0x4210]  }
0x26c: {  	v9 =	vadd.f32 v54, v9;
	v54 =	vperm.xlane v27, v29;
	v14 =	vmul.f32 v14, v2;
	v2 =	vld [tilespmem:$0x1FBD0]  }
0x26d: {  	v12 =	vmul.f32 v1, v12;
	v1 =	vld [tilespmem:$0x1FBC0]  }
0x26e: {  	v48 =	vmul.f32 v45, v48;
	v24 =	vmul.f32 v24, v25;
	v25 =	vadd.f32 v27, v54;
	v27 =	vld [tilespmem:$0x1FBF0]  }
0x26f: {  	v62 =	vld [tilespmem:s14+$0x220];
	v22 =	vperm.xlane v10, v43  }
0x270: {  	v11 =	vmul.f32 v38, v11;
	v17 =	vmul.f32 v17, v48;
	v63 =	vld [tilespmem:s14+$0x4220]  }
0x271: {  	v10 =	vadd.f32 v10, v22;
	v22 =	vperm.xlane v9, v49;
	v37 =	vmul.f32 v2, v37;
	v2 =	vld [tilespmem:s14+$0x4180]  }
0x272: {  	v31 =	vmul.f32 v57, v56;
	v52 =	vmul.f32 v1, v0;
	v0 =	vld [tilespmem:s14+$0x4290]  }
0x273: {  	v9 =	vadd.f32 v9, v22;
	v22 =	vperm.xlane v19, v29;
	v23 =	vmul.f32 v27, v23;
	v27 =	vld [tilespmem:s14+$0x8210]  }
0x274: {  	v59 =	vld [tilespmem:s14+$0x8180];
	v61 =	vperm.xlane v30, v29;
	v44 =	vmul.f32 v53, v51;
	v14 =	vadd.f32 v37, v14  }
0x275: {  	v50 =	vld [tilespmem:s14+$0x8220];
	v4 =	vmul.f32 v4, v31;
	v21 =	vmul.f32 v28, v21;
	v19 =	vadd.f32 v19, v22  }
0x276: {  	v22 =	vmul.f32 v40, v34;
	v2 =	vmul.f32 v2, v41;
	v12 =	vadd.f32 v12, v14;
	v14 =	vld [tilespmem:$0x1FC00]  }
0x277: {  	v1 =	vperm.xlane v9, v43;
	v0 =	vmul.f32 v0, v8;
	v8 =	vld [tilespmem:s14+$0x8290]  }
0x278: {  	v30 =	vadd.f32 v30, v61;
	v51 =	vld [tilespmem:s14+$0x8230];
	v31 =	vmul.f32 v63, v62;
	v21 =	vmul.f32 v27, v21  }
0x279: {  	v28 =	vld [tilespmem:s14+$0x82A0];
	v2 =	vmul.f32 v59, v2;
	v1 =	vadd.f32 v9, v1;
	v9 =	vmul.f32 v47, v22  }
0x27a: {  	v4 =	vadd.f32 v4, v24;
	v18 =	vperm.xlane v32, v29;
	v36 =	vperm.xlane v10, v29  }
0x27b: {  	v2 =	vadd.f32 v17, v2;
	v17 =	vmul.f32 v50, v31;
	v22 =	vld [tilespmem:s14+$0x82B0];
	v9 =	vadd.f32 v21, v9  }
0x27c: {  	v4 =	vadd.f32 v42, v4;
	v11 =	vmul.f32 v14, v11;
	v0 =	vmul.f32 v8, v0;
	v8 =	vld [tilespmem:s14+$0x8330]  }
0x27d: {  	v18 =	vadd.f32 v32, v18;
	v9 =	vadd.f32 v17, v9;
	v17 =	vmul.f32 v51, v20  }
0x27e: {  	v10 =	vadd.f32 v10, v36;
	v0 =	vadd.f32 v0, v11;
	v11 =	vmul.f32 v28, v44  }
0x27f: {  	v2 =	vadd.f32 v23, v2;
	v9 =	vadd.f32 v17, v9  }
0x280: {  	v14 =	vadd.f32 v26, v46;
	v0 =	vadd.f32 v11, v0;
	v11 =	vmul.f32 v22, v39  }
0x281: {  	v2 =	vadd.f32 v16, v2;
	v16 =	vperm.xlane v9, v49;
	v5 =	vmul.f32 v8, v5  }
0x282: {  	v8 =	vadd.f32 v52, v14;
	v0 =	vadd.f32 v11, v0  }
0x283: {  	v9 =	vadd.f32 v9, v16;
	v14 =	vperm.xlane v2, v49;
	v4 =	vadd.f32 v5, v4  }
0x284: {  	v12 =	vadd.f32 v58, v12;
	v8 =	vadd.f32 v15, v8;
	v5 =	vperm.xlane v0, v49  }
0x285: {  	v17 =	vperm.xlane v9, v43;
	v2 =	vadd.f32 v2, v14;
	v14 =	vperm.xlane v4, v49  }
0x286: {  	v11 =	vperm.xlane v1, v29;
	v0 =	vadd.f32 v0, v5;
	v5 =	vperm.xlane v8, v49  }
0x287: {  	v15 =	vperm.xlane v12, v49;
	v16 =	vperm.xlane v2, v43;
	v4 =	vadd.f32 v4, v14  }
0x288: {  	v9 =	vadd.f32 v9, v17;
	v14 =	vperm.xlane v0, v43;
	v5 =	vadd.f32 v8, v5  }
0x289: {  	v20 =	vld [tilespmem:$0x1FFF0];
	v2 =	vadd.f32 v2, v16;
	v8 =	vadd.f32 v12, v15;
	v12 =	vperm.xlane v4, v43  }
0x28a: {  	v17 =	vperm.xlane v9, v29;
	v0 =	vadd.f32 v0, v14;
	v14 =	vperm.xlane v5, v43  }
0x28b: {  	v16 =	vperm.xlane v2, v29;
	v15 =	vperm.xlane v8, v43;
	v4 =	vadd.f32 v4, v12  }
0x28c: {  	v9 =	vadd.f32 v9, v17;
	v12 =	vperm.xlane v0, v29;
	v5 =	vadd.f32 v5, v14  }
0x28d: {  	v2 =	vadd.f32 v2, v16;
	v8 =	vadd.f32 v8, v15;
	v14 =	vperm.xlane v4, v29  }
0x28e: {  	v17 =	vperm.xlane v9, v20;
	v0 =	vadd.f32 v0, v12;
	v12 =	vperm.xlane v5, v29  }
0x28f: {  	v16 =	vperm.xlane v2, v20;
	v15 =	vperm.xlane v8, v29;
	v4 =	vadd.f32 v4, v14  }
0x290: {  	v9 =	vadd.f32 v9, v17;
	v14 =	vperm.xlane v0, v20;
	v5 =	vadd.f32 v5, v12  }
0x291: {  	v2 =	vadd.f32 v2, v16;
	v8 =	vadd.f32 v8, v15;
	v12 =	vperm.xlane v4, v20  }
0x292: {  	v1 =	vadd.f32 v1, v11;
	v0 =	vadd.f32 v0, v14;
	v14 =	vperm.xlane v5, v20  }
0x293: {  	v2 =	vsel vm0, v2, v9;
	v9 =	vperm.xlane v8, v20;
	v4 =	vadd.f32 v4, v12  }
0x294: {  	v0 =	vsel vm1, v2, v0;
	v2 =	vadd.f32 v5, v14;
	v5 =	vperm.xlane v1, v20  }
0x295: {  	v0 =	vsel vm2, v0, v4;
	v4 =	vadd.f32 v8, v9;
	v8 =	vperm.xlane v19, v20  }
0x296: {  	v0 =	vsel vm3, v0, v2;
	v1 =	vadd.f32 v1, v5;
	v2 =	vperm.xlane v30, v20  }
0x297: {  	v5 =	vperm.xlane v10, v20;
	v0 =	vsel vm4, v0, v4;
	v4 =	vadd.f32 v19, v8  }
0x298: {  	v0 =	vsel vm5, v0, v1;
	v1 =	vadd.f32 v30, v2;
	v2 =	vperm.xlane v25, v20  }
0x299: {  	v0 =	vsel vm6, v0, v4;
	v4 =	vadd.f32 v10, v5;
	v5 =	vperm.xlane v18, v20  }
0x29a: {  	v0 =	vsel vm7, v0, v1;
	v1 =	vadd.f32 v25, v2;
	v2 =	vperm.xlane v3, v20  }
0x29b: {  	v0 =	vsel vm8, v0, v4;
	v4 =	vadd.f32 v18, v5;
	v5 =	vperm.xlane v7, v20  }
0x29c: {  	v0 =	vsel vm9, v0, v1;
	v1 =	vadd.f32 v3, v2;
	v2 =	vperm.xlane v6, v20  }
0x29d: {  	v0 =	vsel vm10, v0, v4;
	v3 =	vadd.f32 v7, v5;
	v4 =	vperm.xlane v13, v20  }
0x29e: {  	v0 =	vsel vm11, v0, v1;
	v1 =	vadd.f32 v6, v2  }
0x29f: {  	v0 =	vsel vm12, v0, v3;
	v2 =	vadd.f32 v13, v4  }
0x2a0: {  	v0 =	vsel vm13, v0, v1  }
0x2a1: {  	s14 =	simm.s32 $0xC180;
	v0 =	vsel vm14, v0, v2  }
0x2a2: {  	s15 =	simm.s32 $0x800;
	[tilespmem:s14+$0x0] =	vst v0  }
0x2a3: {  	v41 =	vld [tilespmem:s15+$0x8930]  }
0x2a4: {  	v35 =	vld [tilespmem:s15+$0x88B0]  }
0x2a5: {  	v42 =	vld [tilespmem:s15+$0x8920]  }
0x2a6: {  	v34 =	vld [tilespmem:s15+$0x930]  }
0x2a7: {  	v38 =	vld [tilespmem:s15+$0x4930]  }
0x2a8: {  	v46 =	vld [tilespmem:s15+$0x8830]  }
0x2a9: {  	v0 =	vld [tilespmem:s15+$0x88A0]  }
0x2aa: {  	v30 =	vld [tilespmem:s15+$0x8B0]  }
0x2ab: {  	v48 =	vld [tilespmem:s15+$0x48B0]  }
0x2ac: {  	v54 =	vld [tilespmem:s15+$0x8900]  }
0x2ad: {  	v55 =	vld [tilespmem:s15+$0x8910]  }
0x2ae: {  	v56 =	vld [tilespmem:s15+$0x920]  }
0x2af: {  	v57 =	vld [tilespmem:s15+$0x4920]  }
0x2b0: {  	v58 =	vld [tilespmem:s15+$0x830]  }
0x2b1: {  	[tilespmem:$0x1FC10] =	vst v0;
	v0 =	vld [tilespmem:s15+$0x87B0]  }
0x2b2: {  	v59 =	vld [tilespmem:s15+$0x4830]  }
0x2b3: {  	v62 =	vld [tilespmem:s15+$0x8A0]  }
0x2b4: {  	v63 =	vld [tilespmem:s15+$0x48A0]  }
0x2b5: {  	v21 =	vld [tilespmem:s15+$0x900]  }
0x2b6: {  	[tilespmem:$0x1FC80] =	vst v0;
	v0 =	vld [tilespmem:s15+$0x8820]  }
0x2b7: {  	v13 =	vld [tilespmem:s15+$0x4900]  }
0x2b8: {  	v19 =	vld [tilespmem:s15+$0x910]  }
0x2b9: {  	v16 =	vld [tilespmem:s15+$0x4910]  }
0x2ba: {  	v32 =	vld [tilespmem:s15+$0x8800]  }
0x2bb: {  	[tilespmem:$0x1FC40] =	vst v0;
	v0 =	vld [tilespmem:s15+$0x8880]  }
0x2bc: {  	v36 =	vld [tilespmem:s15+$0x8810]  }
0x2bd: {  	v17 =	vld [tilespmem:s15+$0x820]  }
0x2be: {  	v12 =	vld [tilespmem:s15+$0x4820]  }
0x2bf: {  	v24 =	vld [tilespmem:s15+$0x880]  }
0x2c0: {  	[tilespmem:$0x1FC20] =	vst v0;
	v0 =	vld [tilespmem:s15+$0x8890]  }
0x2c1: {  	v14 =	vld [tilespmem:s15+$0x4880]  }
0x2c2: {  	v20 =	vld [tilespmem:s15+$0x890]  }
0x2c3: {  	v15 =	vld [tilespmem:s15+$0x4890]  }
0x2c4: {  	v31 =	vld [tilespmem:s15+$0x8780]  }
0x2c5: {  	[tilespmem:$0x1FC30] =	vst v0;
	v0 =	vld [tilespmem:s15+$0x8730]  }
0x2c6: {  	v33 =	vld [tilespmem:s15+$0x8790]  }
0x2c7: {  	v27 =	vld [tilespmem:s15+$0x7A0]  }
0x2c8: {  	v26 =	vld [tilespmem:s15+$0x47A0]  }
0x2c9: {  	v9 =	vld [tilespmem:s15+$0x800]  }
0x2ca: {  	[tilespmem:$0x1FCE0] =	vst v0;
	v0 =	vld [tilespmem:s15+$0x87A0]  }
0x2cb: {  	v7 =	vld [tilespmem:s15+$0x4800]  }
0x2cc: {  	v8 =	vld [tilespmem:s15+$0x810]  }
0x2cd: {  	v5 =	vld [tilespmem:s15+$0x4810]  }
0x2ce: {  	v50 =	vld [tilespmem:s15+$0x46B0]  }
0x2cf: {  	[tilespmem:$0x1FC70] =	vst v0;
	v0 =	vld [tilespmem:s15+$0x7B0]  }
0x2d0: {  	v37 =	vld [tilespmem:s15+$0x8700]  }
0x2d1: {  	v60 =	vld [tilespmem:s15+$0x720]  }
0x2d2: {  	v28 =	vld [tilespmem:s15+$0x4720]  }
0x2d3: {  	v1 =	vld [tilespmem:s15+$0x780]  }
0x2d4: {  	[tilespmem:$0x1FC50] =	vst v0;
	v0 =	vld [tilespmem:s15+$0x47B0]  }
0x2d5: {  	v52 =	vld [tilespmem:s15+$0x84B0]  }
0x2d6: {  	v3 =	vld [tilespmem:s15+$0x790]  }
0x2d7: {  	v2 =	vld [tilespmem:s15+$0x4790]  }
0x2d8: {  	v4 =	vld [tilespmem:s15+$0x85B0]  }
0x2d9: {  	[tilespmem:$0x1FC60] =	vst v0;
	v0 =	vld [tilespmem:s15+$0x86B0]  }
0x2da: {  	[tilespmem:$0x1FF70] =	vst v52;
	v52 =	vld [tilespmem:s15+$0x8580]  }
0x2db: {  	v53 =	vld [tilespmem:s15+$0x6A0]  }
0x2dc: {  	v6 =	vld [tilespmem:s15+$0x700]  }
0x2dd: {  	v11 =	vld [tilespmem:s15+$0x710]  }
0x2de: {  	[tilespmem:$0x1FCF0] =	vst v0;
	v0 =	vld [tilespmem:s15+$0x8720]  }
0x2df: {  	[tilespmem:$0x1FE50] =	vst v52;
	v52 =	vld [tilespmem:s15+$0x8430]  }
0x2e0: {  	v10 =	vld [tilespmem:s15+$0x4710]  }
0x2e1: {  	v18 =	vld [tilespmem:s15+$0x8530]  }
0x2e2: {  	v25 =	vld [tilespmem:s15+$0x680]  }
0x2e3: {  	[tilespmem:$0x1FCD0] =	vst v0;
	v0 =	vld [tilespmem:s15+$0x730]  }
0x2e4: {  	[tilespmem:$0x1FF80] =	vst v52;
	v52 =	vld [tilespmem:s15+$0x590]  }
0x2e5: {  	[tilespmem:$0x1FD70] =	vst v4;
	v4 =	vld [tilespmem:s15+$0x8620]  }
0x2e6: {  	[tilespmem:$0x1FEE0] =	vst v18;
	v18 =	vld [tilespmem:s15+$0x85A0]  }
0x2e7: {  	v22 =	vld [tilespmem:s15+$0x4680]  }
0x2e8: {  	[tilespmem:$0x1FC90] =	vst v0;
	v0 =	vld [tilespmem:s15+$0x4730]  }
0x2e9: {  	[tilespmem:$0x1FE20] =	vst v52;
	v52 =	vld [tilespmem:s15+$0x4590]  }
0x2ea: {  	[tilespmem:$0x1FDD0] =	vst v4;
	v4 =	vld [tilespmem:s15+$0x630]  }
0x2eb: {  	[tilespmem:$0x1FE40] =	vst v18;
	v18 =	vld [tilespmem:s15+$0x5B0]  }
0x2ec: {  	v23 =	vld [tilespmem:s15+$0x690]  }
0x2ed: {  	[tilespmem:$0x1FCA0] =	vst v0;
	v0 =	vld [tilespmem:s15+$0x8630]  }
0x2ee: {  	[tilespmem:$0x1FE30] =	vst v52;
	v52 =	vld [tilespmem:s15+$0x83B0]  }
0x2ef: {  	[tilespmem:$0x1FD00] =	vst v4;
	v4 =	vld [tilespmem:s15+$0x4630]  }
0x2f0: {  	[tilespmem:$0x1FD40] =	vst v18;
	v18 =	vld [tilespmem:s15+$0x8600]  }
0x2f1: {  	v61 =	vld [tilespmem:s15+$0x8520]  }
0x2f2: {  	[tilespmem:$0x1FD50] =	vst v0;
	v0 =	vld [tilespmem:s15+$0x86A0]  }
0x2f3: {  	[tilespmem:$0x1FF90] =	vst v52;
	v52 =	vld [tilespmem:s15+$0x8420]  }
0x2f4: {  	[tilespmem:$0x1FD10] =	vst v4;
	v4 =	vld [tilespmem:s15+$0x8680]  }
0x2f5: {  	[tilespmem:$0x1FDE0] =	vst v18;
	v18 =	vld [tilespmem:s15+$0x8610]  }
0x2f6: {  	v15 =	vmul.f32 v15, v20;
	v20 =	vmul.f32 v7, v9;
	v7 =	vld [tilespmem:$0x1FC20]  }
0x2f7: {  	[tilespmem:$0x1FD60] =	vst v0;
	v0 =	vld [tilespmem:s15+$0x6B0]  }
0x2f8: {  	[tilespmem:$0x1FFA0] =	vst v52;
	v52 =	vld [tilespmem:s15+$0x430]  }
0x2f9: {  	v14 =	vmul.f32 v14, v24;
	[tilespmem:$0x1FD20] =	vst v4;
	v4 =	vld [tilespmem:s15+$0x8690]  }
0x2fa: {  	[tilespmem:$0x1FE10] =	vst v18;
	v18 =	vld [tilespmem:s15+$0x620]  }
0x2fb: {  	v5 =	vmul.f32 v5, v8;
	v8 =	vmul.f32 v7, v14;
	v14 =	vld [tilespmem:$0x1FC30]  }
0x2fc: {  	[tilespmem:$0x1FCB0] =	vst v0;
	v0 =	vld [tilespmem:s15+$0x8710]  }
0x2fd: {  	v2 =	vmul.f32 v2, v3;
	[tilespmem:$0x1FF50] =	vst v52;
	v52 =	vld [tilespmem:s15+$0x4430]  }
0x2fe: {  	[tilespmem:$0x1FD30] =	vst v4;
	v4 =	vld [tilespmem:s15+$0x4700]  }
0x2ff: {  	v24 =	vmul.f32 v33, v2;
	v2 =	vld [tilespmem:$0x1FC50]  }
0x300: {  	v14 =	vmul.f32 v14, v15;
	v15 =	vmul.f32 v32, v20;
	v20 =	vld [tilespmem:$0x1FC60]  }
0x301: {  	[tilespmem:$0x1FCC0] =	vst v0;
	v0 =	vld [tilespmem:s15+$0x4780]  }
0x302: {  	[tilespmem:$0x1FF60] =	vst v52;
	v52 =	vld [tilespmem:s15+$0x8480]  }
0x303: {  	v13 =	vmul.f32 v13, v21;
	[tilespmem:$0x1FD80] =	vst v18;
	v18 =	vld [tilespmem:s15+$0x4620]  }
0x304: {  	v16 =	vmul.f32 v16, v19;
	v6 =	vmul.f32 v4, v6;
	v4 =	vld [tilespmem:$0x1FC80]  }
0x305: {  	v13 =	vmul.f32 v54, v13;
	v2 =	vmul.f32 v20, v2;
	v20 =	vld [tilespmem:$0x1FC70]  }
0x306: {  	[tilespmem:$0x1FED0] =	vst v61;
	v61 =	vld [tilespmem:s15+$0x8590];
	v16 =	vmul.f32 v55, v16;
	v0 =	vmul.f32 v0, v1  }
0x307: {  	v38 =	vmul.f32 v38, v34;
	v56 =	vmul.f32 v57, v56;
	[tilespmem:$0x1FEF0] =	vst v52;
	v52 =	vld [tilespmem:s15+$0x8490]  }
0x308: {  	v3 =	vmul.f32 v26, v27;
	v1 =	vadd.f32 v16, v13;
	v13 =	vld [tilespmem:$0x1FC40];
	v0 =	vmul.f32 v31, v0  }
0x309: {  	v17 =	vmul.f32 v12, v17;
	v5 =	vmul.f32 v36, v5;
	[tilespmem:$0x1FD90] =	vst v18;
	v18 =	vld [tilespmem:s15+$0x4690]  }
0x30a: {  	v27 =	vmul.f32 v4, v2;
	v3 =	vmul.f32 v20, v3;
	v4 =	vld [tilespmem:$0x1FC90];
	v0 =	vadd.f32 v24, v0  }
0x30b: {  	v56 =	vmul.f32 v42, v56;
	v8 =	vadd.f32 v14, v8;
	v14 =	vadd.f32 v5, v15;
	v5 =	vld [tilespmem:$0x1FCA0]  }
0x30c: {  	v41 =	vmul.f32 v41, v38;
	[tilespmem:$0x1FF00] =	vst v52;
	v52 =	vmul.f32 v59, v58;
	v0 =	vadd.f32 v3, v0;
	v3 =	vld [tilespmem:$0x1FD20]  }
0x30d: {  	v59 =	vmul.f32 v63, v62;
	v63 =	vld [tilespmem:$0x1FC10];
	v1 =	vadd.f32 v56, v1;
	v13 =	vmul.f32 v13, v17  }
0x30e: {  	[tilespmem:$0x1FE60] =	vst v61;
	v61 =	vld [tilespmem:s15+$0x84A0];
	v18 =	vmul.f32 v18, v23  }
0x30f: {  	v23 =	vld [tilespmem:$0x1FD00];
	v1 =	vadd.f32 v41, v1;
	v13 =	vadd.f32 v13, v14;
	v14 =	vmul.f32 v22, v25  }
0x310: {  	v19 =	vmul.f32 v46, v52;
	v15 =	vmul.f32 v5, v4;
	v4 =	vld [tilespmem:$0x1FCB0]  }
0x311: {  	v25 =	vld [tilespmem:$0x1FD10];
	v3 =	vmul.f32 v3, v14;
	v14 =	vperm.xlane v1, v49  }
0x312: {  	v48 =	vmul.f32 v48, v30;
	v46 =	vmul.f32 v63, v59;
	v13 =	vadd.f32 v19, v13;
	v19 =	vld [tilespmem:$0x1FD30]  }
0x313: {  	v1 =	vadd.f32 v1, v14;
	v14 =	vld [tilespmem:$0x1FD50]  }
0x314: {  	v45 =	vld [tilespmem:s15+$0x46A0];
	v35 =	vmul.f32 v35, v48;
	v8 =	vadd.f32 v46, v8  }
0x315: {  	v51 =	vld [tilespmem:s15+$0x45B0];
	v10 =	vmul.f32 v10, v11  }
0x316: {  	v11 =	vmul.f32 v28, v60;
	[tilespmem:$0x1FF40] =	vst v61;
	v61 =	vld [tilespmem:s15+$0x4B0];
	v8 =	vadd.f32 v35, v8;
	v23 =	vmul.f32 v25, v23  }
0x317: {  	v28 =	vmul.f32 v50, v4;
	v4 =	vld [tilespmem:$0x1FCC0];
	v18 =	vmul.f32 v19, v18  }
0x318: {  	v19 =	vld [tilespmem:$0x1FD40];
	v14 =	vmul.f32 v14, v23;
	v23 =	vperm.xlane v8, v49  }
0x319: {  	v0 =	vadd.f32 v27, v0;
	v27 =	vld [tilespmem:$0x1FD60]  }
0x31a: {  	v8 =	vadd.f32 v8, v23;
	v23 =	vld [tilespmem:$0x1FD70];
	_ =	sdelay $0x1  }
0x31b: {  	v44 =	vld [tilespmem:s15+$0x530];
	v6 =	vmul.f32 v37, v6;
	v25 =	vmul.f32 v45, v53  }
0x31c: {  	[tilespmem:$0x1FF10] =	vst v61;
	v61 =	vld [tilespmem:s15+$0x44B0];
	v10 =	vmul.f32 v4, v10;
	v19 =	vmul.f32 v51, v19  }
0x31d: {  	v25 =	vmul.f32 v27, v25;
	v27 =	vld [tilespmem:$0x1FD90]  }
0x31e: {  	v10 =	vadd.f32 v10, v6;
	v6 =	vperm.xlane v8, v43;
	v19 =	vmul.f32 v23, v19;
	v23 =	vld [tilespmem:$0x1FD80]  }
0x31f: {  	v47 =	vld [tilespmem:s15+$0x4530]  }
0x320: {  	v33 =	vadd.f32 v8, v6;
	v6 =	vld [tilespmem:$0x1FDD0]  }
0x321: {  	[tilespmem:$0x1FF20] =	vst v61;
	v61 =	vld [tilespmem:s15+$0x8500]  }
0x322: {  	v40 =	vld [tilespmem:s15+$0x600]  }
0x323: {  	v39 =	vld [tilespmem:s15+$0x4600];
	v23 =	vmul.f32 v27, v23  }
0x324: {  	[tilespmem:$0x1FEB0] =	vst v47;
	v47 =	vld [tilespmem:s15+$0x45A0]  }
0x325: {  	v23 =	vmul.f32 v6, v23;
	v6 =	vld [tilespmem:$0x1FDE0]  }
0x326: {  	[tilespmem:$0x1FE90] =	vst v61;
	v61 =	vld [tilespmem:s15+$0x8510]  }
0x327: {  	[tilespmem:$0x1FEA0] =	vst v44;
	v44 =	vld [tilespmem:s15+$0x5A0]  }
0x328: {  	v39 =	vmul.f32 v39, v40;
	v4 =	vld [tilespmem:$0x1FCD0]  }
0x329: {  	[tilespmem:$0x1FDB0] =	vst v47;
	v47 =	vld [tilespmem:s15+$0x610]  }
0x32a: {  	v39 =	vmul.f32 v6, v39;
	v6 =	vld [tilespmem:s15+$0x8310]  }
0x32b: {  	[tilespmem:$0x1FEC0] =	vst v61;
	v61 =	vld [tilespmem:s15+$0x520]  }
0x32c: {  	[tilespmem:$0x1FDA0] =	vst v44;
	v44 =	vld [tilespmem:s15+$0x4610]  }
0x32d: {  	v11 =	vmul.f32 v4, v11;
	v4 =	vld [tilespmem:$0x1FCE0];
	_ =	sdelay $0x1  }
0x32e: {  	[tilespmem:$0x1FDF0] =	vst v6;
	v6 =	vld [tilespmem:$0x1FE10]  }
0x32f: {  	[tilespmem:$0x1FE70] =	vst v61;
	v61 =	vld [tilespmem:s15+$0x4520];
	_ =	sdelay $0x1  }
0x330: {  	v52 =	vmul.f32 v44, v47;
	v15 =	vmul.f32 v4, v15;
	v4 =	vld [tilespmem:$0x1FCF0]  }
0x331: {  	v8 =	vld [tilespmem:$0x1FE30]  }
0x332: {  	v10 =	vadd.f32 v11, v10;
	v11 =	vmul.f32 v6, v52;
	v6 =	vld [tilespmem:$0x1FE20]  }
0x333: {  	[tilespmem:$0x1FE80] =	vst v61;
	v61 =	vld [tilespmem:s15+$0x580]  }
0x334: {  	v53 =	vld [tilespmem:$0x1FDB0]  }
0x335: {  	v24 =	vmul.f32 v4, v28;
	v28 =	vld [tilespmem:$0x1FDA0]  }
0x336: {  	v30 =	vld [tilespmem:s15+$0x4A0]  }
0x337: {  	v63 =	vmul.f32 v8, v6;
	v6 =	vld [tilespmem:$0x1FE40]  }
0x338: {  	v34 =	vld [tilespmem:s15+$0x44A0];
	v55 =	vperm.xlane v1, v43  }
0x339: {  	[tilespmem:$0x1FE00] =	vst v61;
	v61 =	vld [tilespmem:s15+$0x4580]  }
0x33a: {  	v59 =	vadd.f32 v1, v55;
	v1 =	vld [tilespmem:$0x1FE00];
	v44 =	vmul.f32 v53, v28  }
0x33b: {  	v57 =	vld [tilespmem:s15+$0x500]  }
0x33c: {  	v44 =	vmul.f32 v6, v44;
	v6 =	vld [tilespmem:$0x1FE50]  }
0x33d: {  	v21 =	vld [tilespmem:s15+$0x510]  }
0x33e: {  	v12 =	vld [tilespmem:s15+$0x3B0];
	v50 =	vperm.xlane v13, v49  }
0x33f: {  	v28 =	vld [tilespmem:s15+$0x8300];
	v1 =	vmul.f32 v61, v1  }
0x340: {  	v9 =	vld [tilespmem:s15+$0x8400];
	v13 =	vadd.f32 v13, v50;
	v51 =	vperm.xlane v0, v49  }
0x341: {  	v1 =	vmul.f32 v6, v1;
	v6 =	vld [tilespmem:$0x1FE60]  }
0x342: {  	v26 =	vld [tilespmem:s15+$0x490];
	v56 =	vperm.xlane v13, v43;
	v0 =	vadd.f32 v0, v51  }
0x343: {  	v40 =	vld [tilespmem:s15+$0x2B0]  }
0x344: {  	v60 =	vld [tilespmem:s15+$0x320];
	[tilespmem:$0x1FDC0] =	vst v28;
	v28 =	vadd.f32 v13, v56;
	v13 =	vperm.xlane v0, v43  }
0x345: {  	v8 =	vld [tilespmem:$0x1FE80]  }
0x346: {  	v10 =	vadd.f32 v15, v10;
	v15 =	vmul.f32 v6, v63;
	v6 =	vadd.f32 v0, v13;
	v0 =	vld [tilespmem:$0x1FE70]  }
0x347: {  	v42 =	vld [tilespmem:s15+$0x4510]  }
0x348: {  	v38 =	vld [tilespmem:s15+$0x43B0]  }
0x349: {  	v58 =	vld [tilespmem:s15+$0x4500]  }
0x34a: {  	v48 =	vld [tilespmem:s15+$0x4420]  }
0x34b: {  	v0 =	vmul.f32 v8, v0;
	v8 =	vld [tilespmem:$0x1FE90]  }
0x34c: {  	v54 =	vld [tilespmem:s15+$0x8320]  }
0x34d: {  	v36 =	vld [tilespmem:s15+$0x410]  }
0x34e: {  	v7 =	vld [tilespmem:s15+$0x8410];
	v3 =	vadd.f32 v18, v3;
	v18 =	vmul.f32 v58, v57  }
0x34f: {  	v13 =	vld [tilespmem:$0x1FEB0]  }
0x350: {  	v18 =	vmul.f32 v8, v18;
	v8 =	vld [tilespmem:$0x1FEA0]  }
0x351: {  	v32 =	vld [tilespmem:s15+$0x400]  }
0x352: {  	v37 =	vld [tilespmem:s15+$0x4410]  }
0x353: {  	v62 =	vld [tilespmem:s15+$0x83A0]  }
0x354: {  	v2 =	vld [tilespmem:s15+$0x330]  }
0x355: {  	v3 =	vadd.f32 v25, v3;
	v25 =	vmul.f32 v13, v8;
	v8 =	vld [tilespmem:$0x1FEC0]  }
0x356: {  	v20 =	vld [tilespmem:s15+$0x8380]  }
0x357: {  	v47 =	vld [tilespmem:s15+$0x280]  }
0x358: {  	v21 =	vmul.f32 v42, v21;
	[tilespmem:$0x1FFB0] =	vst v62;
	v62 =	vld [tilespmem:s15+$0x420]  }
0x359: {  	v46 =	vld [tilespmem:s15+$0x43A0]  }
0x35a: {  	v21 =	vmul.f32 v8, v21;
	v8 =	vld [tilespmem:$0x1FED0]  }
0x35b: {  	v35 =	vld [tilespmem:s15+$0x4400]  }
0x35c: {  	v5 =	vld [tilespmem:s15+$0x4330]  }
0x35d: {  	v16 =	vld [tilespmem:s15+$0x480]  }
0x35e: {  	v17 =	vld [tilespmem:s15+$0x4480]  }
0x35f: {  	v50 =	vmul.f32 v8, v0;
	v0 =	vadd.f32 v24, v3;
	v3 =	vld [tilespmem:$0x1FEE0]  }
0x360: {  	v31 =	vld [tilespmem:s15+$0x4490]  }
0x361: {  	v8 =	vld [tilespmem:$0x1FEF0]  }
0x362: {  	v41 =	vld [tilespmem:s15+$0x4380]  }
0x363: {  	v22 =	vld [tilespmem:s15+$0x3A0]  }
0x364: {  	v45 =	vld [tilespmem:s15+$0x42B0];
	v24 =	vmul.f32 v3, v25;
	v3 =	vmul.f32 v17, v16  }
0x365: {  	v4 =	vld [tilespmem:s15+$0x8390]  }
0x366: {  	v17 =	vmul.f32 v34, v30;
	v30 =	vmul.f32 v8, v3;
	v8 =	vld [tilespmem:$0x1FF00]  }
0x367: {  	v58 =	vld [tilespmem:s15+$0x390]  }
0x368: {  	v57 =	vld [tilespmem:s15+$0x230];
	v11 =	vadd.f32 v11, v39  }
0x369: {  	v55 =	vld [tilespmem:s15+$0x1B0];
	v16 =	vmul.f32 v31, v26  }
0x36a: {  	v42 =	vperm.xlane v10, v49;
	v3 =	vadd.f32 v23, v11;
	v11 =	vld [tilespmem:$0x1FF20]  }
0x36b: {  	v23 =	vmul.f32 v8, v16;
	v8 =	vld [tilespmem:$0x1FF10]  }
0x36c: {  	v10 =	vadd.f32 v10, v42;
	v42 =	vld [tilespmem:s15+$0x300]  }
0x36d: {  	v51 =	vld [tilespmem:s15+$0x4320];
	v1 =	vadd.f32 v15, v1;
	v15 =	vperm.xlane v0, v49  }
0x36e: {  	v53 =	vld [tilespmem:s15+$0x4390]  }
0x36f: {  	v39 =	vadd.f32 v0, v15;
	v0 =	vld [tilespmem:$0x1FF40]  }
0x370: {  	v26 =	vmul.f32 v11, v8;
	v8 =	vld [tilespmem:s15+$0x8280]  }
0x371: {  	v61 =	vld [tilespmem:s15+$0x4230]  }
0x372: {  	v31 =	vmul.f32 v48, v62;
	v48 =	vadd.f32 v14, v3;
	v3 =	vld [tilespmem:$0x1FF70]  }
0x373: {  	v27 =	vld [tilespmem:s15+$0x81B0]  }
0x374: {  	v56 =	vmul.f32 v0, v17;
	v0 =	vld [tilespmem:$0x1FF50]  }
0x375: {  	[tilespmem:$0x1FF30] =	vst v8;
	v8 =	vld [tilespmem:$0x1FF60]  }
0x376: {  	v52 =	vld [tilespmem:s15+$0x380]  }
0x377: {  	v17 =	vmul.f32 v38, v12;
	v38 =	vmul.f32 v3, v26;
	v3 =	vld [tilespmem:$0x1FF80]  }
0x378: {  	v1 =	vadd.f32 v44, v1;
	v44 =	vld [tilespmem:s15+$0x1A0]  }
0x379: {  	v13 =	vld [tilespmem:s15+$0x81A0]  }
0x37a: {  	v25 =	vld [tilespmem:s15+$0x41B0];
	v15 =	vmul.f32 v8, v0  }
0x37b: {  	v62 =	vld [tilespmem:s15+$0x4300]  }
0x37c: {  	v12 =	vmul.f32 v3, v15;
	v3 =	vld [tilespmem:$0x1FF90]  }
0x37d: {  	v58 =	vmul.f32 v53, v58;
	v63 =	vperm.xlane v59, v29;
	v11 =	vld [tilespmem:$0x1FFB0]  }
0x37e: {  	v34 =	vld [tilespmem:s15+$0x220];
	v15 =	vadd.f32 v21, v18;
	v18 =	vadd.f32 v19, v1;
	v1 =	vperm.xlane v10, v43  }
0x37f: {  	v16 =	vld [tilespmem:s15+$0x42A0];
	v21 =	vmul.f32 v46, v22;
	v22 =	vmul.f32 v35, v32  }
0x380: {  	v0 =	vld [tilespmem:s15+$0x2A0];
	v15 =	vadd.f32 v50, v15;
	v26 =	vperm.xlane v18, v49;
	v50 =	vperm.xlane v48, v49  }
0x381: {  	v19 =	vadd.f32 v10, v1;
	v10 =	vmul.f32 v5, v2;
	v14 =	vmul.f32 v3, v17;
	v3 =	vld [tilespmem:$0x1FFA0]  }
0x382: {  	v8 =	vld [tilespmem:s15+$0x310];
	v5 =	vperm.xlane v33, v29;
	v24 =	vadd.f32 v24, v15;
	v15 =	vmul.f32 v11, v21  }
0x383: {  	v32 =	vld [tilespmem:s15+$0x4310];
	v2 =	vadd.f32 v18, v26;
	v21 =	vperm.xlane v39, v43;
	v26 =	vmul.f32 v9, v22  }
0x384: {  	v1 =	vld [tilespmem:s15+$0x8180];
	v9 =	vadd.f32 v23, v30;
	v23 =	vmul.f32 v45, v40;
	v11 =	vperm.xlane v6, v29  }
0x385: {  	v18 =	vadd.f32 v48, v50;
	v50 =	vld [tilespmem:s15+$0x41A0];
	v22 =	vmul.f32 v51, v60;
	v53 =	vperm.xlane v19, v29  }
0x386: {  	v45 =	vld [tilespmem:s15+$0x4220];
	v3 =	vmul.f32 v3, v31;
	v31 =	vmul.f32 v37, v36  }
0x387: {  	v48 =	vld [tilespmem:s15+$0x4280];
	v9 =	vadd.f32 v56, v9;
	v56 =	vmul.f32 v41, v52;
	v35 =	vperm.xlane v18, v43  }
0x388: {  	v51 =	vld [tilespmem:s15+$0x290];
	v5 =	vadd.f32 v33, v5;
	v31 =	vmul.f32 v7, v31;
	v7 =	vperm.xlane v24, v49  }
0x389: {  	v40 =	vld [tilespmem:s15+$0x4290];
	v9 =	vadd.f32 v38, v9;
	v35 =	vadd.f32 v18, v35;
	v18 =	vmul.f32 v54, v22  }
0x38a: {  	v33 =	vld [tilespmem:s15+$0x200];
	v37 =	vperm.xlane v28, v29;
	v7 =	vadd.f32 v24, v7;
	v24 =	vperm.xlane v2, v43  }
0x38b: {  	v17 =	vld [tilespmem:s15+$0x8190];
	v21 =	vadd.f32 v39, v21;
	v60 =	vperm.xlane v9, v49;
	v36 =	vmul.f32 v4, v58  }
0x38c: {  	v41 =	vld [tilespmem:s15+$0x4180];
	v30 =	vadd.f32 v2, v24;
	v2 =	vperm.xlane v7, v43;
	v24 =	vmul.f32 v25, v55  }
0x38d: {  	v54 =	vld [tilespmem:s15+$0x180];
	v4 =	vadd.f32 v59, v63;
	v25 =	vmul.f32 v20, v56;
	v55 =	vperm.xlane v21, v29  }
0x38e: {  	v58 =	vld [tilespmem:s15+$0x190];
	v22 =	vadd.f32 v9, v60;
	v56 =	vperm.xlane v35, v29;
	v52 =	vperm.xlane v30, v29  }
0x38f: {  	v39 =	vadd.f32 v7, v2;
	v20 =	vmul.f32 v27, v24;
	v27 =	vld [tilespmem:s15+$0x4190];
	v24 =	vmul.f32 v61, v57  }
0x390: {  	v7 =	vadd.f32 v28, v37;
	v2 =	vmul.f32 v62, v42;
	v28 =	vld [tilespmem:s15+$0x4200];
	v42 =	vmul.f32 v32, v8  }
0x391: {  	s16 =	simm.s32 $0x4000;
	v9 =	vadd.f32 v6, v11;
	v37 =	vperm.xlane v22, v43;
	v32 =	vld [tilespmem:s15+$0x210];
	v57 =	vperm.xlane v39, v29  }
.LBB2_4:
0x392: {  	v6 =	vld [tilespmem:$0x1FDC0];
	_ =	sdelay $0x4  }
0x393: {  	v43 =	vmul.f32 v6, v2;
	v2 =	vld [tilespmem:$0x1FDF0];
	_ =	sdelay $0x1  }
0x394: {  	v38 =	vld [tilespmem:s15+$0x4210]  }
0x395: {  	v11 =	vld [tilespmem:$0x1FF30];
	v29 =	vmul.f32 v50, v44  }
0x396: {  	v16 =	vmul.f32 v16, v0;
	v0 =	vadd.f32 v19, v53;
	v19 =	vld [tilespmem:s15+$0x8200];
	v50 =	vmul.f32 v48, v47  }
0x397: {  	v51 =	vmul.f32 v40, v51;
	v42 =	vmul.f32 v2, v42;
	v2 =	vadd.f32 v21, v55;
	v21 =	vld [tilespmem:s15+$0x8210]  }
0x398: {  	v8 =	vadd.f32 v30, v52;
	v53 =	vld [tilespmem:s15+$0x8290];
	v30 =	vmul.f32 v41, v54;
	v27 =	vmul.f32 v27, v58  }
0x399: {  	v26 =	vadd.f32 v31, v26;
	v28 =	vmul.f32 v28, v33;
	v32 =	vmul.f32 v38, v32;
	v55 =	vld [tilespmem:s15+$0x8220]  }
0x39a: {  	v6 =	vadd.f32 v35, v56;
	v56 =	vld [tilespmem:s15+$0x82A0];
	v13 =	vmul.f32 v13, v29;
	v29 =	vmul.f32 v45, v34  }
0x39b: {  	v25 =	vadd.f32 v36, v25;
	v1 =	vmul.f32 v1, v30;
	v17 =	vmul.f32 v17, v27;
	v27 =	vld [tilespmem:s15+$0x8230]  }
0x39c: {  	v39 =	vadd.f32 v39, v57;
	v19 =	vmul.f32 v19, v28;
	v21 =	vmul.f32 v21, v32  }
0x39d: {  	v3 =	vadd.f32 v3, v26;
	v11 =	vmul.f32 v11, v50;
	v1 =	vadd.f32 v17, v1;
	v28 =	vld [tilespmem:s15+$0x82B0]  }
0x39e: {  	v30 =	vld [tilespmem:s15+$0x8330];
	v26 =	vmul.f32 v53, v51;
	v17 =	vadd.f32 v21, v19;
	v19 =	vmul.f32 v55, v29  }
0x39f: {  	v22 =	vadd.f32 v22, v37;
	v16 =	vmul.f32 v56, v16;
	v1 =	vadd.f32 v13, v1  }
0x3a0: {  	v11 =	vadd.f32 v26, v11;
	v13 =	vadd.f32 v19, v17;
	v17 =	vmul.f32 v27, v24;
	v27 =	vld [tilespmem:$0x1FFC0]  }
0x3a1: {  	v15 =	vadd.f32 v15, v25;
	v33 =	vld [tilespmem:$0x1FFE0];
	v21 =	vadd.f32 v42, v43  }
0x3a2: {  	v1 =	vadd.f32 v20, v1;
	v11 =	vadd.f32 v16, v11;
	v16 =	vmul.f32 v28, v23  }
0x3a3: {  	v10 =	vmul.f32 v30, v10;
	v18 =	vadd.f32 v18, v21;
	v13 =	vadd.f32 v17, v13  }
0x3a4: {  	v14 =	vadd.f32 v14, v15;
	v28 =	vld [tilespmem:$0x1FFD0];
	v11 =	vadd.f32 v16, v11  }
0x3a5: {  	v10 =	vadd.f32 v10, v18;
	v17 =	vperm.xlane v1, v27;
	v19 =	vperm.xlane v13, v27  }
0x3a6: {  	v3 =	vadd.f32 v12, v3;
	v16 =	vperm.xlane v22, v33;
	v18 =	vperm.xlane v11, v27  }
0x3a7: {  	v1 =	vadd.f32 v1, v17;
	v12 =	vadd.f32 v13, v19;
	v13 =	vperm.xlane v10, v27  }
0x3a8: {  	v15 =	vperm.xlane v14, v27;
	v11 =	vadd.f32 v11, v18;
	v17 =	vperm.xlane v3, v27  }
0x3a9: {  	v18 =	vperm.xlane v1, v28;
	v19 =	vperm.xlane v12, v28;
	v10 =	vadd.f32 v10, v13  }
0x3aa: {  	v14 =	vadd.f32 v14, v15;
	v13 =	vperm.xlane v11, v28;
	v3 =	vadd.f32 v3, v17  }
0x3ab: {  	v1 =	vadd.f32 v1, v18;
	v12 =	vadd.f32 v12, v19;
	v15 =	vperm.xlane v10, v28  }
0x3ac: {  	v20 =	vld [tilespmem:$0x1FFF0];
	v11 =	vadd.f32 v11, v13;
	v13 =	vperm.xlane v14, v28;
	v17 =	vperm.xlane v3, v28  }
0x3ad: {  	v18 =	vperm.xlane v1, v33;
	v19 =	vperm.xlane v12, v33;
	v10 =	vadd.f32 v10, v15  }
0x3ae: {  	v15 =	vperm.xlane v11, v33;
	v13 =	vadd.f32 v14, v13;
	v3 =	vadd.f32 v3, v17  }
0x3af: {  	v1 =	vadd.f32 v1, v18;
	v12 =	vadd.f32 v12, v19;
	v14 =	vperm.xlane v10, v33  }
0x3b0: {  	v11 =	vadd.f32 v11, v15;
	v15 =	vperm.xlane v13, v33;
	v17 =	vperm.xlane v3, v33  }
0x3b1: {  	v18 =	vperm.xlane v1, v20;
	v19 =	vperm.xlane v12, v20;
	v10 =	vadd.f32 v10, v14  }
0x3b2: {  	v14 =	vperm.xlane v11, v20;
	v13 =	vadd.f32 v13, v15;
	v3 =	vadd.f32 v3, v17  }
0x3b3: {  	v1 =	vadd.f32 v1, v18;
	v12 =	vadd.f32 v12, v19;
	v15 =	vperm.xlane v10, v20  }
0x3b4: {  	v16 =	vadd.f32 v22, v16;
	v11 =	vadd.f32 v11, v14;
	v14 =	vperm.xlane v13, v20  }
0x3b5: {  	v1 =	vsel vm0, v1, v12;
	v10 =	vadd.f32 v10, v15;
	v12 =	vperm.xlane v3, v20  }
0x3b6: {  	v1 =	vsel vm1, v1, v11;
	v11 =	vadd.f32 v13, v14;
	v13 =	vperm.xlane v16, v20  }
0x3b7: {  	v1 =	vsel vm2, v1, v10;
	v3 =	vadd.f32 v3, v12;
	v10 =	vperm.xlane v39, v20  }
0x3b8: {  	v12 =	vperm.xlane v8, v20;
	v1 =	vsel vm3, v1, v11;
	v11 =	vadd.f32 v16, v13  }
0x3b9: {  	v1 =	vsel vm4, v1, v3;
	v3 =	vadd.f32 v39, v10;
	v10 =	vperm.xlane v6, v20  }
0x3ba: {  	v8 =	vadd.f32 v8, v12;
	v1 =	vsel vm5, v1, v11;
	v11 =	vperm.xlane v2, v20  }
0x3bb: {  	v1 =	vsel vm6, v1, v3;
	v3 =	vadd.f32 v6, v10;
	v6 =	vperm.xlane v0, v20  }
0x3bc: {  	v1 =	vsel vm7, v1, v8;
	v2 =	vadd.f32 v2, v11;
	v8 =	vperm.xlane v9, v20  }
0x3bd: {  	v1 =	vsel vm8, v1, v3;
	v0 =	vadd.f32 v0, v6;
	v3 =	vperm.xlane v7, v20  }
0x3be: {  	v6 =	vperm.xlane v5, v20;
	v1 =	vsel vm9, v1, v2;
	v2 =	vadd.f32 v9, v8  }
0x3bf: {  	v0 =	vsel vm10, v1, v0;
	v1 =	vadd.f32 v7, v3;
	v3 =	vperm.xlane v4, v20  }
0x3c0: {  	v0 =	vsel vm11, v0, v2;
	v2 =	vadd.f32 v5, v6  }
0x3c1: {  	v0 =	vsel vm12, v0, v1;
	v1 =	vadd.f32 v4, v3  }
0x3c2: {  	v0 =	vsel vm13, v0, v2  }
0x3c3: {  	s14 =	sadd.s32 $0x10, s14;
	v0 =	vsel vm14, v0, v1  }
0x3c4: {  	s15 =	sshra.s32 s16, $0x2;
	[tilespmem:s14+$0x0] =	vst v0  }
0x3c5: {  	v0 =	vld [tilespmem:s15+$0x8930];
	_ =	sdelay $0x4  }
0x3c6: {  	[tilespmem:$0x1F490] =	vst v0;
	v0 =	vld [tilespmem:s15+$0x8920];
	_ =	sdelay $0x4  }
0x3c7: {  	[tilespmem:$0x1F4A0] =	vst v0;
	v0 =	vld [tilespmem:s15+$0x8830];
	_ =	sdelay $0x4  }
0x3c8: {  	[tilespmem:$0x1F4B0] =	vst v0;
	v0 =	vld [tilespmem:s15+$0x88A0];
	_ =	sdelay $0x4  }
0x3c9: {  	[tilespmem:$0x1F4E0] =	vst v0;
	v0 =	vld [tilespmem:s15+$0x8900];
	_ =	sdelay $0x4  }
0x3ca: {  	[tilespmem:$0x1F4C0] =	vst v0;
	v0 =	vld [tilespmem:s15+$0x8910];
	_ =	sdelay $0x4  }
0x3cb: {  	[tilespmem:$0x1F4D0] =	vst v0;
	v0 =	vld [tilespmem:s15+$0x87B0];
	_ =	sdelay $0x4  }
0x3cc: {  	[tilespmem:$0x1F550] =	vst v0;
	v0 =	vld [tilespmem:s15+$0x8820];
	_ =	sdelay $0x4  }
0x3cd: {  	[tilespmem:$0x1F510] =	vst v0;
	v0 =	vld [tilespmem:s15+$0x8880];
	_ =	sdelay $0x4  }
0x3ce: {  	[tilespmem:$0x1F4F0] =	vst v0;
	v0 =	vld [tilespmem:s15+$0x8890];
	_ =	sdelay $0x4  }
0x3cf: {  	[tilespmem:$0x1F500] =	vst v0;
	v0 =	vld [tilespmem:s15+$0x8730];
	_ =	sdelay $0x4  }
0x3d0: {  	[tilespmem:$0x1F590] =	vst v0;
	v0 =	vld [tilespmem:s15+$0x87A0]  }
0x3d1: {  	v58 =	vld [tilespmem:s15+$0x88B0]  }
0x3d2: {  	v60 =	vld [tilespmem:s15+$0x930]  }
0x3d3: {  	v53 =	vld [tilespmem:s15+$0x4930]  }
0x3d4: {  	v47 =	vld [tilespmem:s15+$0x8B0]  }
0x3d5: {  	[tilespmem:$0x1F540] =	vst v0;
	v0 =	vld [tilespmem:s15+$0x7B0]  }
0x3d6: {  	v45 =	vld [tilespmem:s15+$0x48B0]  }
0x3d7: {  	v41 =	vld [tilespmem:s15+$0x920]  }
0x3d8: {  	v32 =	vld [tilespmem:s15+$0x4920]  }
0x3d9: {  	v38 =	vld [tilespmem:s15+$0x830]  }
0x3da: {  	[tilespmem:$0x1F520] =	vst v0;
	v0 =	vld [tilespmem:s15+$0x47B0]  }
0x3db: {  	v29 =	vld [tilespmem:s15+$0x4830]  }
0x3dc: {  	v40 =	vld [tilespmem:s15+$0x8A0]  }
0x3dd: {  	v37 =	vld [tilespmem:s15+$0x48A0]  }
0x3de: {  	v26 =	vld [tilespmem:s15+$0x900]  }
0x3df: {  	[tilespmem:$0x1F530] =	vst v0;
	v0 =	vld [tilespmem:s15+$0x86B0]  }
0x3e0: {  	v25 =	vld [tilespmem:s15+$0x4900]  }
0x3e1: {  	v24 =	vld [tilespmem:s15+$0x910]  }
0x3e2: {  	v17 =	vld [tilespmem:s15+$0x4910]  }
0x3e3: {  	v52 =	vld [tilespmem:s15+$0x8800]  }
0x3e4: {  	[tilespmem:$0x1F5C0] =	vst v0;
	v0 =	vld [tilespmem:s15+$0x8720]  }
0x3e5: {  	v51 =	vld [tilespmem:s15+$0x8810]  }
0x3e6: {  	v16 =	vld [tilespmem:s15+$0x820]  }
0x3e7: {  	v14 =	vld [tilespmem:s15+$0x4820]  }
0x3e8: {  	v18 =	vld [tilespmem:s15+$0x880]  }
0x3e9: {  	[tilespmem:$0x1F580] =	vst v0;
	v0 =	vld [tilespmem:s15+$0x730]  }
0x3ea: {  	v15 =	vld [tilespmem:s15+$0x4880]  }
0x3eb: {  	v12 =	vld [tilespmem:s15+$0x890]  }
0x3ec: {  	v11 =	vld [tilespmem:s15+$0x4890]  }
0x3ed: {  	v35 =	vld [tilespmem:s15+$0x8780]  }
0x3ee: {  	[tilespmem:$0x1F560] =	vst v0;
	v0 =	vld [tilespmem:s15+$0x4730]  }
0x3ef: {  	v34 =	vld [tilespmem:s15+$0x8790]  }
0x3f0: {  	v20 =	vld [tilespmem:s15+$0x7A0]  }
0x3f1: {  	v19 =	vld [tilespmem:s15+$0x47A0]  }
0x3f2: {  	v7 =	vld [tilespmem:s15+$0x800]  }
0x3f3: {  	[tilespmem:$0x1F570] =	vst v0;
	v0 =	vld [tilespmem:s15+$0x8630]  }
0x3f4: {  	v6 =	vld [tilespmem:s15+$0x4800]  }
0x3f5: {  	v5 =	vld [tilespmem:s15+$0x810]  }
0x3f6: {  	v8 =	vld [tilespmem:s15+$0x85B0]  }
0x3f7: {  	v3 =	vld [tilespmem:s15+$0x4810]  }
0x3f8: {  	[tilespmem:$0x1F640] =	vst v0;
	v0 =	vld [tilespmem:s15+$0x86A0]  }
0x3f9: {  	v4 =	vld [tilespmem:s15+$0x780]  }
0x3fa: {  	v2 =	vld [tilespmem:s15+$0x4780]  }
0x3fb: {  	[tilespmem:$0x1F660] =	vst v8;
	v8 =	vld [tilespmem:s15+$0x8620]  }
0x3fc: {  	v17 =	vmul.f32 v17, v24;
	v24 =	vld [tilespmem:$0x1F4B0]  }
0x3fd: {  	[tilespmem:$0x1F650] =	vst v0;
	v0 =	vld [tilespmem:s15+$0x6B0]  }
0x3fe: {  	v1 =	vld [tilespmem:s15+$0x790]  }
0x3ff: {  	v21 =	vld [tilespmem:s15+$0x8530];
	v29 =	vmul.f32 v29, v38  }
0x400: {  	v6 =	vmul.f32 v6, v7;
	v5 =	vmul.f32 v3, v5;
	[tilespmem:$0x1F690] =	vst v8;
	v8 =	vld [tilespmem:s15+$0x630]  }
0x401: {  	v24 =	vmul.f32 v24, v29;
	v29 =	vld [tilespmem:$0x1F4C0]  }
0x402: {  	v6 =	vmul.f32 v52, v6;
	v5 =	vmul.f32 v51, v5;
	[tilespmem:$0x1F5A0] =	vst v0;
	v0 =	vld [tilespmem:s15+$0x46B0]  }
0x403: {  	v3 =	vld [tilespmem:$0x1F4F0]  }
0x404: {  	v25 =	vmul.f32 v25, v26;
	v5 =	vadd.f32 v5, v6;
	v6 =	vld [tilespmem:s15+$0x8400]  }
0x405: {  	[tilespmem:$0x1F5D0] =	vst v8;
	v8 =	vld [tilespmem:s15+$0x4630]  }
0x406: {  	v15 =	vmul.f32 v15, v18;
	v25 =	vmul.f32 v29, v25;
	v29 =	vld [tilespmem:$0x1F4D0]  }
0x407: {  	v45 =	vmul.f32 v45, v47;
	[tilespmem:$0x1F5B0] =	vst v0;
	v0 =	vld [tilespmem:s15+$0x4790]  }
0x408: {  	v47 =	vmul.f32 v53, v60;
	v7 =	vmul.f32 v3, v15;
	v3 =	vld [tilespmem:$0x1F500]  }
0x409: {  	v32 =	vmul.f32 v32, v41;
	v41 =	vmul.f32 v58, v45;
	v58 =	vld [tilespmem:$0x1F4A0]  }
0x40a: {  	v14 =	vmul.f32 v14, v16;
	v18 =	vmul.f32 v11, v12;
	v53 =	vld [tilespmem:$0x1F490]  }
0x40b: {  	v2 =	vmul.f32 v2, v4;
	v4 =	vmul.f32 v19, v20;
	[tilespmem:$0x1F5E0] =	vst v8;
	v8 =	vld [tilespmem:s15+$0x8680]  }
0x40c: {  	v16 =	vld [tilespmem:$0x1F4E0];
	v29 =	vmul.f32 v29, v17;
	v0 =	vmul.f32 v0, v1  }
0x40d: {  	v2 =	vmul.f32 v35, v2;
	v19 =	vld [tilespmem:$0x1F510];
	v15 =	vmul.f32 v3, v18  }
0x40e: {  	[tilespmem:$0x1F800] =	vst v6;
	v32 =	vmul.f32 v58, v32;
	v25 =	vadd.f32 v29, v25;
	v6 =	vld [tilespmem:$0x1F520];
	v0 =	vmul.f32 v34, v0  }
0x40f: {  	v26 =	vmul.f32 v37, v40;
	v7 =	vadd.f32 v15, v7;
	v15 =	vld [tilespmem:$0x1F530]  }
0x410: {  	v45 =	vmul.f32 v53, v47;
	v18 =	vadd.f32 v32, v25;
	v0 =	vadd.f32 v0, v2;
	v2 =	vld [tilespmem:$0x1F540]  }
0x411: {  	[tilespmem:$0x1F610] =	vst v8;
	v8 =	vld [tilespmem:s15+$0x8690];
	v16 =	vmul.f32 v16, v26  }
0x412: {  	v1 =	vadd.f32 v45, v18  }
0x413: {  	v19 =	vmul.f32 v19, v14;
	v7 =	vadd.f32 v16, v7  }
0x414: {  	v50 =	vld [tilespmem:s15+$0x720];
	v6 =	vmul.f32 v15, v6;
	v15 =	vperm.xlane v1, v27  }
0x415: {  	[tilespmem:$0x1F740] =	vst v21;
	v21 =	vld [tilespmem:s15+$0x85A0];
	v2 =	vmul.f32 v2, v4;
	v4 =	vadd.f32 v19, v5;
	v5 =	vadd.f32 v41, v7  }
0x416: {  	[tilespmem:$0x1F620] =	vst v8;
	v8 =	vld [tilespmem:s15+$0x6A0]  }
0x417: {  	v49 =	vld [tilespmem:s15+$0x4720];
	v7 =	vadd.f32 v1, v15;
	v15 =	vadd.f32 v24, v4;
	v4 =	vperm.xlane v5, v27  }
0x418: {  	v13 =	vld [tilespmem:s15+$0x700]  }
0x419: {  	v5 =	vadd.f32 v5, v4;
	v4 =	vld [tilespmem:s15+$0x8320]  }
0x41a: {  	[tilespmem:$0x1F6C0] =	vst v21;
	v21 =	vld [tilespmem:s15+$0x5B0]  }
0x41b: {  	[tilespmem:$0x1F5F0] =	vst v8;
	v8 =	vld [tilespmem:s15+$0x46A0]  }
0x41c: {  	v9 =	vld [tilespmem:s15+$0x710]  }
0x41d: {  	v24 =	vld [tilespmem:$0x1F570]  }
0x41e: {  	[tilespmem:$0x1F820] =	vst v4;
	v4 =	vld [tilespmem:$0x1F560]  }
0x41f: {  	[tilespmem:$0x1F630] =	vst v21;
	v21 =	vld [tilespmem:s15+$0x8600]  }
0x420: {  	[tilespmem:$0x1F600] =	vst v8;
	v8 =	vld [tilespmem:s15+$0x4710]  }
0x421: {  	v2 =	vadd.f32 v2, v0;
	v0 =	vld [tilespmem:$0x1F550]  }
0x422: {  	v10 =	vld [tilespmem:s15+$0x4700]  }
0x423: {  	v24 =	vmul.f32 v24, v4;
	v4 =	vld [tilespmem:$0x1F580]  }
0x424: {  	v59 =	vld [tilespmem:s15+$0x8700]  }
0x425: {  	v61 =	vld [tilespmem:s15+$0x8710];
	v8 =	vmul.f32 v8, v9  }
0x426: {  	[tilespmem:$0x1F6A0] =	vst v21;
	v21 =	vld [tilespmem:s15+$0x8610];
	v9 =	vmul.f32 v49, v50;
	v6 =	vmul.f32 v0, v6  }
0x427: {  	v13 =	vmul.f32 v10, v13  }
0x428: {  	v2 =	vadd.f32 v6, v2;
	v9 =	vmul.f32 v4, v9;
	v4 =	vld [tilespmem:s15+$0x8390]  }
0x429: {  	v13 =	vmul.f32 v59, v13  }
0x42a: {  	v8 =	vmul.f32 v61, v8;
	v20 =	vperm.xlane v2, v27  }
0x42b: {  	[tilespmem:$0x1F6B0] =	vst v21;
	v21 =	vld [tilespmem:s15+$0x620]  }
0x42c: {  	v8 =	vadd.f32 v8, v13;
	v13 =	vadd.f32 v2, v20;
	v2 =	vld [tilespmem:s15+$0x8380]  }
0x42d: {  	v6 =	vperm.xlane v15, v27;
	[tilespmem:$0x1F840] =	vst v4;
	v4 =	vld [tilespmem:$0x1F590];
	_ =	sdelay $0x1  }
0x42e: {  	v6 =	vadd.f32 v15, v6;
	v15 =	vperm.xlane v5, v28  }
0x42f: {  	[tilespmem:$0x1F670] =	vst v21;
	v21 =	vld [tilespmem:s15+$0x4620];
	v19 =	vperm.xlane v7, v28  }
0x430: {  	v38 =	vadd.f32 v5, v15;
	v5 =	vadd.f32 v9, v8;
	v9 =	vld [tilespmem:$0x1F5B0]  }
0x431: {  	[tilespmem:$0x1F830] =	vst v2;
	v2 =	vadd.f32 v7, v19;
	v7 =	vmul.f32 v4, v24;
	v4 =	vld [tilespmem:$0x1F5A0];
	_ =	sdelay $0x2  }
0x432: {  	[tilespmem:$0x1F680] =	vst v21;
	v21 =	vld [tilespmem:s15+$0x84B0];
	_ =	sdelay $0x1  }
0x433: {  	v9 =	vmul.f32 v9, v4;
	v4 =	vperm.xlane v38, v33;
	_ =	sdelay $0x1  }
0x434: {  	[tilespmem:$0x1F850] =	vst v4;
	v4 =	vld [tilespmem:$0x1F5C0]  }
0x435: {  	[tilespmem:$0x1F790] =	vst v21;
	v21 =	vld [tilespmem:s15+$0x8520];
	v20 =	vperm.xlane v6, v28;
	_ =	sdelay $0x1  }
0x436: {  	v32 =	vadd.f32 v6, v20;
	v8 =	vperm.xlane v13, v28;
	_ =	sdelay $0x1  }
0x437: {  	v39 =	vld [tilespmem:s15+$0x690];
	v29 =	vadd.f32 v13, v8;
	v13 =	vmul.f32 v4, v9;
	v4 =	vperm.xlane v32, v33  }
0x438: {  	v31 =	vld [tilespmem:s15+$0x4690];
	[tilespmem:$0x1F730] =	vst v21  }
0x439: {  	v21 =	vld [tilespmem:s15+$0x530];
	[tilespmem:$0x1F860] =	vst v4;
	v4 =	vperm.xlane v29, v33  }
0x43a: {  	v9 =	vld [tilespmem:$0x1F5E0]  }
0x43b: {  	[tilespmem:$0x1F870] =	vst v4;
	v4 =	vld [tilespmem:$0x1F5D0];
	_ =	sdelay $0x1  }
0x43c: {  	v44 =	vld [tilespmem:s15+$0x680]  }
0x43d: {  	v42 =	vld [tilespmem:s15+$0x4680]  }
0x43e: {  	[tilespmem:$0x1F710] =	vst v21;
	v21 =	vld [tilespmem:s15+$0x4530]  }
0x43f: {  	v20 =	vmul.f32 v31, v39;
	v31 =	vmul.f32 v9, v4;
	v4 =	vld [tilespmem:$0x1F5F0]  }
0x440: {  	v9 =	vld [tilespmem:$0x1F600];
	_ =	sdelay $0x2  }
0x441: {  	[tilespmem:$0x1F720] =	vst v21;
	v21 =	vld [tilespmem:s15+$0x8580];
	_ =	sdelay $0x1  }
0x442: {  	v19 =	vmul.f32 v42, v44;
	v44 =	vmul.f32 v9, v4;
	v4 =	vld [tilespmem:$0x1F610];
	_ =	sdelay $0x2  }
0x443: {  	[tilespmem:$0x1F6D0] =	vst v21;
	v21 =	vld [tilespmem:s15+$0x8590];
	_ =	sdelay $0x1  }
0x444: {  	v19 =	vmul.f32 v4, v19;
	v4 =	vld [tilespmem:$0x1F620];
	_ =	sdelay $0x2  }
0x445: {  	[tilespmem:$0x1F6E0] =	vst v21;
	v21 =	vld [tilespmem:s15+$0x8430]  }
0x446: {  	v55 =	vld [tilespmem:s15+$0x45B0]  }
0x447: {  	v49 =	vmul.f32 v4, v20;
	v4 =	vld [tilespmem:$0x1F630]  }
0x448: {  	v6 =	vadd.f32 v7, v5;
	_ =	sdelay $0x1  }
0x449: {  	[tilespmem:$0x1F7C0] =	vst v21;
	v21 =	vld [tilespmem:s15+$0x84A0];
	v8 =	vperm.xlane v6, v27;
	_ =	sdelay $0x1  }
0x44a: {  	v39 =	vadd.f32 v6, v8;
	v8 =	vmul.f32 v55, v4;
	v4 =	vld [tilespmem:$0x1F640];
	_ =	sdelay $0x2  }
0x44b: {  	[tilespmem:$0x1F780] =	vst v21;
	v21 =	vld [tilespmem:s15+$0x4B0];
	_ =	sdelay $0x1  }
0x44c: {  	v31 =	vmul.f32 v4, v31;
	v4 =	vld [tilespmem:$0x1F650];
	_ =	sdelay $0x2  }
0x44d: {  	[tilespmem:$0x1F760] =	vst v21;
	v21 =	vld [tilespmem:s15+$0x44B0];
	_ =	sdelay $0x1  }
0x44e: {  	v34 =	vmul.f32 v4, v44;
	v4 =	vld [tilespmem:s15+$0x8300];
	_ =	sdelay $0x2  }
0x44f: {  	[tilespmem:$0x1F770] =	vst v21;
	v21 =	vld [tilespmem:s15+$0x8500];
	_ =	sdelay $0x1  }
0x450: {  	[tilespmem:$0x1FDC0] =	vst v4;
	v4 =	vld [tilespmem:$0x1F660]  }
0x451: {  	v30 =	vld [tilespmem:s15+$0x580]  }
0x452: {  	v23 =	vld [tilespmem:s15+$0x4580]  }
0x453: {  	[tilespmem:$0x1F6F0] =	vst v21;
	v21 =	vld [tilespmem:s15+$0x8510]  }
0x454: {  	v19 =	vadd.f32 v49, v19  }
0x455: {  	v55 =	vmul.f32 v4, v8;
	v8 =	vld [tilespmem:$0x1F6D0]  }
0x456: {  	v19 =	vadd.f32 v34, v19  }
0x457: {  	v22 =	vld [tilespmem:s15+$0x590]  }
0x458: {  	[tilespmem:$0x1F700] =	vst v21;
	v21 =	vld [tilespmem:s15+$0x4590];
	v19 =	vadd.f32 v13, v19;
	v13 =	vmul.f32 v23, v30;
	_ =	sdelay $0x1  }
0x459: {  	v30 =	vmul.f32 v8, v13;
	v8 =	vld [tilespmem:$0x1F6E0];
	_ =	sdelay $0x1  }
0x45a: {  	v11 =	vld [tilespmem:s15+$0x4500]  }
0x45b: {  	v17 =	vld [tilespmem:s15+$0x500];
	v21 =	vmul.f32 v21, v22;
	_ =	sdelay $0x1  }
0x45c: {  	v21 =	vmul.f32 v8, v21;
	v8 =	vld [tilespmem:$0x1F6F0]  }
0x45d: {  	v63 =	vld [tilespmem:s15+$0x5A0]  }
0x45e: {  	v12 =	vld [tilespmem:s15+$0x510]  }
0x45f: {  	v11 =	vmul.f32 v11, v17;
	v3 =	vld [tilespmem:s15+$0x4510]  }
0x460: {  	v54 =	vld [tilespmem:s15+$0x45A0]  }
0x461: {  	v11 =	vmul.f32 v8, v11;
	v8 =	vld [tilespmem:$0x1F700]  }
0x462: {  	v48 =	vld [tilespmem:s15+$0x600]  }
0x463: {  	v46 =	vld [tilespmem:s15+$0x4600];
	v23 =	vperm.xlane v19, v27  }
0x464: {  	v43 =	vld [tilespmem:s15+$0x610];
	v3 =	vmul.f32 v3, v12  }
0x465: {  	v23 =	vadd.f32 v19, v23;
	v19 =	vld [tilespmem:$0x1F720]  }
0x466: {  	v3 =	vmul.f32 v8, v3;
	v8 =	vld [tilespmem:$0x1F710]  }
0x467: {  	v36 =	vld [tilespmem:s15+$0x4610]  }
0x468: {  	v56 =	vld [tilespmem:s15+$0x520]  }
0x469: {  	v62 =	vld [tilespmem:s15+$0x4520]  }
0x46a: {  	v57 =	vld [tilespmem:s15+$0x83B0]  }
0x46b: {  	v19 =	vmul.f32 v19, v8;
	v8 =	vld [tilespmem:$0x1F730]  }
0x46c: {  	v60 =	vld [tilespmem:s15+$0x430]  }
0x46d: {  	v6 =	vld [tilespmem:$0x1F680]  }
0x46e: {  	v12 =	vmul.f32 v62, v56;
	v4 =	vld [tilespmem:$0x1F670]  }
0x46f: {  	[tilespmem:$0x1F7D0] =	vst v57;
	v57 =	vld [tilespmem:s15+$0x8420]  }
0x470: {  	v12 =	vmul.f32 v8, v12;
	v8 =	vld [tilespmem:$0x1F740]  }
0x471: {  	v10 =	vld [tilespmem:s15+$0x4490]  }
0x472: {  	[tilespmem:$0x1F7A0] =	vst v60;
	v60 =	vld [tilespmem:s15+$0x8480]  }
0x473: {  	v50 =	vmul.f32 v6, v4;
	v6 =	vld [tilespmem:$0x1F690]  }
0x474: {  	v16 =	vld [tilespmem:s15+$0x8410]  }
0x475: {  	v17 =	vadd.f32 v21, v30;
	v30 =	vmul.f32 v8, v19;
	v8 =	vld [tilespmem:s15+$0x8280]  }
0x476: {  	v1 =	vld [tilespmem:s15+$0x4480]  }
0x477: {  	v0 =	vld [tilespmem:s15+$0x480]  }
0x478: {  	[tilespmem:$0x1F7E0] =	vst v57;
	v59 =	vmul.f32 v6, v50;
	v6 =	vld [tilespmem:$0x1F6A0]  }
0x479: {  	v57 =	vld [tilespmem:s15+$0x4430];
	[tilespmem:$0x1F750] =	vst v60  }
0x47a: {  	[tilespmem:$0x1FF30] =	vst v8;
	v8 =	vld [tilespmem:$0x1F750]  }
0x47b: {  	v52 =	vmul.f32 v46, v48;
	v47 =	vld [tilespmem:s15+$0x4A0]  }
0x47c: {  	[tilespmem:$0x1F810] =	vst v16;
	v16 =	vld [tilespmem:s15+$0x490]  }
0x47d: {  	v1 =	vmul.f32 v1, v0;
	v52 =	vmul.f32 v6, v52;
	v6 =	vld [tilespmem:$0x1F6B0]  }
0x47e: {  	v3 =	vadd.f32 v3, v11;
	v11 =	vld [tilespmem:$0x1F770]  }
0x47f: {  	v1 =	vmul.f32 v8, v1;
	v8 =	vld [tilespmem:$0x1F760]  }
0x480: {  	v53 =	vld [tilespmem:s15+$0x44A0];
	v44 =	vmul.f32 v36, v43  }
0x481: {  	[tilespmem:$0x1F7B0] =	vst v57;
	v57 =	vld [tilespmem:s15+$0x8490]  }
0x482: {  	v44 =	vmul.f32 v6, v44;
	v6 =	vld [tilespmem:$0x1F6C0];
	v3 =	vadd.f32 v12, v3;
	_ =	sdelay $0x1  }
0x483: {  	v10 =	vmul.f32 v10, v16;
	v3 =	vadd.f32 v30, v3;
	v30 =	vmul.f32 v11, v8;
	v8 =	vld [tilespmem:$0x1F780]  }
0x484: {  	v54 =	vmul.f32 v54, v63  }
0x485: {  	v10 =	vmul.f32 v57, v10  }
0x486: {  	v22 =	vmul.f32 v6, v54;
	v54 =	vadd.f32 v44, v52;
	v12 =	vmul.f32 v53, v47;
	_ =	sdelay $0x1  }
0x487: {  	v21 =	vadd.f32 v59, v54;
	v1 =	vadd.f32 v10, v1;
	v10 =	vmul.f32 v8, v12  }
0x488: {  	v37 =	vld [tilespmem:s15+$0x43A0]  }
0x489: {  	v21 =	vadd.f32 v31, v21;
	v10 =	vadd.f32 v10, v1;
	v1 =	vld [tilespmem:$0x1F790]  }
0x48a: {  	v40 =	vld [tilespmem:s15+$0x410]  }
0x48b: {  	v63 =	vld [tilespmem:s15+$0x4380];
	v31 =	vperm.xlane v21, v27  }
0x48c: {  	v51 =	vld [tilespmem:s15+$0x4420];
	v17 =	vadd.f32 v22, v17;
	v22 =	vperm.xlane v23, v28;
	v12 =	vperm.xlane v3, v27  }
0x48d: {  	v46 =	vld [tilespmem:s15+$0x4300];
	v31 =	vadd.f32 v21, v31  }
0x48e: {  	v48 =	vld [tilespmem:s15+$0x4280];
	v21 =	vadd.f32 v23, v22;
	v3 =	vadd.f32 v3, v12;
	v22 =	vmul.f32 v1, v30  }
0x48f: {  	v23 =	vld [tilespmem:$0x1F7B0]  }
0x490: {  	v35 =	vperm.xlane v39, v28;
	v12 =	vperm.xlane v3, v28;
	v10 =	vadd.f32 v22, v10;
	v22 =	vld [tilespmem:$0x1F7A0]  }
0x491: {  	v60 =	vld [tilespmem:s15+$0x41B0]  }
0x492: {  	v19 =	vadd.f32 v39, v35;
	v39 =	vadd.f32 v3, v12;
	v12 =	vld [tilespmem:$0x1F7C0]  }
0x493: {  	v58 =	vld [tilespmem:s15+$0x330]  }
0x494: {  	v14 =	vld [tilespmem:s15+$0x43B0]  }
0x495: {  	v18 =	vld [tilespmem:s15+$0x3B0];
	v22 =	vmul.f32 v23, v22;
	v23 =	vperm.xlane v10, v27  }
0x496: {  	v25 =	vld [tilespmem:s15+$0x83A0]  }
0x497: {  	v12 =	vmul.f32 v12, v22;
	v22 =	vadd.f32 v10, v23;
	v10 =	vld [tilespmem:$0x1F7D0]  }
0x498: {  	v26 =	vld [tilespmem:s15+$0x4410]  }
0x499: {  	v61 =	vld [tilespmem:s15+$0x4390]  }
0x49a: {  	v45 =	vld [tilespmem:s15+$0x420];
	v3 =	vmul.f32 v14, v18  }
0x49b: {  	[tilespmem:$0x1F7F0] =	vst v25;
	v25 =	vld [tilespmem:s15+$0x2B0]  }
0x49c: {  	v14 =	vmul.f32 v10, v3;
	v3 =	vld [tilespmem:$0x1F7E0]  }
0x49d: {  	v62 =	vld [tilespmem:s15+$0x1B0]  }
0x49e: {  	v16 =	vld [tilespmem:s15+$0x42A0]  }
0x49f: {  	v15 =	vld [tilespmem:s15+$0x3A0];
	v18 =	vmul.f32 v51, v45  }
0x4a0: {  	v41 =	vld [tilespmem:s15+$0x4330]  }
0x4a1: {  	v3 =	vmul.f32 v3, v18;
	v18 =	vld [tilespmem:$0x1F7F0]  }
0x4a2: {  	v5 =	vld [tilespmem:s15+$0x400]  }
0x4a3: {  	v7 =	vld [tilespmem:s15+$0x4400]  }
0x4a4: {  	v0 =	vld [tilespmem:s15+$0x2A0];
	v15 =	vmul.f32 v37, v15  }
0x4a5: {  	v4 =	vld [tilespmem:s15+$0x8310]  }
0x4a6: {  	v15 =	vmul.f32 v18, v15;
	v18 =	vld [tilespmem:$0x1F800]  }
0x4a7: {  	v42 =	vld [tilespmem:s15+$0x380]  }
0x4a8: {  	v5 =	vmul.f32 v7, v5;
	v7 =	vmul.f32 v26, v40;
	v40 =	vld [tilespmem:s15+$0x4290]  }
0x4a9: {  	v36 =	vld [tilespmem:s15+$0x4320]  }
0x4aa: {  	[tilespmem:$0x1FDF0] =	vst v4;
	v4 =	vld [tilespmem:s15+$0x320]  }
0x4ab: {  	v26 =	vmul.f32 v18, v5;
	v5 =	vld [tilespmem:$0x1F810]  }
0x4ac: {  	v9 =	vld [tilespmem:s15+$0x81B0]  }
0x4ad: {  	v20 =	vld [tilespmem:s15+$0x42B0]  }
0x4ae: {  	v49 =	vld [tilespmem:s15+$0x230];
	v57 =	vperm.xlane v31, v28  }
0x4af: {  	v43 =	vld [tilespmem:s15+$0x300]  }
0x4b0: {  	v35 =	vadd.f32 v31, v57;
	v31 =	vmul.f32 v5, v7;
	v5 =	vmul.f32 v36, v4;
	v4 =	vld [tilespmem:$0x1F820]  }
0x4b1: {  	v13 =	vld [tilespmem:s15+$0x81A0]  }
0x4b2: {  	v50 =	vld [tilespmem:s15+$0x41A0]  }
0x4b3: {  	v24 =	vperm.xlane v2, v33;
	v6 =	vld [tilespmem:s15+$0x390]  }
0x4b4: {  	v44 =	vld [tilespmem:s15+$0x1A0]  }
0x4b5: {  	v18 =	vmul.f32 v4, v5;
	v4 =	vadd.f32 v2, v24;
	v2 =	vld [tilespmem:$0x1F830]  }
0x4b6: {  	v59 =	vld [tilespmem:s15+$0x4230]  }
0x4b7: {  	v54 =	vld [tilespmem:s15+$0x180];
	v17 =	vadd.f32 v55, v17  }
0x4b8: {  	v47 =	vld [tilespmem:s15+$0x280];
	v7 =	vmul.f32 v63, v42  }
0x4b9: {  	v56 =	vperm.xlane v17, v27;
	v11 =	vld [tilespmem:s15+$0x4310]  }
0x4ba: {  	v23 =	vmul.f32 v20, v25;
	v25 =	vmul.f32 v2, v7;
	v2 =	vld [tilespmem:$0x1F840]  }
0x4bb: {  	v8 =	vld [tilespmem:s15+$0x310]  }
0x4bc: {  	v17 =	vadd.f32 v17, v56;
	v45 =	vld [tilespmem:s15+$0x4220]  }
0x4bd: {  	v6 =	vmul.f32 v61, v6;
	v51 =	vld [tilespmem:s15+$0x290]  }
0x4be: {  	v34 =	vperm.xlane v17, v28;
	v1 =	vld [tilespmem:s15+$0x8180]  }
0x4bf: {  	v36 =	vmul.f32 v2, v6;
	v2 =	vld [tilespmem:$0x1F850]  }
0x4c0: {  	v55 =	vperm.xlane v21, v33;
	v30 =	vadd.f32 v17, v34;
	v17 =	vld [tilespmem:s15+$0x8190]  }
0x4c1: {  	v53 =	vperm.xlane v19, v33;
	v56 =	vperm.xlane v35, v33;
	v34 =	vld [tilespmem:s15+$0x220]  }
0x4c2: {  	v57 =	vperm.xlane v39, v33;
	v52 =	vperm.xlane v30, v33;
	v33 =	vld [tilespmem:s15+$0x200]  }
0x4c3: {  	v6 =	vld [tilespmem:$0x1F870]  }
0x4c4: {  	p0 =	sne.s32 s16, $0xE000;
	v5 =	vadd.f32 v38, v2;
	v2 =	vld [tilespmem:$0x1F860]  }
.Ltmp1:
0x4c5: {  	v27 =	vld [tilespmem:s15+$0x4190];
	v20 =	vmul.f32 v60, v62;
	(pc) =	sbr.rel @p0 .LBB2_4-.Ltmp1, $4  }
0x4c6: {  	v37 =	vperm.xlane v22, v28;
	v28 =	vld [tilespmem:s15+$0x4200]  }
0x4c7: {  	v20 =	vmul.f32 v9, v20;
	v10 =	vmul.f32 v41, v58;
	v41 =	vld [tilespmem:s15+$0x4180]  }
0x4c8: {  	v58 =	vld [tilespmem:s15+$0x190];
	v42 =	vmul.f32 v11, v8;
	v24 =	vmul.f32 v59, v49  }
0x4c9: {  	s16 =	sadd.s32 $0x2000, s16;
	v9 =	vadd.f32 v29, v6;
	v7 =	vadd.f32 v32, v2;
	v32 =	vld [tilespmem:s15+$0x210];
	v2 =	vmul.f32 v46, v43  }
0x4ca: {  	v8 =	vld [tilespmem:s15+$0x4210]  }
0x4cb: {  	v60 =	vld [tilespmem:s15+$0x8200]  }
0x4cc: {  	v6 =	vmul.f32 v50, v44;
	v61 =	vld [tilespmem:$0x1FDC0]  }
0x4cd: {  	v0 =	vmul.f32 v16, v0;
	v11 =	vadd.f32 v19, v53;
	v62 =	vld [tilespmem:$0x1FDF0];
	v21 =	vadd.f32 v21, v55  }
0x4ce: {  	v63 =	vld [tilespmem:s15+$0x8210];
	v29 =	vmul.f32 v45, v34;
	v34 =	vadd.f32 v35, v56;
	v45 =	vmul.f32 v48, v47  }
0x4cf: {  	v38 =	vmul.f32 v40, v51;
	v46 =	vld [tilespmem:s15+$0x8290];
	v30 =	vadd.f32 v30, v52;
	v41 =	vmul.f32 v41, v54  }
0x4d0: {  	v39 =	vadd.f32 v39, v57;
	v51 =	vld [tilespmem:$0x1FF30];
	v28 =	vmul.f32 v28, v33;
	v6 =	vmul.f32 v13, v6  }
0x4d1: {  	v47 =	vld [tilespmem:s15+$0x8220];
	v26 =	vadd.f32 v31, v26;
	v27 =	vmul.f32 v27, v58;
	v1 =	vmul.f32 v1, v41  }
0x4d2: {  	v48 =	vld [tilespmem:s15+$0x82A0];
	v22 =	vadd.f32 v22, v37;
	v2 =	vmul.f32 v61, v2;
	v8 =	vmul.f32 v8, v32  }
0x4d3: {  	v49 =	vld [tilespmem:s15+$0x8230];
	v25 =	vadd.f32 v36, v25;
	v19 =	vmul.f32 v62, v42;
	v17 =	vmul.f32 v17, v27  }
0x4d4: {  	v50 =	vld [tilespmem:s15+$0x82B0];
	v3 =	vadd.f32 v3, v26;
	v16 =	vmul.f32 v60, v28;
	v8 =	vmul.f32 v63, v8  }
0x4d5: {  	v53 =	vld [tilespmem:s15+$0x8330];
	v59 =	vadd.f32 v15, v25;
	v26 =	vmul.f32 v51, v45;
	v52 =	vmul.f32 v46, v38  }
0x4d6: {  	v54 =	vmul.f32 v47, v29;
	v1 =	vadd.f32 v17, v1;
	v8 =	vadd.f32 v8, v16  }
0x4d7: {  	v0 =	vmul.f32 v48, v0;
	v62 =	vld [tilespmem:$0x1FFC0];
	v55 =	vadd.f32 v52, v26;
	v2 =	vadd.f32 v19, v2  }
0x4d8: {  	v57 =	vmul.f32 v49, v24;
	v60 =	vld [tilespmem:$0x1FFE0];
	v1 =	vadd.f32 v6, v1;
	v56 =	vadd.f32 v54, v8  }
0x4d9: {  	v13 =	vmul.f32 v50, v23;
	v0 =	vadd.f32 v0, v55;
	v2 =	vadd.f32 v18, v2  }
0x4da: {  	v58 =	vmul.f32 v53, v10;
	v1 =	vadd.f32 v20, v1;
	v6 =	vadd.f32 v57, v56  }
0x4db: {  	v3 =	vadd.f32 v12, v3;
	v27 =	vld [tilespmem:$0x1FFD0];
	v0 =	vadd.f32 v13, v0  }
0x4dc: {  	v2 =	vadd.f32 v58, v2;
	v63 =	vperm.xlane v1, v62;
	v20 =	vperm.xlane v6, v62  }
0x4dd: {  	v10 =	vadd.f32 v14, v59;
	v61 =	vperm.xlane v22, v60;
	v23 =	vperm.xlane v0, v62  }
0x4de: {  	v24 =	vperm.xlane v2, v62;
	v1 =	vadd.f32 v1, v63;
	v6 =	vadd.f32 v6, v20  }
0x4df: {  	v25 =	vperm.xlane v10, v62;
	v26 =	vperm.xlane v3, v62;
	v0 =	vadd.f32 v0, v23  }
0x4e0: {  	v2 =	vadd.f32 v2, v24;
	v15 =	vperm.xlane v1, v27;
	v16 =	vperm.xlane v6, v27  }
0x4e1: {  	v8 =	vadd.f32 v10, v25;
	v3 =	vadd.f32 v3, v26;
	v28 =	vperm.xlane v0, v27  }
0x4e2: {  	v29 =	vperm.xlane v2, v27;
	v1 =	vadd.f32 v1, v15;
	v6 =	vadd.f32 v6, v16  }
0x4e3: {  	v36 =	vld [tilespmem:$0x1FFF0];
	v31 =	vperm.xlane v8, v27;
	v14 =	vperm.xlane v3, v27;
	v0 =	vadd.f32 v0, v28  }
0x4e4: {  	v2 =	vadd.f32 v2, v29;
	v15 =	vperm.xlane v1, v60;
	v16 =	vperm.xlane v6, v60  }
0x4e5: {  	v8 =	vadd.f32 v8, v31;
	v3 =	vadd.f32 v3, v14;
	v32 =	vperm.xlane v0, v60  }
0x4e6: {  	v33 =	vperm.xlane v2, v60;
	v1 =	vadd.f32 v1, v15;
	v6 =	vadd.f32 v6, v16  }
0x4e7: {  	v35 =	vperm.xlane v8, v60;
	v14 =	vperm.xlane v3, v60;
	v0 =	vadd.f32 v0, v32  }
0x4e8: {  	v2 =	vadd.f32 v2, v33;
	v15 =	vperm.xlane v1, v36;
	v16 =	vperm.xlane v6, v36  }
0x4e9: {  	v8 =	vadd.f32 v8, v35;
	v3 =	vadd.f32 v3, v14;
	v37 =	vperm.xlane v0, v36  }
0x4ea: {  	v38 =	vperm.xlane v2, v36;
	v1 =	vadd.f32 v1, v15;
	v6 =	vadd.f32 v6, v16  }
0x4eb: {  	v13 =	vadd.f32 v22, v61;
	v40 =	vperm.xlane v8, v36;
	v0 =	vadd.f32 v0, v37  }
0x4ec: {  	v41 =	vperm.xlane v3, v36;
	v2 =	vadd.f32 v2, v38;
	v1 =	vsel vm0, v1, v6  }
0x4ed: {  	v43 =	vperm.xlane v13, v36;
	v42 =	vadd.f32 v8, v40;
	v0 =	vsel vm1, v1, v0  }
0x4ee: {  	v45 =	vperm.xlane v39, v36;
	v44 =	vadd.f32 v3, v41;
	v0 =	vsel vm2, v0, v2  }
0x4ef: {  	v47 =	vperm.xlane v30, v36;
	v46 =	vadd.f32 v13, v43;
	v0 =	vsel vm3, v0, v42  }
0x4f0: {  	v49 =	vperm.xlane v34, v36;
	v48 =	vadd.f32 v39, v45;
	v0 =	vsel vm4, v0, v44  }
0x4f1: {  	v51 =	vperm.xlane v21, v36;
	v50 =	vadd.f32 v30, v47;
	v0 =	vsel vm5, v0, v46  }
0x4f2: {  	v53 =	vperm.xlane v11, v36;
	v52 =	vadd.f32 v34, v49;
	v0 =	vsel vm6, v0, v48  }
0x4f3: {  	v55 =	vperm.xlane v9, v36;
	v54 =	vadd.f32 v21, v51;
	v0 =	vsel vm7, v0, v50  }
0x4f4: {  	v56 =	vadd.f32 v11, v53;
	v57 =	vperm.xlane v7, v36;
	v0 =	vsel vm8, v0, v52  }
0x4f5: {  	v59 =	vperm.xlane v5, v36;
	v58 =	vadd.f32 v9, v55;
	v0 =	vsel vm9, v0, v54  }
0x4f6: {  	v61 =	vperm.xlane v4, v36;
	v60 =	vadd.f32 v7, v57;
	v0 =	vsel vm10, v0, v56  }
0x4f7: {  	v62 =	vadd.f32 v5, v59;
	v0 =	vsel vm11, v0, v58  }
0x4f8: {  	v63 =	vadd.f32 v4, v61;
	v0 =	vsel vm12, v0, v60  }
0x4f9: {  	s13 =	sadd.s32 $0x1, s13;
	v0 =	vsel vm13, v0, v62  }
0x4fa: {  	s14 =	sadd.s32 $0x10, s14;
	p0 =	sne.s32 s13, s9;
	v0 =	vsel vm14, v0, v63  }
.Ltmp2:
0x4fb: {  	[tilespmem:s14+$0x0] =	vst v0;
	(pc) =	sbr.rel @p0 .LBB2_1-.Ltmp2, $4  }
0x4fc: {  	[hbm4b:s8+s1] =	stream.linear.scatter [tilespmem:s12], [sflag:$0x2], $0x80, $0x38;
	[tilespmem:$0xC200] =	vst v63  }
0x4fd: {  	_ =	swait.ge [sflag:s10], $0x80  }
0x4fe: {  	[sflag:s10] =	ssyncset.done $0x0  }
0x4ff: {  	[sflag:s10] =	ssyncadd.s32 $0xFFFFFF80  }
0x500: {  	_ =	sfence.sel $0x180000  }
0x501: {  	[bflag:$0x0] =	sbarrier.arrive $0xFFFF  }
0x502: {  	p0 =	sne.s32 s2, $0x0;
	_ =	strace $0x90000047  }
0x503: {  	s0 =	sadd.s32 @!p0 $0x100000, s0;
	[bflag:$0x2] =	sbarrier.arrive $0xFFFF  }
0x504: {  	[sflag:s0] =	ssyncadd.tile.s32 @!p0 $0x1;
	_ =	shalt  }
.Lfunc_end2:
_tile_overlayer_lowered:
.L_overlay_start_2:
0x505: {  	(tag) =	ssettag $0x2  }
0x506: {  	s0 =	rddreg [dreg:$0x0];
	s2 =	stileid.u32  }
0x507: {  	s1 =	rddreg [dreg:$0x1];
	p0 =	sne.s32 s2, $0x0  }
0x508: {  	s3 =	rddreg [dreg:$0x2];
	[bflag:$0x3] =	sbarrier.arrive $0xFFFF;
	s2 =	simm.s32 @!p0 $0x1C02  }
0x509: {  	[timem:s3], [sflag:s2] =	dma.local @!p0 [hbm:s0], s1  }
0x50a: {  	s0 =	simm.s32 @!p0 $0x2  }
0x50b: {  	_ =	swait.ge @!p0 [sflag:s0], s1  }
0x50c: {  	s1 =	ssub.s32 @!p0 $0x0, s1;
	[sflag:s0] =	ssyncset.done @!p0 $0x0  }
0x50d: {  	[sflag:s0] =	ssyncadd.s32 @!p0 s1  }
0x50e: {  	[bflag:$0x3] =	sbarrier.arrive $0xFFFF  }
0x50f: {  	_ =	shalt  }

</sc_bundles>
